<compile_context>
chip_gen: v7x
topology: tpu7x:2x2x1
jax: 0.10.2.dev20260603
libtpu: 0.0.44.dev20260713+nightly
codegen_flags: <defaults>
</compile_context>

<pallas_src>
import functools

import jax
import jax.numpy as jnp
import numpy as np
from jax import lax
from jax.experimental import pallas as pl
from jax.experimental.pallas import tpu as pltpu
from jax.experimental.pallas import tpu_sc as plsc

_N = 10000
_NP = 10240
_K = 16
_C = 128
_RB = 256
_RB2 = 256
_BIGI = np.int32(2**30)


_NCH = _NP // 128
_CW = _K * _NCH


def _t_step(c_ref, f_ref, w1p_ref, w1f_ref, t_ref):
    xr = c_ref[...]
    w1p = w1p_ref[...]
    tp = (xr[:, 0:1] * w1p[0:1, :] + xr[:, 1:2] * w1p[1:2, :]
          + xr[:, 2:3] * w1p[2:3, :])
    t_ref[...] = tp + jnp.dot(f_ref[...], w1f_ref[...],
                              preferred_element_type=jnp.float32)


def _t_call(coords_p, features_p, w1p, w1f):
    return pl.pallas_call(
        _t_step,
        grid=(_NP // _RB,),
        in_specs=[
            pl.BlockSpec((_RB, 3), lambda i: (i, 0)),
            pl.BlockSpec((_RB, _C), lambda i: (i, 0)),
            pl.BlockSpec((3, _C), lambda i: (0, 0)),
            pl.BlockSpec((_C, _C), lambda i: (0, 0)),
        ],
        out_specs=pl.BlockSpec((_RB, _C), lambda i: (i, 0)),
        out_shape=jax.ShapeDtypeStruct((_NP, _C), jnp.float32),
    )(coords_p, features_p, w1p, w1f)


def _knn_step(c_ref, ct_ref, idx_ref):
    xr = c_ref[...]
    ct = ct_ref[...]
    x0 = xr[:, 0:1]
    x1 = xr[:, 1:2]
    x2 = xr[:, 2:3]
    dot = jnp.dot(xr, ct, preferred_element_type=jnp.float32)
    sq_r = x0 * x0 + x1 * x1 + x2 * x2
    sq_c = (ct[0:1, :] * ct[0:1, :] + ct[1:2, :] * ct[1:2, :]
            + ct[2:3, :] * ct[2:3, :])
    d2 = (sq_r + sq_c) - 2.0 * dot

    accs = [d2[:, v * 128:(v + 1) * 128] for v in range(8)]
    for v in range(8, _NCH):
        accs[v % 8] = jnp.minimum(accs[v % 8], d2[:, v * 128:(v + 1) * 128])
    a0 = jnp.minimum(jnp.minimum(accs[0], accs[1]),
                     jnp.minimum(accs[2], accs[3]))
    a1 = jnp.minimum(jnp.minimum(accs[4], accs[5]),
                     jnp.minimum(accs[6], accs[7]))
    cmin = jnp.minimum(a0, a1)

    def tmin(x):
        s = x.shape[0]
        while s > 8 and s % 2 == 0:
            s //= 2
            x = jnp.minimum(x[:s], x[s:])
        return jnp.min(x, axis=0, keepdims=True)

    sub = lax.broadcasted_iota(jnp.int32, (128, _RB), 0)
    sub16 = lax.broadcasted_iota(jnp.int32, (_K, _RB), 0)

    def top16_classes(cmt):
        lst = jnp.zeros((_K, _RB), jnp.int32)
        for s in range(_K):
            m = tmin(cmt)
            hit = cmt == m
            lsel = tmin(jnp.where(hit, sub, 128))
            cmt = jnp.where(sub == lsel, jnp.inf, cmt)
            lst = jnp.where(sub16 == s, lsel, lst)
        return lst

    ls = top16_classes(cmin.T).T

    p = lax.broadcasted_iota(jnp.int32, (_RB, _CW), 1)
    s_part = p & (_K - 1)
    ls_g = jnp.take_along_axis(ls, s_part, axis=1)
    cols = ((p >> 4) << 7) + ls_g

    cand = jnp.concatenate(
        [jnp.take_along_axis(d2[:, v * 128:(v + 1) * 128], ls, axis=1)
         for v in range(_NCH)], axis=1)

    nt2 = _CW // 128
    cm2 = cand[:, 0:128]
    for u in range(1, nt2):
        cm2 = jnp.minimum(cm2, cand[:, u * 128:(u + 1) * 128])

    ls2 = top16_classes(cm2.T).T

    vp = [jnp.take_along_axis(cand[:, u * 128:(u + 1) * 128], ls2, axis=1)
          for u in range(nt2)]
    cp = [jnp.take_along_axis(cols[:, u * 128:(u + 1) * 128], ls2, axis=1)
          for u in range(nt2)]
    cand2 = jnp.concatenate(vp, axis=1)
    cols2 = jnp.concatenate(cp, axis=1)

    vt = cand2.T
    gt = cols2.T
    idxt = jnp.zeros((_K, _RB), jnp.int32)
    for t in range(_K):
        m = tmin(vt)
        hit = vt == m
        sel = tmin(jnp.where(hit, gt, _BIGI))
        vt = jnp.where(gt == sel, jnp.inf, vt)
        idxt = jnp.where(sub16 == t, sel, idxt)
    idx_ref[...] = idxt.T


def _mlp_step(g_ref, c_ref, f_ref, w1p_ref, b1_ref, w2_ref, b2_ref,
              ws_ref, bs_ref, o_ref):
    xr = c_ref[...]
    w1p = w1p_ref[...]
    q = (xr[:, 0:1] * w1p[0:1, :] + xr[:, 1:2] * w1p[1:2, :]
         + xr[:, 2:3] * w1p[2:3, :])
    g = g_ref[...].reshape(_RB2, _K, _C)
    pre = g - q[:, None, :] + b1_ref[...][None]
    act = 0.5 * pre * (1.0 + lax.erf(pre * np.float32(np.sqrt(0.5))))
    s = jnp.sum(act, axis=1) * np.float32(1.0 / _K)
    agg = jnp.dot(s, w2_ref[...], preferred_element_type=jnp.float32) + b2_ref[...]
    o_ref[...] = agg + jnp.dot(f_ref[...], ws_ref[...],
                               preferred_element_type=jnp.float32) + bs_ref[...]


def _knn_call(coords_half, ct):
    nh = coords_half.shape[0]
    return pl.pallas_call(
        _knn_step,
        grid=(nh // _RB,),
        in_specs=[
            pl.BlockSpec((_RB, 3), lambda i: (i, 0)),
            pl.BlockSpec((3, _NP), lambda i: (0, 0)),
        ],
        out_specs=pl.BlockSpec((_RB, _K), lambda i: (i, 0)),
        out_shape=jax.ShapeDtypeStruct((nh, _K), jnp.int32),
        compiler_params=pltpu.CompilerParams(
            dimension_semantics=("arbitrary",)),
    )(coords_half, ct)


def _mlp_call(g, coords_h, features_h, w1p, b1, w2, b2, ws, bs):
    nh = coords_h.shape[0]
    return pl.pallas_call(
        _mlp_step,
        grid=(nh // _RB2,),
        in_specs=[
            pl.BlockSpec((_RB2 * _K, _C), lambda i: (i, 0)),
            pl.BlockSpec((_RB2, 3), lambda i: (i, 0)),
            pl.BlockSpec((_RB2, _C), lambda i: (i, 0)),
            pl.BlockSpec((3, _C), lambda i: (0, 0)),
            pl.BlockSpec((1, _C), lambda i: (0, 0)),
            pl.BlockSpec((_C, _C), lambda i: (0, 0)),
            pl.BlockSpec((1, _C), lambda i: (0, 0)),
            pl.BlockSpec((_C, _C), lambda i: (0, 0)),
            pl.BlockSpec((1, _C), lambda i: (0, 0)),
        ],
        out_specs=pl.BlockSpec((_RB2, _C), lambda i: (i, 0)),
        out_shape=jax.ShapeDtypeStruct((nh, _C), jnp.float32),
    )(g, coords_h, features_h, w1p, b1, w2, b2, ws, bs)


def _gather_call(table, idx_flat):
    info = plsc.get_sparse_core_info()
    nc, ns = info.num_cores, info.num_subcores
    nw = nc * ns
    b = idx_flat.shape[0]
    per_w = b // nw
    ch = 128
    nbuf = 5
    n_grp = per_w // (ch * nbuf)
    mesh = plsc.VectorSubcoreMesh(core_axis_name="c", subcore_axis_name="s")

    @functools.partial(
        pl.kernel,
        out_type=jax.ShapeDtypeStruct((b, _C), jnp.float32),
        mesh=mesh,
        scratch_types=(
            [pltpu.VMEM((ch,), jnp.int32)] * nbuf
            + [pltpu.VMEM((ch, _C), jnp.float32)] * nbuf
            + [pltpu.SemaphoreType.DMA]
        ),
    )
    def gk(tbl_hbm, idx_hbm, out_hbm,
           i0, i1, i2, i3, i4, r0, r1, r2, r3, r4, sem):
        wid = lax.axis_index("s") * nc + lax.axis_index("c")
        base = wid * per_w
        idxs = (i0, i1, i2, i3, i4)
        rows = (r0, r1, r2, r3, r4)

        def body(g, carry):
            goff = base + g * (ch * nbuf)
            for bb in range(nbuf):
                pltpu.sync_copy(idx_hbm.at[pl.ds(goff + bb * ch, ch)],
                                idxs[bb])
            cps = [pltpu.async_copy(tbl_hbm.at[idxs[bb]], rows[bb], sem)
                   for bb in range(nbuf)]
            for bb in range(nbuf):
                cps[bb].wait()
                pltpu.sync_copy(rows[bb],
                                out_hbm.at[pl.ds(goff + bb * ch, ch)])
            return carry

        lax.fori_loop(0, n_grp, body, 0)

    return gk(table, idx_flat)


def kernel(coords, features, W1, b1, W2, b2, Ws, bs, offset):
    del offset
    coords_p = jnp.pad(coords, ((0, _NP - _N), (0, 0)),
                       constant_values=np.float32(1e4))
    features_p = jnp.pad(features, ((0, _NP - _N), (0, 0)))
    ct = coords_p.T
    w1p = W1[:3]
    w1f = W1[3:]
    t = _t_call(coords_p, features_p, w1p, w1f)
    nq = 2
    h = _NP // nq
    gs = []
    for q in range(nq):
        idxq = _knn_call(coords_p[q * h:(q + 1) * h], ct)
        gs.append(_gather_call(t, idxq.reshape(-1)))
    outs = [
        _mlp_call(gs[q], coords_p[q * h:(q + 1) * h],
                  features_p[q * h:(q + 1) * h], w1p, b1[None, :], W2,
                  b2[None, :], Ws, bs[None, :])
        for q in range(nq)
    ]
    return jnp.concatenate(outs, axis=0)[:_N]

# --- scband reference (transcript-rebuilt; emitter-appended) ---
"""Pipeline reference for scband-gnokernel-layer-20083267076192 (READ-ONLY COPY).

The authoritative reference and input builder live on the scoring server;
editing this copy changes nothing except your own understanding.
"""

import jax, jax.numpy as jnp
import numpy as np

N = 10000
C_IN = 128
C_OUT = 128
K = 16

def setup_inputs(seed: int = 0) -> dict:
    key = jax.random.key(seed)
    k1, k2, k3, k4, k5 = jax.random.split(key, 5)
    coords = jax.random.uniform(k1, (N, 3), dtype=jnp.float32)
    features = jax.random.normal(k2, (N, C_IN), dtype=jnp.float32)
    # kernel_mlp: Linear(3+C_IN -> C_OUT), GELU, Linear(C_OUT -> C_OUT)
    W1 = jax.random.normal(k3, (3 + C_IN, C_OUT), dtype=jnp.float32) * 0.05
    b1 = jnp.zeros((C_OUT,), dtype=jnp.float32)
    W2 = jax.random.normal(k4, (C_OUT, C_OUT), dtype=jnp.float32) * 0.05
    b2 = jnp.zeros((C_OUT,), dtype=jnp.float32)
    # self_linear: Linear(C_IN -> C_OUT)
    Ws = jax.random.normal(k5, (C_IN, C_OUT), dtype=jnp.float32) * 0.05
    bs = jnp.zeros((C_OUT,), dtype=jnp.float32)
    offset = N  # single point cloud: offset tensor [N] in pointops convention
    return {"coords": coords, "features": features, "W1": W1, "b1": b1, "W2": W2, "b2": b2, "Ws": Ws, "bs": bs, "offset": offset}

def reference(coords, features, W1, b1, W2, b2, Ws, bs, offset):
    n = coords.shape[0]
    k = min(K, n - 1)
    # brute-force kNN (pointops.knn_query equivalent, single batch / one offset segment)
    sq = jnp.sum(coords * coords, axis=1)
    d2 = sq[:, None] + sq[None, :] - 2.0 * (coords @ coords.T)
    idx = jax.lax.top_k(-d2, k)[1]  # [n, k], nearest first (includes self)
    idx = jnp.clip(idx, 0, n - 1)
    neighbor_coords = coords[idx]          # [n, k, 3]
    neighbor_features = features[idx]      # [n, k, C_IN]
    rel_pos = neighbor_coords - coords[:, None, :]
    kernel_input = jnp.concatenate([rel_pos, neighbor_features], axis=-1)
    h = jax.nn.gelu(kernel_input @ W1 + b1, approximate=False)
    h = h @ W2 + b2
    aggregated = jnp.mean(h, axis=1)
    return aggregated + features @ Ws + bs

if __name__ == "__main__":
    import jax
    _d = setup_inputs()
    print(jax.jit(kernel)(*tuple(_d.values())))

</pallas_src>

<mosaic_0001>
#map = affine_map<(d0, d1) -> (0, 0)>
#map1 = affine_map<(d0, d1) -> (0)>
module attributes {stable_mosaic.version = 14 : i64} {
  func.func @gk(%arg0: i32, %arg1: i32, %arg2: memref<10240x128xf32, #tpu.memory_space<hbm>>, %arg3: memref<81920xi32, #tpu.memory_space<hbm>>, %arg4: memref<81920x128xf32, #tpu.memory_space<hbm>>, %arg5: memref<128xi32, #tpu.memory_space<vmem>>, %arg6: memref<128xi32, #tpu.memory_space<vmem>>, %arg7: memref<128xi32, #tpu.memory_space<vmem>>, %arg8: memref<128xi32, #tpu.memory_space<vmem>>, %arg9: memref<128xi32, #tpu.memory_space<vmem>>, %arg10: memref<128x128xf32, #tpu.memory_space<vmem>>, %arg11: memref<128x128xf32, #tpu.memory_space<vmem>>, %arg12: memref<128x128xf32, #tpu.memory_space<vmem>>, %arg13: memref<128x128xf32, #tpu.memory_space<vmem>>, %arg14: memref<128x128xf32, #tpu.memory_space<vmem>>, %arg15: memref<!tpu.dma_semaphore, #tpu.memory_space<semaphore_mem>>) attributes {dimension_semantics = [#tpu.dimension_semantics<core_parallel>, #tpu.dimension_semantics<subcore_parallel>], iteration_bounds = array<i64: 2, 16>, scalar_prefetch = 0 : i64, scratch_operands = 11 : i64, tpu.core_type = #tpu.core_type<sc_vector_subcore>, window_params = [{transform_indices = #map}, {transform_indices = #map1}, {transform_indices = #map}]} {
    %mul3A = arith.constant 2 : i32
    %mul3A_0 = arith.muli %arg1, %mul3A : i32
    %add3A = arith.addi %mul3A_0, %arg0 : i32
    %mul3A_1 = arith.constant 2560 : i32
    %mul3A_2 = arith.muli %add3A, %mul3A_1 : i32
    %scan3A = arith.constant 0 : i32
    %scan3A_3 = arith.constant 0 : i32
    %scan3A_4 = arith.constant 4 : i32
    %scan3A_5 = arith.addi %scan3A_3, %scan3A_4 : i32
    %scan3A_6 = arith.constant 1 : i32
    scf.for %scan3A_8 = %scan3A_3 to %scan3A_5 step %scan3A_6  : i32 {
      %mul3A_9 = arith.constant 640 : i32
      %mul3A_10 = arith.muli %scan3A_8, %mul3A_9 : i32
      %add3A_11 = arith.addi %mul3A_2, %mul3A_10 : i32
      %add3A_12 = arith.constant 0 : i32
      %add3A_13 = arith.addi %add3A_11, %add3A_12 : i32
      "tpu.region"() ({
        %run_scoped3A = tpu.sem_alloc : memref<!tpu.dma_semaphore, #tpu.memory_space<semaphore_mem>>
        %dma_start3A_60 = tpu.memref_slice %arg3[%add3A_13] : memref<81920xi32, #tpu.memory_space<hbm>> -> memref<128xi32, #tpu.memory_space<hbm>>
        %dma_start3A_61 = tpu.memref_slice %arg3[%add3A_13] : memref<81920xi32, #tpu.memory_space<hbm>> -> memref<128xi32, #tpu.memory_space<hbm>>
        tpu.enqueue_dma source(%dma_start3A_61 : memref<128xi32, #tpu.memory_space<hbm>>) target(%arg5 : memref<128xi32, #tpu.memory_space<vmem>>) target_semaphore(%run_scoped3A : memref<!tpu.dma_semaphore, #tpu.memory_space<semaphore_mem>>)
        %dma_wait3A_62 = tpu.memref_slice %arg3[%add3A_13] : memref<81920xi32, #tpu.memory_space<hbm>> -> memref<128xi32, #tpu.memory_space<hbm>>
        %dma_wait3A_63 = tpu.memref_slice %arg3[%add3A_13] : memref<81920xi32, #tpu.memory_space<hbm>> -> memref<128xi32, #tpu.memory_space<hbm>>
        tpu.wait_dma2 semaphore(%run_scoped3A : memref<!tpu.dma_semaphore, #tpu.memory_space<semaphore_mem>>) src(%dma_wait3A_63 : memref<128xi32, #tpu.memory_space<hbm>>) dst(%arg5 : memref<128xi32, #tpu.memory_space<vmem>>)
        tpu.yield
      }) : () -> ()
      %add3A_14 = arith.constant 128 : i32
      %add3A_15 = arith.addi %add3A_11, %add3A_14 : i32
      "tpu.region"() ({
        %run_scoped3A = tpu.sem_alloc : memref<!tpu.dma_semaphore, #tpu.memory_space<semaphore_mem>>
        %dma_start3A_60 = tpu.memref_slice %arg3[%add3A_15] : memref<81920xi32, #tpu.memory_space<hbm>> -> memref<128xi32, #tpu.memory_space<hbm>>
        %dma_start3A_61 = tpu.memref_slice %arg3[%add3A_15] : memref<81920xi32, #tpu.memory_space<hbm>> -> memref<128xi32, #tpu.memory_space<hbm>>
        tpu.enqueue_dma source(%dma_start3A_61 : memref<128xi32, #tpu.memory_space<hbm>>) target(%arg6 : memref<128xi32, #tpu.memory_space<vmem>>) target_semaphore(%run_scoped3A : memref<!tpu.dma_semaphore, #tpu.memory_space<semaphore_mem>>)
        %dma_wait3A_62 = tpu.memref_slice %arg3[%add3A_15] : memref<81920xi32, #tpu.memory_space<hbm>> -> memref<128xi32, #tpu.memory_space<hbm>>
        %dma_wait3A_63 = tpu.memref_slice %arg3[%add3A_15] : memref<81920xi32, #tpu.memory_space<hbm>> -> memref<128xi32, #tpu.memory_space<hbm>>
        tpu.wait_dma2 semaphore(%run_scoped3A : memref<!tpu.dma_semaphore, #tpu.memory_space<semaphore_mem>>) src(%dma_wait3A_63 : memref<128xi32, #tpu.memory_space<hbm>>) dst(%arg6 : memref<128xi32, #tpu.memory_space<vmem>>)
        tpu.yield
      }) : () -> ()
      %add3A_16 = arith.constant 256 : i32
      %add3A_17 = arith.addi %add3A_11, %add3A_16 : i32
      "tpu.region"() ({
        %run_scoped3A = tpu.sem_alloc : memref<!tpu.dma_semaphore, #tpu.memory_space<semaphore_mem>>
        %dma_start3A_60 = tpu.memref_slice %arg3[%add3A_17] : memref<81920xi32, #tpu.memory_space<hbm>> -> memref<128xi32, #tpu.memory_space<hbm>>
        %dma_start3A_61 = tpu.memref_slice %arg3[%add3A_17] : memref<81920xi32, #tpu.memory_space<hbm>> -> memref<128xi32, #tpu.memory_space<hbm>>
        tpu.enqueue_dma source(%dma_start3A_61 : memref<128xi32, #tpu.memory_space<hbm>>) target(%arg7 : memref<128xi32, #tpu.memory_space<vmem>>) target_semaphore(%run_scoped3A : memref<!tpu.dma_semaphore, #tpu.memory_space<semaphore_mem>>)
        %dma_wait3A_62 = tpu.memref_slice %arg3[%add3A_17] : memref<81920xi32, #tpu.memory_space<hbm>> -> memref<128xi32, #tpu.memory_space<hbm>>
        %dma_wait3A_63 = tpu.memref_slice %arg3[%add3A_17] : memref<81920xi32, #tpu.memory_space<hbm>> -> memref<128xi32, #tpu.memory_space<hbm>>
        tpu.wait_dma2 semaphore(%run_scoped3A : memref<!tpu.dma_semaphore, #tpu.memory_space<semaphore_mem>>) src(%dma_wait3A_63 : memref<128xi32, #tpu.memory_space<hbm>>) dst(%arg7 : memref<128xi32, #tpu.memory_space<vmem>>)
        tpu.yield
      }) : () -> ()
      %add3A_18 = arith.constant 384 : i32
      %add3A_19 = arith.addi %add3A_11, %add3A_18 : i32
      "tpu.region"() ({
        %run_scoped3A = tpu.sem_alloc : memref<!tpu.dma_semaphore, #tpu.memory_space<semaphore_mem>>
        %dma_start3A_60 = tpu.memref_slice %arg3[%add3A_19] : memref<81920xi32, #tpu.memory_space<hbm>> -> memref<128xi32, #tpu.memory_space<hbm>>
        %dma_start3A_61 = tpu.memref_slice %arg3[%add3A_19] : memref<81920xi32, #tpu.memory_space<hbm>> -> memref<128xi32, #tpu.memory_space<hbm>>
        tpu.enqueue_dma source(%dma_start3A_61 : memref<128xi32, #tpu.memory_space<hbm>>) target(%arg8 : memref<128xi32, #tpu.memory_space<vmem>>) target_semaphore(%run_scoped3A : memref<!tpu.dma_semaphore, #tpu.memory_space<semaphore_mem>>)
        %dma_wait3A_62 = tpu.memref_slice %arg3[%add3A_19] : memref<81920xi32, #tpu.memory_space<hbm>> -> memref<128xi32, #tpu.memory_space<hbm>>
        %dma_wait3A_63 = tpu.memref_slice %arg3[%add3A_19] : memref<81920xi32, #tpu.memory_space<hbm>> -> memref<128xi32, #tpu.memory_space<hbm>>
        tpu.wait_dma2 semaphore(%run_scoped3A : memref<!tpu.dma_semaphore, #tpu.memory_space<semaphore_mem>>) src(%dma_wait3A_63 : memref<128xi32, #tpu.memory_space<hbm>>) dst(%arg8 : memref<128xi32, #tpu.memory_space<vmem>>)
        tpu.yield
      }) : () -> ()
      %add3A_20 = arith.constant 512 : i32
      %add3A_21 = arith.addi %add3A_11, %add3A_20 : i32
      "tpu.region"() ({
        %run_scoped3A = tpu.sem_alloc : memref<!tpu.dma_semaphore, #tpu.memory_space<semaphore_mem>>
        %dma_start3A_60 = tpu.memref_slice %arg3[%add3A_21] : memref<81920xi32, #tpu.memory_space<hbm>> -> memref<128xi32, #tpu.memory_space<hbm>>
        %dma_start3A_61 = tpu.memref_slice %arg3[%add3A_21] : memref<81920xi32, #tpu.memory_space<hbm>> -> memref<128xi32, #tpu.memory_space<hbm>>
        tpu.enqueue_dma source(%dma_start3A_61 : memref<128xi32, #tpu.memory_space<hbm>>) target(%arg9 : memref<128xi32, #tpu.memory_space<vmem>>) target_semaphore(%run_scoped3A : memref<!tpu.dma_semaphore, #tpu.memory_space<semaphore_mem>>)
        %dma_wait3A_62 = tpu.memref_slice %arg3[%add3A_21] : memref<81920xi32, #tpu.memory_space<hbm>> -> memref<128xi32, #tpu.memory_space<hbm>>
        %dma_wait3A_63 = tpu.memref_slice %arg3[%add3A_21] : memref<81920xi32, #tpu.memory_space<hbm>> -> memref<128xi32, #tpu.memory_space<hbm>>
        tpu.wait_dma2 semaphore(%run_scoped3A : memref<!tpu.dma_semaphore, #tpu.memory_space<semaphore_mem>>) src(%dma_wait3A_63 : memref<128xi32, #tpu.memory_space<hbm>>) dst(%arg9 : memref<128xi32, #tpu.memory_space<vmem>>)
        tpu.yield
      }) : () -> ()
      %dma_start3A = arith.constant 0 : i32
      %dma_start3A_22 = arith.constant 0 : i32
      %dma_start3A_23 = tpu.memref_slice %arg2[%dma_start3A, %dma_start3A_22] : memref<10240x128xf32, #tpu.memory_space<hbm>> -> memref<10240x128xf32, #tpu.memory_space<hbm>>
      tpu.enqueue_indirect_dma source(%dma_start3A_23 : memref<10240x128xf32, #tpu.memory_space<hbm>>) target(%arg10 : memref<128x128xf32, #tpu.memory_space<vmem>>) offsets(%arg5 : memref<128xi32, #tpu.memory_space<vmem>>) semaphore(%arg15 : memref<!tpu.dma_semaphore, #tpu.memory_space<semaphore_mem>>)
      %dma_start3A_24 = arith.constant 0 : i32
      %dma_start3A_25 = arith.constant 0 : i32
      %dma_start3A_26 = tpu.memref_slice %arg2[%dma_start3A_24, %dma_start3A_25] : memref<10240x128xf32, #tpu.memory_space<hbm>> -> memref<10240x128xf32, #tpu.memory_space<hbm>>
      tpu.enqueue_indirect_dma source(%dma_start3A_26 : memref<10240x128xf32, #tpu.memory_space<hbm>>) target(%arg11 : memref<128x128xf32, #tpu.memory_space<vmem>>) offsets(%arg6 : memref<128xi32, #tpu.memory_space<vmem>>) semaphore(%arg15 : memref<!tpu.dma_semaphore, #tpu.memory_space<semaphore_mem>>)
      %dma_start3A_27 = arith.constant 0 : i32
      %dma_start3A_28 = arith.constant 0 : i32
      %dma_start3A_29 = tpu.memref_slice %arg2[%dma_start3A_27, %dma_start3A_28] : memref<10240x128xf32, #tpu.memory_space<hbm>> -> memref<10240x128xf32, #tpu.memory_space<hbm>>
      tpu.enqueue_indirect_dma source(%dma_start3A_29 : memref<10240x128xf32, #tpu.memory_space<hbm>>) target(%arg12 : memref<128x128xf32, #tpu.memory_space<vmem>>) offsets(%arg7 : memref<128xi32, #tpu.memory_space<vmem>>) semaphore(%arg15 : memref<!tpu.dma_semaphore, #tpu.memory_space<semaphore_mem>>)
      %dma_start3A_30 = arith.constant 0 : i32
      %dma_start3A_31 = arith.constant 0 : i32
      %dma_start3A_32 = tpu.memref_slice %arg2[%dma_start3A_30, %dma_start3A_31] : memref<10240x128xf32, #tpu.memory_space<hbm>> -> memref<10240x128xf32, #tpu.memory_space<hbm>>
      tpu.enqueue_indirect_dma source(%dma_start3A_32 : memref<10240x128xf32, #tpu.memory_space<hbm>>) target(%arg13 : memref<128x128xf32, #tpu.memory_space<vmem>>) offsets(%arg8 : memref<128xi32, #tpu.memory_space<vmem>>) semaphore(%arg15 : memref<!tpu.dma_semaphore, #tpu.memory_space<semaphore_mem>>)
      %dma_start3A_33 = arith.constant 0 : i32
      %dma_start3A_34 = arith.constant 0 : i32
      %dma_start3A_35 = tpu.memref_slice %arg2[%dma_start3A_33, %dma_start3A_34] : memref<10240x128xf32, #tpu.memory_space<hbm>> -> memref<10240x128xf32, #tpu.memory_space<hbm>>
      tpu.enqueue_indirect_dma source(%dma_start3A_35 : memref<10240x128xf32, #tpu.memory_space<hbm>>) target(%arg14 : memref<128x128xf32, #tpu.memory_space<vmem>>) offsets(%arg9 : memref<128xi32, #tpu.memory_space<vmem>>) semaphore(%arg15 : memref<!tpu.dma_semaphore, #tpu.memory_space<semaphore_mem>>)
      %dma_wait3A = arith.constant 0 : i32
      %dma_wait3A_36 = arith.constant 0 : i32
      %dma_wait3A_37 = tpu.memref_slice %arg2[%dma_wait3A, %dma_wait3A_36] : memref<10240x128xf32, #tpu.memory_space<hbm>> -> memref<10240x128xf32, #tpu.memory_space<hbm>>
      tpu.wait_indirect_dma semaphore(%arg15 : memref<!tpu.dma_semaphore, #tpu.memory_space<semaphore_mem>>) src(%dma_wait3A_37 : memref<10240x128xf32, #tpu.memory_space<hbm>>) dst(%arg10 : memref<128x128xf32, #tpu.memory_space<vmem>>)
      %add3A_38 = arith.constant 0 : i32
      %add3A_39 = arith.addi %add3A_11, %add3A_38 : i32
      "tpu.region"() ({
        %run_scoped3A = tpu.sem_alloc : memref<!tpu.dma_semaphore, #tpu.memory_space<semaphore_mem>>
        %dma_start3A_60 = arith.constant 0 : i32
        %dma_start3A_61 = tpu.memref_slice %arg4[%add3A_39, %dma_start3A_60] : memref<81920x128xf32, #tpu.memory_space<hbm>> -> memref<128x128xf32, #tpu.memory_space<hbm>>
        %dma_start3A_62 = arith.constant 0 : i32
        %dma_start3A_63 = tpu.memref_slice %arg4[%add3A_39, %dma_start3A_62] : memref<81920x128xf32, #tpu.memory_space<hbm>> -> memref<128x128xf32, #tpu.memory_space<hbm>>
        tpu.enqueue_dma source(%arg10 : memref<128x128xf32, #tpu.memory_space<vmem>>) target(%dma_start3A_63 : memref<128x128xf32, #tpu.memory_space<hbm>>) target_semaphore(%run_scoped3A : memref<!tpu.dma_semaphore, #tpu.memory_space<semaphore_mem>>)
        %dma_wait3A_64 = arith.constant 0 : i32
        %dma_wait3A_65 = tpu.memref_slice %arg4[%add3A_39, %dma_wait3A_64] : memref<81920x128xf32, #tpu.memory_space<hbm>> -> memref<128x128xf32, #tpu.memory_space<hbm>>
        %dma_wait3A_66 = arith.constant 0 : i32
        %dma_wait3A_67 = tpu.memref_slice %arg4[%add3A_39, %dma_wait3A_66] : memref<81920x128xf32, #tpu.memory_space<hbm>> -> memref<128x128xf32, #tpu.memory_space<hbm>>
        tpu.wait_dma2 semaphore(%run_scoped3A : memref<!tpu.dma_semaphore, #tpu.memory_space<semaphore_mem>>) src(%arg10 : memref<128x128xf32, #tpu.memory_space<vmem>>) dst(%dma_wait3A_67 : memref<128x128xf32, #tpu.memory_space<hbm>>)
        tpu.yield
      }) : () -> ()
      %dma_wait3A_40 = arith.constant 0 : i32
      %dma_wait3A_41 = arith.constant 0 : i32
      %dma_wait3A_42 = tpu.memref_slice %arg2[%dma_wait3A_40, %dma_wait3A_41] : memref<10240x128xf32, #tpu.memory_space<hbm>> -> memref<10240x128xf32, #tpu.memory_space<hbm>>
      tpu.wait_indirect_dma semaphore(%arg15 : memref<!tpu.dma_semaphore, #tpu.memory_space<semaphore_mem>>) src(%dma_wait3A_42 : memref<10240x128xf32, #tpu.memory_space<hbm>>) dst(%arg11 : memref<128x128xf32, #tpu.memory_space<vmem>>)
      %add3A_43 = arith.constant 128 : i32
      %add3A_44 = arith.addi %add3A_11, %add3A_43 : i32
      "tpu.region"() ({
        %run_scoped3A = tpu.sem_alloc : memref<!tpu.dma_semaphore, #tpu.memory_space<semaphore_mem>>
        %dma_start3A_60 = arith.constant 0 : i32
        %dma_start3A_61 = tpu.memref_slice %arg4[%add3A_44, %dma_start3A_60] : memref<81920x128xf32, #tpu.memory_space<hbm>> -> memref<128x128xf32, #tpu.memory_space<hbm>>
        %dma_start3A_62 = arith.constant 0 : i32
        %dma_start3A_63 = tpu.memref_slice %arg4[%add3A_44, %dma_start3A_62] : memref<81920x128xf32, #tpu.memory_space<hbm>> -> memref<128x128xf32, #tpu.memory_space<hbm>>
        tpu.enqueue_dma source(%arg11 : memref<128x128xf32, #tpu.memory_space<vmem>>) target(%dma_start3A_63 : memref<128x128xf32, #tpu.memory_space<hbm>>) target_semaphore(%run_scoped3A : memref<!tpu.dma_semaphore, #tpu.memory_space<semaphore_mem>>)
        %dma_wait3A_64 = arith.constant 0 : i32
        %dma_wait3A_65 = tpu.memref_slice %arg4[%add3A_44, %dma_wait3A_64] : memref<81920x128xf32, #tpu.memory_space<hbm>> -> memref<128x128xf32, #tpu.memory_space<hbm>>
        %dma_wait3A_66 = arith.constant 0 : i32
        %dma_wait3A_67 = tpu.memref_slice %arg4[%add3A_44, %dma_wait3A_66] : memref<81920x128xf32, #tpu.memory_space<hbm>> -> memref<128x128xf32, #tpu.memory_space<hbm>>
        tpu.wait_dma2 semaphore(%run_scoped3A : memref<!tpu.dma_semaphore, #tpu.memory_space<semaphore_mem>>) src(%arg11 : memref<128x128xf32, #tpu.memory_space<vmem>>) dst(%dma_wait3A_67 : memref<128x128xf32, #tpu.memory_space<hbm>>)
        tpu.yield
      }) : () -> ()
      %dma_wait3A_45 = arith.constant 0 : i32
      %dma_wait3A_46 = arith.constant 0 : i32
      %dma_wait3A_47 = tpu.memref_slice %arg2[%dma_wait3A_45, %dma_wait3A_46] : memref<10240x128xf32, #tpu.memory_space<hbm>> -> memref<10240x128xf32, #tpu.memory_space<hbm>>
      tpu.wait_indirect_dma semaphore(%arg15 : memref<!tpu.dma_semaphore, #tpu.memory_space<semaphore_mem>>) src(%dma_wait3A_47 : memref<10240x128xf32, #tpu.memory_space<hbm>>) dst(%arg12 : memref<128x128xf32, #tpu.memory_space<vmem>>)
      %add3A_48 = arith.constant 256 : i32
      %add3A_49 = arith.addi %add3A_11, %add3A_48 : i32
      "tpu.region"() ({
        %run_scoped3A = tpu.sem_alloc : memref<!tpu.dma_semaphore, #tpu.memory_space<semaphore_mem>>
        %dma_start3A_60 = arith.constant 0 : i32
        %dma_start3A_61 = tpu.memref_slice %arg4[%add3A_49, %dma_start3A_60] : memref<81920x128xf32, #tpu.memory_space<hbm>> -> memref<128x128xf32, #tpu.memory_space<hbm>>
        %dma_start3A_62 = arith.constant 0 : i32
        %dma_start3A_63 = tpu.memref_slice %arg4[%add3A_49, %dma_start3A_62] : memref<81920x128xf32, #tpu.memory_space<hbm>> -> memref<128x128xf32, #tpu.memory_space<hbm>>
        tpu.enqueue_dma source(%arg12 : memref<128x128xf32, #tpu.memory_space<vmem>>) target(%dma_start3A_63 : memref<128x128xf32, #tpu.memory_space<hbm>>) target_semaphore(%run_scoped3A : memref<!tpu.dma_semaphore, #tpu.memory_space<semaphore_mem>>)
        %dma_wait3A_64 = arith.constant 0 : i32
        %dma_wait3A_65 = tpu.memref_slice %arg4[%add3A_49, %dma_wait3A_64] : memref<81920x128xf32, #tpu.memory_space<hbm>> -> memref<128x128xf32, #tpu.memory_space<hbm>>
        %dma_wait3A_66 = arith.constant 0 : i32
        %dma_wait3A_67 = tpu.memref_slice %arg4[%add3A_49, %dma_wait3A_66] : memref<81920x128xf32, #tpu.memory_space<hbm>> -> memref<128x128xf32, #tpu.memory_space<hbm>>
        tpu.wait_dma2 semaphore(%run_scoped3A : memref<!tpu.dma_semaphore, #tpu.memory_space<semaphore_mem>>) src(%arg12 : memref<128x128xf32, #tpu.memory_space<vmem>>) dst(%dma_wait3A_67 : memref<128x128xf32, #tpu.memory_space<hbm>>)
        tpu.yield
      }) : () -> ()
      %dma_wait3A_50 = arith.constant 0 : i32
      %dma_wait3A_51 = arith.constant 0 : i32
      %dma_wait3A_52 = tpu.memref_slice %arg2[%dma_wait3A_50, %dma_wait3A_51] : memref<10240x128xf32, #tpu.memory_space<hbm>> -> memref<10240x128xf32, #tpu.memory_space<hbm>>
      tpu.wait_indirect_dma semaphore(%arg15 : memref<!tpu.dma_semaphore, #tpu.memory_space<semaphore_mem>>) src(%dma_wait3A_52 : memref<10240x128xf32, #tpu.memory_space<hbm>>) dst(%arg13 : memref<128x128xf32, #tpu.memory_space<vmem>>)
      %add3A_53 = arith.constant 384 : i32
      %add3A_54 = arith.addi %add3A_11, %add3A_53 : i32
      "tpu.region"() ({
        %run_scoped3A = tpu.sem_alloc : memref<!tpu.dma_semaphore, #tpu.memory_space<semaphore_mem>>
        %dma_start3A_60 = arith.constant 0 : i32
        %dma_start3A_61 = tpu.memref_slice %arg4[%add3A_54, %dma_start3A_60] : memref<81920x128xf32, #tpu.memory_space<hbm>> -> memref<128x128xf32, #tpu.memory_space<hbm>>
        %dma_start3A_62 = arith.constant 0 : i32
        %dma_start3A_63 = tpu.memref_slice %arg4[%add3A_54, %dma_start3A_62] : memref<81920x128xf32, #tpu.memory_space<hbm>> -> memref<128x128xf32, #tpu.memory_space<hbm>>
        tpu.enqueue_dma source(%arg13 : memref<128x128xf32, #tpu.memory_space<vmem>>) target(%dma_start3A_63 : memref<128x128xf32, #tpu.memory_space<hbm>>) target_semaphore(%run_scoped3A : memref<!tpu.dma_semaphore, #tpu.memory_space<semaphore_mem>>)
        %dma_wait3A_64 = arith.constant 0 : i32
        %dma_wait3A_65 = tpu.memref_slice %arg4[%add3A_54, %dma_wait3A_64] : memref<81920x128xf32, #tpu.memory_space<hbm>> -> memref<128x128xf32, #tpu.memory_space<hbm>>
        %dma_wait3A_66 = arith.constant 0 : i32
        %dma_wait3A_67 = tpu.memref_slice %arg4[%add3A_54, %dma_wait3A_66] : memref<81920x128xf32, #tpu.memory_space<hbm>> -> memref<128x128xf32, #tpu.memory_space<hbm>>
        tpu.wait_dma2 semaphore(%run_scoped3A : memref<!tpu.dma_semaphore, #tpu.memory_space<semaphore_mem>>) src(%arg13 : memref<128x128xf32, #tpu.memory_space<vmem>>) dst(%dma_wait3A_67 : memref<128x128xf32, #tpu.memory_space<hbm>>)
        tpu.yield
      }) : () -> ()
      %dma_wait3A_55 = arith.constant 0 : i32
      %dma_wait3A_56 = arith.constant 0 : i32
      %dma_wait3A_57 = tpu.memref_slice %arg2[%dma_wait3A_55, %dma_wait3A_56] : memref<10240x128xf32, #tpu.memory_space<hbm>> -> memref<10240x128xf32, #tpu.memory_space<hbm>>
      tpu.wait_indirect_dma semaphore(%arg15 : memref<!tpu.dma_semaphore, #tpu.memory_space<semaphore_mem>>) src(%dma_wait3A_57 : memref<10240x128xf32, #tpu.memory_space<hbm>>) dst(%arg14 : memref<128x128xf32, #tpu.memory_space<vmem>>)
      %add3A_58 = arith.constant 512 : i32
      %add3A_59 = arith.addi %add3A_11, %add3A_58 : i32
      "tpu.region"() ({
        %run_scoped3A = tpu.sem_alloc : memref<!tpu.dma_semaphore, #tpu.memory_space<semaphore_mem>>
        %dma_start3A_60 = arith.constant 0 : i32
        %dma_start3A_61 = tpu.memref_slice %arg4[%add3A_59, %dma_start3A_60] : memref<81920x128xf32, #tpu.memory_space<hbm>> -> memref<128x128xf32, #tpu.memory_space<hbm>>
        %dma_start3A_62 = arith.constant 0 : i32
        %dma_start3A_63 = tpu.memref_slice %arg4[%add3A_59, %dma_start3A_62] : memref<81920x128xf32, #tpu.memory_space<hbm>> -> memref<128x128xf32, #tpu.memory_space<hbm>>
        tpu.enqueue_dma source(%arg14 : memref<128x128xf32, #tpu.memory_space<vmem>>) target(%dma_start3A_63 : memref<128x128xf32, #tpu.memory_space<hbm>>) target_semaphore(%run_scoped3A : memref<!tpu.dma_semaphore, #tpu.memory_space<semaphore_mem>>)
        %dma_wait3A_64 = arith.constant 0 : i32
        %dma_wait3A_65 = tpu.memref_slice %arg4[%add3A_59, %dma_wait3A_64] : memref<81920x128xf32, #tpu.memory_space<hbm>> -> memref<128x128xf32, #tpu.memory_space<hbm>>
        %dma_wait3A_66 = arith.constant 0 : i32
        %dma_wait3A_67 = tpu.memref_slice %arg4[%add3A_59, %dma_wait3A_66] : memref<81920x128xf32, #tpu.memory_space<hbm>> -> memref<128x128xf32, #tpu.memory_space<hbm>>
        tpu.wait_dma2 semaphore(%run_scoped3A : memref<!tpu.dma_semaphore, #tpu.memory_space<semaphore_mem>>) src(%arg14 : memref<128x128xf32, #tpu.memory_space<vmem>>) dst(%dma_wait3A_67 : memref<128x128xf32, #tpu.memory_space<hbm>>)
        tpu.yield
      }) : () -> ()
    }
    %scan3A_7 = arith.constant 4 : i32
    return
  }
}

#map = affine_map<(d0, d1) -> (0, 0)>
#map1 = affine_map<(d0, d1) -> (0)>
module attributes {stable_mosaic.version = 14 : i64} {
  func.func @gk(%arg0: i32, %arg1: i32, %arg2: memref<10240x128xf32, #tpu.memory_space<hbm>>, %arg3: memref<81920xi32, #tpu.memory_space<hbm>>, %arg4: memref<81920x128xf32, #tpu.memory_space<hbm>>, %arg5: memref<128xi32, #tpu.memory_space<vmem>>, %arg6: memref<128xi32, #tpu.memory_space<vmem>>, %arg7: memref<128xi32, #tpu.memory_space<vmem>>, %arg8: memref<128xi32, #tpu.memory_space<vmem>>, %arg9: memref<128xi32, #tpu.memory_space<vmem>>, %arg10: memref<128x128xf32, #tpu.memory_space<vmem>>, %arg11: memref<128x128xf32, #tpu.memory_space<vmem>>, %arg12: memref<128x128xf32, #tpu.memory_space<vmem>>, %arg13: memref<128x128xf32, #tpu.memory_space<vmem>>, %arg14: memref<128x128xf32, #tpu.memory_space<vmem>>, %arg15: memref<!tpu.dma_semaphore, #tpu.memory_space<semaphore_mem>>) attributes {dimension_semantics = [#tpu.dimension_semantics<core_parallel>, #tpu.dimension_semantics<subcore_parallel>], iteration_bounds = array<i64: 2, 16>, scalar_prefetch = 0 : i64, scratch_operands = 11 : i64, tpu.core_type = #tpu.core_type<sc_vector_subcore>, window_params = [{transform_indices = #map}, {transform_indices = #map1}, {transform_indices = #map}]} {
    %mul3A = arith.constant 2 : i32
    %mul3A_0 = arith.muli %arg1, %mul3A : i32
    %add3A = arith.addi %mul3A_0, %arg0 : i32
    %mul3A_1 = arith.constant 2560 : i32
    %mul3A_2 = arith.muli %add3A, %mul3A_1 : i32
    %scan3A = arith.constant 0 : i32
    %scan3A_3 = arith.constant 0 : i32
    %scan3A_4 = arith.constant 4 : i32
    %scan3A_5 = arith.addi %scan3A_3, %scan3A_4 : i32
    %scan3A_6 = arith.constant 1 : i32
    scf.for %scan3A_8 = %scan3A_3 to %scan3A_5 step %scan3A_6  : i32 {
      %mul3A_9 = arith.constant 640 : i32
      %mul3A_10 = arith.muli %scan3A_8, %mul3A_9 : i32
      %add3A_11 = arith.addi %mul3A_2, %mul3A_10 : i32
      %add3A_12 = arith.constant 0 : i32
      %add3A_13 = arith.addi %add3A_11, %add3A_12 : i32
      "tpu.region"() ({
        %run_scoped3A = tpu.sem_alloc : memref<!tpu.dma_semaphore, #tpu.memory_space<semaphore_mem>>
        %dma_start3A_60 = tpu.memref_slice %arg3[%add3A_13] : memref<81920xi32, #tpu.memory_space<hbm>> -> memref<128xi32, #tpu.memory_space<hbm>>
        %dma_start3A_61 = tpu.memref_slice %arg3[%add3A_13] : memref<81920xi32, #tpu.memory_space<hbm>> -> memref<128xi32, #tpu.memory_space<hbm>>
        tpu.enqueue_dma source(%dma_start3A_61 : memref<128xi32, #tpu.memory_space<hbm>>) target(%arg5 : memref<128xi32, #tpu.memory_space<vmem>>) target_semaphore(%run_scoped3A : memref<!tpu.dma_semaphore, #tpu.memory_space<semaphore_mem>>)
        %dma_wait3A_62 = tpu.memref_slice %arg3[%add3A_13] : memref<81920xi32, #tpu.memory_space<hbm>> -> memref<128xi32, #tpu.memory_space<hbm>>
        %dma_wait3A_63 = tpu.memref_slice %arg3[%add3A_13] : memref<81920xi32, #tpu.memory_space<hbm>> -> memref<128xi32, #tpu.memory_space<hbm>>
        tpu.wait_dma2 semaphore(%run_scoped3A : memref<!tpu.dma_semaphore, #tpu.memory_space<semaphore_mem>>) src(%dma_wait3A_63 : memref<128xi32, #tpu.memory_space<hbm>>) dst(%arg5 : memref<128xi32, #tpu.memory_space<vmem>>)
        tpu.yield
      }) : () -> ()
      %add3A_14 = arith.constant 128 : i32
      %add3A_15 = arith.addi %add3A_11, %add3A_14 : i32
      "tpu.region"() ({
        %run_scoped3A = tpu.sem_alloc : memref<!tpu.dma_semaphore, #tpu.memory_space<semaphore_mem>>
        %dma_start3A_60 = tpu.memref_slice %arg3[%add3A_15] : memref<81920xi32, #tpu.memory_space<hbm>> -> memref<128xi32, #tpu.memory_space<hbm>>
        %dma_start3A_61 = tpu.memref_slice %arg3[%add3A_15] : memref<81920xi32, #tpu.memory_space<hbm>> -> memref<128xi32, #tpu.memory_space<hbm>>
        tpu.enqueue_dma source(%dma_start3A_61 : memref<128xi32, #tpu.memory_space<hbm>>) target(%arg6 : memref<128xi32, #tpu.memory_space<vmem>>) target_semaphore(%run_scoped3A : memref<!tpu.dma_semaphore, #tpu.memory_space<semaphore_mem>>)
        %dma_wait3A_62 = tpu.memref_slice %arg3[%add3A_15] : memref<81920xi32, #tpu.memory_space<hbm>> -> memref<128xi32, #tpu.memory_space<hbm>>
        %dma_wait3A_63 = tpu.memref_slice %arg3[%add3A_15] : memref<81920xi32, #tpu.memory_space<hbm>> -> memref<128xi32, #tpu.memory_space<hbm>>
        tpu.wait_dma2 semaphore(%run_scoped3A : memref<!tpu.dma_semaphore, #tpu.memory_space<semaphore_mem>>) src(%dma_wait3A_63 : memref<128xi32, #tpu.memory_space<hbm>>) dst(%arg6 : memref<128xi32, #tpu.memory_space<vmem>>)
        tpu.yield
      }) : () -> ()
      %add3A_16 = arith.constant 256 : i32
      %add3A_17 = arith.addi %add3A_11, %add3A_16 : i32
      "tpu.region"() ({
        %run_scoped3A = tpu.sem_alloc : memref<!tpu.dma_semaphore, #tpu.memory_space<semaphore_mem>>
        %dma_start3A_60 = tpu.memref_slice %arg3[%add3A_17] : memref<81920xi32, #tpu.memory_space<hbm>> -> memref<128xi32, #tpu.memory_space<hbm>>
        %dma_start3A_61 = tpu.memref_slice %arg3[%add3A_17] : memref<81920xi32, #tpu.memory_space<hbm>> -> memref<128xi32, #tpu.memory_space<hbm>>
        tpu.enqueue_dma source(%dma_start3A_61 : memref<128xi32, #tpu.memory_space<hbm>>) target(%arg7 : memref<128xi32, #tpu.memory_space<vmem>>) target_semaphore(%run_scoped3A : memref<!tpu.dma_semaphore, #tpu.memory_space<semaphore_mem>>)
        %dma_wait3A_62 = tpu.memref_slice %arg3[%add3A_17] : memref<81920xi32, #tpu.memory_space<hbm>> -> memref<128xi32, #tpu.memory_space<hbm>>
        %dma_wait3A_63 = tpu.memref_slice %arg3[%add3A_17] : memref<81920xi32, #tpu.memory_space<hbm>> -> memref<128xi32, #tpu.memory_space<hbm>>
        tpu.wait_dma2 semaphore(%run_scoped3A : memref<!tpu.dma_semaphore, #tpu.memory_space<semaphore_mem>>) src(%dma_wait3A_63 : memref<128xi32, #tpu.memory_space<hbm>>) dst(%arg7 : memref<128xi32, #tpu.memory_space<vmem>>)
        tpu.yield
      }) : () -> ()
      %add3A_18 = arith.constant 384 : i32
      %add3A_19 = arith.addi %add3A_11, %add3A_18 : i32
      "tpu.region"() ({
        %run_scoped3A = tpu.sem_alloc : memref<!tpu.dma_semaphore, #tpu.memory_space<semaphore_mem>>
        %dma_start3A_60 = tpu.memref_slice %arg3[%add3A_19] : memref<81920xi32, #tpu.memory_space<hbm>> -> memref<128xi32, #tpu.memory_space<hbm>>
        %dma_start3A_61 = tpu.memref_slice %arg3[%add3A_19] : memref<81920xi32, #tpu.memory_space<hbm>> -> memref<128xi32, #tpu.memory_space<hbm>>
        tpu.enqueue_dma source(%dma_start3A_61 : memref<128xi32, #tpu.memory_space<hbm>>) target(%arg8 : memref<128xi32, #tpu.memory_space<vmem>>) target_semaphore(%run_scoped3A : memref<!tpu.dma_semaphore, #tpu.memory_space<semaphore_mem>>)
        %dma_wait3A_62 = tpu.memref_slice %arg3[%add3A_19] : memref<81920xi32, #tpu.memory_space<hbm>> -> memref<128xi32, #tpu.memory_space<hbm>>
        %dma_wait3A_63 = tpu.memref_slice %arg3[%add3A_19] : memref<81920xi32, #tpu.memory_space<hbm>> -> memref<128xi32, #tpu.memory_space<hbm>>
        tpu.wait_dma2 semaphore(%run_scoped3A : memref<!tpu.dma_semaphore, #tpu.memory_space<semaphore_mem>>) src(%dma_wait3A_63 : memref<128xi32, #tpu.memory_space<hbm>>) dst(%arg8 : memref<128xi32, #tpu.memory_space<vmem>>)
        tpu.yield
      }) : () -> ()
      %add3A_20 = arith.constant 512 : i32
      %add3A_21 = arith.addi %add3A_11, %add3A_20 : i32
      "tpu.region"() ({
        %run_scoped3A = tpu.sem_alloc : memref<!tpu.dma_semaphore, #tpu.memory_space<semaphore_mem>>
        %dma_start3A_60 = tpu.memref_slice %arg3[%add3A_21] : memref<81920xi32, #tpu.memory_space<hbm>> -> memref<128xi32, #tpu.memory_space<hbm>>
        %dma_start3A_61 = tpu.memref_slice %arg3[%add3A_21] : memref<81920xi32, #tpu.memory_space<hbm>> -> memref<128xi32, #tpu.memory_space<hbm>>
        tpu.enqueue_dma source(%dma_start3A_61 : memref<128xi32, #tpu.memory_space<hbm>>) target(%arg9 : memref<128xi32, #tpu.memory_space<vmem>>) target_semaphore(%run_scoped3A : memref<!tpu.dma_semaphore, #tpu.memory_space<semaphore_mem>>)
        %dma_wait3A_62 = tpu.memref_slice %arg3[%add3A_21] : memref<81920xi32, #tpu.memory_space<hbm>> -> memref<128xi32, #tpu.memory_space<hbm>>
        %dma_wait3A_63 = tpu.memref_slice %arg3[%add3A_21] : memref<81920xi32, #tpu.memory_space<hbm>> -> memref<128xi32, #tpu.memory_space<hbm>>
        tpu.wait_dma2 semaphore(%run_scoped3A : memref<!tpu.dma_semaphore, #tpu.memory_space<semaphore_mem>>) src(%dma_wait3A_63 : memref<128xi32, #tpu.memory_space<hbm>>) dst(%arg9 : memref<128xi32, #tpu.memory_space<vmem>>)
        tpu.yield
      }) : () -> ()
      %dma_start3A = arith.constant 0 : i32
      %dma_start3A_22 = arith.constant 0 : i32
      %dma_start3A_23 = tpu.memref_slice %arg2[%dma_start3A, %dma_start3A_22] : memref<10240x128xf32, #tpu.memory_space<hbm>> -> memref<10240x128xf32, #tpu.memory_space<hbm>>
      tpu.enqueue_indirect_dma source(%dma_start3A_23 : memref<10240x128xf32, #tpu.memory_space<hbm>>) target(%arg10 : memref<128x128xf32, #tpu.memory_space<vmem>>) offsets(%arg5 : memref<128xi32, #tpu.memory_space<vmem>>) semaphore(%arg15 : memref<!tpu.dma_semaphore, #tpu.memory_space<semaphore_mem>>)
      %dma_start3A_24 = arith.constant 0 : i32
      %dma_start3A_25 = arith.constant 0 : i32
      %dma_start3A_26 = tpu.memref_slice %arg2[%dma_start3A_24, %dma_start3A_25] : memref<10240x128xf32, #tpu.memory_space<hbm>> -> memref<10240x128xf32, #tpu.memory_space<hbm>>
      tpu.enqueue_indirect_dma source(%dma_start3A_26 : memref<10240x128xf32, #tpu.memory_space<hbm>>) target(%arg11 : memref<128x128xf32, #tpu.memory_space<vmem>>) offsets(%arg6 : memref<128xi32, #tpu.memory_space<vmem>>) semaphore(%arg15 : memref<!tpu.dma_semaphore, #tpu.memory_space<semaphore_mem>>)
      %dma_start3A_27 = arith.constant 0 : i32
      %dma_start3A_28 = arith.constant 0 : i32
      %dma_start3A_29 = tpu.memref_slice %arg2[%dma_start3A_27, %dma_start3A_28] : memref<10240x128xf32, #tpu.memory_space<hbm>> -> memref<10240x128xf32, #tpu.memory_space<hbm>>
      tpu.enqueue_indirect_dma source(%dma_start3A_29 : memref<10240x128xf32, #tpu.memory_space<hbm>>) target(%arg12 : memref<128x128xf32, #tpu.memory_space<vmem>>) offsets(%arg7 : memref<128xi32, #tpu.memory_space<vmem>>) semaphore(%arg15 : memref<!tpu.dma_semaphore, #tpu.memory_space<semaphore_mem>>)
      %dma_start3A_30 = arith.constant 0 : i32
      %dma_start3A_31 = arith.constant 0 : i32
      %dma_start3A_32 = tpu.memref_slice %arg2[%dma_start3A_30, %dma_start3A_31] : memref<10240x128xf32, #tpu.memory_space<hbm>> -> memref<10240x128xf32, #tpu.memory_space<hbm>>
      tpu.enqueue_indirect_dma source(%dma_start3A_32 : memref<10240x128xf32, #tpu.memory_space<hbm>>) target(%arg13 : memref<128x128xf32, #tpu.memory_space<vmem>>) offsets(%arg8 : memref<128xi32, #tpu.memory_space<vmem>>) semaphore(%arg15 : memref<!tpu.dma_semaphore, #tpu.memory_space<semaphore_mem>>)
      %dma_start3A_33 = arith.constant 0 : i32
      %dma_start3A_34 = arith.constant 0 : i32
      %dma_start3A_35 = tpu.memref_slice %arg2[%dma_start3A_33, %dma_start3A_34] : memref<10240x128xf32, #tpu.memory_space<hbm>> -> memref<10240x128xf32, #tpu.memory_space<hbm>>
      tpu.enqueue_indirect_dma source(%dma_start3A_35 : memref<10240x128xf32, #tpu.memory_space<hbm>>) target(%arg14 : memref<128x128xf32, #tpu.memory_space<vmem>>) offsets(%arg9 : memref<128xi32, #tpu.memory_space<vmem>>) semaphore(%arg15 : memref<!tpu.dma_semaphore, #tpu.memory_space<semaphore_mem>>)
      %dma_wait3A = arith.constant 0 : i32
      %dma_wait3A_36 = arith.constant 0 : i32
      %dma_wait3A_37 = tpu.memref_slice %arg2[%dma_wait3A, %dma_wait3A_36] : memref<10240x128xf32, #tpu.memory_space<hbm>> -> memref<10240x128xf32, #tpu.memory_space<hbm>>
      tpu.wait_indirect_dma semaphore(%arg15 : memref<!tpu.dma_semaphore, #tpu.memory_space<semaphore_mem>>) src(%dma_wait3A_37 : memref<10240x128xf32, #tpu.memory_space<hbm>>) dst(%arg10 : memref<128x128xf32, #tpu.memory_space<vmem>>)
      %add3A_38 = arith.constant 0 : i32
      %add3A_39 = arith.addi %add3A_11, %add3A_38 : i32
      "tpu.region"() ({
        %run_scoped3A = tpu.sem_alloc : memref<!tpu.dma_semaphore, #tpu.memory_space<semaphore_mem>>
        %dma_start3A_60 = arith.constant 0 : i32
        %dma_start3A_61 = tpu.memref_slice %arg4[%add3A_39, %dma_start3A_60] : memref<81920x128xf32, #tpu.memory_space<hbm>> -> memref<128x128xf32, #tpu.memory_space<hbm>>
        %dma_start3A_62 = arith.constant 0 : i32
        %dma_start3A_63 = tpu.memref_slice %arg4[%add3A_39, %dma_start3A_62] : memref<81920x128xf32, #tpu.memory_space<hbm>> -> memref<128x128xf32, #tpu.memory_space<hbm>>
        tpu.enqueue_dma source(%arg10 : memref<128x128xf32, #tpu.memory_space<vmem>>) target(%dma_start3A_63 : memref<128x128xf32, #tpu.memory_space<hbm>>) target_semaphore(%run_scoped3A : memref<!tpu.dma_semaphore, #tpu.memory_space<semaphore_mem>>)
        %dma_wait3A_64 = arith.constant 0 : i32
        %dma_wait3A_65 = tpu.memref_slice %arg4[%add3A_39, %dma_wait3A_64] : memref<81920x128xf32, #tpu.memory_space<hbm>> -> memref<128x128xf32, #tpu.memory_space<hbm>>
        %dma_wait3A_66 = arith.constant 0 : i32
        %dma_wait3A_67 = tpu.memref_slice %arg4[%add3A_39, %dma_wait3A_66] : memref<81920x128xf32, #tpu.memory_space<hbm>> -> memref<128x128xf32, #tpu.memory_space<hbm>>
        tpu.wait_dma2 semaphore(%run_scoped3A : memref<!tpu.dma_semaphore, #tpu.memory_space<semaphore_mem>>) src(%arg10 : memref<128x128xf32, #tpu.memory_space<vmem>>) dst(%dma_wait3A_67 : memref<128x128xf32, #tpu.memory_space<hbm>>)
        tpu.yield
      }) : () -> ()
      %dma_wait3A_40 = arith.constant 0 : i32
      %dma_wait3A_41 = arith.constant 0 : i32
      %dma_wait3A_42 = tpu.memref_slice %arg2[%dma_wait3A_40, %dma_wait3A_41] : memref<10240x128xf32, #tpu.memory_space<hbm>> -> memref<10240x128xf32, #tpu.memory_space<hbm>>
      tpu.wait_indirect_dma semaphore(%arg15 : memref<!tpu.dma_semaphore, #tpu.memory_space<semaphore_mem>>) src(%dma_wait3A_42 : memref<10240x128xf32, #tpu.memory_space<hbm>>) dst(%arg11 : memref<128x128xf32, #tpu.memory_space<vmem>>)
      %add3A_43 = arith.constant 128 : i32
      %add3A_44 = arith.addi %add3A_11, %add3A_43 : i32
      "tpu.region"() ({
        %run_scoped3A = tpu.sem_alloc : memref<!tpu.dma_semaphore, #tpu.memory_space<semaphore_mem>>
        %dma_start3A_60 = arith.constant 0 : i32
        %dma_start3A_61 = tpu.memref_slice %arg4[%add3A_44, %dma_start3A_60] : memref<81920x128xf32, #tpu.memory_space<hbm>> -> memref<128x128xf32, #tpu.memory_space<hbm>>
        %dma_start3A_62 = arith.constant 0 : i32
        %dma_start3A_63 = tpu.memref_slice %arg4[%add3A_44, %dma_start3A_62] : memref<81920x128xf32, #tpu.memory_space<hbm>> -> memref<128x128xf32, #tpu.memory_space<hbm>>
        tpu.enqueue_dma source(%arg11 : memref<128x128xf32, #tpu.memory_space<vmem>>) target(%dma_start3A_63 : memref<128x128xf32, #tpu.memory_space<hbm>>) target_semaphore(%run_scoped3A : memref<!tpu.dma_semaphore, #tpu.memory_space<semaphore_mem>>)
        %dma_wait3A_64 = arith.constant 0 : i32
        %dma_wait3A_65 = tpu.memref_slice %arg4[%add3A_44, %dma_wait3A_64] : memref<81920x128xf32, #tpu.memory_space<hbm>> -> memref<128x128xf32, #tpu.memory_space<hbm>>
        %dma_wait3A_66 = arith.constant 0 : i32
        %dma_wait3A_67 = tpu.memref_slice %arg4[%add3A_44, %dma_wait3A_66] : memref<81920x128xf32, #tpu.memory_space<hbm>> -> memref<128x128xf32, #tpu.memory_space<hbm>>
        tpu.wait_dma2 semaphore(%run_scoped3A : memref<!tpu.dma_semaphore, #tpu.memory_space<semaphore_mem>>) src(%arg11 : memref<128x128xf32, #tpu.memory_space<vmem>>) dst(%dma_wait3A_67 : memref<128x128xf32, #tpu.memory_space<hbm>>)
        tpu.yield
      }) : () -> ()
      %dma_wait3A_45 = arith.constant 0 : i32
      %dma_wait3A_46 = arith.constant 0 : i32
      %dma_wait3A_47 = tpu.memref_slice %arg2[%dma_wait3A_45, %dma_wait3A_46] : memref<10240x128xf32, #tpu.memory_space<hbm>> -> memref<10240x128xf32, #tpu.memory_space<hbm>>
      tpu.wait_indirect_dma semaphore(%arg15 : memref<!tpu.dma_semaphore, #tpu.memory_space<semaphore_mem>>) src(%dma_wait3A_47 : memref<10240x128xf32, #tpu.memory_space<hbm>>) dst(%arg12 : memref<128x128xf32, #tpu.memory_space<vmem>>)
      %add3A_48 = arith.constant 256 : i32
      %add3A_49 = arith.addi %add3A_11, %add3A_48 : i32
      "tpu.region"() ({
        %run_scoped3A = tpu.sem_alloc : memref<!tpu.dma_semaphore, #tpu.memory_space<semaphore_mem>>
        %dma_start3A_60 = arith.constant 0 : i32
        %dma_start3A_61 = tpu.memref_slice %arg4[%add3A_49, %dma_start3A_60] : memref<81920x128xf32, #tpu.memory_space<hbm>> -> memref<128x128xf32, #tpu.memory_space<hbm>>
        %dma_start3A_62 = arith.constant 0 : i32
        %dma_start3A_63 = tpu.memref_slice %arg4[%add3A_49, %dma_start3A_62] : memref<81920x128xf32, #tpu.memory_space<hbm>> -> memref<128x128xf32, #tpu.memory_space<hbm>>
        tpu.enqueue_dma source(%arg12 : memref<128x128xf32, #tpu.memory_space<vmem>>) target(%dma_start3A_63 : memref<128x128xf32, #tpu.memory_space<hbm>>) target_semaphore(%run_scoped3A : memref<!tpu.dma_semaphore, #tpu.memory_space<semaphore_mem>>)
        %dma_wait3A_64 = arith.constant 0 : i32
        %dma_wait3A_65 = tpu.memref_slice %arg4[%add3A_49, %dma_wait3A_64] : memref<81920x128xf32, #tpu.memory_space<hbm>> -> memref<128x128xf32, #tpu.memory_space<hbm>>
        %dma_wait3A_66 = arith.constant 0 : i32
        %dma_wait3A_67 = tpu.memref_slice %arg4[%add3A_49, %dma_wait3A_66] : memref<81920x128xf32, #tpu.memory_space<hbm>> -> memref<128x128xf32, #tpu.memory_space<hbm>>
        tpu.wait_dma2 semaphore(%run_scoped3A : memref<!tpu.dma_semaphore, #tpu.memory_space<semaphore_mem>>) src(%arg12 : memref<128x128xf32, #tpu.memory_space<vmem>>) dst(%dma_wait3A_67 : memref<128x128xf32, #tpu.memory_space<hbm>>)
        tpu.yield
      }) : () -> ()
      %dma_wait3A_50 = arith.constant 0 : i32
      %dma_wait3A_51 = arith.constant 0 : i32
      %dma_wait3A_52 = tpu.memref_slice %arg2[%dma_wait3A_50, %dma_wait3A_51] : memref<10240x128xf32, #tpu.memory_space<hbm>> -> memref<10240x128xf32, #tpu.memory_space<hbm>>
      tpu.wait_indirect_dma semaphore(%arg15 : memref<!tpu.dma_semaphore, #tpu.memory_space<semaphore_mem>>) src(%dma_wait3A_52 : memref<10240x128xf32, #tpu.memory_space<hbm>>) dst(%arg13 : memref<128x128xf32, #tpu.memory_space<vmem>>)
      %add3A_53 = arith.constant 384 : i32
      %add3A_54 = arith.addi %add3A_11, %add3A_53 : i32
      "tpu.region"() ({
        %run_scoped3A = tpu.sem_alloc : memref<!tpu.dma_semaphore, #tpu.memory_space<semaphore_mem>>
        %dma_start3A_60 = arith.constant 0 : i32
        %dma_start3A_61 = tpu.memref_slice %arg4[%add3A_54, %dma_start3A_60] : memref<81920x128xf32, #tpu.memory_space<hbm>> -> memref<128x128xf32, #tpu.memory_space<hbm>>
        %dma_start3A_62 = arith.constant 0 : i32
        %dma_start3A_63 = tpu.memref_slice %arg4[%add3A_54, %dma_start3A_62] : memref<81920x128xf32, #tpu.memory_space<hbm>> -> memref<128x128xf32, #tpu.memory_space<hbm>>
        tpu.enqueue_dma source(%arg13 : memref<128x128xf32, #tpu.memory_space<vmem>>) target(%dma_start3A_63 : memref<128x128xf32, #tpu.memory_space<hbm>>) target_semaphore(%run_scoped3A : memref<!tpu.dma_semaphore, #tpu.memory_space<semaphore_mem>>)
        %dma_wait3A_64 = arith.constant 0 : i32
        %dma_wait3A_65 = tpu.memref_slice %arg4[%add3A_54, %dma_wait3A_64] : memref<81920x128xf32, #tpu.memory_space<hbm>> -> memref<128x128xf32, #tpu.memory_space<hbm>>
        %dma_wait3A_66 = arith.constant 0 : i32
        %dma_wait3A_67 = tpu.memref_slice %arg4[%add3A_54, %dma_wait3A_66] : memref<81920x128xf32, #tpu.memory_space<hbm>> -> memref<128x128xf32, #tpu.memory_space<hbm>>
        tpu.wait_dma2 semaphore(%run_scoped3A : memref<!tpu.dma_semaphore, #tpu.memory_space<semaphore_mem>>) src(%arg13 : memref<128x128xf32, #tpu.memory_space<vmem>>) dst(%dma_wait3A_67 : memref<128x128xf32, #tpu.memory_space<hbm>>)
        tpu.yield
      }) : () -> ()
      %dma_wait3A_55 = arith.constant 0 : i32
      %dma_wait3A_56 = arith.constant 0 : i32
      %dma_wait3A_57 = tpu.memref_slice %arg2[%dma_wait3A_55, %dma_wait3A_56] : memref<10240x128xf32, #tpu.memory_space<hbm>> -> memref<10240x128xf32, #tpu.memory_space<hbm>>
      tpu.wait_indirect_dma semaphore(%arg15 : memref<!tpu.dma_semaphore, #tpu.memory_space<semaphore_mem>>) src(%dma_wait3A_57 : memref<10240x128xf32, #tpu.memory_space<hbm>>) dst(%arg14 : memref<128x128xf32, #tpu.memory_space<vmem>>)
      %add3A_58 = arith.constant 512 : i32
      %add3A_59 = arith.addi %add3A_11, %add3A_58 : i32
      "tpu.region"() ({
        %run_scoped3A = tpu.sem_alloc : memref<!tpu.dma_semaphore, #tpu.memory_space<semaphore_mem>>
        %dma_start3A_60 = arith.constant 0 : i32
        %dma_start3A_61 = tpu.memref_slice %arg4[%add3A_59, %dma_start3A_60] : memref<81920x128xf32, #tpu.memory_space<hbm>> -> memref<128x128xf32, #tpu.memory_space<hbm>>
        %dma_start3A_62 = arith.constant 0 : i32
        %dma_start3A_63 = tpu.memref_slice %arg4[%add3A_59, %dma_start3A_62] : memref<81920x128xf32, #tpu.memory_space<hbm>> -> memref<128x128xf32, #tpu.memory_space<hbm>>
        tpu.enqueue_dma source(%arg14 : memref<128x128xf32, #tpu.memory_space<vmem>>) target(%dma_start3A_63 : memref<128x128xf32, #tpu.memory_space<hbm>>) target_semaphore(%run_scoped3A : memref<!tpu.dma_semaphore, #tpu.memory_space<semaphore_mem>>)
        %dma_wait3A_64 = arith.constant 0 : i32
        %dma_wait3A_65 = tpu.memref_slice %arg4[%add3A_59, %dma_wait3A_64] : memref<81920x128xf32, #tpu.memory_space<hbm>> -> memref<128x128xf32, #tpu.memory_space<hbm>>
        %dma_wait3A_66 = arith.constant 0 : i32
        %dma_wait3A_67 = tpu.memref_slice %arg4[%add3A_59, %dma_wait3A_66] : memref<81920x128xf32, #tpu.memory_space<hbm>> -> memref<128x128xf32, #tpu.memory_space<hbm>>
        tpu.wait_dma2 semaphore(%run_scoped3A : memref<!tpu.dma_semaphore, #tpu.memory_space<semaphore_mem>>) src(%arg14 : memref<128x128xf32, #tpu.memory_space<vmem>>) dst(%dma_wait3A_67 : memref<128x128xf32, #tpu.memory_space<hbm>>)
        tpu.yield
      }) : () -> ()
    }
    %scan3A_7 = arith.constant 4 : i32
    return
  }
}

module attributes {stable_mosaic.version = 14 : i64} {
  func.func @_knn_step(%arg0: i32, %arg1: memref<256x3xf32, #tpu.memory_space<vmem>>, %arg2: memref<3x10240xf32, #tpu.memory_space<vmem>>, %arg3: memref<256x16xi32, #tpu.memory_space<vmem>>) attributes {dimension_semantics = [#tpu.dimension_semantics<arbitrary>], iteration_bounds = array<i64: 20>, scalar_prefetch = 0 : i64, scratch_operands = 0 : i64, tpu.core_type = #tpu.core_type<tc>, window_params = [{transform_indices = @transform_0, window_bounds = array<i64: 256, 3>}, {pipeline_mode = #tpu.pipeline_mode<synchronous>, transform_indices = @transform_1, window_bounds = array<i64: 3, 10240>}, {transform_indices = @transform_2, window_bounds = array<i64: 256, 16>}]} {
    %get3A = arith.constant 0 : index
    %get3A_0 = arith.constant 0 : index
    %get3A_1 = vector.load %arg1[%get3A, %get3A_0] : memref<256x3xf32, #tpu.memory_space<vmem>>, vector<256x3xf32>
    %get3A_2 = arith.constant 0 : index
    %get3A_3 = arith.constant 0 : index
    %get3A_4 = vector.load %arg2[%get3A_2, %get3A_3] : memref<3x10240xf32, #tpu.memory_space<vmem>>, vector<3x10240xf32>
    %slice3A = vector.extract_strided_slice %get3A_1 {offsets = [0, 0], sizes = [256, 1], strides = [1, 1]} : vector<256x3xf32> to vector<256x1xf32>
    %slice3A_5 = vector.extract_strided_slice %get3A_1 {offsets = [0, 1], sizes = [256, 1], strides = [1, 1]} : vector<256x3xf32> to vector<256x1xf32>
    %slice3A_6 = vector.extract_strided_slice %get3A_1 {offsets = [0, 2], sizes = [256, 1], strides = [1, 1]} : vector<256x3xf32> to vector<256x1xf32>
    %dot_general3A = arith.constant dense<0.000000e+00> : vector<256x10240xf32>
    %dot_general3A_7 = tpu.matmul %get3A_1, %get3A_4, %dot_general3A {dimension_numbers = #tpu.dot_dimension_numbers<[1], [0], [0], [1], [0, 0, 1, 1], [], []>, transpose_lhs_hint = false} : vector<256x3xf32>, vector<3x10240xf32>, vector<256x10240xf32> -> vector<256x10240xf32>
    %mul3A = arith.mulf %slice3A, %slice3A : vector<256x1xf32>
    %mul3A_8 = arith.mulf %slice3A_5, %slice3A_5 : vector<256x1xf32>
    %add3A = arith.addf %mul3A, %mul3A_8 : vector<256x1xf32>
    %mul3A_9 = arith.mulf %slice3A_6, %slice3A_6 : vector<256x1xf32>
    %add3A_10 = arith.addf %add3A, %mul3A_9 : vector<256x1xf32>
    %slice3A_11 = vector.extract_strided_slice %get3A_4 {offsets = [0, 0], sizes = [1, 10240], strides = [1, 1]} : vector<3x10240xf32> to vector<1x10240xf32>
    %slice3A_12 = vector.extract_strided_slice %get3A_4 {offsets = [0, 0], sizes = [1, 10240], strides = [1, 1]} : vector<3x10240xf32> to vector<1x10240xf32>
    %mul3A_13 = arith.mulf %slice3A_11, %slice3A_12 : vector<1x10240xf32>
    %slice3A_14 = vector.extract_strided_slice %get3A_4 {offsets = [1, 0], sizes = [1, 10240], strides = [1, 1]} : vector<3x10240xf32> to vector<1x10240xf32>
    %slice3A_15 = vector.extract_strided_slice %get3A_4 {offsets = [1, 0], sizes = [1, 10240], strides = [1, 1]} : vector<3x10240xf32> to vector<1x10240xf32>
    %mul3A_16 = arith.mulf %slice3A_14, %slice3A_15 : vector<1x10240xf32>
    %add3A_17 = arith.addf %mul3A_13, %mul3A_16 : vector<1x10240xf32>
    %slice3A_18 = vector.extract_strided_slice %get3A_4 {offsets = [2, 0], sizes = [1, 10240], strides = [1, 1]} : vector<3x10240xf32> to vector<1x10240xf32>
    %slice3A_19 = vector.extract_strided_slice %get3A_4 {offsets = [2, 0], sizes = [1, 10240], strides = [1, 1]} : vector<3x10240xf32> to vector<1x10240xf32>
    %mul3A_20 = arith.mulf %slice3A_18, %slice3A_19 : vector<1x10240xf32>
    %add3A_21 = arith.addf %add3A_17, %mul3A_20 : vector<1x10240xf32>
    %add3A_22 = vector.broadcast %add3A_10 : vector<256x1xf32> to vector<256x10240xf32>
    %add3A_23 = vector.broadcast %add3A_21 : vector<1x10240xf32> to vector<256x10240xf32>
    %add3A_24 = arith.addf %add3A_22, %add3A_23 : vector<256x10240xf32>
    %mul3A_25 = arith.constant 2.000000e+00 : f32
    %mul3A_26 = vector.broadcast %mul3A_25 : f32 to vector<256x10240xf32>
    %mul3A_27 = arith.mulf %mul3A_26, %dot_general3A_7 : vector<256x10240xf32>
    %sub3A = arith.subf %add3A_24, %mul3A_27 : vector<256x10240xf32>
    %slice3A_28 = vector.extract_strided_slice %sub3A {offsets = [0, 0], sizes = [256, 128], strides = [1, 1]} : vector<256x10240xf32> to vector<256x128xf32>
    %slice3A_29 = vector.extract_strided_slice %sub3A {offsets = [0, 128], sizes = [256, 128], strides = [1, 1]} : vector<256x10240xf32> to vector<256x128xf32>
    %slice3A_30 = vector.extract_strided_slice %sub3A {offsets = [0, 256], sizes = [256, 128], strides = [1, 1]} : vector<256x10240xf32> to vector<256x128xf32>
    %slice3A_31 = vector.extract_strided_slice %sub3A {offsets = [0, 384], sizes = [256, 128], strides = [1, 1]} : vector<256x10240xf32> to vector<256x128xf32>
    %slice3A_32 = vector.extract_strided_slice %sub3A {offsets = [0, 512], sizes = [256, 128], strides = [1, 1]} : vector<256x10240xf32> to vector<256x128xf32>
    %slice3A_33 = vector.extract_strided_slice %sub3A {offsets = [0, 640], sizes = [256, 128], strides = [1, 1]} : vector<256x10240xf32> to vector<256x128xf32>
    %slice3A_34 = vector.extract_strided_slice %sub3A {offsets = [0, 768], sizes = [256, 128], strides = [1, 1]} : vector<256x10240xf32> to vector<256x128xf32>
    %slice3A_35 = vector.extract_strided_slice %sub3A {offsets = [0, 896], sizes = [256, 128], strides = [1, 1]} : vector<256x10240xf32> to vector<256x128xf32>
    %slice3A_36 = vector.extract_strided_slice %sub3A {offsets = [0, 1024], sizes = [256, 128], strides = [1, 1]} : vector<256x10240xf32> to vector<256x128xf32>
    %min3A = arith.minimumf %slice3A_28, %slice3A_36 : vector<256x128xf32>
    %slice3A_37 = vector.extract_strided_slice %sub3A {offsets = [0, 1152], sizes = [256, 128], strides = [1, 1]} : vector<256x10240xf32> to vector<256x128xf32>
    %min3A_38 = arith.minimumf %slice3A_29, %slice3A_37 : vector<256x128xf32>
    %slice3A_39 = vector.extract_strided_slice %sub3A {offsets = [0, 1280], sizes = [256, 128], strides = [1, 1]} : vector<256x10240xf32> to vector<256x128xf32>
    %min3A_40 = arith.minimumf %slice3A_30, %slice3A_39 : vector<256x128xf32>
    %slice3A_41 = vector.extract_strided_slice %sub3A {offsets = [0, 1408], sizes = [256, 128], strides = [1, 1]} : vector<256x10240xf32> to vector<256x128xf32>
    %min3A_42 = arith.minimumf %slice3A_31, %slice3A_41 : vector<256x128xf32>
    %slice3A_43 = vector.extract_strided_slice %sub3A {offsets = [0, 1536], sizes = [256, 128], strides = [1, 1]} : vector<256x10240xf32> to vector<256x128xf32>
    %min3A_44 = arith.minimumf %slice3A_32, %slice3A_43 : vector<256x128xf32>
    %slice3A_45 = vector.extract_strided_slice %sub3A {offsets = [0, 1664], sizes = [256, 128], strides = [1, 1]} : vector<256x10240xf32> to vector<256x128xf32>
    %min3A_46 = arith.minimumf %slice3A_33, %slice3A_45 : vector<256x128xf32>
    %slice3A_47 = vector.extract_strided_slice %sub3A {offsets = [0, 1792], sizes = [256, 128], strides = [1, 1]} : vector<256x10240xf32> to vector<256x128xf32>
    %min3A_48 = arith.minimumf %slice3A_34, %slice3A_47 : vector<256x128xf32>
    %slice3A_49 = vector.extract_strided_slice %sub3A {offsets = [0, 1920], sizes = [256, 128], strides = [1, 1]} : vector<256x10240xf32> to vector<256x128xf32>
    %min3A_50 = arith.minimumf %slice3A_35, %slice3A_49 : vector<256x128xf32>
    %slice3A_51 = vector.extract_strided_slice %sub3A {offsets = [0, 2048], sizes = [256, 128], strides = [1, 1]} : vector<256x10240xf32> to vector<256x128xf32>
    %min3A_52 = arith.minimumf %min3A, %slice3A_51 : vector<256x128xf32>
    %slice3A_53 = vector.extract_strided_slice %sub3A {offsets = [0, 2176], sizes = [256, 128], strides = [1, 1]} : vector<256x10240xf32> to vector<256x128xf32>
    %min3A_54 = arith.minimumf %min3A_38, %slice3A_53 : vector<256x128xf32>
    %slice3A_55 = vector.extract_strided_slice %sub3A {offsets = [0, 2304], sizes = [256, 128], strides = [1, 1]} : vector<256x10240xf32> to vector<256x128xf32>
    %min3A_56 = arith.minimumf %min3A_40, %slice3A_55 : vector<256x128xf32>
    %slice3A_57 = vector.extract_strided_slice %sub3A {offsets = [0, 2432], sizes = [256, 128], strides = [1, 1]} : vector<256x10240xf32> to vector<256x128xf32>
    %min3A_58 = arith.minimumf %min3A_42, %slice3A_57 : vector<256x128xf32>
    %slice3A_59 = vector.extract_strided_slice %sub3A {offsets = [0, 2560], sizes = [256, 128], strides = [1, 1]} : vector<256x10240xf32> to vector<256x128xf32>
    %min3A_60 = arith.minimumf %min3A_44, %slice3A_59 : vector<256x128xf32>
    %slice3A_61 = vector.extract_strided_slice %sub3A {offsets = [0, 2688], sizes = [256, 128], strides = [1, 1]} : vector<256x10240xf32> to vector<256x128xf32>
    %min3A_62 = arith.minimumf %min3A_46, %slice3A_61 : vector<256x128xf32>
    %slice3A_63 = vector.extract_strided_slice %sub3A {offsets = [0, 2816], sizes = [256, 128], strides = [1, 1]} : vector<256x10240xf32> to vector<256x128xf32>
    %min3A_64 = arith.minimumf %min3A_48, %slice3A_63 : vector<256x128xf32>
    %slice3A_65 = vector.extract_strided_slice %sub3A {offsets = [0, 2944], sizes = [256, 128], strides = [1, 1]} : vector<256x10240xf32> to vector<256x128xf32>
    %min3A_66 = arith.minimumf %min3A_50, %slice3A_65 : vector<256x128xf32>
    %slice3A_67 = vector.extract_strided_slice %sub3A {offsets = [0, 3072], sizes = [256, 128], strides = [1, 1]} : vector<256x10240xf32> to vector<256x128xf32>
    %min3A_68 = arith.minimumf %min3A_52, %slice3A_67 : vector<256x128xf32>
    %slice3A_69 = vector.extract_strided_slice %sub3A {offsets = [0, 3200], sizes = [256, 128], strides = [1, 1]} : vector<256x10240xf32> to vector<256x128xf32>
    %min3A_70 = arith.minimumf %min3A_54, %slice3A_69 : vector<256x128xf32>
    %slice3A_71 = vector.extract_strided_slice %sub3A {offsets = [0, 3328], sizes = [256, 128], strides = [1, 1]} : vector<256x10240xf32> to vector<256x128xf32>
    %min3A_72 = arith.minimumf %min3A_56, %slice3A_71 : vector<256x128xf32>
    %slice3A_73 = vector.extract_strided_slice %sub3A {offsets = [0, 3456], sizes = [256, 128], strides = [1, 1]} : vector<256x10240xf32> to vector<256x128xf32>
    %min3A_74 = arith.minimumf %min3A_58, %slice3A_73 : vector<256x128xf32>
    %slice3A_75 = vector.extract_strided_slice %sub3A {offsets = [0, 3584], sizes = [256, 128], strides = [1, 1]} : vector<256x10240xf32> to vector<256x128xf32>
    %min3A_76 = arith.minimumf %min3A_60, %slice3A_75 : vector<256x128xf32>
    %slice3A_77 = vector.extract_strided_slice %sub3A {offsets = [0, 3712], sizes = [256, 128], strides = [1, 1]} : vector<256x10240xf32> to vector<256x128xf32>
    %min3A_78 = arith.minimumf %min3A_62, %slice3A_77 : vector<256x128xf32>
    %slice3A_79 = vector.extract_strided_slice %sub3A {offsets = [0, 3840], sizes = [256, 128], strides = [1, 1]} : vector<256x10240xf32> to vector<256x128xf32>
    %min3A_80 = arith.minimumf %min3A_64, %slice3A_79 : vector<256x128xf32>
    %slice3A_81 = vector.extract_strided_slice %sub3A {offsets = [0, 3968], sizes = [256, 128], strides = [1, 1]} : vector<256x10240xf32> to vector<256x128xf32>
    %min3A_82 = arith.minimumf %min3A_66, %slice3A_81 : vector<256x128xf32>
    %slice3A_83 = vector.extract_strided_slice %sub3A {offsets = [0, 4096], sizes = [256, 128], strides = [1, 1]} : vector<256x10240xf32> to vector<256x128xf32>
    %min3A_84 = arith.minimumf %min3A_68, %slice3A_83 : vector<256x128xf32>
    %slice3A_85 = vector.extract_strided_slice %sub3A {offsets = [0, 4224], sizes = [256, 128], strides = [1, 1]} : vector<256x10240xf32> to vector<256x128xf32>
    %min3A_86 = arith.minimumf %min3A_70, %slice3A_85 : vector<256x128xf32>
    %slice3A_87 = vector.extract_strided_slice %sub3A {offsets = [0, 4352], sizes = [256, 128], strides = [1, 1]} : vector<256x10240xf32> to vector<256x128xf32>
    %min3A_88 = arith.minimumf %min3A_72, %slice3A_87 : vector<256x128xf32>
    %slice3A_89 = vector.extract_strided_slice %sub3A {offsets = [0, 4480], sizes = [256, 128], strides = [1, 1]} : vector<256x10240xf32> to vector<256x128xf32>
    %min3A_90 = arith.minimumf %min3A_74, %slice3A_89 : vector<256x128xf32>
    %slice3A_91 = vector.extract_strided_slice %sub3A {offsets = [0, 4608], sizes = [256, 128], strides = [1, 1]} : vector<256x10240xf32> to vector<256x128xf32>
    %min3A_92 = arith.minimumf %min3A_76, %slice3A_91 : vector<256x128xf32>
    %slice3A_93 = vector.extract_strided_slice %sub3A {offsets = [0, 4736], sizes = [256, 128], strides = [1, 1]} : vector<256x10240xf32> to vector<256x128xf32>
    %min3A_94 = arith.minimumf %min3A_78, %slice3A_93 : vector<256x128xf32>
    %slice3A_95 = vector.extract_strided_slice %sub3A {offsets = [0, 4864], sizes = [256, 128], strides = [1, 1]} : vector<256x10240xf32> to vector<256x128xf32>
    %min3A_96 = arith.minimumf %min3A_80, %slice3A_95 : vector<256x128xf32>
    %slice3A_97 = vector.extract_strided_slice %sub3A {offsets = [0, 4992], sizes = [256, 128], strides = [1, 1]} : vector<256x10240xf32> to vector<256x128xf32>
    %min3A_98 = arith.minimumf %min3A_82, %slice3A_97 : vector<256x128xf32>
    %slice3A_99 = vector.extract_strided_slice %sub3A {offsets = [0, 5120], sizes = [256, 128], strides = [1, 1]} : vector<256x10240xf32> to vector<256x128xf32>
    %min3A_100 = arith.minimumf %min3A_84, %slice3A_99 : vector<256x128xf32>
    %slice3A_101 = vector.extract_strided_slice %sub3A {offsets = [0, 5248], sizes = [256, 128], strides = [1, 1]} : vector<256x10240xf32> to vector<256x128xf32>
    %min3A_102 = arith.minimumf %min3A_86, %slice3A_101 : vector<256x128xf32>
    %slice3A_103 = vector.extract_strided_slice %sub3A {offsets = [0, 5376], sizes = [256, 128], strides = [1, 1]} : vector<256x10240xf32> to vector<256x128xf32>
    %min3A_104 = arith.minimumf %min3A_88, %slice3A_103 : vector<256x128xf32>
    %slice3A_105 = vector.extract_strided_slice %sub3A {offsets = [0, 5504], sizes = [256, 128], strides = [1, 1]} : vector<256x10240xf32> to vector<256x128xf32>
    %min3A_106 = arith.minimumf %min3A_90, %slice3A_105 : vector<256x128xf32>
    %slice3A_107 = vector.extract_strided_slice %sub3A {offsets = [0, 5632], sizes = [256, 128], strides = [1, 1]} : vector<256x10240xf32> to vector<256x128xf32>
    %min3A_108 = arith.minimumf %min3A_92, %slice3A_107 : vector<256x128xf32>
    %slice3A_109 = vector.extract_strided_slice %sub3A {offsets = [0, 5760], sizes = [256, 128], strides = [1, 1]} : vector<256x10240xf32> to vector<256x128xf32>
    %min3A_110 = arith.minimumf %min3A_94, %slice3A_109 : vector<256x128xf32>
    %slice3A_111 = vector.extract_strided_slice %sub3A {offsets = [0, 5888], sizes = [256, 128], strides = [1, 1]} : vector<256x10240xf32> to vector<256x128xf32>
    %min3A_112 = arith.minimumf %min3A_96, %slice3A_111 : vector<256x128xf32>
    %slice3A_113 = vector.extract_strided_slice %sub3A {offsets = [0, 6016], sizes = [256, 128], strides = [1, 1]} : vector<256x10240xf32> to vector<256x128xf32>
    %min3A_114 = arith.minimumf %min3A_98, %slice3A_113 : vector<256x128xf32>
    %slice3A_115 = vector.extract_strided_slice %sub3A {offsets = [0, 6144], sizes = [256, 128], strides = [1, 1]} : vector<256x10240xf32> to vector<256x128xf32>
    %min3A_116 = arith.minimumf %min3A_100, %slice3A_115 : vector<256x128xf32>
    %slice3A_117 = vector.extract_strided_slice %sub3A {offsets = [0, 6272], sizes = [256, 128], strides = [1, 1]} : vector<256x10240xf32> to vector<256x128xf32>
    %min3A_118 = arith.minimumf %min3A_102, %slice3A_117 : vector<256x128xf32>
    %slice3A_119 = vector.extract_strided_slice %sub3A {offsets = [0, 6400], sizes = [256, 128], strides = [1, 1]} : vector<256x10240xf32> to vector<256x128xf32>
    %min3A_120 = arith.minimumf %min3A_104, %slice3A_119 : vector<256x128xf32>
    %slice3A_121 = vector.extract_strided_slice %sub3A {offsets = [0, 6528], sizes = [256, 128], strides = [1, 1]} : vector<256x10240xf32> to vector<256x128xf32>
    %min3A_122 = arith.minimumf %min3A_106, %slice3A_121 : vector<256x128xf32>
    %slice3A_123 = vector.extract_strided_slice %sub3A {offsets = [0, 6656], sizes = [256, 128], strides = [1, 1]} : vector<256x10240xf32> to vector<256x128xf32>
    %min3A_124 = arith.minimumf %min3A_108, %slice3A_123 : vector<256x128xf32>
    %slice3A_125 = vector.extract_strided_slice %sub3A {offsets = [0, 6784], sizes = [256, 128], strides = [1, 1]} : vector<256x10240xf32> to vector<256x128xf32>
    %min3A_126 = arith.minimumf %min3A_110, %slice3A_125 : vector<256x128xf32>
    %slice3A_127 = vector.extract_strided_slice %sub3A {offsets = [0, 6912], sizes = [256, 128], strides = [1, 1]} : vector<256x10240xf32> to vector<256x128xf32>
    %min3A_128 = arith.minimumf %min3A_112, %slice3A_127 : vector<256x128xf32>
    %slice3A_129 = vector.extract_strided_slice %sub3A {offsets = [0, 7040], sizes = [256, 128], strides = [1, 1]} : vector<256x10240xf32> to vector<256x128xf32>
    %min3A_130 = arith.minimumf %min3A_114, %slice3A_129 : vector<256x128xf32>
    %slice3A_131 = vector.extract_strided_slice %sub3A {offsets = [0, 7168], sizes = [256, 128], strides = [1, 1]} : vector<256x10240xf32> to vector<256x128xf32>
    %min3A_132 = arith.minimumf %min3A_116, %slice3A_131 : vector<256x128xf32>
    %slice3A_133 = vector.extract_strided_slice %sub3A {offsets = [0, 7296], sizes = [256, 128], strides = [1, 1]} : vector<256x10240xf32> to vector<256x128xf32>
    %min3A_134 = arith.minimumf %min3A_118, %slice3A_133 : vector<256x128xf32>
    %slice3A_135 = vector.extract_strided_slice %sub3A {offsets = [0, 7424], sizes = [256, 128], strides = [1, 1]} : vector<256x10240xf32> to vector<256x128xf32>
    %min3A_136 = arith.minimumf %min3A_120, %slice3A_135 : vector<256x128xf32>
    %slice3A_137 = vector.extract_strided_slice %sub3A {offsets = [0, 7552], sizes = [256, 128], strides = [1, 1]} : vector<256x10240xf32> to vector<256x128xf32>
    %min3A_138 = arith.minimumf %min3A_122, %slice3A_137 : vector<256x128xf32>
    %slice3A_139 = vector.extract_strided_slice %sub3A {offsets = [0, 7680], sizes = [256, 128], strides = [1, 1]} : vector<256x10240xf32> to vector<256x128xf32>
    %min3A_140 = arith.minimumf %min3A_124, %slice3A_139 : vector<256x128xf32>
    %slice3A_141 = vector.extract_strided_slice %sub3A {offsets = [0, 7808], sizes = [256, 128], strides = [1, 1]} : vector<256x10240xf32> to vector<256x128xf32>
    %min3A_142 = arith.minimumf %min3A_126, %slice3A_141 : vector<256x128xf32>
    %slice3A_143 = vector.extract_strided_slice %sub3A {offsets = [0, 7936], sizes = [256, 128], strides = [1, 1]} : vector<256x10240xf32> to vector<256x128xf32>
    %min3A_144 = arith.minimumf %min3A_128, %slice3A_143 : vector<256x128xf32>
    %slice3A_145 = vector.extract_strided_slice %sub3A {offsets = [0, 8064], sizes = [256, 128], strides = [1, 1]} : vector<256x10240xf32> to vector<256x128xf32>
    %min3A_146 = arith.minimumf %min3A_130, %slice3A_145 : vector<256x128xf32>
    %slice3A_147 = vector.extract_strided_slice %sub3A {offsets = [0, 8192], sizes = [256, 128], strides = [1, 1]} : vector<256x10240xf32> to vector<256x128xf32>
    %min3A_148 = arith.minimumf %min3A_132, %slice3A_147 : vector<256x128xf32>
    %slice3A_149 = vector.extract_strided_slice %sub3A {offsets = [0, 8320], sizes = [256, 128], strides = [1, 1]} : vector<256x10240xf32> to vector<256x128xf32>
    %min3A_150 = arith.minimumf %min3A_134, %slice3A_149 : vector<256x128xf32>
    %slice3A_151 = vector.extract_strided_slice %sub3A {offsets = [0, 8448], sizes = [256, 128], strides = [1, 1]} : vector<256x10240xf32> to vector<256x128xf32>
    %min3A_152 = arith.minimumf %min3A_136, %slice3A_151 : vector<256x128xf32>
    %slice3A_153 = vector.extract_strided_slice %sub3A {offsets = [0, 8576], sizes = [256, 128], strides = [1, 1]} : vector<256x10240xf32> to vector<256x128xf32>
    %min3A_154 = arith.minimumf %min3A_138, %slice3A_153 : vector<256x128xf32>
    %slice3A_155 = vector.extract_strided_slice %sub3A {offsets = [0, 8704], sizes = [256, 128], strides = [1, 1]} : vector<256x10240xf32> to vector<256x128xf32>
    %min3A_156 = arith.minimumf %min3A_140, %slice3A_155 : vector<256x128xf32>
    %slice3A_157 = vector.extract_strided_slice %sub3A {offsets = [0, 8832], sizes = [256, 128], strides = [1, 1]} : vector<256x10240xf32> to vector<256x128xf32>
    %min3A_158 = arith.minimumf %min3A_142, %slice3A_157 : vector<256x128xf32>
    %slice3A_159 = vector.extract_strided_slice %sub3A {offsets = [0, 8960], sizes = [256, 128], strides = [1, 1]} : vector<256x10240xf32> to vector<256x128xf32>
    %min3A_160 = arith.minimumf %min3A_144, %slice3A_159 : vector<256x128xf32>
    %slice3A_161 = vector.extract_strided_slice %sub3A {offsets = [0, 9088], sizes = [256, 128], strides = [1, 1]} : vector<256x10240xf32> to vector<256x128xf32>
    %min3A_162 = arith.minimumf %min3A_146, %slice3A_161 : vector<256x128xf32>
    %slice3A_163 = vector.extract_strided_slice %sub3A {offsets = [0, 9216], sizes = [256, 128], strides = [1, 1]} : vector<256x10240xf32> to vector<256x128xf32>
    %min3A_164 = arith.minimumf %min3A_148, %slice3A_163 : vector<256x128xf32>
    %slice3A_165 = vector.extract_strided_slice %sub3A {offsets = [0, 9344], sizes = [256, 128], strides = [1, 1]} : vector<256x10240xf32> to vector<256x128xf32>
    %min3A_166 = arith.minimumf %min3A_150, %slice3A_165 : vector<256x128xf32>
    %slice3A_167 = vector.extract_strided_slice %sub3A {offsets = [0, 9472], sizes = [256, 128], strides = [1, 1]} : vector<256x10240xf32> to vector<256x128xf32>
    %min3A_168 = arith.minimumf %min3A_152, %slice3A_167 : vector<256x128xf32>
    %slice3A_169 = vector.extract_strided_slice %sub3A {offsets = [0, 9600], sizes = [256, 128], strides = [1, 1]} : vector<256x10240xf32> to vector<256x128xf32>
    %min3A_170 = arith.minimumf %min3A_154, %slice3A_169 : vector<256x128xf32>
    %slice3A_171 = vector.extract_strided_slice %sub3A {offsets = [0, 9728], sizes = [256, 128], strides = [1, 1]} : vector<256x10240xf32> to vector<256x128xf32>
    %min3A_172 = arith.minimumf %min3A_156, %slice3A_171 : vector<256x128xf32>
    %slice3A_173 = vector.extract_strided_slice %sub3A {offsets = [0, 9856], sizes = [256, 128], strides = [1, 1]} : vector<256x10240xf32> to vector<256x128xf32>
    %min3A_174 = arith.minimumf %min3A_158, %slice3A_173 : vector<256x128xf32>
    %slice3A_175 = vector.extract_strided_slice %sub3A {offsets = [0, 9984], sizes = [256, 128], strides = [1, 1]} : vector<256x10240xf32> to vector<256x128xf32>
    %min3A_176 = arith.minimumf %min3A_160, %slice3A_175 : vector<256x128xf32>
    %slice3A_177 = vector.extract_strided_slice %sub3A {offsets = [0, 10112], sizes = [256, 128], strides = [1, 1]} : vector<256x10240xf32> to vector<256x128xf32>
    %min3A_178 = arith.minimumf %min3A_162, %slice3A_177 : vector<256x128xf32>
    %min3A_179 = arith.minimumf %min3A_164, %min3A_166 : vector<256x128xf32>
    %min3A_180 = arith.minimumf %min3A_168, %min3A_170 : vector<256x128xf32>
    %min3A_181 = arith.minimumf %min3A_179, %min3A_180 : vector<256x128xf32>
    %min3A_182 = arith.minimumf %min3A_172, %min3A_174 : vector<256x128xf32>
    %min3A_183 = arith.minimumf %min3A_176, %min3A_178 : vector<256x128xf32>
    %min3A_184 = arith.minimumf %min3A_182, %min3A_183 : vector<256x128xf32>
    %min3A_185 = arith.minimumf %min3A_181, %min3A_184 : vector<256x128xf32>
    %iota3A = tpu.iota {dimensions = array<i32: 0>} : vector<128x256xi32>
    %iota3A_186 = tpu.iota {dimensions = array<i32: 0>} : vector<16x256xi32>
    %transpose3A = tpu.transpose %min3A_185, [1, 0] : vector<256x128xf32> -> vector<128x256xf32>
    %broadcast_in_dim3A = arith.constant 0 : i32
    %broadcast_in_dim3A_187 = vector.broadcast %broadcast_in_dim3A : i32 to vector<16x256xi32>
    %slice3A_188 = vector.extract_strided_slice %transpose3A {offsets = [0, 0], sizes = [64, 256], strides = [1, 1]} : vector<128x256xf32> to vector<64x256xf32>
    %slice3A_189 = vector.extract_strided_slice %transpose3A {offsets = [64, 0], sizes = [64, 256], strides = [1, 1]} : vector<128x256xf32> to vector<64x256xf32>
    %min3A_190 = arith.minimumf %slice3A_188, %slice3A_189 : vector<64x256xf32>
    %slice3A_191 = vector.extract_strided_slice %min3A_190 {offsets = [0, 0], sizes = [32, 256], strides = [1, 1]} : vector<64x256xf32> to vector<32x256xf32>
    %slice3A_192 = vector.extract_strided_slice %min3A_190 {offsets = [32, 0], sizes = [32, 256], strides = [1, 1]} : vector<64x256xf32> to vector<32x256xf32>
    %min3A_193 = arith.minimumf %slice3A_191, %slice3A_192 : vector<32x256xf32>
    %slice3A_194 = vector.extract_strided_slice %min3A_193 {offsets = [0, 0], sizes = [16, 256], strides = [1, 1]} : vector<32x256xf32> to vector<16x256xf32>
    %slice3A_195 = vector.extract_strided_slice %min3A_193 {offsets = [16, 0], sizes = [16, 256], strides = [1, 1]} : vector<32x256xf32> to vector<16x256xf32>
    %min3A_196 = arith.minimumf %slice3A_194, %slice3A_195 : vector<16x256xf32>
    %slice3A_197 = vector.extract_strided_slice %min3A_196 {offsets = [0, 0], sizes = [8, 256], strides = [1, 1]} : vector<16x256xf32> to vector<8x256xf32>
    %slice3A_198 = vector.extract_strided_slice %min3A_196 {offsets = [8, 0], sizes = [8, 256], strides = [1, 1]} : vector<16x256xf32> to vector<8x256xf32>
    %min3A_199 = arith.minimumf %slice3A_197, %slice3A_198 : vector<8x256xf32>
    %reduce_min3A = arith.constant dense<0x7F800000> : vector<256xf32>
    %reduce_min3A_200 = vector.multi_reduction <minimumf>, %min3A_199, %reduce_min3A [0] : vector<8x256xf32> to vector<256xf32>
    %broadcast_in_dim3A_201 = vector.shape_cast %reduce_min3A_200 : vector<256xf32> to vector<1x256xf32>
    %eq3A = vector.broadcast %broadcast_in_dim3A_201 : vector<1x256xf32> to vector<128x256xf32>
    %eq3A_202 = arith.cmpf oeq, %transpose3A, %eq3A : vector<128x256xf32>
    %jit3A = arith.constant 128 : i32
    %broadcast_in_dim3A_203 = vector.broadcast %jit3A : i32 to vector<128x256xi32>
    %select_n3A = arith.select %eq3A_202, %iota3A, %broadcast_in_dim3A_203 : vector<128x256xi1>, vector<128x256xi32>
    %slice3A_204 = vector.extract_strided_slice %select_n3A {offsets = [0, 0], sizes = [64, 256], strides = [1, 1]} : vector<128x256xi32> to vector<64x256xi32>
    %slice3A_205 = vector.extract_strided_slice %select_n3A {offsets = [64, 0], sizes = [64, 256], strides = [1, 1]} : vector<128x256xi32> to vector<64x256xi32>
    %min3A_206 = arith.minsi %slice3A_204, %slice3A_205 : vector<64x256xi32>
    %slice3A_207 = vector.extract_strided_slice %min3A_206 {offsets = [0, 0], sizes = [32, 256], strides = [1, 1]} : vector<64x256xi32> to vector<32x256xi32>
    %slice3A_208 = vector.extract_strided_slice %min3A_206 {offsets = [32, 0], sizes = [32, 256], strides = [1, 1]} : vector<64x256xi32> to vector<32x256xi32>
    %min3A_209 = arith.minsi %slice3A_207, %slice3A_208 : vector<32x256xi32>
    %slice3A_210 = vector.extract_strided_slice %min3A_209 {offsets = [0, 0], sizes = [16, 256], strides = [1, 1]} : vector<32x256xi32> to vector<16x256xi32>
    %slice3A_211 = vector.extract_strided_slice %min3A_209 {offsets = [16, 0], sizes = [16, 256], strides = [1, 1]} : vector<32x256xi32> to vector<16x256xi32>
    %min3A_212 = arith.minsi %slice3A_210, %slice3A_211 : vector<16x256xi32>
    %slice3A_213 = vector.extract_strided_slice %min3A_212 {offsets = [0, 0], sizes = [8, 256], strides = [1, 1]} : vector<16x256xi32> to vector<8x256xi32>
    %slice3A_214 = vector.extract_strided_slice %min3A_212 {offsets = [8, 0], sizes = [8, 256], strides = [1, 1]} : vector<16x256xi32> to vector<8x256xi32>
    %min3A_215 = arith.minsi %slice3A_213, %slice3A_214 : vector<8x256xi32>
    %reduce_min3A_216 = arith.constant dense<2147483647> : vector<256xi32>
    %reduce_min3A_217 = vector.multi_reduction <minsi>, %min3A_215, %reduce_min3A_216 [0] : vector<8x256xi32> to vector<256xi32>
    %broadcast_in_dim3A_218 = vector.shape_cast %reduce_min3A_217 : vector<256xi32> to vector<1x256xi32>
    %eq3A_219 = vector.broadcast %broadcast_in_dim3A_218 : vector<1x256xi32> to vector<128x256xi32>
    %eq3A_220 = arith.cmpi eq, %iota3A, %eq3A_219 : vector<128x256xi32>
    %jit3A_221 = arith.constant 0x7F800000 : f32
    %broadcast_in_dim3A_222 = vector.broadcast %jit3A_221 : f32 to vector<128x256xf32>
    %select_n3A_223 = arith.select %eq3A_220, %broadcast_in_dim3A_222, %transpose3A : vector<128x256xi1>, vector<128x256xf32>
    %eq3A_224 = arith.constant 0 : i32
    %eq3A_225 = vector.broadcast %eq3A_224 : i32 to vector<16x256xi32>
    %eq3A_226 = arith.cmpi eq, %iota3A_186, %eq3A_225 : vector<16x256xi32>
    %broadcast_in_dim3A_227 = vector.shape_cast %broadcast_in_dim3A_218 : vector<1x256xi32> to vector<1x256xi32>
    %broadcast_in_dim3A_228 = vector.broadcast %broadcast_in_dim3A_227 : vector<1x256xi32> to vector<16x256xi32>
    %select_n3A_229 = arith.select %eq3A_226, %broadcast_in_dim3A_228, %broadcast_in_dim3A_187 : vector<16x256xi1>, vector<16x256xi32>
    %slice3A_230 = vector.extract_strided_slice %select_n3A_223 {offsets = [0, 0], sizes = [64, 256], strides = [1, 1]} : vector<128x256xf32> to vector<64x256xf32>
    %slice3A_231 = vector.extract_strided_slice %select_n3A_223 {offsets = [64, 0], sizes = [64, 256], strides = [1, 1]} : vector<128x256xf32> to vector<64x256xf32>
    %min3A_232 = arith.minimumf %slice3A_230, %slice3A_231 : vector<64x256xf32>
    %slice3A_233 = vector.extract_strided_slice %min3A_232 {offsets = [0, 0], sizes = [32, 256], strides = [1, 1]} : vector<64x256xf32> to vector<32x256xf32>
    %slice3A_234 = vector.extract_strided_slice %min3A_232 {offsets = [32, 0], sizes = [32, 256], strides = [1, 1]} : vector<64x256xf32> to vector<32x256xf32>
    %min3A_235 = arith.minimumf %slice3A_233, %slice3A_234 : vector<32x256xf32>
    %slice3A_236 = vector.extract_strided_slice %min3A_235 {offsets = [0, 0], sizes = [16, 256], strides = [1, 1]} : vector<32x256xf32> to vector<16x256xf32>
    %slice3A_237 = vector.extract_strided_slice %min3A_235 {offsets = [16, 0], sizes = [16, 256], strides = [1, 1]} : vector<32x256xf32> to vector<16x256xf32>
    %min3A_238 = arith.minimumf %slice3A_236, %slice3A_237 : vector<16x256xf32>
    %slice3A_239 = vector.extract_strided_slice %min3A_238 {offsets = [0, 0], sizes = [8, 256], strides = [1, 1]} : vector<16x256xf32> to vector<8x256xf32>
    %slice3A_240 = vector.extract_strided_slice %min3A_238 {offsets = [8, 0], sizes = [8, 256], strides = [1, 1]} : vector<16x256xf32> to vector<8x256xf32>
    %min3A_241 = arith.minimumf %slice3A_239, %slice3A_240 : vector<8x256xf32>
    %reduce_min3A_242 = arith.constant dense<0x7F800000> : vector<256xf32>
    %reduce_min3A_243 = vector.multi_reduction <minimumf>, %min3A_241, %reduce_min3A_242 [0] : vector<8x256xf32> to vector<256xf32>
    %broadcast_in_dim3A_244 = vector.shape_cast %reduce_min3A_243 : vector<256xf32> to vector<1x256xf32>
    %eq3A_245 = vector.broadcast %broadcast_in_dim3A_244 : vector<1x256xf32> to vector<128x256xf32>
    %eq3A_246 = arith.cmpf oeq, %select_n3A_223, %eq3A_245 : vector<128x256xf32>
    %jit3A_247 = arith.constant 128 : i32
    %broadcast_in_dim3A_248 = vector.broadcast %jit3A_247 : i32 to vector<128x256xi32>
    %select_n3A_249 = arith.select %eq3A_246, %iota3A, %broadcast_in_dim3A_248 : vector<128x256xi1>, vector<128x256xi32>
    %slice3A_250 = vector.extract_strided_slice %select_n3A_249 {offsets = [0, 0], sizes = [64, 256], strides = [1, 1]} : vector<128x256xi32> to vector<64x256xi32>
    %slice3A_251 = vector.extract_strided_slice %select_n3A_249 {offsets = [64, 0], sizes = [64, 256], strides = [1, 1]} : vector<128x256xi32> to vector<64x256xi32>
    %min3A_252 = arith.minsi %slice3A_250, %slice3A_251 : vector<64x256xi32>
    %slice3A_253 = vector.extract_strided_slice %min3A_252 {offsets = [0, 0], sizes = [32, 256], strides = [1, 1]} : vector<64x256xi32> to vector<32x256xi32>
    %slice3A_254 = vector.extract_strided_slice %min3A_252 {offsets = [32, 0], sizes = [32, 256], strides = [1, 1]} : vector<64x256xi32> to vector<32x256xi32>
    %min3A_255 = arith.minsi %slice3A_253, %slice3A_254 : vector<32x256xi32>
    %slice3A_256 = vector.extract_strided_slice %min3A_255 {offsets = [0, 0], sizes = [16, 256], strides = [1, 1]} : vector<32x256xi32> to vector<16x256xi32>
    %slice3A_257 = vector.extract_strided_slice %min3A_255 {offsets = [16, 0], sizes = [16, 256], strides = [1, 1]} : vector<32x256xi32> to vector<16x256xi32>
    %min3A_258 = arith.minsi %slice3A_256, %slice3A_257 : vector<16x256xi32>
    %slice3A_259 = vector.extract_strided_slice %min3A_258 {offsets = [0, 0], sizes = [8, 256], strides = [1, 1]} : vector<16x256xi32> to vector<8x256xi32>
    %slice3A_260 = vector.extract_strided_slice %min3A_258 {offsets = [8, 0], sizes = [8, 256], strides = [1, 1]} : vector<16x256xi32> to vector<8x256xi32>
    %min3A_261 = arith.minsi %slice3A_259, %slice3A_260 : vector<8x256xi32>
    %reduce_min3A_262 = arith.constant dense<2147483647> : vector<256xi32>
    %reduce_min3A_263 = vector.multi_reduction <minsi>, %min3A_261, %reduce_min3A_262 [0] : vector<8x256xi32> to vector<256xi32>
    %broadcast_in_dim3A_264 = vector.shape_cast %reduce_min3A_263 : vector<256xi32> to vector<1x256xi32>
    %eq3A_265 = vector.broadcast %broadcast_in_dim3A_264 : vector<1x256xi32> to vector<128x256xi32>
    %eq3A_266 = arith.cmpi eq, %iota3A, %eq3A_265 : vector<128x256xi32>
    %jit3A_267 = arith.constant 0x7F800000 : f32
    %broadcast_in_dim3A_268 = vector.broadcast %jit3A_267 : f32 to vector<128x256xf32>
    %select_n3A_269 = arith.select %eq3A_266, %broadcast_in_dim3A_268, %select_n3A_223 : vector<128x256xi1>, vector<128x256xf32>
    %eq3A_270 = arith.constant 1 : i32
    %eq3A_271 = vector.broadcast %eq3A_270 : i32 to vector<16x256xi32>
    %eq3A_272 = arith.cmpi eq, %iota3A_186, %eq3A_271 : vector<16x256xi32>
    %broadcast_in_dim3A_273 = vector.shape_cast %broadcast_in_dim3A_264 : vector<1x256xi32> to vector<1x256xi32>
    %broadcast_in_dim3A_274 = vector.broadcast %broadcast_in_dim3A_273 : vector<1x256xi32> to vector<16x256xi32>
    %select_n3A_275 = arith.select %eq3A_272, %broadcast_in_dim3A_274, %select_n3A_229 : vector<16x256xi1>, vector<16x256xi32>
    %slice3A_276 = vector.extract_strided_slice %select_n3A_269 {offsets = [0, 0], sizes = [64, 256], strides = [1, 1]} : vector<128x256xf32> to vector<64x256xf32>
    %slice3A_277 = vector.extract_strided_slice %select_n3A_269 {offsets = [64, 0], sizes = [64, 256], strides = [1, 1]} : vector<128x256xf32> to vector<64x256xf32>
    %min3A_278 = arith.minimumf %slice3A_276, %slice3A_277 : vector<64x256xf32>
    %slice3A_279 = vector.extract_strided_slice %min3A_278 {offsets = [0, 0], sizes = [32, 256], strides = [1, 1]} : vector<64x256xf32> to vector<32x256xf32>
    %slice3A_280 = vector.extract_strided_slice %min3A_278 {offsets = [32, 0], sizes = [32, 256], strides = [1, 1]} : vector<64x256xf32> to vector<32x256xf32>
    %min3A_281 = arith.minimumf %slice3A_279, %slice3A_280 : vector<32x256xf32>
    %slice3A_282 = vector.extract_strided_slice %min3A_281 {offsets = [0, 0], sizes = [16, 256], strides = [1, 1]} : vector<32x256xf32> to vector<16x256xf32>
    %slice3A_283 = vector.extract_strided_slice %min3A_281 {offsets = [16, 0], sizes = [16, 256], strides = [1, 1]} : vector<32x256xf32> to vector<16x256xf32>
    %min3A_284 = arith.minimumf %slice3A_282, %slice3A_283 : vector<16x256xf32>
    %slice3A_285 = vector.extract_strided_slice %min3A_284 {offsets = [0, 0], sizes = [8, 256], strides = [1, 1]} : vector<16x256xf32> to vector<8x256xf32>
    %slice3A_286 = vector.extract_strided_slice %min3A_284 {offsets = [8, 0], sizes = [8, 256], strides = [1, 1]} : vector<16x256xf32> to vector<8x256xf32>
    %min3A_287 = arith.minimumf %slice3A_285, %slice3A_286 : vector<8x256xf32>
    %reduce_min3A_288 = arith.constant dense<0x7F800000> : vector<256xf32>
    %reduce_min3A_289 = vector.multi_reduction <minimumf>, %min3A_287, %reduce_min3A_288 [0] : vector<8x256xf32> to vector<256xf32>
    %broadcast_in_dim3A_290 = vector.shape_cast %reduce_min3A_289 : vector<256xf32> to vector<1x256xf32>
    %eq3A_291 = vector.broadcast %broadcast_in_dim3A_290 : vector<1x256xf32> to vector<128x256xf32>
    %eq3A_292 = arith.cmpf oeq, %select_n3A_269, %eq3A_291 : vector<128x256xf32>
    %jit3A_293 = arith.constant 128 : i32
    %broadcast_in_dim3A_294 = vector.broadcast %jit3A_293 : i32 to vector<128x256xi32>
    %select_n3A_295 = arith.select %eq3A_292, %iota3A, %broadcast_in_dim3A_294 : vector<128x256xi1>, vector<128x256xi32>
    %slice3A_296 = vector.extract_strided_slice %select_n3A_295 {offsets = [0, 0], sizes = [64, 256], strides = [1, 1]} : vector<128x256xi32> to vector<64x256xi32>
    %slice3A_297 = vector.extract_strided_slice %select_n3A_295 {offsets = [64, 0], sizes = [64, 256], strides = [1, 1]} : vector<128x256xi32> to vector<64x256xi32>
    %min3A_298 = arith.minsi %slice3A_296, %slice3A_297 : vector<64x256xi32>
    %slice3A_299 = vector.extract_strided_slice %min3A_298 {offsets = [0, 0], sizes = [32, 256], strides = [1, 1]} : vector<64x256xi32> to vector<32x256xi32>
    %slice3A_300 = vector.extract_strided_slice %min3A_298 {offsets = [32, 0], sizes = [32, 256], strides = [1, 1]} : vector<64x256xi32> to vector<32x256xi32>
    %min3A_301 = arith.minsi %slice3A_299, %slice3A_300 : vector<32x256xi32>
    %slice3A_302 = vector.extract_strided_slice %min3A_301 {offsets = [0, 0], sizes = [16, 256], strides = [1, 1]} : vector<32x256xi32> to vector<16x256xi32>
    %slice3A_303 = vector.extract_strided_slice %min3A_301 {offsets = [16, 0], sizes = [16, 256], strides = [1, 1]} : vector<32x256xi32> to vector<16x256xi32>
    %min3A_304 = arith.minsi %slice3A_302, %slice3A_303 : vector<16x256xi32>
    %slice3A_305 = vector.extract_strided_slice %min3A_304 {offsets = [0, 0], sizes = [8, 256], strides = [1, 1]} : vector<16x256xi32> to vector<8x256xi32>
    %slice3A_306 = vector.extract_strided_slice %min3A_304 {offsets = [8, 0], sizes = [8, 256], strides = [1, 1]} : vector<16x256xi32> to vector<8x256xi32>
    %min3A_307 = arith.minsi %slice3A_305, %slice3A_306 : vector<8x256xi32>
    %reduce_min3A_308 = arith.constant dense<2147483647> : vector<256xi32>
    %reduce_min3A_309 = vector.multi_reduction <minsi>, %min3A_307, %reduce_min3A_308 [0] : vector<8x256xi32> to vector<256xi32>
    %broadcast_in_dim3A_310 = vector.shape_cast %reduce_min3A_309 : vector<256xi32> to vector<1x256xi32>
    %eq3A_311 = vector.broadcast %broadcast_in_dim3A_310 : vector<1x256xi32> to vector<128x256xi32>
    %eq3A_312 = arith.cmpi eq, %iota3A, %eq3A_311 : vector<128x256xi32>
    %jit3A_313 = arith.constant 0x7F800000 : f32
    %broadcast_in_dim3A_314 = vector.broadcast %jit3A_313 : f32 to vector<128x256xf32>
    %select_n3A_315 = arith.select %eq3A_312, %broadcast_in_dim3A_314, %select_n3A_269 : vector<128x256xi1>, vector<128x256xf32>
    %eq3A_316 = arith.constant 2 : i32
    %eq3A_317 = vector.broadcast %eq3A_316 : i32 to vector<16x256xi32>
    %eq3A_318 = arith.cmpi eq, %iota3A_186, %eq3A_317 : vector<16x256xi32>
    %broadcast_in_dim3A_319 = vector.shape_cast %broadcast_in_dim3A_310 : vector<1x256xi32> to vector<1x256xi32>
    %broadcast_in_dim3A_320 = vector.broadcast %broadcast_in_dim3A_319 : vector<1x256xi32> to vector<16x256xi32>
    %select_n3A_321 = arith.select %eq3A_318, %broadcast_in_dim3A_320, %select_n3A_275 : vector<16x256xi1>, vector<16x256xi32>
    %slice3A_322 = vector.extract_strided_slice %select_n3A_315 {offsets = [0, 0], sizes = [64, 256], strides = [1, 1]} : vector<128x256xf32> to vector<64x256xf32>
    %slice3A_323 = vector.extract_strided_slice %select_n3A_315 {offsets = [64, 0], sizes = [64, 256], strides = [1, 1]} : vector<128x256xf32> to vector<64x256xf32>
    %min3A_324 = arith.minimumf %slice3A_322, %slice3A_323 : vector<64x256xf32>
    %slice3A_325 = vector.extract_strided_slice %min3A_324 {offsets = [0, 0], sizes = [32, 256], strides = [1, 1]} : vector<64x256xf32> to vector<32x256xf32>
    %slice3A_326 = vector.extract_strided_slice %min3A_324 {offsets = [32, 0], sizes = [32, 256], strides = [1, 1]} : vector<64x256xf32> to vector<32x256xf32>
    %min3A_327 = arith.minimumf %slice3A_325, %slice3A_326 : vector<32x256xf32>
    %slice3A_328 = vector.extract_strided_slice %min3A_327 {offsets = [0, 0], sizes = [16, 256], strides = [1, 1]} : vector<32x256xf32> to vector<16x256xf32>
    %slice3A_329 = vector.extract_strided_slice %min3A_327 {offsets = [16, 0], sizes = [16, 256], strides = [1, 1]} : vector<32x256xf32> to vector<16x256xf32>
    %min3A_330 = arith.minimumf %slice3A_328, %slice3A_329 : vector<16x256xf32>
    %slice3A_331 = vector.extract_strided_slice %min3A_330 {offsets = [0, 0], sizes = [8, 256], strides = [1, 1]} : vector<16x256xf32> to vector<8x256xf32>
    %slice3A_332 = vector.extract_strided_slice %min3A_330 {offsets = [8, 0], sizes = [8, 256], strides = [1, 1]} : vector<16x256xf32> to vector<8x256xf32>
    %min3A_333 = arith.minimumf %slice3A_331, %slice3A_332 : vector<8x256xf32>
    %reduce_min3A_334 = arith.constant dense<0x7F800000> : vector<256xf32>
    %reduce_min3A_335 = vector.multi_reduction <minimumf>, %min3A_333, %reduce_min3A_334 [0] : vector<8x256xf32> to vector<256xf32>
    %broadcast_in_dim3A_336 = vector.shape_cast %reduce_min3A_335 : vector<256xf32> to vector<1x256xf32>
    %eq3A_337 = vector.broadcast %broadcast_in_dim3A_336 : vector<1x256xf32> to vector<128x256xf32>
    %eq3A_338 = arith.cmpf oeq, %select_n3A_315, %eq3A_337 : vector<128x256xf32>
    %jit3A_339 = arith.constant 128 : i32
    %broadcast_in_dim3A_340 = vector.broadcast %jit3A_339 : i32 to vector<128x256xi32>
    %select_n3A_341 = arith.select %eq3A_338, %iota3A, %broadcast_in_dim3A_340 : vector<128x256xi1>, vector<128x256xi32>
    %slice3A_342 = vector.extract_strided_slice %select_n3A_341 {offsets = [0, 0], sizes = [64, 256], strides = [1, 1]} : vector<128x256xi32> to vector<64x256xi32>
    %slice3A_343 = vector.extract_strided_slice %select_n3A_341 {offsets = [64, 0], sizes = [64, 256], strides = [1, 1]} : vector<128x256xi32> to vector<64x256xi32>
    %min3A_344 = arith.minsi %slice3A_342, %slice3A_343 : vector<64x256xi32>
    %slice3A_345 = vector.extract_strided_slice %min3A_344 {offsets = [0, 0], sizes = [32, 256], strides = [1, 1]} : vector<64x256xi32> to vector<32x256xi32>
    %slice3A_346 = vector.extract_strided_slice %min3A_344 {offsets = [32, 0], sizes = [32, 256], strides = [1, 1]} : vector<64x256xi32> to vector<32x256xi32>
    %min3A_347 = arith.minsi %slice3A_345, %slice3A_346 : vector<32x256xi32>
    %slice3A_348 = vector.extract_strided_slice %min3A_347 {offsets = [0, 0], sizes = [16, 256], strides = [1, 1]} : vector<32x256xi32> to vector<16x256xi32>
    %slice3A_349 = vector.extract_strided_slice %min3A_347 {offsets = [16, 0], sizes = [16, 256], strides = [1, 1]} : vector<32x256xi32> to vector<16x256xi32>
    %min3A_350 = arith.minsi %slice3A_348, %slice3A_349 : vector<16x256xi32>
    %slice3A_351 = vector.extract_strided_slice %min3A_350 {offsets = [0, 0], sizes = [8, 256], strides = [1, 1]} : vector<16x256xi32> to vector<8x256xi32>
    %slice3A_352 = vector.extract_strided_slice %min3A_350 {offsets = [8, 0], sizes = [8, 256], strides = [1, 1]} : vector<16x256xi32> to vector<8x256xi32>
    %min3A_353 = arith.minsi %slice3A_351, %slice3A_352 : vector<8x256xi32>
    %reduce_min3A_354 = arith.constant dense<2147483647> : vector<256xi32>
    %reduce_min3A_355 = vector.multi_reduction <minsi>, %min3A_353, %reduce_min3A_354 [0] : vector<8x256xi32> to vector<256xi32>
    %broadcast_in_dim3A_356 = vector.shape_cast %reduce_min3A_355 : vector<256xi32> to vector<1x256xi32>
    %eq3A_357 = vector.broadcast %broadcast_in_dim3A_356 : vector<1x256xi32> to vector<128x256xi32>
    %eq3A_358 = arith.cmpi eq, %iota3A, %eq3A_357 : vector<128x256xi32>
    %jit3A_359 = arith.constant 0x7F800000 : f32
    %broadcast_in_dim3A_360 = vector.broadcast %jit3A_359 : f32 to vector<128x256xf32>
    %select_n3A_361 = arith.select %eq3A_358, %broadcast_in_dim3A_360, %select_n3A_315 : vector<128x256xi1>, vector<128x256xf32>
    %eq3A_362 = arith.constant 3 : i32
    %eq3A_363 = vector.broadcast %eq3A_362 : i32 to vector<16x256xi32>
    %eq3A_364 = arith.cmpi eq, %iota3A_186, %eq3A_363 : vector<16x256xi32>
    %broadcast_in_dim3A_365 = vector.shape_cast %broadcast_in_dim3A_356 : vector<1x256xi32> to vector<1x256xi32>
    %broadcast_in_dim3A_366 = vector.broadcast %broadcast_in_dim3A_365 : vector<1x256xi32> to vector<16x256xi32>
    %select_n3A_367 = arith.select %eq3A_364, %broadcast_in_dim3A_366, %select_n3A_321 : vector<16x256xi1>, vector<16x256xi32>
    %slice3A_368 = vector.extract_strided_slice %select_n3A_361 {offsets = [0, 0], sizes = [64, 256], strides = [1, 1]} : vector<128x256xf32> to vector<64x256xf32>
    %slice3A_369 = vector.extract_strided_slice %select_n3A_361 {offsets = [64, 0], sizes = [64, 256], strides = [1, 1]} : vector<128x256xf32> to vector<64x256xf32>
    %min3A_370 = arith.minimumf %slice3A_368, %slice3A_369 : vector<64x256xf32>
    %slice3A_371 = vector.extract_strided_slice %min3A_370 {offsets = [0, 0], sizes = [32, 256], strides = [1, 1]} : vector<64x256xf32> to vector<32x256xf32>
    %slice3A_372 = vector.extract_strided_slice %min3A_370 {offsets = [32, 0], sizes = [32, 256], strides = [1, 1]} : vector<64x256xf32> to vector<32x256xf32>
    %min3A_373 = arith.minimumf %slice3A_371, %slice3A_372 : vector<32x256xf32>
    %slice3A_374 = vector.extract_strided_slice %min3A_373 {offsets = [0, 0], sizes = [16, 256], strides = [1, 1]} : vector<32x256xf32> to vector<16x256xf32>
    %slice3A_375 = vector.extract_strided_slice %min3A_373 {offsets = [16, 0], sizes = [16, 256], strides = [1, 1]} : vector<32x256xf32> to vector<16x256xf32>
    %min3A_376 = arith.minimumf %slice3A_374, %slice3A_375 : vector<16x256xf32>
    %slice3A_377 = vector.extract_strided_slice %min3A_376 {offsets = [0, 0], sizes = [8, 256], strides = [1, 1]} : vector<16x256xf32> to vector<8x256xf32>
    %slice3A_378 = vector.extract_strided_slice %min3A_376 {offsets = [8, 0], sizes = [8, 256], strides = [1, 1]} : vector<16x256xf32> to vector<8x256xf32>
    %min3A_379 = arith.minimumf %slice3A_377, %slice3A_378 : vector<8x256xf32>
    %reduce_min3A_380 = arith.constant dense<0x7F800000> : vector<256xf32>
    %reduce_min3A_381 = vector.multi_reduction <minimumf>, %min3A_379, %reduce_min3A_380 [0] : vector<8x256xf32> to vector<256xf32>
    %broadcast_in_dim3A_382 = vector.shape_cast %reduce_min3A_381 : vector<256xf32> to vector<1x256xf32>
    %eq3A_383 = vector.broadcast %broadcast_in_dim3A_382 : vector<1x256xf32> to vector<128x256xf32>
    %eq3A_384 = arith.cmpf oeq, %select_n3A_361, %eq3A_383 : vector<128x256xf32>
    %jit3A_385 = arith.constant 128 : i32
    %broadcast_in_dim3A_386 = vector.broadcast %jit3A_385 : i32 to vector<128x256xi32>
    %select_n3A_387 = arith.select %eq3A_384, %iota3A, %broadcast_in_dim3A_386 : vector<128x256xi1>, vector<128x256xi32>
    %slice3A_388 = vector.extract_strided_slice %select_n3A_387 {offsets = [0, 0], sizes = [64, 256], strides = [1, 1]} : vector<128x256xi32> to vector<64x256xi32>
    %slice3A_389 = vector.extract_strided_slice %select_n3A_387 {offsets = [64, 0], sizes = [64, 256], strides = [1, 1]} : vector<128x256xi32> to vector<64x256xi32>
    %min3A_390 = arith.minsi %slice3A_388, %slice3A_389 : vector<64x256xi32>
    %slice3A_391 = vector.extract_strided_slice %min3A_390 {offsets = [0, 0], sizes = [32, 256], strides = [1, 1]} : vector<64x256xi32> to vector<32x256xi32>
    %slice3A_392 = vector.extract_strided_slice %min3A_390 {offsets = [32, 0], sizes = [32, 256], strides = [1, 1]} : vector<64x256xi32> to vector<32x256xi32>
    %min3A_393 = arith.minsi %slice3A_391, %slice3A_392 : vector<32x256xi32>
    %slice3A_394 = vector.extract_strided_slice %min3A_393 {offsets = [0, 0], sizes = [16, 256], strides = [1, 1]} : vector<32x256xi32> to vector<16x256xi32>
    %slice3A_395 = vector.extract_strided_slice %min3A_393 {offsets = [16, 0], sizes = [16, 256], strides = [1, 1]} : vector<32x256xi32> to vector<16x256xi32>
    %min3A_396 = arith.minsi %slice3A_394, %slice3A_395 : vector<16x256xi32>
    %slice3A_397 = vector.extract_strided_slice %min3A_396 {offsets = [0, 0], sizes = [8, 256], strides = [1, 1]} : vector<16x256xi32> to vector<8x256xi32>
    %slice3A_398 = vector.extract_strided_slice %min3A_396 {offsets = [8, 0], sizes = [8, 256], strides = [1, 1]} : vector<16x256xi32> to vector<8x256xi32>
    %min3A_399 = arith.minsi %slice3A_397, %slice3A_398 : vector<8x256xi32>
    %reduce_min3A_400 = arith.constant dense<2147483647> : vector<256xi32>
    %reduce_min3A_401 = vector.multi_reduction <minsi>, %min3A_399, %reduce_min3A_400 [0] : vector<8x256xi32> to vector<256xi32>
    %broadcast_in_dim3A_402 = vector.shape_cast %reduce_min3A_401 : vector<256xi32> to vector<1x256xi32>
    %eq3A_403 = vector.broadcast %broadcast_in_dim3A_402 : vector<1x256xi32> to vector<128x256xi32>
    %eq3A_404 = arith.cmpi eq, %iota3A, %eq3A_403 : vector<128x256xi32>
    %jit3A_405 = arith.constant 0x7F800000 : f32
    %broadcast_in_dim3A_406 = vector.broadcast %jit3A_405 : f32 to vector<128x256xf32>
    %select_n3A_407 = arith.select %eq3A_404, %broadcast_in_dim3A_406, %select_n3A_361 : vector<128x256xi1>, vector<128x256xf32>
    %eq3A_408 = arith.constant 4 : i32
    %eq3A_409 = vector.broadcast %eq3A_408 : i32 to vector<16x256xi32>
    %eq3A_410 = arith.cmpi eq, %iota3A_186, %eq3A_409 : vector<16x256xi32>
    %broadcast_in_dim3A_411 = vector.shape_cast %broadcast_in_dim3A_402 : vector<1x256xi32> to vector<1x256xi32>
    %broadcast_in_dim3A_412 = vector.broadcast %broadcast_in_dim3A_411 : vector<1x256xi32> to vector<16x256xi32>
    %select_n3A_413 = arith.select %eq3A_410, %broadcast_in_dim3A_412, %select_n3A_367 : vector<16x256xi1>, vector<16x256xi32>
    %slice3A_414 = vector.extract_strided_slice %select_n3A_407 {offsets = [0, 0], sizes = [64, 256], strides = [1, 1]} : vector<128x256xf32> to vector<64x256xf32>
    %slice3A_415 = vector.extract_strided_slice %select_n3A_407 {offsets = [64, 0], sizes = [64, 256], strides = [1, 1]} : vector<128x256xf32> to vector<64x256xf32>
    %min3A_416 = arith.minimumf %slice3A_414, %slice3A_415 : vector<64x256xf32>
    %slice3A_417 = vector.extract_strided_slice %min3A_416 {offsets = [0, 0], sizes = [32, 256], strides = [1, 1]} : vector<64x256xf32> to vector<32x256xf32>
    %slice3A_418 = vector.extract_strided_slice %min3A_416 {offsets = [32, 0], sizes = [32, 256], strides = [1, 1]} : vector<64x256xf32> to vector<32x256xf32>
    %min3A_419 = arith.minimumf %slice3A_417, %slice3A_418 : vector<32x256xf32>
    %slice3A_420 = vector.extract_strided_slice %min3A_419 {offsets = [0, 0], sizes = [16, 256], strides = [1, 1]} : vector<32x256xf32> to vector<16x256xf32>
    %slice3A_421 = vector.extract_strided_slice %min3A_419 {offsets = [16, 0], sizes = [16, 256], strides = [1, 1]} : vector<32x256xf32> to vector<16x256xf32>
    %min3A_422 = arith.minimumf %slice3A_420, %slice3A_421 : vector<16x256xf32>
    %slice3A_423 = vector.extract_strided_slice %min3A_422 {offsets = [0, 0], sizes = [8, 256], strides = [1, 1]} : vector<16x256xf32> to vector<8x256xf32>
    %slice3A_424 = vector.extract_strided_slice %min3A_422 {offsets = [8, 0], sizes = [8, 256], strides = [1, 1]} : vector<16x256xf32> to vector<8x256xf32>
    %min3A_425 = arith.minimumf %slice3A_423, %slice3A_424 : vector<8x256xf32>
    %reduce_min3A_426 = arith.constant dense<0x7F800000> : vector<256xf32>
    %reduce_min3A_427 = vector.multi_reduction <minimumf>, %min3A_425, %reduce_min3A_426 [0] : vector<8x256xf32> to vector<256xf32>
    %broadcast_in_dim3A_428 = vector.shape_cast %reduce_min3A_427 : vector<256xf32> to vector<1x256xf32>
    %eq3A_429 = vector.broadcast %broadcast_in_dim3A_428 : vector<1x256xf32> to vector<128x256xf32>
    %eq3A_430 = arith.cmpf oeq, %select_n3A_407, %eq3A_429 : vector<128x256xf32>
    %jit3A_431 = arith.constant 128 : i32
    %broadcast_in_dim3A_432 = vector.broadcast %jit3A_431 : i32 to vector<128x256xi32>
    %select_n3A_433 = arith.select %eq3A_430, %iota3A, %broadcast_in_dim3A_432 : vector<128x256xi1>, vector<128x256xi32>
    %slice3A_434 = vector.extract_strided_slice %select_n3A_433 {offsets = [0, 0], sizes = [64, 256], strides = [1, 1]} : vector<128x256xi32> to vector<64x256xi32>
    %slice3A_435 = vector.extract_strided_slice %select_n3A_433 {offsets = [64, 0], sizes = [64, 256], strides = [1, 1]} : vector<128x256xi32> to vector<64x256xi32>
    %min3A_436 = arith.minsi %slice3A_434, %slice3A_435 : vector<64x256xi32>
    %slice3A_437 = vector.extract_strided_slice %min3A_436 {offsets = [0, 0], sizes = [32, 256], strides = [1, 1]} : vector<64x256xi32> to vector<32x256xi32>
    %slice3A_438 = vector.extract_strided_slice %min3A_436 {offsets = [32, 0], sizes = [32, 256], strides = [1, 1]} : vector<64x256xi32> to vector<32x256xi32>
    %min3A_439 = arith.minsi %slice3A_437, %slice3A_438 : vector<32x256xi32>
    %slice3A_440 = vector.extract_strided_slice %min3A_439 {offsets = [0, 0], sizes = [16, 256], strides = [1, 1]} : vector<32x256xi32> to vector<16x256xi32>
    %slice3A_441 = vector.extract_strided_slice %min3A_439 {offsets = [16, 0], sizes = [16, 256], strides = [1, 1]} : vector<32x256xi32> to vector<16x256xi32>
    %min3A_442 = arith.minsi %slice3A_440, %slice3A_441 : vector<16x256xi32>
    %slice3A_443 = vector.extract_strided_slice %min3A_442 {offsets = [0, 0], sizes = [8, 256], strides = [1, 1]} : vector<16x256xi32> to vector<8x256xi32>
    %slice3A_444 = vector.extract_strided_slice %min3A_442 {offsets = [8, 0], sizes = [8, 256], strides = [1, 1]} : vector<16x256xi32> to vector<8x256xi32>
    %min3A_445 = arith.minsi %slice3A_443, %slice3A_444 : vector<8x256xi32>
    %reduce_min3A_446 = arith.constant dense<2147483647> : vector<256xi32>
    %reduce_min3A_447 = vector.multi_reduction <minsi>, %min3A_445, %reduce_min3A_446 [0] : vector<8x256xi32> to vector<256xi32>
    %broadcast_in_dim3A_448 = vector.shape_cast %reduce_min3A_447 : vector<256xi32> to vector<1x256xi32>
    %eq3A_449 = vector.broadcast %broadcast_in_dim3A_448 : vector<1x256xi32> to vector<128x256xi32>
    %eq3A_450 = arith.cmpi eq, %iota3A, %eq3A_449 : vector<128x256xi32>
    %jit3A_451 = arith.constant 0x7F800000 : f32
    %broadcast_in_dim3A_452 = vector.broadcast %jit3A_451 : f32 to vector<128x256xf32>
    %select_n3A_453 = arith.select %eq3A_450, %broadcast_in_dim3A_452, %select_n3A_407 : vector<128x256xi1>, vector<128x256xf32>
    %eq3A_454 = arith.constant 5 : i32
    %eq3A_455 = vector.broadcast %eq3A_454 : i32 to vector<16x256xi32>
    %eq3A_456 = arith.cmpi eq, %iota3A_186, %eq3A_455 : vector<16x256xi32>
    %broadcast_in_dim3A_457 = vector.shape_cast %broadcast_in_dim3A_448 : vector<1x256xi32> to vector<1x256xi32>
    %broadcast_in_dim3A_458 = vector.broadcast %broadcast_in_dim3A_457 : vector<1x256xi32> to vector<16x256xi32>
    %select_n3A_459 = arith.select %eq3A_456, %broadcast_in_dim3A_458, %select_n3A_413 : vector<16x256xi1>, vector<16x256xi32>
    %slice3A_460 = vector.extract_strided_slice %select_n3A_453 {offsets = [0, 0], sizes = [64, 256], strides = [1, 1]} : vector<128x256xf32> to vector<64x256xf32>
    %slice3A_461 = vector.extract_strided_slice %select_n3A_453 {offsets = [64, 0], sizes = [64, 256], strides = [1, 1]} : vector<128x256xf32> to vector<64x256xf32>
    %min3A_462 = arith.minimumf %slice3A_460, %slice3A_461 : vector<64x256xf32>
    %slice3A_463 = vector.extract_strided_slice %min3A_462 {offsets = [0, 0], sizes = [32, 256], strides = [1, 1]} : vector<64x256xf32> to vector<32x256xf32>
    %slice3A_464 = vector.extract_strided_slice %min3A_462 {offsets = [32, 0], sizes = [32, 256], strides = [1, 1]} : vector<64x256xf32> to vector<32x256xf32>
    %min3A_465 = arith.minimumf %slice3A_463, %slice3A_464 : vector<32x256xf32>
    %slice3A_466 = vector.extract_strided_slice %min3A_465 {offsets = [0, 0], sizes = [16, 256], strides = [1, 1]} : vector<32x256xf32> to vector<16x256xf32>
    %slice3A_467 = vector.extract_strided_slice %min3A_465 {offsets = [16, 0], sizes = [16, 256], strides = [1, 1]} : vector<32x256xf32> to vector<16x256xf32>
    %min3A_468 = arith.minimumf %slice3A_466, %slice3A_467 : vector<16x256xf32>
    %slice3A_469 = vector.extract_strided_slice %min3A_468 {offsets = [0, 0], sizes = [8, 256], strides = [1, 1]} : vector<16x256xf32> to vector<8x256xf32>
    %slice3A_470 = vector.extract_strided_slice %min3A_468 {offsets = [8, 0], sizes = [8, 256], strides = [1, 1]} : vector<16x256xf32> to vector<8x256xf32>
    %min3A_471 = arith.minimumf %slice3A_469, %slice3A_470 : vector<8x256xf32>
    %reduce_min3A_472 = arith.constant dense<0x7F800000> : vector<256xf32>
    %reduce_min3A_473 = vector.multi_reduction <minimumf>, %min3A_471, %reduce_min3A_472 [0] : vector<8x256xf32> to vector<256xf32>
    %broadcast_in_dim3A_474 = vector.shape_cast %reduce_min3A_473 : vector<256xf32> to vector<1x256xf32>
    %eq3A_475 = vector.broadcast %broadcast_in_dim3A_474 : vector<1x256xf32> to vector<128x256xf32>
    %eq3A_476 = arith.cmpf oeq, %select_n3A_453, %eq3A_475 : vector<128x256xf32>
    %jit3A_477 = arith.constant 128 : i32
    %broadcast_in_dim3A_478 = vector.broadcast %jit3A_477 : i32 to vector<128x256xi32>
    %select_n3A_479 = arith.select %eq3A_476, %iota3A, %broadcast_in_dim3A_478 : vector<128x256xi1>, vector<128x256xi32>
    %slice3A_480 = vector.extract_strided_slice %select_n3A_479 {offsets = [0, 0], sizes = [64, 256], strides = [1, 1]} : vector<128x256xi32> to vector<64x256xi32>
    %slice3A_481 = vector.extract_strided_slice %select_n3A_479 {offsets = [64, 0], sizes = [64, 256], strides = [1, 1]} : vector<128x256xi32> to vector<64x256xi32>
    %min3A_482 = arith.minsi %slice3A_480, %slice3A_481 : vector<64x256xi32>
    %slice3A_483 = vector.extract_strided_slice %min3A_482 {offsets = [0, 0], sizes = [32, 256], strides = [1, 1]} : vector<64x256xi32> to vector<32x256xi32>
    %slice3A_484 = vector.extract_strided_slice %min3A_482 {offsets = [32, 0], sizes = [32, 256], strides = [1, 1]} : vector<64x256xi32> to vector<32x256xi32>
    %min3A_485 = arith.minsi %slice3A_483, %slice3A_484 : vector<32x256xi32>
    %slice3A_486 = vector.extract_strided_slice %min3A_485 {offsets = [0, 0], sizes = [16, 256], strides = [1, 1]} : vector<32x256xi32> to vector<16x256xi32>
    %slice3A_487 = vector.extract_strided_slice %min3A_485 {offsets = [16, 0], sizes = [16, 256], strides = [1, 1]} : vector<32x256xi32> to vector<16x256xi32>
    %min3A_488 = arith.minsi %slice3A_486, %slice3A_487 : vector<16x256xi32>
    %slice3A_489 = vector.extract_strided_slice %min3A_488 {offsets = [0, 0], sizes = [8, 256], strides = [1, 1]} : vector<16x256xi32> to vector<8x256xi32>
    %slice3A_490 = vector.extract_strided_slice %min3A_488 {offsets = [8, 0], sizes = [8, 256], strides = [1, 1]} : vector<16x256xi32> to vector<8x256xi32>
    %min3A_491 = arith.minsi %slice3A_489, %slice3A_490 : vector<8x256xi32>
    %reduce_min3A_492 = arith.constant dense<2147483647> : vector<256xi32>
    %reduce_min3A_493 = vector.multi_reduction <minsi>, %min3A_491, %reduce_min3A_492 [0] : vector<8x256xi32> to vector<256xi32>
    %broadcast_in_dim3A_494 = vector.shape_cast %reduce_min3A_493 : vector<256xi32> to vector<1x256xi32>
    %eq3A_495 = vector.broadcast %broadcast_in_dim3A_494 : vector<1x256xi32> to vector<128x256xi32>
    %eq3A_496 = arith.cmpi eq, %iota3A, %eq3A_495 : vector<128x256xi32>
    %jit3A_497 = arith.constant 0x7F800000 : f32
    %broadcast_in_dim3A_498 = vector.broadcast %jit3A_497 : f32 to vector<128x256xf32>
    %select_n3A_499 = arith.select %eq3A_496, %broadcast_in_dim3A_498, %select_n3A_453 : vector<128x256xi1>, vector<128x256xf32>
    %eq3A_500 = arith.constant 6 : i32
    %eq3A_501 = vector.broadcast %eq3A_500 : i32 to vector<16x256xi32>
    %eq3A_502 = arith.cmpi eq, %iota3A_186, %eq3A_501 : vector<16x256xi32>
    %broadcast_in_dim3A_503 = vector.shape_cast %broadcast_in_dim3A_494 : vector<1x256xi32> to vector<1x256xi32>
    %broadcast_in_dim3A_504 = vector.broadcast %broadcast_in_dim3A_503 : vector<1x256xi32> to vector<16x256xi32>
    %select_n3A_505 = arith.select %eq3A_502, %broadcast_in_dim3A_504, %select_n3A_459 : vector<16x256xi1>, vector<16x256xi32>
    %slice3A_506 = vector.extract_strided_slice %select_n3A_499 {offsets = [0, 0], sizes = [64, 256], strides = [1, 1]} : vector<128x256xf32> to vector<64x256xf32>
    %slice3A_507 = vector.extract_strided_slice %select_n3A_499 {offsets = [64, 0], sizes = [64, 256], strides = [1, 1]} : vector<128x256xf32> to vector<64x256xf32>
    %min3A_508 = arith.minimumf %slice3A_506, %slice3A_507 : vector<64x256xf32>
    %slice3A_509 = vector.extract_strided_slice %min3A_508 {offsets = [0, 0], sizes = [32, 256], strides = [1, 1]} : vector<64x256xf32> to vector<32x256xf32>
    %slice3A_510 = vector.extract_strided_slice %min3A_508 {offsets = [32, 0], sizes = [32, 256], strides = [1, 1]} : vector<64x256xf32> to vector<32x256xf32>
    %min3A_511 = arith.minimumf %slice3A_509, %slice3A_510 : vector<32x256xf32>
    %slice3A_512 = vector.extract_strided_slice %min3A_511 {offsets = [0, 0], sizes = [16, 256], strides = [1, 1]} : vector<32x256xf32> to vector<16x256xf32>
    %slice3A_513 = vector.extract_strided_slice %min3A_511 {offsets = [16, 0], sizes = [16, 256], strides = [1, 1]} : vector<32x256xf32> to vector<16x256xf32>
    %min3A_514 = arith.minimumf %slice3A_512, %slice3A_513 : vector<16x256xf32>
    %slice3A_515 = vector.extract_strided_slice %min3A_514 {offsets = [0, 0], sizes = [8, 256], strides = [1, 1]} : vector<16x256xf32> to vector<8x256xf32>
    %slice3A_516 = vector.extract_strided_slice %min3A_514 {offsets = [8, 0], sizes = [8, 256], strides = [1, 1]} : vector<16x256xf32> to vector<8x256xf32>
    %min3A_517 = arith.minimumf %slice3A_515, %slice3A_516 : vector<8x256xf32>
    %reduce_min3A_518 = arith.constant dense<0x7F800000> : vector<256xf32>
    %reduce_min3A_519 = vector.multi_reduction <minimumf>, %min3A_517, %reduce_min3A_518 [0] : vector<8x256xf32> to vector<256xf32>
    %broadcast_in_dim3A_520 = vector.shape_cast %reduce_min3A_519 : vector<256xf32> to vector<1x256xf32>
    %eq3A_521 = vector.broadcast %broadcast_in_dim3A_520 : vector<1x256xf32> to vector<128x256xf32>
    %eq3A_522 = arith.cmpf oeq, %select_n3A_499, %eq3A_521 : vector<128x256xf32>
    %jit3A_523 = arith.constant 128 : i32
    %broadcast_in_dim3A_524 = vector.broadcast %jit3A_523 : i32 to vector<128x256xi32>
    %select_n3A_525 = arith.select %eq3A_522, %iota3A, %broadcast_in_dim3A_524 : vector<128x256xi1>, vector<128x256xi32>
    %slice3A_526 = vector.extract_strided_slice %select_n3A_525 {offsets = [0, 0], sizes = [64, 256], strides = [1, 1]} : vector<128x256xi32> to vector<64x256xi32>
    %slice3A_527 = vector.extract_strided_slice %select_n3A_525 {offsets = [64, 0], sizes = [64, 256], strides = [1, 1]} : vector<128x256xi32> to vector<64x256xi32>
    %min3A_528 = arith.minsi %slice3A_526, %slice3A_527 : vector<64x256xi32>
    %slice3A_529 = vector.extract_strided_slice %min3A_528 {offsets = [0, 0], sizes = [32, 256], strides = [1, 1]} : vector<64x256xi32> to vector<32x256xi32>
    %slice3A_530 = vector.extract_strided_slice %min3A_528 {offsets = [32, 0], sizes = [32, 256], strides = [1, 1]} : vector<64x256xi32> to vector<32x256xi32>
    %min3A_531 = arith.minsi %slice3A_529, %slice3A_530 : vector<32x256xi32>
    %slice3A_532 = vector.extract_strided_slice %min3A_531 {offsets = [0, 0], sizes = [16, 256], strides = [1, 1]} : vector<32x256xi32> to vector<16x256xi32>
    %slice3A_533 = vector.extract_strided_slice %min3A_531 {offsets = [16, 0], sizes = [16, 256], strides = [1, 1]} : vector<32x256xi32> to vector<16x256xi32>
    %min3A_534 = arith.minsi %slice3A_532, %slice3A_533 : vector<16x256xi32>
    %slice3A_535 = vector.extract_strided_slice %min3A_534 {offsets = [0, 0], sizes = [8, 256], strides = [1, 1]} : vector<16x256xi32> to vector<8x256xi32>
    %slice3A_536 = vector.extract_strided_slice %min3A_534 {offsets = [8, 0], sizes = [8, 256], strides = [1, 1]} : vector<16x256xi32> to vector<8x256xi32>
    %min3A_537 = arith.minsi %slice3A_535, %slice3A_536 : vector<8x256xi32>
    %reduce_min3A_538 = arith.constant dense<2147483647> : vector<256xi32>
    %reduce_min3A_539 = vector.multi_reduction <minsi>, %min3A_537, %reduce_min3A_538 [0] : vector<8x256xi32> to vector<256xi32>
    %broadcast_in_dim3A_540 = vector.shape_cast %reduce_min3A_539 : vector<256xi32> to vector<1x256xi32>
    %eq3A_541 = vector.broadcast %broadcast_in_dim3A_540 : vector<1x256xi32> to vector<128x256xi32>
    %eq3A_542 = arith.cmpi eq, %iota3A, %eq3A_541 : vector<128x256xi32>
    %jit3A_543 = arith.constant 0x7F800000 : f32
    %broadcast_in_dim3A_544 = vector.broadcast %jit3A_543 : f32 to vector<128x256xf32>
    %select_n3A_545 = arith.select %eq3A_542, %broadcast_in_dim3A_544, %select_n3A_499 : vector<128x256xi1>, vector<128x256xf32>
    %eq3A_546 = arith.constant 7 : i32
    %eq3A_547 = vector.broadcast %eq3A_546 : i32 to vector<16x256xi32>
    %eq3A_548 = arith.cmpi eq, %iota3A_186, %eq3A_547 : vector<16x256xi32>
    %broadcast_in_dim3A_549 = vector.shape_cast %broadcast_in_dim3A_540 : vector<1x256xi32> to vector<1x256xi32>
    %broadcast_in_dim3A_550 = vector.broadcast %broadcast_in_dim3A_549 : vector<1x256xi32> to vector<16x256xi32>
    %select_n3A_551 = arith.select %eq3A_548, %broadcast_in_dim3A_550, %select_n3A_505 : vector<16x256xi1>, vector<16x256xi32>
    %slice3A_552 = vector.extract_strided_slice %select_n3A_545 {offsets = [0, 0], sizes = [64, 256], strides = [1, 1]} : vector<128x256xf32> to vector<64x256xf32>
    %slice3A_553 = vector.extract_strided_slice %select_n3A_545 {offsets = [64, 0], sizes = [64, 256], strides = [1, 1]} : vector<128x256xf32> to vector<64x256xf32>
    %min3A_554 = arith.minimumf %slice3A_552, %slice3A_553 : vector<64x256xf32>
    %slice3A_555 = vector.extract_strided_slice %min3A_554 {offsets = [0, 0], sizes = [32, 256], strides = [1, 1]} : vector<64x256xf32> to vector<32x256xf32>
    %slice3A_556 = vector.extract_strided_slice %min3A_554 {offsets = [32, 0], sizes = [32, 256], strides = [1, 1]} : vector<64x256xf32> to vector<32x256xf32>
    %min3A_557 = arith.minimumf %slice3A_555, %slice3A_556 : vector<32x256xf32>
    %slice3A_558 = vector.extract_strided_slice %min3A_557 {offsets = [0, 0], sizes = [16, 256], strides = [1, 1]} : vector<32x256xf32> to vector<16x256xf32>
    %slice3A_559 = vector.extract_strided_slice %min3A_557 {offsets = [16, 0], sizes = [16, 256], strides = [1, 1]} : vector<32x256xf32> to vector<16x256xf32>
    %min3A_560 = arith.minimumf %slice3A_558, %slice3A_559 : vector<16x256xf32>
    %slice3A_561 = vector.extract_strided_slice %min3A_560 {offsets = [0, 0], sizes = [8, 256], strides = [1, 1]} : vector<16x256xf32> to vector<8x256xf32>
    %slice3A_562 = vector.extract_strided_slice %min3A_560 {offsets = [8, 0], sizes = [8, 256], strides = [1, 1]} : vector<16x256xf32> to vector<8x256xf32>
    %min3A_563 = arith.minimumf %slice3A_561, %slice3A_562 : vector<8x256xf32>
    %reduce_min3A_564 = arith.constant dense<0x7F800000> : vector<256xf32>
    %reduce_min3A_565 = vector.multi_reduction <minimumf>, %min3A_563, %reduce_min3A_564 [0] : vector<8x256xf32> to vector<256xf32>
    %broadcast_in_dim3A_566 = vector.shape_cast %reduce_min3A_565 : vector<256xf32> to vector<1x256xf32>
    %eq3A_567 = vector.broadcast %broadcast_in_dim3A_566 : vector<1x256xf32> to vector<128x256xf32>
    %eq3A_568 = arith.cmpf oeq, %select_n3A_545, %eq3A_567 : vector<128x256xf32>
    %jit3A_569 = arith.constant 128 : i32
    %broadcast_in_dim3A_570 = vector.broadcast %jit3A_569 : i32 to vector<128x256xi32>
    %select_n3A_571 = arith.select %eq3A_568, %iota3A, %broadcast_in_dim3A_570 : vector<128x256xi1>, vector<128x256xi32>
    %slice3A_572 = vector.extract_strided_slice %select_n3A_571 {offsets = [0, 0], sizes = [64, 256], strides = [1, 1]} : vector<128x256xi32> to vector<64x256xi32>
    %slice3A_573 = vector.extract_strided_slice %select_n3A_571 {offsets = [64, 0], sizes = [64, 256], strides = [1, 1]} : vector<128x256xi32> to vector<64x256xi32>
    %min3A_574 = arith.minsi %slice3A_572, %slice3A_573 : vector<64x256xi32>
    %slice3A_575 = vector.extract_strided_slice %min3A_574 {offsets = [0, 0], sizes = [32, 256], strides = [1, 1]} : vector<64x256xi32> to vector<32x256xi32>
    %slice3A_576 = vector.extract_strided_slice %min3A_574 {offsets = [32, 0], sizes = [32, 256], strides = [1, 1]} : vector<64x256xi32> to vector<32x256xi32>
    %min3A_577 = arith.minsi %slice3A_575, %slice3A_576 : vector<32x256xi32>
    %slice3A_578 = vector.extract_strided_slice %min3A_577 {offsets = [0, 0], sizes = [16, 256], strides = [1, 1]} : vector<32x256xi32> to vector<16x256xi32>
    %slice3A_579 = vector.extract_strided_slice %min3A_577 {offsets = [16, 0], sizes = [16, 256], strides = [1, 1]} : vector<32x256xi32> to vector<16x256xi32>
    %min3A_580 = arith.minsi %slice3A_578, %slice3A_579 : vector<16x256xi32>
    %slice3A_581 = vector.extract_strided_slice %min3A_580 {offsets = [0, 0], sizes = [8, 256], strides = [1, 1]} : vector<16x256xi32> to vector<8x256xi32>
    %slice3A_582 = vector.extract_strided_slice %min3A_580 {offsets = [8, 0], sizes = [8, 256], strides = [1, 1]} : vector<16x256xi32> to vector<8x256xi32>
    %min3A_583 = arith.minsi %slice3A_581, %slice3A_582 : vector<8x256xi32>
    %reduce_min3A_584 = arith.constant dense<2147483647> : vector<256xi32>
    %reduce_min3A_585 = vector.multi_reduction <minsi>, %min3A_583, %reduce_min3A_584 [0] : vector<8x256xi32> to vector<256xi32>
    %broadcast_in_dim3A_586 = vector.shape_cast %reduce_min3A_585 : vector<256xi32> to vector<1x256xi32>
    %eq3A_587 = vector.broadcast %broadcast_in_dim3A_586 : vector<1x256xi32> to vector<128x256xi32>
    %eq3A_588 = arith.cmpi eq, %iota3A, %eq3A_587 : vector<128x256xi32>
    %jit3A_589 = arith.constant 0x7F800000 : f32
    %broadcast_in_dim3A_590 = vector.broadcast %jit3A_589 : f32 to vector<128x256xf32>
    %select_n3A_591 = arith.select %eq3A_588, %broadcast_in_dim3A_590, %select_n3A_545 : vector<128x256xi1>, vector<128x256xf32>
    %eq3A_592 = arith.constant 8 : i32
    %eq3A_593 = vector.broadcast %eq3A_592 : i32 to vector<16x256xi32>
    %eq3A_594 = arith.cmpi eq, %iota3A_186, %eq3A_593 : vector<16x256xi32>
    %broadcast_in_dim3A_595 = vector.shape_cast %broadcast_in_dim3A_586 : vector<1x256xi32> to vector<1x256xi32>
    %broadcast_in_dim3A_596 = vector.broadcast %broadcast_in_dim3A_595 : vector<1x256xi32> to vector<16x256xi32>
    %select_n3A_597 = arith.select %eq3A_594, %broadcast_in_dim3A_596, %select_n3A_551 : vector<16x256xi1>, vector<16x256xi32>
    %slice3A_598 = vector.extract_strided_slice %select_n3A_591 {offsets = [0, 0], sizes = [64, 256], strides = [1, 1]} : vector<128x256xf32> to vector<64x256xf32>
    %slice3A_599 = vector.extract_strided_slice %select_n3A_591 {offsets = [64, 0], sizes = [64, 256], strides = [1, 1]} : vector<128x256xf32> to vector<64x256xf32>
    %min3A_600 = arith.minimumf %slice3A_598, %slice3A_599 : vector<64x256xf32>
    %slice3A_601 = vector.extract_strided_slice %min3A_600 {offsets = [0, 0], sizes = [32, 256], strides = [1, 1]} : vector<64x256xf32> to vector<32x256xf32>
    %slice3A_602 = vector.extract_strided_slice %min3A_600 {offsets = [32, 0], sizes = [32, 256], strides = [1, 1]} : vector<64x256xf32> to vector<32x256xf32>
    %min3A_603 = arith.minimumf %slice3A_601, %slice3A_602 : vector<32x256xf32>
    %slice3A_604 = vector.extract_strided_slice %min3A_603 {offsets = [0, 0], sizes = [16, 256], strides = [1, 1]} : vector<32x256xf32> to vector<16x256xf32>
    %slice3A_605 = vector.extract_strided_slice %min3A_603 {offsets = [16, 0], sizes = [16, 256], strides = [1, 1]} : vector<32x256xf32> to vector<16x256xf32>
    %min3A_606 = arith.minimumf %slice3A_604, %slice3A_605 : vector<16x256xf32>
    %slice3A_607 = vector.extract_strided_slice %min3A_606 {offsets = [0, 0], sizes = [8, 256], strides = [1, 1]} : vector<16x256xf32> to vector<8x256xf32>
    %slice3A_608 = vector.extract_strided_slice %min3A_606 {offsets = [8, 0], sizes = [8, 256], strides = [1, 1]} : vector<16x256xf32> to vector<8x256xf32>
    %min3A_609 = arith.minimumf %slice3A_607, %slice3A_608 : vector<8x256xf32>
    %reduce_min3A_610 = arith.constant dense<0x7F800000> : vector<256xf32>
    %reduce_min3A_611 = vector.multi_reduction <minimumf>, %min3A_609, %reduce_min3A_610 [0] : vector<8x256xf32> to vector<256xf32>
    %broadcast_in_dim3A_612 = vector.shape_cast %reduce_min3A_611 : vector<256xf32> to vector<1x256xf32>
    %eq3A_613 = vector.broadcast %broadcast_in_dim3A_612 : vector<1x256xf32> to vector<128x256xf32>
    %eq3A_614 = arith.cmpf oeq, %select_n3A_591, %eq3A_613 : vector<128x256xf32>
    %jit3A_615 = arith.constant 128 : i32
    %broadcast_in_dim3A_616 = vector.broadcast %jit3A_615 : i32 to vector<128x256xi32>
    %select_n3A_617 = arith.select %eq3A_614, %iota3A, %broadcast_in_dim3A_616 : vector<128x256xi1>, vector<128x256xi32>
    %slice3A_618 = vector.extract_strided_slice %select_n3A_617 {offsets = [0, 0], sizes = [64, 256], strides = [1, 1]} : vector<128x256xi32> to vector<64x256xi32>
    %slice3A_619 = vector.extract_strided_slice %select_n3A_617 {offsets = [64, 0], sizes = [64, 256], strides = [1, 1]} : vector<128x256xi32> to vector<64x256xi32>
    %min3A_620 = arith.minsi %slice3A_618, %slice3A_619 : vector<64x256xi32>
    %slice3A_621 = vector.extract_strided_slice %min3A_620 {offsets = [0, 0], sizes = [32, 256], strides = [1, 1]} : vector<64x256xi32> to vector<32x256xi32>
    %slice3A_622 = vector.extract_strided_slice %min3A_620 {offsets = [32, 0], sizes = [32, 256], strides = [1, 1]} : vector<64x256xi32> to vector<32x256xi32>
    %min3A_623 = arith.minsi %slice3A_621, %slice3A_622 : vector<32x256xi32>
    %slice3A_624 = vector.extract_strided_slice %min3A_623 {offsets = [0, 0], sizes = [16, 256], strides = [1, 1]} : vector<32x256xi32> to vector<16x256xi32>
    %slice3A_625 = vector.extract_strided_slice %min3A_623 {offsets = [16, 0], sizes = [16, 256], strides = [1, 1]} : vector<32x256xi32> to vector<16x256xi32>
    %min3A_626 = arith.minsi %slice3A_624, %slice3A_625 : vector<16x256xi32>
    %slice3A_627 = vector.extract_strided_slice %min3A_626 {offsets = [0, 0], sizes = [8, 256], strides = [1, 1]} : vector<16x256xi32> to vector<8x256xi32>
    %slice3A_628 = vector.extract_strided_slice %min3A_626 {offsets = [8, 0], sizes = [8, 256], strides = [1, 1]} : vector<16x256xi32> to vector<8x256xi32>
    %min3A_629 = arith.minsi %slice3A_627, %slice3A_628 : vector<8x256xi32>
    %reduce_min3A_630 = arith.constant dense<2147483647> : vector<256xi32>
    %reduce_min3A_631 = vector.multi_reduction <minsi>, %min3A_629, %reduce_min3A_630 [0] : vector<8x256xi32> to vector<256xi32>
    %broadcast_in_dim3A_632 = vector.shape_cast %reduce_min3A_631 : vector<256xi32> to vector<1x256xi32>
    %eq3A_633 = vector.broadcast %broadcast_in_dim3A_632 : vector<1x256xi32> to vector<128x256xi32>
    %eq3A_634 = arith.cmpi eq, %iota3A, %eq3A_633 : vector<128x256xi32>
    %jit3A_635 = arith.constant 0x7F800000 : f32
    %broadcast_in_dim3A_636 = vector.broadcast %jit3A_635 : f32 to vector<128x256xf32>
    %select_n3A_637 = arith.select %eq3A_634, %broadcast_in_dim3A_636, %select_n3A_591 : vector<128x256xi1>, vector<128x256xf32>
    %eq3A_638 = arith.constant 9 : i32
    %eq3A_639 = vector.broadcast %eq3A_638 : i32 to vector<16x256xi32>
    %eq3A_640 = arith.cmpi eq, %iota3A_186, %eq3A_639 : vector<16x256xi32>
    %broadcast_in_dim3A_641 = vector.shape_cast %broadcast_in_dim3A_632 : vector<1x256xi32> to vector<1x256xi32>
    %broadcast_in_dim3A_642 = vector.broadcast %broadcast_in_dim3A_641 : vector<1x256xi32> to vector<16x256xi32>
    %select_n3A_643 = arith.select %eq3A_640, %broadcast_in_dim3A_642, %select_n3A_597 : vector<16x256xi1>, vector<16x256xi32>
    %slice3A_644 = vector.extract_strided_slice %select_n3A_637 {offsets = [0, 0], sizes = [64, 256], strides = [1, 1]} : vector<128x256xf32> to vector<64x256xf32>
    %slice3A_645 = vector.extract_strided_slice %select_n3A_637 {offsets = [64, 0], sizes = [64, 256], strides = [1, 1]} : vector<128x256xf32> to vector<64x256xf32>
    %min3A_646 = arith.minimumf %slice3A_644, %slice3A_645 : vector<64x256xf32>
    %slice3A_647 = vector.extract_strided_slice %min3A_646 {offsets = [0, 0], sizes = [32, 256], strides = [1, 1]} : vector<64x256xf32> to vector<32x256xf32>
    %slice3A_648 = vector.extract_strided_slice %min3A_646 {offsets = [32, 0], sizes = [32, 256], strides = [1, 1]} : vector<64x256xf32> to vector<32x256xf32>
    %min3A_649 = arith.minimumf %slice3A_647, %slice3A_648 : vector<32x256xf32>
    %slice3A_650 = vector.extract_strided_slice %min3A_649 {offsets = [0, 0], sizes = [16, 256], strides = [1, 1]} : vector<32x256xf32> to vector<16x256xf32>
    %slice3A_651 = vector.extract_strided_slice %min3A_649 {offsets = [16, 0], sizes = [16, 256], strides = [1, 1]} : vector<32x256xf32> to vector<16x256xf32>
    %min3A_652 = arith.minimumf %slice3A_650, %slice3A_651 : vector<16x256xf32>
    %slice3A_653 = vector.extract_strided_slice %min3A_652 {offsets = [0, 0], sizes = [8, 256], strides = [1, 1]} : vector<16x256xf32> to vector<8x256xf32>
    %slice3A_654 = vector.extract_strided_slice %min3A_652 {offsets = [8, 0], sizes = [8, 256], strides = [1, 1]} : vector<16x256xf32> to vector<8x256xf32>
    %min3A_655 = arith.minimumf %slice3A_653, %slice3A_654 : vector<8x256xf32>
    %reduce_min3A_656 = arith.constant dense<0x7F800000> : vector<256xf32>
    %reduce_min3A_657 = vector.multi_reduction <minimumf>, %min3A_655, %reduce_min3A_656 [0] : vector<8x256xf32> to vector<256xf32>
    %broadcast_in_dim3A_658 = vector.shape_cast %reduce_min3A_657 : vector<256xf32> to vector<1x256xf32>
    %eq3A_659 = vector.broadcast %broadcast_in_dim3A_658 : vector<1x256xf32> to vector<128x256xf32>
    %eq3A_660 = arith.cmpf oeq, %select_n3A_637, %eq3A_659 : vector<128x256xf32>
    %jit3A_661 = arith.constant 128 : i32
    %broadcast_in_dim3A_662 = vector.broadcast %jit3A_661 : i32 to vector<128x256xi32>
    %select_n3A_663 = arith.select %eq3A_660, %iota3A, %broadcast_in_dim3A_662 : vector<128x256xi1>, vector<128x256xi32>
    %slice3A_664 = vector.extract_strided_slice %select_n3A_663 {offsets = [0, 0], sizes = [64, 256], strides = [1, 1]} : vector<128x256xi32> to vector<64x256xi32>
    %slice3A_665 = vector.extract_strided_slice %select_n3A_663 {offsets = [64, 0], sizes = [64, 256], strides = [1, 1]} : vector<128x256xi32> to vector<64x256xi32>
    %min3A_666 = arith.minsi %slice3A_664, %slice3A_665 : vector<64x256xi32>
    %slice3A_667 = vector.extract_strided_slice %min3A_666 {offsets = [0, 0], sizes = [32, 256], strides = [1, 1]} : vector<64x256xi32> to vector<32x256xi32>
    %slice3A_668 = vector.extract_strided_slice %min3A_666 {offsets = [32, 0], sizes = [32, 256], strides = [1, 1]} : vector<64x256xi32> to vector<32x256xi32>
    %min3A_669 = arith.minsi %slice3A_667, %slice3A_668 : vector<32x256xi32>
    %slice3A_670 = vector.extract_strided_slice %min3A_669 {offsets = [0, 0], sizes = [16, 256], strides = [1, 1]} : vector<32x256xi32> to vector<16x256xi32>
    %slice3A_671 = vector.extract_strided_slice %min3A_669 {offsets = [16, 0], sizes = [16, 256], strides = [1, 1]} : vector<32x256xi32> to vector<16x256xi32>
    %min3A_672 = arith.minsi %slice3A_670, %slice3A_671 : vector<16x256xi32>
    %slice3A_673 = vector.extract_strided_slice %min3A_672 {offsets = [0, 0], sizes = [8, 256], strides = [1, 1]} : vector<16x256xi32> to vector<8x256xi32>
    %slice3A_674 = vector.extract_strided_slice %min3A_672 {offsets = [8, 0], sizes = [8, 256], strides = [1, 1]} : vector<16x256xi32> to vector<8x256xi32>
    %min3A_675 = arith.minsi %slice3A_673, %slice3A_674 : vector<8x256xi32>
    %reduce_min3A_676 = arith.constant dense<2147483647> : vector<256xi32>
    %reduce_min3A_677 = vector.multi_reduction <minsi>, %min3A_675, %reduce_min3A_676 [0] : vector<8x256xi32> to vector<256xi32>
    %broadcast_in_dim3A_678 = vector.shape_cast %reduce_min3A_677 : vector<256xi32> to vector<1x256xi32>
    %eq3A_679 = vector.broadcast %broadcast_in_dim3A_678 : vector<1x256xi32> to vector<128x256xi32>
    %eq3A_680 = arith.cmpi eq, %iota3A, %eq3A_679 : vector<128x256xi32>
    %jit3A_681 = arith.constant 0x7F800000 : f32
    %broadcast_in_dim3A_682 = vector.broadcast %jit3A_681 : f32 to vector<128x256xf32>
    %select_n3A_683 = arith.select %eq3A_680, %broadcast_in_dim3A_682, %select_n3A_637 : vector<128x256xi1>, vector<128x256xf32>
    %eq3A_684 = arith.constant 10 : i32
    %eq3A_685 = vector.broadcast %eq3A_684 : i32 to vector<16x256xi32>
    %eq3A_686 = arith.cmpi eq, %iota3A_186, %eq3A_685 : vector<16x256xi32>
    %broadcast_in_dim3A_687 = vector.shape_cast %broadcast_in_dim3A_678 : vector<1x256xi32> to vector<1x256xi32>
    %broadcast_in_dim3A_688 = vector.broadcast %broadcast_in_dim3A_687 : vector<1x256xi32> to vector<16x256xi32>
    %select_n3A_689 = arith.select %eq3A_686, %broadcast_in_dim3A_688, %select_n3A_643 : vector<16x256xi1>, vector<16x256xi32>
    %slice3A_690 = vector.extract_strided_slice %select_n3A_683 {offsets = [0, 0], sizes = [64, 256], strides = [1, 1]} : vector<128x256xf32> to vector<64x256xf32>
    %slice3A_691 = vector.extract_strided_slice %select_n3A_683 {offsets = [64, 0], sizes = [64, 256], strides = [1, 1]} : vector<128x256xf32> to vector<64x256xf32>
    %min3A_692 = arith.minimumf %slice3A_690, %slice3A_691 : vector<64x256xf32>
    %slice3A_693 = vector.extract_strided_slice %min3A_692 {offsets = [0, 0], sizes = [32, 256], strides = [1, 1]} : vector<64x256xf32> to vector<32x256xf32>
    %slice3A_694 = vector.extract_strided_slice %min3A_692 {offsets = [32, 0], sizes = [32, 256], strides = [1, 1]} : vector<64x256xf32> to vector<32x256xf32>
    %min3A_695 = arith.minimumf %slice3A_693, %slice3A_694 : vector<32x256xf32>
    %slice3A_696 = vector.extract_strided_slice %min3A_695 {offsets = [0, 0], sizes = [16, 256], strides = [1, 1]} : vector<32x256xf32> to vector<16x256xf32>
    %slice3A_697 = vector.extract_strided_slice %min3A_695 {offsets = [16, 0], sizes = [16, 256], strides = [1, 1]} : vector<32x256xf32> to vector<16x256xf32>
    %min3A_698 = arith.minimumf %slice3A_696, %slice3A_697 : vector<16x256xf32>
    %slice3A_699 = vector.extract_strided_slice %min3A_698 {offsets = [0, 0], sizes = [8, 256], strides = [1, 1]} : vector<16x256xf32> to vector<8x256xf32>
    %slice3A_700 = vector.extract_strided_slice %min3A_698 {offsets = [8, 0], sizes = [8, 256], strides = [1, 1]} : vector<16x256xf32> to vector<8x256xf32>
    %min3A_701 = arith.minimumf %slice3A_699, %slice3A_700 : vector<8x256xf32>
    %reduce_min3A_702 = arith.constant dense<0x7F800000> : vector<256xf32>
    %reduce_min3A_703 = vector.multi_reduction <minimumf>, %min3A_701, %reduce_min3A_702 [0] : vector<8x256xf32> to vector<256xf32>
    %broadcast_in_dim3A_704 = vector.shape_cast %reduce_min3A_703 : vector<256xf32> to vector<1x256xf32>
    %eq3A_705 = vector.broadcast %broadcast_in_dim3A_704 : vector<1x256xf32> to vector<128x256xf32>
    %eq3A_706 = arith.cmpf oeq, %select_n3A_683, %eq3A_705 : vector<128x256xf32>
    %jit3A_707 = arith.constant 128 : i32
    %broadcast_in_dim3A_708 = vector.broadcast %jit3A_707 : i32 to vector<128x256xi32>
    %select_n3A_709 = arith.select %eq3A_706, %iota3A, %broadcast_in_dim3A_708 : vector<128x256xi1>, vector<128x256xi32>
    %slice3A_710 = vector.extract_strided_slice %select_n3A_709 {offsets = [0, 0], sizes = [64, 256], strides = [1, 1]} : vector<128x256xi32> to vector<64x256xi32>
    %slice3A_711 = vector.extract_strided_slice %select_n3A_709 {offsets = [64, 0], sizes = [64, 256], strides = [1, 1]} : vector<128x256xi32> to vector<64x256xi32>
    %min3A_712 = arith.minsi %slice3A_710, %slice3A_711 : vector<64x256xi32>
    %slice3A_713 = vector.extract_strided_slice %min3A_712 {offsets = [0, 0], sizes = [32, 256], strides = [1, 1]} : vector<64x256xi32> to vector<32x256xi32>
    %slice3A_714 = vector.extract_strided_slice %min3A_712 {offsets = [32, 0], sizes = [32, 256], strides = [1, 1]} : vector<64x256xi32> to vector<32x256xi32>
    %min3A_715 = arith.minsi %slice3A_713, %slice3A_714 : vector<32x256xi32>
    %slice3A_716 = vector.extract_strided_slice %min3A_715 {offsets = [0, 0], sizes = [16, 256], strides = [1, 1]} : vector<32x256xi32> to vector<16x256xi32>
    %slice3A_717 = vector.extract_strided_slice %min3A_715 {offsets = [16, 0], sizes = [16, 256], strides = [1, 1]} : vector<32x256xi32> to vector<16x256xi32>
    %min3A_718 = arith.minsi %slice3A_716, %slice3A_717 : vector<16x256xi32>
    %slice3A_719 = vector.extract_strided_slice %min3A_718 {offsets = [0, 0], sizes = [8, 256], strides = [1, 1]} : vector<16x256xi32> to vector<8x256xi32>
    %slice3A_720 = vector.extract_strided_slice %min3A_718 {offsets = [8, 0], sizes = [8, 256], strides = [1, 1]} : vector<16x256xi32> to vector<8x256xi32>
    %min3A_721 = arith.minsi %slice3A_719, %slice3A_720 : vector<8x256xi32>
    %reduce_min3A_722 = arith.constant dense<2147483647> : vector<256xi32>
    %reduce_min3A_723 = vector.multi_reduction <minsi>, %min3A_721, %reduce_min3A_722 [0] : vector<8x256xi32> to vector<256xi32>
    %broadcast_in_dim3A_724 = vector.shape_cast %reduce_min3A_723 : vector<256xi32> to vector<1x256xi32>
    %eq3A_725 = vector.broadcast %broadcast_in_dim3A_724 : vector<1x256xi32> to vector<128x256xi32>
    %eq3A_726 = arith.cmpi eq, %iota3A, %eq3A_725 : vector<128x256xi32>
    %jit3A_727 = arith.constant 0x7F800000 : f32
    %broadcast_in_dim3A_728 = vector.broadcast %jit3A_727 : f32 to vector<128x256xf32>
    %select_n3A_729 = arith.select %eq3A_726, %broadcast_in_dim3A_728, %select_n3A_683 : vector<128x256xi1>, vector<128x256xf32>
    %eq3A_730 = arith.constant 11 : i32
    %eq3A_731 = vector.broadcast %eq3A_730 : i32 to vector<16x256xi32>
    %eq3A_732 = arith.cmpi eq, %iota3A_186, %eq3A_731 : vector<16x256xi32>
    %broadcast_in_dim3A_733 = vector.shape_cast %broadcast_in_dim3A_724 : vector<1x256xi32> to vector<1x256xi32>
    %broadcast_in_dim3A_734 = vector.broadcast %broadcast_in_dim3A_733 : vector<1x256xi32> to vector<16x256xi32>
    %select_n3A_735 = arith.select %eq3A_732, %broadcast_in_dim3A_734, %select_n3A_689 : vector<16x256xi1>, vector<16x256xi32>
    %slice3A_736 = vector.extract_strided_slice %select_n3A_729 {offsets = [0, 0], sizes = [64, 256], strides = [1, 1]} : vector<128x256xf32> to vector<64x256xf32>
    %slice3A_737 = vector.extract_strided_slice %select_n3A_729 {offsets = [64, 0], sizes = [64, 256], strides = [1, 1]} : vector<128x256xf32> to vector<64x256xf32>
    %min3A_738 = arith.minimumf %slice3A_736, %slice3A_737 : vector<64x256xf32>
    %slice3A_739 = vector.extract_strided_slice %min3A_738 {offsets = [0, 0], sizes = [32, 256], strides = [1, 1]} : vector<64x256xf32> to vector<32x256xf32>
    %slice3A_740 = vector.extract_strided_slice %min3A_738 {offsets = [32, 0], sizes = [32, 256], strides = [1, 1]} : vector<64x256xf32> to vector<32x256xf32>
    %min3A_741 = arith.minimumf %slice3A_739, %slice3A_740 : vector<32x256xf32>
    %slice3A_742 = vector.extract_strided_slice %min3A_741 {offsets = [0, 0], sizes = [16, 256], strides = [1, 1]} : vector<32x256xf32> to vector<16x256xf32>
    %slice3A_743 = vector.extract_strided_slice %min3A_741 {offsets = [16, 0], sizes = [16, 256], strides = [1, 1]} : vector<32x256xf32> to vector<16x256xf32>
    %min3A_744 = arith.minimumf %slice3A_742, %slice3A_743 : vector<16x256xf32>
    %slice3A_745 = vector.extract_strided_slice %min3A_744 {offsets = [0, 0], sizes = [8, 256], strides = [1, 1]} : vector<16x256xf32> to vector<8x256xf32>
    %slice3A_746 = vector.extract_strided_slice %min3A_744 {offsets = [8, 0], sizes = [8, 256], strides = [1, 1]} : vector<16x256xf32> to vector<8x256xf32>
    %min3A_747 = arith.minimumf %slice3A_745, %slice3A_746 : vector<8x256xf32>
    %reduce_min3A_748 = arith.constant dense<0x7F800000> : vector<256xf32>
    %reduce_min3A_749 = vector.multi_reduction <minimumf>, %min3A_747, %reduce_min3A_748 [0] : vector<8x256xf32> to vector<256xf32>
    %broadcast_in_dim3A_750 = vector.shape_cast %reduce_min3A_749 : vector<256xf32> to vector<1x256xf32>
    %eq3A_751 = vector.broadcast %broadcast_in_dim3A_750 : vector<1x256xf32> to vector<128x256xf32>
    %eq3A_752 = arith.cmpf oeq, %select_n3A_729, %eq3A_751 : vector<128x256xf32>
    %jit3A_753 = arith.constant 128 : i32
    %broadcast_in_dim3A_754 = vector.broadcast %jit3A_753 : i32 to vector<128x256xi32>
    %select_n3A_755 = arith.select %eq3A_752, %iota3A, %broadcast_in_dim3A_754 : vector<128x256xi1>, vector<128x256xi32>
    %slice3A_756 = vector.extract_strided_slice %select_n3A_755 {offsets = [0, 0], sizes = [64, 256], strides = [1, 1]} : vector<128x256xi32> to vector<64x256xi32>
    %slice3A_757 = vector.extract_strided_slice %select_n3A_755 {offsets = [64, 0], sizes = [64, 256], strides = [1, 1]} : vector<128x256xi32> to vector<64x256xi32>
    %min3A_758 = arith.minsi %slice3A_756, %slice3A_757 : vector<64x256xi32>
    %slice3A_759 = vector.extract_strided_slice %min3A_758 {offsets = [0, 0], sizes = [32, 256], strides = [1, 1]} : vector<64x256xi32> to vector<32x256xi32>
    %slice3A_760 = vector.extract_strided_slice %min3A_758 {offsets = [32, 0], sizes = [32, 256], strides = [1, 1]} : vector<64x256xi32> to vector<32x256xi32>
    %min3A_761 = arith.minsi %slice3A_759, %slice3A_760 : vector<32x256xi32>
    %slice3A_762 = vector.extract_strided_slice %min3A_761 {offsets = [0, 0], sizes = [16, 256], strides = [1, 1]} : vector<32x256xi32> to vector<16x256xi32>
    %slice3A_763 = vector.extract_strided_slice %min3A_761 {offsets = [16, 0], sizes = [16, 256], strides = [1, 1]} : vector<32x256xi32> to vector<16x256xi32>
    %min3A_764 = arith.minsi %slice3A_762, %slice3A_763 : vector<16x256xi32>
    %slice3A_765 = vector.extract_strided_slice %min3A_764 {offsets = [0, 0], sizes = [8, 256], strides = [1, 1]} : vector<16x256xi32> to vector<8x256xi32>
    %slice3A_766 = vector.extract_strided_slice %min3A_764 {offsets = [8, 0], sizes = [8, 256], strides = [1, 1]} : vector<16x256xi32> to vector<8x256xi32>
    %min3A_767 = arith.minsi %slice3A_765, %slice3A_766 : vector<8x256xi32>
    %reduce_min3A_768 = arith.constant dense<2147483647> : vector<256xi32>
    %reduce_min3A_769 = vector.multi_reduction <minsi>, %min3A_767, %reduce_min3A_768 [0] : vector<8x256xi32> to vector<256xi32>
    %broadcast_in_dim3A_770 = vector.shape_cast %reduce_min3A_769 : vector<256xi32> to vector<1x256xi32>
    %eq3A_771 = vector.broadcast %broadcast_in_dim3A_770 : vector<1x256xi32> to vector<128x256xi32>
    %eq3A_772 = arith.cmpi eq, %iota3A, %eq3A_771 : vector<128x256xi32>
    %jit3A_773 = arith.constant 0x7F800000 : f32
    %broadcast_in_dim3A_774 = vector.broadcast %jit3A_773 : f32 to vector<128x256xf32>
    %select_n3A_775 = arith.select %eq3A_772, %broadcast_in_dim3A_774, %select_n3A_729 : vector<128x256xi1>, vector<128x256xf32>
    %eq3A_776 = arith.constant 12 : i32
    %eq3A_777 = vector.broadcast %eq3A_776 : i32 to vector<16x256xi32>
    %eq3A_778 = arith.cmpi eq, %iota3A_186, %eq3A_777 : vector<16x256xi32>
    %broadcast_in_dim3A_779 = vector.shape_cast %broadcast_in_dim3A_770 : vector<1x256xi32> to vector<1x256xi32>
    %broadcast_in_dim3A_780 = vector.broadcast %broadcast_in_dim3A_779 : vector<1x256xi32> to vector<16x256xi32>
    %select_n3A_781 = arith.select %eq3A_778, %broadcast_in_dim3A_780, %select_n3A_735 : vector<16x256xi1>, vector<16x256xi32>
    %slice3A_782 = vector.extract_strided_slice %select_n3A_775 {offsets = [0, 0], sizes = [64, 256], strides = [1, 1]} : vector<128x256xf32> to vector<64x256xf32>
    %slice3A_783 = vector.extract_strided_slice %select_n3A_775 {offsets = [64, 0], sizes = [64, 256], strides = [1, 1]} : vector<128x256xf32> to vector<64x256xf32>
    %min3A_784 = arith.minimumf %slice3A_782, %slice3A_783 : vector<64x256xf32>
    %slice3A_785 = vector.extract_strided_slice %min3A_784 {offsets = [0, 0], sizes = [32, 256], strides = [1, 1]} : vector<64x256xf32> to vector<32x256xf32>
    %slice3A_786 = vector.extract_strided_slice %min3A_784 {offsets = [32, 0], sizes = [32, 256], strides = [1, 1]} : vector<64x256xf32> to vector<32x256xf32>
    %min3A_787 = arith.minimumf %slice3A_785, %slice3A_786 : vector<32x256xf32>
    %slice3A_788 = vector.extract_strided_slice %min3A_787 {offsets = [0, 0], sizes = [16, 256], strides = [1, 1]} : vector<32x256xf32> to vector<16x256xf32>
    %slice3A_789 = vector.extract_strided_slice %min3A_787 {offsets = [16, 0], sizes = [16, 256], strides = [1, 1]} : vector<32x256xf32> to vector<16x256xf32>
    %min3A_790 = arith.minimumf %slice3A_788, %slice3A_789 : vector<16x256xf32>
    %slice3A_791 = vector.extract_strided_slice %min3A_790 {offsets = [0, 0], sizes = [8, 256], strides = [1, 1]} : vector<16x256xf32> to vector<8x256xf32>
    %slice3A_792 = vector.extract_strided_slice %min3A_790 {offsets = [8, 0], sizes = [8, 256], strides = [1, 1]} : vector<16x256xf32> to vector<8x256xf32>
    %min3A_793 = arith.minimumf %slice3A_791, %slice3A_792 : vector<8x256xf32>
    %reduce_min3A_794 = arith.constant dense<0x7F800000> : vector<256xf32>
    %reduce_min3A_795 = vector.multi_reduction <minimumf>, %min3A_793, %reduce_min3A_794 [0] : vector<8x256xf32> to vector<256xf32>
    %broadcast_in_dim3A_796 = vector.shape_cast %reduce_min3A_795 : vector<256xf32> to vector<1x256xf32>
    %eq3A_797 = vector.broadcast %broadcast_in_dim3A_796 : vector<1x256xf32> to vector<128x256xf32>
    %eq3A_798 = arith.cmpf oeq, %select_n3A_775, %eq3A_797 : vector<128x256xf32>
    %jit3A_799 = arith.constant 128 : i32
    %broadcast_in_dim3A_800 = vector.broadcast %jit3A_799 : i32 to vector<128x256xi32>
    %select_n3A_801 = arith.select %eq3A_798, %iota3A, %broadcast_in_dim3A_800 : vector<128x256xi1>, vector<128x256xi32>
    %slice3A_802 = vector.extract_strided_slice %select_n3A_801 {offsets = [0, 0], sizes = [64, 256], strides = [1, 1]} : vector<128x256xi32> to vector<64x256xi32>
    %slice3A_803 = vector.extract_strided_slice %select_n3A_801 {offsets = [64, 0], sizes = [64, 256], strides = [1, 1]} : vector<128x256xi32> to vector<64x256xi32>
    %min3A_804 = arith.minsi %slice3A_802, %slice3A_803 : vector<64x256xi32>
    %slice3A_805 = vector.extract_strided_slice %min3A_804 {offsets = [0, 0], sizes = [32, 256], strides = [1, 1]} : vector<64x256xi32> to vector<32x256xi32>
    %slice3A_806 = vector.extract_strided_slice %min3A_804 {offsets = [32, 0], sizes = [32, 256], strides = [1, 1]} : vector<64x256xi32> to vector<32x256xi32>
    %min3A_807 = arith.minsi %slice3A_805, %slice3A_806 : vector<32x256xi32>
    %slice3A_808 = vector.extract_strided_slice %min3A_807 {offsets = [0, 0], sizes = [16, 256], strides = [1, 1]} : vector<32x256xi32> to vector<16x256xi32>
    %slice3A_809 = vector.extract_strided_slice %min3A_807 {offsets = [16, 0], sizes = [16, 256], strides = [1, 1]} : vector<32x256xi32> to vector<16x256xi32>
    %min3A_810 = arith.minsi %slice3A_808, %slice3A_809 : vector<16x256xi32>
    %slice3A_811 = vector.extract_strided_slice %min3A_810 {offsets = [0, 0], sizes = [8, 256], strides = [1, 1]} : vector<16x256xi32> to vector<8x256xi32>
    %slice3A_812 = vector.extract_strided_slice %min3A_810 {offsets = [8, 0], sizes = [8, 256], strides = [1, 1]} : vector<16x256xi32> to vector<8x256xi32>
    %min3A_813 = arith.minsi %slice3A_811, %slice3A_812 : vector<8x256xi32>
    %reduce_min3A_814 = arith.constant dense<2147483647> : vector<256xi32>
    %reduce_min3A_815 = vector.multi_reduction <minsi>, %min3A_813, %reduce_min3A_814 [0] : vector<8x256xi32> to vector<256xi32>
    %broadcast_in_dim3A_816 = vector.shape_cast %reduce_min3A_815 : vector<256xi32> to vector<1x256xi32>
    %eq3A_817 = vector.broadcast %broadcast_in_dim3A_816 : vector<1x256xi32> to vector<128x256xi32>
    %eq3A_818 = arith.cmpi eq, %iota3A, %eq3A_817 : vector<128x256xi32>
    %jit3A_819 = arith.constant 0x7F800000 : f32
    %broadcast_in_dim3A_820 = vector.broadcast %jit3A_819 : f32 to vector<128x256xf32>
    %select_n3A_821 = arith.select %eq3A_818, %broadcast_in_dim3A_820, %select_n3A_775 : vector<128x256xi1>, vector<128x256xf32>
    %eq3A_822 = arith.constant 13 : i32
    %eq3A_823 = vector.broadcast %eq3A_822 : i32 to vector<16x256xi32>
    %eq3A_824 = arith.cmpi eq, %iota3A_186, %eq3A_823 : vector<16x256xi32>
    %broadcast_in_dim3A_825 = vector.shape_cast %broadcast_in_dim3A_816 : vector<1x256xi32> to vector<1x256xi32>
    %broadcast_in_dim3A_826 = vector.broadcast %broadcast_in_dim3A_825 : vector<1x256xi32> to vector<16x256xi32>
    %select_n3A_827 = arith.select %eq3A_824, %broadcast_in_dim3A_826, %select_n3A_781 : vector<16x256xi1>, vector<16x256xi32>
    %slice3A_828 = vector.extract_strided_slice %select_n3A_821 {offsets = [0, 0], sizes = [64, 256], strides = [1, 1]} : vector<128x256xf32> to vector<64x256xf32>
    %slice3A_829 = vector.extract_strided_slice %select_n3A_821 {offsets = [64, 0], sizes = [64, 256], strides = [1, 1]} : vector<128x256xf32> to vector<64x256xf32>
    %min3A_830 = arith.minimumf %slice3A_828, %slice3A_829 : vector<64x256xf32>
    %slice3A_831 = vector.extract_strided_slice %min3A_830 {offsets = [0, 0], sizes = [32, 256], strides = [1, 1]} : vector<64x256xf32> to vector<32x256xf32>
    %slice3A_832 = vector.extract_strided_slice %min3A_830 {offsets = [32, 0], sizes = [32, 256], strides = [1, 1]} : vector<64x256xf32> to vector<32x256xf32>
    %min3A_833 = arith.minimumf %slice3A_831, %slice3A_832 : vector<32x256xf32>
    %slice3A_834 = vector.extract_strided_slice %min3A_833 {offsets = [0, 0], sizes = [16, 256], strides = [1, 1]} : vector<32x256xf32> to vector<16x256xf32>
    %slice3A_835 = vector.extract_strided_slice %min3A_833 {offsets = [16, 0], sizes = [16, 256], strides = [1, 1]} : vector<32x256xf32> to vector<16x256xf32>
    %min3A_836 = arith.minimumf %slice3A_834, %slice3A_835 : vector<16x256xf32>
    %slice3A_837 = vector.extract_strided_slice %min3A_836 {offsets = [0, 0], sizes = [8, 256], strides = [1, 1]} : vector<16x256xf32> to vector<8x256xf32>
    %slice3A_838 = vector.extract_strided_slice %min3A_836 {offsets = [8, 0], sizes = [8, 256], strides = [1, 1]} : vector<16x256xf32> to vector<8x256xf32>
    %min3A_839 = arith.minimumf %slice3A_837, %slice3A_838 : vector<8x256xf32>
    %reduce_min3A_840 = arith.constant dense<0x7F800000> : vector<256xf32>
    %reduce_min3A_841 = vector.multi_reduction <minimumf>, %min3A_839, %reduce_min3A_840 [0] : vector<8x256xf32> to vector<256xf32>
    %broadcast_in_dim3A_842 = vector.shape_cast %reduce_min3A_841 : vector<256xf32> to vector<1x256xf32>
    %eq3A_843 = vector.broadcast %broadcast_in_dim3A_842 : vector<1x256xf32> to vector<128x256xf32>
    %eq3A_844 = arith.cmpf oeq, %select_n3A_821, %eq3A_843 : vector<128x256xf32>
    %jit3A_845 = arith.constant 128 : i32
    %broadcast_in_dim3A_846 = vector.broadcast %jit3A_845 : i32 to vector<128x256xi32>
    %select_n3A_847 = arith.select %eq3A_844, %iota3A, %broadcast_in_dim3A_846 : vector<128x256xi1>, vector<128x256xi32>
    %slice3A_848 = vector.extract_strided_slice %select_n3A_847 {offsets = [0, 0], sizes = [64, 256], strides = [1, 1]} : vector<128x256xi32> to vector<64x256xi32>
    %slice3A_849 = vector.extract_strided_slice %select_n3A_847 {offsets = [64, 0], sizes = [64, 256], strides = [1, 1]} : vector<128x256xi32> to vector<64x256xi32>
    %min3A_850 = arith.minsi %slice3A_848, %slice3A_849 : vector<64x256xi32>
    %slice3A_851 = vector.extract_strided_slice %min3A_850 {offsets = [0, 0], sizes = [32, 256], strides = [1, 1]} : vector<64x256xi32> to vector<32x256xi32>
    %slice3A_852 = vector.extract_strided_slice %min3A_850 {offsets = [32, 0], sizes = [32, 256], strides = [1, 1]} : vector<64x256xi32> to vector<32x256xi32>
    %min3A_853 = arith.minsi %slice3A_851, %slice3A_852 : vector<32x256xi32>
    %slice3A_854 = vector.extract_strided_slice %min3A_853 {offsets = [0, 0], sizes = [16, 256], strides = [1, 1]} : vector<32x256xi32> to vector<16x256xi32>
    %slice3A_855 = vector.extract_strided_slice %min3A_853 {offsets = [16, 0], sizes = [16, 256], strides = [1, 1]} : vector<32x256xi32> to vector<16x256xi32>
    %min3A_856 = arith.minsi %slice3A_854, %slice3A_855 : vector<16x256xi32>
    %slice3A_857 = vector.extract_strided_slice %min3A_856 {offsets = [0, 0], sizes = [8, 256], strides = [1, 1]} : vector<16x256xi32> to vector<8x256xi32>
    %slice3A_858 = vector.extract_strided_slice %min3A_856 {offsets = [8, 0], sizes = [8, 256], strides = [1, 1]} : vector<16x256xi32> to vector<8x256xi32>
    %min3A_859 = arith.minsi %slice3A_857, %slice3A_858 : vector<8x256xi32>
    %reduce_min3A_860 = arith.constant dense<2147483647> : vector<256xi32>
    %reduce_min3A_861 = vector.multi_reduction <minsi>, %min3A_859, %reduce_min3A_860 [0] : vector<8x256xi32> to vector<256xi32>
    %broadcast_in_dim3A_862 = vector.shape_cast %reduce_min3A_861 : vector<256xi32> to vector<1x256xi32>
    %eq3A_863 = vector.broadcast %broadcast_in_dim3A_862 : vector<1x256xi32> to vector<128x256xi32>
    %eq3A_864 = arith.cmpi eq, %iota3A, %eq3A_863 : vector<128x256xi32>
    %jit3A_865 = arith.constant 0x7F800000 : f32
    %broadcast_in_dim3A_866 = vector.broadcast %jit3A_865 : f32 to vector<128x256xf32>
    %select_n3A_867 = arith.select %eq3A_864, %broadcast_in_dim3A_866, %select_n3A_821 : vector<128x256xi1>, vector<128x256xf32>
    %eq3A_868 = arith.constant 14 : i32
    %eq3A_869 = vector.broadcast %eq3A_868 : i32 to vector<16x256xi32>
    %eq3A_870 = arith.cmpi eq, %iota3A_186, %eq3A_869 : vector<16x256xi32>
    %broadcast_in_dim3A_871 = vector.shape_cast %broadcast_in_dim3A_862 : vector<1x256xi32> to vector<1x256xi32>
    %broadcast_in_dim3A_872 = vector.broadcast %broadcast_in_dim3A_871 : vector<1x256xi32> to vector<16x256xi32>
    %select_n3A_873 = arith.select %eq3A_870, %broadcast_in_dim3A_872, %select_n3A_827 : vector<16x256xi1>, vector<16x256xi32>
    %slice3A_874 = vector.extract_strided_slice %select_n3A_867 {offsets = [0, 0], sizes = [64, 256], strides = [1, 1]} : vector<128x256xf32> to vector<64x256xf32>
    %slice3A_875 = vector.extract_strided_slice %select_n3A_867 {offsets = [64, 0], sizes = [64, 256], strides = [1, 1]} : vector<128x256xf32> to vector<64x256xf32>
    %min3A_876 = arith.minimumf %slice3A_874, %slice3A_875 : vector<64x256xf32>
    %slice3A_877 = vector.extract_strided_slice %min3A_876 {offsets = [0, 0], sizes = [32, 256], strides = [1, 1]} : vector<64x256xf32> to vector<32x256xf32>
    %slice3A_878 = vector.extract_strided_slice %min3A_876 {offsets = [32, 0], sizes = [32, 256], strides = [1, 1]} : vector<64x256xf32> to vector<32x256xf32>
    %min3A_879 = arith.minimumf %slice3A_877, %slice3A_878 : vector<32x256xf32>
    %slice3A_880 = vector.extract_strided_slice %min3A_879 {offsets = [0, 0], sizes = [16, 256], strides = [1, 1]} : vector<32x256xf32> to vector<16x256xf32>
    %slice3A_881 = vector.extract_strided_slice %min3A_879 {offsets = [16, 0], sizes = [16, 256], strides = [1, 1]} : vector<32x256xf32> to vector<16x256xf32>
    %min3A_882 = arith.minimumf %slice3A_880, %slice3A_881 : vector<16x256xf32>
    %slice3A_883 = vector.extract_strided_slice %min3A_882 {offsets = [0, 0], sizes = [8, 256], strides = [1, 1]} : vector<16x256xf32> to vector<8x256xf32>
    %slice3A_884 = vector.extract_strided_slice %min3A_882 {offsets = [8, 0], sizes = [8, 256], strides = [1, 1]} : vector<16x256xf32> to vector<8x256xf32>
    %min3A_885 = arith.minimumf %slice3A_883, %slice3A_884 : vector<8x256xf32>
    %reduce_min3A_886 = arith.constant dense<0x7F800000> : vector<256xf32>
    %reduce_min3A_887 = vector.multi_reduction <minimumf>, %min3A_885, %reduce_min3A_886 [0] : vector<8x256xf32> to vector<256xf32>
    %broadcast_in_dim3A_888 = vector.shape_cast %reduce_min3A_887 : vector<256xf32> to vector<1x256xf32>
    %eq3A_889 = vector.broadcast %broadcast_in_dim3A_888 : vector<1x256xf32> to vector<128x256xf32>
    %eq3A_890 = arith.cmpf oeq, %select_n3A_867, %eq3A_889 : vector<128x256xf32>
    %jit3A_891 = arith.constant 128 : i32
    %broadcast_in_dim3A_892 = vector.broadcast %jit3A_891 : i32 to vector<128x256xi32>
    %select_n3A_893 = arith.select %eq3A_890, %iota3A, %broadcast_in_dim3A_892 : vector<128x256xi1>, vector<128x256xi32>
    %slice3A_894 = vector.extract_strided_slice %select_n3A_893 {offsets = [0, 0], sizes = [64, 256], strides = [1, 1]} : vector<128x256xi32> to vector<64x256xi32>
    %slice3A_895 = vector.extract_strided_slice %select_n3A_893 {offsets = [64, 0], sizes = [64, 256], strides = [1, 1]} : vector<128x256xi32> to vector<64x256xi32>
    %min3A_896 = arith.minsi %slice3A_894, %slice3A_895 : vector<64x256xi32>
    %slice3A_897 = vector.extract_strided_slice %min3A_896 {offsets = [0, 0], sizes = [32, 256], strides = [1, 1]} : vector<64x256xi32> to vector<32x256xi32>
    %slice3A_898 = vector.extract_strided_slice %min3A_896 {offsets = [32, 0], sizes = [32, 256], strides = [1, 1]} : vector<64x256xi32> to vector<32x256xi32>
    %min3A_899 = arith.minsi %slice3A_897, %slice3A_898 : vector<32x256xi32>
    %slice3A_900 = vector.extract_strided_slice %min3A_899 {offsets = [0, 0], sizes = [16, 256], strides = [1, 1]} : vector<32x256xi32> to vector<16x256xi32>
    %slice3A_901 = vector.extract_strided_slice %min3A_899 {offsets = [16, 0], sizes = [16, 256], strides = [1, 1]} : vector<32x256xi32> to vector<16x256xi32>
    %min3A_902 = arith.minsi %slice3A_900, %slice3A_901 : vector<16x256xi32>
    %slice3A_903 = vector.extract_strided_slice %min3A_902 {offsets = [0, 0], sizes = [8, 256], strides = [1, 1]} : vector<16x256xi32> to vector<8x256xi32>
    %slice3A_904 = vector.extract_strided_slice %min3A_902 {offsets = [8, 0], sizes = [8, 256], strides = [1, 1]} : vector<16x256xi32> to vector<8x256xi32>
    %min3A_905 = arith.minsi %slice3A_903, %slice3A_904 : vector<8x256xi32>
    %reduce_min3A_906 = arith.constant dense<2147483647> : vector<256xi32>
    %reduce_min3A_907 = vector.multi_reduction <minsi>, %min3A_905, %reduce_min3A_906 [0] : vector<8x256xi32> to vector<256xi32>
    %broadcast_in_dim3A_908 = vector.shape_cast %reduce_min3A_907 : vector<256xi32> to vector<1x256xi32>
    %eq3A_909 = arith.constant 15 : i32
    %eq3A_910 = vector.broadcast %eq3A_909 : i32 to vector<16x256xi32>
    %eq3A_911 = arith.cmpi eq, %iota3A_186, %eq3A_910 : vector<16x256xi32>
    %broadcast_in_dim3A_912 = vector.shape_cast %broadcast_in_dim3A_908 : vector<1x256xi32> to vector<1x256xi32>
    %broadcast_in_dim3A_913 = vector.broadcast %broadcast_in_dim3A_912 : vector<1x256xi32> to vector<16x256xi32>
    %select_n3A_914 = arith.select %eq3A_911, %broadcast_in_dim3A_913, %select_n3A_873 : vector<16x256xi1>, vector<16x256xi32>
    %transpose3A_915 = tpu.transpose %select_n3A_914, [1, 0] : vector<16x256xi32> -> vector<256x16xi32>
    %iota3A_916 = tpu.iota {dimensions = array<i32: 1>} : vector<256x1280xi32>
    %and3A = arith.constant 15 : i32
    %and3A_917 = vector.broadcast %and3A : i32 to vector<256x1280xi32>
    %and3A_918 = arith.andi %iota3A_916, %and3A_917 : vector<256x1280xi32>
    %lt3A = arith.constant 0 : i32
    %lt3A_919 = vector.broadcast %lt3A : i32 to vector<256x1280xi32>
    %lt3A_920 = arith.cmpi slt, %and3A_918, %lt3A_919 : vector<256x1280xi32>
    %add3A_921 = arith.constant 16 : i32
    %add3A_922 = vector.broadcast %add3A_921 : i32 to vector<256x1280xi32>
    %add3A_923 = arith.addi %and3A_918, %add3A_922 : vector<256x1280xi32>
    %select_n3A_924 = arith.select %lt3A_920, %add3A_923, %and3A_918 : vector<256x1280xi1>, vector<256x1280xi32>
    %reshape3A = vector.shape_cast %select_n3A_924 : vector<256x1280xi32> to vector<256x1280x1xi32>
    %gather3A = vector.shape_cast %reshape3A : vector<256x1280x1xi32> to vector<256x1280xi32>
    %gather3A_925 = tpu.dynamic_gather %transpose3A_915[%gather3A] in [1] : vector<256x16xi32>, vector<256x1280xi32> -> vector<256x1280xi32>
    %shift_right_arithmetic3A = arith.constant 4 : i32
    %shift_right_arithmetic3A_926 = vector.broadcast %shift_right_arithmetic3A : i32 to vector<256x1280xi32>
    %shift_right_arithmetic3A_927 = arith.shrsi %iota3A_916, %shift_right_arithmetic3A_926 : vector<256x1280xi32>
    %shift_left3A = arith.constant 7 : i32
    %shift_left3A_928 = vector.broadcast %shift_left3A : i32 to vector<256x1280xi32>
    %shift_left3A_929 = arith.shli %shift_right_arithmetic3A_927, %shift_left3A_928 : vector<256x1280xi32>
    %add3A_930 = arith.addi %shift_left3A_929, %gather3A_925 : vector<256x1280xi32>
    %slice3A_931 = vector.extract_strided_slice %sub3A {offsets = [0, 0], sizes = [256, 128], strides = [1, 1]} : vector<256x10240xf32> to vector<256x128xf32>
    %lt3A_932 = arith.constant 0 : i32
    %lt3A_933 = vector.broadcast %lt3A_932 : i32 to vector<256x16xi32>
    %lt3A_934 = arith.cmpi slt, %transpose3A_915, %lt3A_933 : vector<256x16xi32>
    %add3A_935 = arith.constant 128 : i32
    %add3A_936 = vector.broadcast %add3A_935 : i32 to vector<256x16xi32>
    %add3A_937 = arith.addi %transpose3A_915, %add3A_936 : vector<256x16xi32>
    %select_n3A_938 = arith.select %lt3A_934, %add3A_937, %transpose3A_915 : vector<256x16xi1>, vector<256x16xi32>
    %reshape3A_939 = vector.shape_cast %select_n3A_938 : vector<256x16xi32> to vector<256x16x1xi32>
    %gather3A_940 = vector.shape_cast %reshape3A_939 : vector<256x16x1xi32> to vector<256x16xi32>
    %gather3A_941 = tpu.dynamic_gather %slice3A_931[%gather3A_940] in [1] : vector<256x128xf32>, vector<256x16xi32> -> vector<256x16xf32>
    %slice3A_942 = vector.extract_strided_slice %sub3A {offsets = [0, 128], sizes = [256, 128], strides = [1, 1]} : vector<256x10240xf32> to vector<256x128xf32>
    %lt3A_943 = arith.constant 0 : i32
    %lt3A_944 = vector.broadcast %lt3A_943 : i32 to vector<256x16xi32>
    %lt3A_945 = arith.cmpi slt, %transpose3A_915, %lt3A_944 : vector<256x16xi32>
    %add3A_946 = arith.constant 128 : i32
    %add3A_947 = vector.broadcast %add3A_946 : i32 to vector<256x16xi32>
    %add3A_948 = arith.addi %transpose3A_915, %add3A_947 : vector<256x16xi32>
    %select_n3A_949 = arith.select %lt3A_945, %add3A_948, %transpose3A_915 : vector<256x16xi1>, vector<256x16xi32>
    %reshape3A_950 = vector.shape_cast %select_n3A_949 : vector<256x16xi32> to vector<256x16x1xi32>
    %gather3A_951 = vector.shape_cast %reshape3A_950 : vector<256x16x1xi32> to vector<256x16xi32>
    %gather3A_952 = tpu.dynamic_gather %slice3A_942[%gather3A_951] in [1] : vector<256x128xf32>, vector<256x16xi32> -> vector<256x16xf32>
    %slice3A_953 = vector.extract_strided_slice %sub3A {offsets = [0, 256], sizes = [256, 128], strides = [1, 1]} : vector<256x10240xf32> to vector<256x128xf32>
    %lt3A_954 = arith.constant 0 : i32
    %lt3A_955 = vector.broadcast %lt3A_954 : i32 to vector<256x16xi32>
    %lt3A_956 = arith.cmpi slt, %transpose3A_915, %lt3A_955 : vector<256x16xi32>
    %add3A_957 = arith.constant 128 : i32
    %add3A_958 = vector.broadcast %add3A_957 : i32 to vector<256x16xi32>
    %add3A_959 = arith.addi %transpose3A_915, %add3A_958 : vector<256x16xi32>
    %select_n3A_960 = arith.select %lt3A_956, %add3A_959, %transpose3A_915 : vector<256x16xi1>, vector<256x16xi32>
    %reshape3A_961 = vector.shape_cast %select_n3A_960 : vector<256x16xi32> to vector<256x16x1xi32>
    %gather3A_962 = vector.shape_cast %reshape3A_961 : vector<256x16x1xi32> to vector<256x16xi32>
    %gather3A_963 = tpu.dynamic_gather %slice3A_953[%gather3A_962] in [1] : vector<256x128xf32>, vector<256x16xi32> -> vector<256x16xf32>
    %slice3A_964 = vector.extract_strided_slice %sub3A {offsets = [0, 384], sizes = [256, 128], strides = [1, 1]} : vector<256x10240xf32> to vector<256x128xf32>
    %lt3A_965 = arith.constant 0 : i32
    %lt3A_966 = vector.broadcast %lt3A_965 : i32 to vector<256x16xi32>
    %lt3A_967 = arith.cmpi slt, %transpose3A_915, %lt3A_966 : vector<256x16xi32>
    %add3A_968 = arith.constant 128 : i32
    %add3A_969 = vector.broadcast %add3A_968 : i32 to vector<256x16xi32>
    %add3A_970 = arith.addi %transpose3A_915, %add3A_969 : vector<256x16xi32>
    %select_n3A_971 = arith.select %lt3A_967, %add3A_970, %transpose3A_915 : vector<256x16xi1>, vector<256x16xi32>
    %reshape3A_972 = vector.shape_cast %select_n3A_971 : vector<256x16xi32> to vector<256x16x1xi32>
    %gather3A_973 = vector.shape_cast %reshape3A_972 : vector<256x16x1xi32> to vector<256x16xi32>
    %gather3A_974 = tpu.dynamic_gather %slice3A_964[%gather3A_973] in [1] : vector<256x128xf32>, vector<256x16xi32> -> vector<256x16xf32>
    %slice3A_975 = vector.extract_strided_slice %sub3A {offsets = [0, 512], sizes = [256, 128], strides = [1, 1]} : vector<256x10240xf32> to vector<256x128xf32>
    %lt3A_976 = arith.constant 0 : i32
    %lt3A_977 = vector.broadcast %lt3A_976 : i32 to vector<256x16xi32>
    %lt3A_978 = arith.cmpi slt, %transpose3A_915, %lt3A_977 : vector<256x16xi32>
    %add3A_979 = arith.constant 128 : i32
    %add3A_980 = vector.broadcast %add3A_979 : i32 to vector<256x16xi32>
    %add3A_981 = arith.addi %transpose3A_915, %add3A_980 : vector<256x16xi32>
    %select_n3A_982 = arith.select %lt3A_978, %add3A_981, %transpose3A_915 : vector<256x16xi1>, vector<256x16xi32>
    %reshape3A_983 = vector.shape_cast %select_n3A_982 : vector<256x16xi32> to vector<256x16x1xi32>
    %gather3A_984 = vector.shape_cast %reshape3A_983 : vector<256x16x1xi32> to vector<256x16xi32>
    %gather3A_985 = tpu.dynamic_gather %slice3A_975[%gather3A_984] in [1] : vector<256x128xf32>, vector<256x16xi32> -> vector<256x16xf32>
    %slice3A_986 = vector.extract_strided_slice %sub3A {offsets = [0, 640], sizes = [256, 128], strides = [1, 1]} : vector<256x10240xf32> to vector<256x128xf32>
    %lt3A_987 = arith.constant 0 : i32
    %lt3A_988 = vector.broadcast %lt3A_987 : i32 to vector<256x16xi32>
    %lt3A_989 = arith.cmpi slt, %transpose3A_915, %lt3A_988 : vector<256x16xi32>
    %add3A_990 = arith.constant 128 : i32
    %add3A_991 = vector.broadcast %add3A_990 : i32 to vector<256x16xi32>
    %add3A_992 = arith.addi %transpose3A_915, %add3A_991 : vector<256x16xi32>
    %select_n3A_993 = arith.select %lt3A_989, %add3A_992, %transpose3A_915 : vector<256x16xi1>, vector<256x16xi32>
    %reshape3A_994 = vector.shape_cast %select_n3A_993 : vector<256x16xi32> to vector<256x16x1xi32>
    %gather3A_995 = vector.shape_cast %reshape3A_994 : vector<256x16x1xi32> to vector<256x16xi32>
    %gather3A_996 = tpu.dynamic_gather %slice3A_986[%gather3A_995] in [1] : vector<256x128xf32>, vector<256x16xi32> -> vector<256x16xf32>
    %slice3A_997 = vector.extract_strided_slice %sub3A {offsets = [0, 768], sizes = [256, 128], strides = [1, 1]} : vector<256x10240xf32> to vector<256x128xf32>
    %lt3A_998 = arith.constant 0 : i32
    %lt3A_999 = vector.broadcast %lt3A_998 : i32 to vector<256x16xi32>
    %lt3A_1000 = arith.cmpi slt, %transpose3A_915, %lt3A_999 : vector<256x16xi32>
    %add3A_1001 = arith.constant 128 : i32
    %add3A_1002 = vector.broadcast %add3A_1001 : i32 to vector<256x16xi32>
    %add3A_1003 = arith.addi %transpose3A_915, %add3A_1002 : vector<256x16xi32>
    %select_n3A_1004 = arith.select %lt3A_1000, %add3A_1003, %transpose3A_915 : vector<256x16xi1>, vector<256x16xi32>
    %reshape3A_1005 = vector.shape_cast %select_n3A_1004 : vector<256x16xi32> to vector<256x16x1xi32>
    %gather3A_1006 = vector.shape_cast %reshape3A_1005 : vector<256x16x1xi32> to vector<256x16xi32>
    %gather3A_1007 = tpu.dynamic_gather %slice3A_997[%gather3A_1006] in [1] : vector<256x128xf32>, vector<256x16xi32> -> vector<256x16xf32>
    %slice3A_1008 = vector.extract_strided_slice %sub3A {offsets = [0, 896], sizes = [256, 128], strides = [1, 1]} : vector<256x10240xf32> to vector<256x128xf32>
    %lt3A_1009 = arith.constant 0 : i32
    %lt3A_1010 = vector.broadcast %lt3A_1009 : i32 to vector<256x16xi32>
    %lt3A_1011 = arith.cmpi slt, %transpose3A_915, %lt3A_1010 : vector<256x16xi32>
    %add3A_1012 = arith.constant 128 : i32
    %add3A_1013 = vector.broadcast %add3A_1012 : i32 to vector<256x16xi32>
    %add3A_1014 = arith.addi %transpose3A_915, %add3A_1013 : vector<256x16xi32>
    %select_n3A_1015 = arith.select %lt3A_1011, %add3A_1014, %transpose3A_915 : vector<256x16xi1>, vector<256x16xi32>
    %reshape3A_1016 = vector.shape_cast %select_n3A_1015 : vector<256x16xi32> to vector<256x16x1xi32>
    %gather3A_1017 = vector.shape_cast %reshape3A_1016 : vector<256x16x1xi32> to vector<256x16xi32>
    %gather3A_1018 = tpu.dynamic_gather %slice3A_1008[%gather3A_1017] in [1] : vector<256x128xf32>, vector<256x16xi32> -> vector<256x16xf32>
    %slice3A_1019 = vector.extract_strided_slice %sub3A {offsets = [0, 1024], sizes = [256, 128], strides = [1, 1]} : vector<256x10240xf32> to vector<256x128xf32>
    %lt3A_1020 = arith.constant 0 : i32
    %lt3A_1021 = vector.broadcast %lt3A_1020 : i32 to vector<256x16xi32>
    %lt3A_1022 = arith.cmpi slt, %transpose3A_915, %lt3A_1021 : vector<256x16xi32>
    %add3A_1023 = arith.constant 128 : i32
    %add3A_1024 = vector.broadcast %add3A_1023 : i32 to vector<256x16xi32>
    %add3A_1025 = arith.addi %transpose3A_915, %add3A_1024 : vector<256x16xi32>
    %select_n3A_1026 = arith.select %lt3A_1022, %add3A_1025, %transpose3A_915 : vector<256x16xi1>, vector<256x16xi32>
    %reshape3A_1027 = vector.shape_cast %select_n3A_1026 : vector<256x16xi32> to vector<256x16x1xi32>
    %gather3A_1028 = vector.shape_cast %reshape3A_1027 : vector<256x16x1xi32> to vector<256x16xi32>
    %gather3A_1029 = tpu.dynamic_gather %slice3A_1019[%gather3A_1028] in [1] : vector<256x128xf32>, vector<256x16xi32> -> vector<256x16xf32>
    %slice3A_1030 = vector.extract_strided_slice %sub3A {offsets = [0, 1152], sizes = [256, 128], strides = [1, 1]} : vector<256x10240xf32> to vector<256x128xf32>
    %lt3A_1031 = arith.constant 0 : i32
    %lt3A_1032 = vector.broadcast %lt3A_1031 : i32 to vector<256x16xi32>
    %lt3A_1033 = arith.cmpi slt, %transpose3A_915, %lt3A_1032 : vector<256x16xi32>
    %add3A_1034 = arith.constant 128 : i32
    %add3A_1035 = vector.broadcast %add3A_1034 : i32 to vector<256x16xi32>
    %add3A_1036 = arith.addi %transpose3A_915, %add3A_1035 : vector<256x16xi32>
    %select_n3A_1037 = arith.select %lt3A_1033, %add3A_1036, %transpose3A_915 : vector<256x16xi1>, vector<256x16xi32>
    %reshape3A_1038 = vector.shape_cast %select_n3A_1037 : vector<256x16xi32> to vector<256x16x1xi32>
    %gather3A_1039 = vector.shape_cast %reshape3A_1038 : vector<256x16x1xi32> to vector<256x16xi32>
    %gather3A_1040 = tpu.dynamic_gather %slice3A_1030[%gather3A_1039] in [1] : vector<256x128xf32>, vector<256x16xi32> -> vector<256x16xf32>
    %slice3A_1041 = vector.extract_strided_slice %sub3A {offsets = [0, 1280], sizes = [256, 128], strides = [1, 1]} : vector<256x10240xf32> to vector<256x128xf32>
    %lt3A_1042 = arith.constant 0 : i32
    %lt3A_1043 = vector.broadcast %lt3A_1042 : i32 to vector<256x16xi32>
    %lt3A_1044 = arith.cmpi slt, %transpose3A_915, %lt3A_1043 : vector<256x16xi32>
    %add3A_1045 = arith.constant 128 : i32
    %add3A_1046 = vector.broadcast %add3A_1045 : i32 to vector<256x16xi32>
    %add3A_1047 = arith.addi %transpose3A_915, %add3A_1046 : vector<256x16xi32>
    %select_n3A_1048 = arith.select %lt3A_1044, %add3A_1047, %transpose3A_915 : vector<256x16xi1>, vector<256x16xi32>
    %reshape3A_1049 = vector.shape_cast %select_n3A_1048 : vector<256x16xi32> to vector<256x16x1xi32>
    %gather3A_1050 = vector.shape_cast %reshape3A_1049 : vector<256x16x1xi32> to vector<256x16xi32>
    %gather3A_1051 = tpu.dynamic_gather %slice3A_1041[%gather3A_1050] in [1] : vector<256x128xf32>, vector<256x16xi32> -> vector<256x16xf32>
    %slice3A_1052 = vector.extract_strided_slice %sub3A {offsets = [0, 1408], sizes = [256, 128], strides = [1, 1]} : vector<256x10240xf32> to vector<256x128xf32>
    %lt3A_1053 = arith.constant 0 : i32
    %lt3A_1054 = vector.broadcast %lt3A_1053 : i32 to vector<256x16xi32>
    %lt3A_1055 = arith.cmpi slt, %transpose3A_915, %lt3A_1054 : vector<256x16xi32>
    %add3A_1056 = arith.constant 128 : i32
    %add3A_1057 = vector.broadcast %add3A_1056 : i32 to vector<256x16xi32>
    %add3A_1058 = arith.addi %transpose3A_915, %add3A_1057 : vector<256x16xi32>
    %select_n3A_1059 = arith.select %lt3A_1055, %add3A_1058, %transpose3A_915 : vector<256x16xi1>, vector<256x16xi32>
    %reshape3A_1060 = vector.shape_cast %select_n3A_1059 : vector<256x16xi32> to vector<256x16x1xi32>
    %gather3A_1061 = vector.shape_cast %reshape3A_1060 : vector<256x16x1xi32> to vector<256x16xi32>
    %gather3A_1062 = tpu.dynamic_gather %slice3A_1052[%gather3A_1061] in [1] : vector<256x128xf32>, vector<256x16xi32> -> vector<256x16xf32>
    %slice3A_1063 = vector.extract_strided_slice %sub3A {offsets = [0, 1536], sizes = [256, 128], strides = [1, 1]} : vector<256x10240xf32> to vector<256x128xf32>
    %lt3A_1064 = arith.constant 0 : i32
    %lt3A_1065 = vector.broadcast %lt3A_1064 : i32 to vector<256x16xi32>
    %lt3A_1066 = arith.cmpi slt, %transpose3A_915, %lt3A_1065 : vector<256x16xi32>
    %add3A_1067 = arith.constant 128 : i32
    %add3A_1068 = vector.broadcast %add3A_1067 : i32 to vector<256x16xi32>
    %add3A_1069 = arith.addi %transpose3A_915, %add3A_1068 : vector<256x16xi32>
    %select_n3A_1070 = arith.select %lt3A_1066, %add3A_1069, %transpose3A_915 : vector<256x16xi1>, vector<256x16xi32>
    %reshape3A_1071 = vector.shape_cast %select_n3A_1070 : vector<256x16xi32> to vector<256x16x1xi32>
    %gather3A_1072 = vector.shape_cast %reshape3A_1071 : vector<256x16x1xi32> to vector<256x16xi32>
    %gather3A_1073 = tpu.dynamic_gather %slice3A_1063[%gather3A_1072] in [1] : vector<256x128xf32>, vector<256x16xi32> -> vector<256x16xf32>
    %slice3A_1074 = vector.extract_strided_slice %sub3A {offsets = [0, 1664], sizes = [256, 128], strides = [1, 1]} : vector<256x10240xf32> to vector<256x128xf32>
    %lt3A_1075 = arith.constant 0 : i32
    %lt3A_1076 = vector.broadcast %lt3A_1075 : i32 to vector<256x16xi32>
    %lt3A_1077 = arith.cmpi slt, %transpose3A_915, %lt3A_1076 : vector<256x16xi32>
    %add3A_1078 = arith.constant 128 : i32
    %add3A_1079 = vector.broadcast %add3A_1078 : i32 to vector<256x16xi32>
    %add3A_1080 = arith.addi %transpose3A_915, %add3A_1079 : vector<256x16xi32>
    %select_n3A_1081 = arith.select %lt3A_1077, %add3A_1080, %transpose3A_915 : vector<256x16xi1>, vector<256x16xi32>
    %reshape3A_1082 = vector.shape_cast %select_n3A_1081 : vector<256x16xi32> to vector<256x16x1xi32>
    %gather3A_1083 = vector.shape_cast %reshape3A_1082 : vector<256x16x1xi32> to vector<256x16xi32>
    %gather3A_1084 = tpu.dynamic_gather %slice3A_1074[%gather3A_1083] in [1] : vector<256x128xf32>, vector<256x16xi32> -> vector<256x16xf32>
    %slice3A_1085 = vector.extract_strided_slice %sub3A {offsets = [0, 1792], sizes = [256, 128], strides = [1, 1]} : vector<256x10240xf32> to vector<256x128xf32>
    %lt3A_1086 = arith.constant 0 : i32
    %lt3A_1087 = vector.broadcast %lt3A_1086 : i32 to vector<256x16xi32>
    %lt3A_1088 = arith.cmpi slt, %transpose3A_915, %lt3A_1087 : vector<256x16xi32>
    %add3A_1089 = arith.constant 128 : i32
    %add3A_1090 = vector.broadcast %add3A_1089 : i32 to vector<256x16xi32>
    %add3A_1091 = arith.addi %transpose3A_915, %add3A_1090 : vector<256x16xi32>
    %select_n3A_1092 = arith.select %lt3A_1088, %add3A_1091, %transpose3A_915 : vector<256x16xi1>, vector<256x16xi32>
    %reshape3A_1093 = vector.shape_cast %select_n3A_1092 : vector<256x16xi32> to vector<256x16x1xi32>
    %gather3A_1094 = vector.shape_cast %reshape3A_1093 : vector<256x16x1xi32> to vector<256x16xi32>
    %gather3A_1095 = tpu.dynamic_gather %slice3A_1085[%gather3A_1094] in [1] : vector<256x128xf32>, vector<256x16xi32> -> vector<256x16xf32>
    %slice3A_1096 = vector.extract_strided_slice %sub3A {offsets = [0, 1920], sizes = [256, 128], strides = [1, 1]} : vector<256x10240xf32> to vector<256x128xf32>
    %lt3A_1097 = arith.constant 0 : i32
    %lt3A_1098 = vector.broadcast %lt3A_1097 : i32 to vector<256x16xi32>
    %lt3A_1099 = arith.cmpi slt, %transpose3A_915, %lt3A_1098 : vector<256x16xi32>
    %add3A_1100 = arith.constant 128 : i32
    %add3A_1101 = vector.broadcast %add3A_1100 : i32 to vector<256x16xi32>
    %add3A_1102 = arith.addi %transpose3A_915, %add3A_1101 : vector<256x16xi32>
    %select_n3A_1103 = arith.select %lt3A_1099, %add3A_1102, %transpose3A_915 : vector<256x16xi1>, vector<256x16xi32>
    %reshape3A_1104 = vector.shape_cast %select_n3A_1103 : vector<256x16xi32> to vector<256x16x1xi32>
    %gather3A_1105 = vector.shape_cast %reshape3A_1104 : vector<256x16x1xi32> to vector<256x16xi32>
    %gather3A_1106 = tpu.dynamic_gather %slice3A_1096[%gather3A_1105] in [1] : vector<256x128xf32>, vector<256x16xi32> -> vector<256x16xf32>
    %slice3A_1107 = vector.extract_strided_slice %sub3A {offsets = [0, 2048], sizes = [256, 128], strides = [1, 1]} : vector<256x10240xf32> to vector<256x128xf32>
    %lt3A_1108 = arith.constant 0 : i32
    %lt3A_1109 = vector.broadcast %lt3A_1108 : i32 to vector<256x16xi32>
    %lt3A_1110 = arith.cmpi slt, %transpose3A_915, %lt3A_1109 : vector<256x16xi32>
    %add3A_1111 = arith.constant 128 : i32
    %add3A_1112 = vector.broadcast %add3A_1111 : i32 to vector<256x16xi32>
    %add3A_1113 = arith.addi %transpose3A_915, %add3A_1112 : vector<256x16xi32>
    %select_n3A_1114 = arith.select %lt3A_1110, %add3A_1113, %transpose3A_915 : vector<256x16xi1>, vector<256x16xi32>
    %reshape3A_1115 = vector.shape_cast %select_n3A_1114 : vector<256x16xi32> to vector<256x16x1xi32>
    %gather3A_1116 = vector.shape_cast %reshape3A_1115 : vector<256x16x1xi32> to vector<256x16xi32>
    %gather3A_1117 = tpu.dynamic_gather %slice3A_1107[%gather3A_1116] in [1] : vector<256x128xf32>, vector<256x16xi32> -> vector<256x16xf32>
    %slice3A_1118 = vector.extract_strided_slice %sub3A {offsets = [0, 2176], sizes = [256, 128], strides = [1, 1]} : vector<256x10240xf32> to vector<256x128xf32>
    %lt3A_1119 = arith.constant 0 : i32
    %lt3A_1120 = vector.broadcast %lt3A_1119 : i32 to vector<256x16xi32>
    %lt3A_1121 = arith.cmpi slt, %transpose3A_915, %lt3A_1120 : vector<256x16xi32>
    %add3A_1122 = arith.constant 128 : i32
    %add3A_1123 = vector.broadcast %add3A_1122 : i32 to vector<256x16xi32>
    %add3A_1124 = arith.addi %transpose3A_915, %add3A_1123 : vector<256x16xi32>
    %select_n3A_1125 = arith.select %lt3A_1121, %add3A_1124, %transpose3A_915 : vector<256x16xi1>, vector<256x16xi32>
    %reshape3A_1126 = vector.shape_cast %select_n3A_1125 : vector<256x16xi32> to vector<256x16x1xi32>
    %gather3A_1127 = vector.shape_cast %reshape3A_1126 : vector<256x16x1xi32> to vector<256x16xi32>
    %gather3A_1128 = tpu.dynamic_gather %slice3A_1118[%gather3A_1127] in [1] : vector<256x128xf32>, vector<256x16xi32> -> vector<256x16xf32>
    %slice3A_1129 = vector.extract_strided_slice %sub3A {offsets = [0, 2304], sizes = [256, 128], strides = [1, 1]} : vector<256x10240xf32> to vector<256x128xf32>
    %lt3A_1130 = arith.constant 0 : i32
    %lt3A_1131 = vector.broadcast %lt3A_1130 : i32 to vector<256x16xi32>
    %lt3A_1132 = arith.cmpi slt, %transpose3A_915, %lt3A_1131 : vector<256x16xi32>
    %add3A_1133 = arith.constant 128 : i32
    %add3A_1134 = vector.broadcast %add3A_1133 : i32 to vector<256x16xi32>
    %add3A_1135 = arith.addi %transpose3A_915, %add3A_1134 : vector<256x16xi32>
    %select_n3A_1136 = arith.select %lt3A_1132, %add3A_1135, %transpose3A_915 : vector<256x16xi1>, vector<256x16xi32>
    %reshape3A_1137 = vector.shape_cast %select_n3A_1136 : vector<256x16xi32> to vector<256x16x1xi32>
    %gather3A_1138 = vector.shape_cast %reshape3A_1137 : vector<256x16x1xi32> to vector<256x16xi32>
    %gather3A_1139 = tpu.dynamic_gather %slice3A_1129[%gather3A_1138] in [1] : vector<256x128xf32>, vector<256x16xi32> -> vector<256x16xf32>
    %slice3A_1140 = vector.extract_strided_slice %sub3A {offsets = [0, 2432], sizes = [256, 128], strides = [1, 1]} : vector<256x10240xf32> to vector<256x128xf32>
    %lt3A_1141 = arith.constant 0 : i32
    %lt3A_1142 = vector.broadcast %lt3A_1141 : i32 to vector<256x16xi32>
    %lt3A_1143 = arith.cmpi slt, %transpose3A_915, %lt3A_1142 : vector<256x16xi32>
    %add3A_1144 = arith.constant 128 : i32
    %add3A_1145 = vector.broadcast %add3A_1144 : i32 to vector<256x16xi32>
    %add3A_1146 = arith.addi %transpose3A_915, %add3A_1145 : vector<256x16xi32>
    %select_n3A_1147 = arith.select %lt3A_1143, %add3A_1146, %transpose3A_915 : vector<256x16xi1>, vector<256x16xi32>
    %reshape3A_1148 = vector.shape_cast %select_n3A_1147 : vector<256x16xi32> to vector<256x16x1xi32>
    %gather3A_1149 = vector.shape_cast %reshape3A_1148 : vector<256x16x1xi32> to vector<256x16xi32>
    %gather3A_1150 = tpu.dynamic_gather %slice3A_1140[%gather3A_1149] in [1] : vector<256x128xf32>, vector<256x16xi32> -> vector<256x16xf32>
    %slice3A_1151 = vector.extract_strided_slice %sub3A {offsets = [0, 2560], sizes = [256, 128], strides = [1, 1]} : vector<256x10240xf32> to vector<256x128xf32>
    %lt3A_1152 = arith.constant 0 : i32
    %lt3A_1153 = vector.broadcast %lt3A_1152 : i32 to vector<256x16xi32>
    %lt3A_1154 = arith.cmpi slt, %transpose3A_915, %lt3A_1153 : vector<256x16xi32>
    %add3A_1155 = arith.constant 128 : i32
    %add3A_1156 = vector.broadcast %add3A_1155 : i32 to vector<256x16xi32>
    %add3A_1157 = arith.addi %transpose3A_915, %add3A_1156 : vector<256x16xi32>
    %select_n3A_1158 = arith.select %lt3A_1154, %add3A_1157, %transpose3A_915 : vector<256x16xi1>, vector<256x16xi32>
    %reshape3A_1159 = vector.shape_cast %select_n3A_1158 : vector<256x16xi32> to vector<256x16x1xi32>
    %gather3A_1160 = vector.shape_cast %reshape3A_1159 : vector<256x16x1xi32> to vector<256x16xi32>
    %gather3A_1161 = tpu.dynamic_gather %slice3A_1151[%gather3A_1160] in [1] : vector<256x128xf32>, vector<256x16xi32> -> vector<256x16xf32>
    %slice3A_1162 = vector.extract_strided_slice %sub3A {offsets = [0, 2688], sizes = [256, 128], strides = [1, 1]} : vector<256x10240xf32> to vector<256x128xf32>
    %lt3A_1163 = arith.constant 0 : i32
    %lt3A_1164 = vector.broadcast %lt3A_1163 : i32 to vector<256x16xi32>
    %lt3A_1165 = arith.cmpi slt, %transpose3A_915, %lt3A_1164 : vector<256x16xi32>
    %add3A_1166 = arith.constant 128 : i32
    %add3A_1167 = vector.broadcast %add3A_1166 : i32 to vector<256x16xi32>
    %add3A_1168 = arith.addi %transpose3A_915, %add3A_1167 : vector<256x16xi32>
    %select_n3A_1169 = arith.select %lt3A_1165, %add3A_1168, %transpose3A_915 : vector<256x16xi1>, vector<256x16xi32>
    %reshape3A_1170 = vector.shape_cast %select_n3A_1169 : vector<256x16xi32> to vector<256x16x1xi32>
    %gather3A_1171 = vector.shape_cast %reshape3A_1170 : vector<256x16x1xi32> to vector<256x16xi32>
    %gather3A_1172 = tpu.dynamic_gather %slice3A_1162[%gather3A_1171] in [1] : vector<256x128xf32>, vector<256x16xi32> -> vector<256x16xf32>
    %slice3A_1173 = vector.extract_strided_slice %sub3A {offsets = [0, 2816], sizes = [256, 128], strides = [1, 1]} : vector<256x10240xf32> to vector<256x128xf32>
    %lt3A_1174 = arith.constant 0 : i32
    %lt3A_1175 = vector.broadcast %lt3A_1174 : i32 to vector<256x16xi32>
    %lt3A_1176 = arith.cmpi slt, %transpose3A_915, %lt3A_1175 : vector<256x16xi32>
    %add3A_1177 = arith.constant 128 : i32
    %add3A_1178 = vector.broadcast %add3A_1177 : i32 to vector<256x16xi32>
    %add3A_1179 = arith.addi %transpose3A_915, %add3A_1178 : vector<256x16xi32>
    %select_n3A_1180 = arith.select %lt3A_1176, %add3A_1179, %transpose3A_915 : vector<256x16xi1>, vector<256x16xi32>
    %reshape3A_1181 = vector.shape_cast %select_n3A_1180 : vector<256x16xi32> to vector<256x16x1xi32>
    %gather3A_1182 = vector.shape_cast %reshape3A_1181 : vector<256x16x1xi32> to vector<256x16xi32>
    %gather3A_1183 = tpu.dynamic_gather %slice3A_1173[%gather3A_1182] in [1] : vector<256x128xf32>, vector<256x16xi32> -> vector<256x16xf32>
    %slice3A_1184 = vector.extract_strided_slice %sub3A {offsets = [0, 2944], sizes = [256, 128], strides = [1, 1]} : vector<256x10240xf32> to vector<256x128xf32>
    %lt3A_1185 = arith.constant 0 : i32
    %lt3A_1186 = vector.broadcast %lt3A_1185 : i32 to vector<256x16xi32>
    %lt3A_1187 = arith.cmpi slt, %transpose3A_915, %lt3A_1186 : vector<256x16xi32>
    %add3A_1188 = arith.constant 128 : i32
    %add3A_1189 = vector.broadcast %add3A_1188 : i32 to vector<256x16xi32>
    %add3A_1190 = arith.addi %transpose3A_915, %add3A_1189 : vector<256x16xi32>
    %select_n3A_1191 = arith.select %lt3A_1187, %add3A_1190, %transpose3A_915 : vector<256x16xi1>, vector<256x16xi32>
    %reshape3A_1192 = vector.shape_cast %select_n3A_1191 : vector<256x16xi32> to vector<256x16x1xi32>
    %gather3A_1193 = vector.shape_cast %reshape3A_1192 : vector<256x16x1xi32> to vector<256x16xi32>
    %gather3A_1194 = tpu.dynamic_gather %slice3A_1184[%gather3A_1193] in [1] : vector<256x128xf32>, vector<256x16xi32> -> vector<256x16xf32>
    %slice3A_1195 = vector.extract_strided_slice %sub3A {offsets = [0, 3072], sizes = [256, 128], strides = [1, 1]} : vector<256x10240xf32> to vector<256x128xf32>
    %lt3A_1196 = arith.constant 0 : i32
    %lt3A_1197 = vector.broadcast %lt3A_1196 : i32 to vector<256x16xi32>
    %lt3A_1198 = arith.cmpi slt, %transpose3A_915, %lt3A_1197 : vector<256x16xi32>
    %add3A_1199 = arith.constant 128 : i32
    %add3A_1200 = vector.broadcast %add3A_1199 : i32 to vector<256x16xi32>
    %add3A_1201 = arith.addi %transpose3A_915, %add3A_1200 : vector<256x16xi32>
    %select_n3A_1202 = arith.select %lt3A_1198, %add3A_1201, %transpose3A_915 : vector<256x16xi1>, vector<256x16xi32>
    %reshape3A_1203 = vector.shape_cast %select_n3A_1202 : vector<256x16xi32> to vector<256x16x1xi32>
    %gather3A_1204 = vector.shape_cast %reshape3A_1203 : vector<256x16x1xi32> to vector<256x16xi32>
    %gather3A_1205 = tpu.dynamic_gather %slice3A_1195[%gather3A_1204] in [1] : vector<256x128xf32>, vector<256x16xi32> -> vector<256x16xf32>
    %slice3A_1206 = vector.extract_strided_slice %sub3A {offsets = [0, 3200], sizes = [256, 128], strides = [1, 1]} : vector<256x10240xf32> to vector<256x128xf32>
    %lt3A_1207 = arith.constant 0 : i32
    %lt3A_1208 = vector.broadcast %lt3A_1207 : i32 to vector<256x16xi32>
    %lt3A_1209 = arith.cmpi slt, %transpose3A_915, %lt3A_1208 : vector<256x16xi32>
    %add3A_1210 = arith.constant 128 : i32
    %add3A_1211 = vector.broadcast %add3A_1210 : i32 to vector<256x16xi32>
    %add3A_1212 = arith.addi %transpose3A_915, %add3A_1211 : vector<256x16xi32>
    %select_n3A_1213 = arith.select %lt3A_1209, %add3A_1212, %transpose3A_915 : vector<256x16xi1>, vector<256x16xi32>
    %reshape3A_1214 = vector.shape_cast %select_n3A_1213 : vector<256x16xi32> to vector<256x16x1xi32>
    %gather3A_1215 = vector.shape_cast %reshape3A_1214 : vector<256x16x1xi32> to vector<256x16xi32>
    %gather3A_1216 = tpu.dynamic_gather %slice3A_1206[%gather3A_1215] in [1] : vector<256x128xf32>, vector<256x16xi32> -> vector<256x16xf32>
    %slice3A_1217 = vector.extract_strided_slice %sub3A {offsets = [0, 3328], sizes = [256, 128], strides = [1, 1]} : vector<256x10240xf32> to vector<256x128xf32>
    %lt3A_1218 = arith.constant 0 : i32
    %lt3A_1219 = vector.broadcast %lt3A_1218 : i32 to vector<256x16xi32>
    %lt3A_1220 = arith.cmpi slt, %transpose3A_915, %lt3A_1219 : vector<256x16xi32>
    %add3A_1221 = arith.constant 128 : i32
    %add3A_1222 = vector.broadcast %add3A_1221 : i32 to vector<256x16xi32>
    %add3A_1223 = arith.addi %transpose3A_915, %add3A_1222 : vector<256x16xi32>
    %select_n3A_1224 = arith.select %lt3A_1220, %add3A_1223, %transpose3A_915 : vector<256x16xi1>, vector<256x16xi32>
    %reshape3A_1225 = vector.shape_cast %select_n3A_1224 : vector<256x16xi32> to vector<256x16x1xi32>
    %gather3A_1226 = vector.shape_cast %reshape3A_1225 : vector<256x16x1xi32> to vector<256x16xi32>
    %gather3A_1227 = tpu.dynamic_gather %slice3A_1217[%gather3A_1226] in [1] : vector<256x128xf32>, vector<256x16xi32> -> vector<256x16xf32>
    %slice3A_1228 = vector.extract_strided_slice %sub3A {offsets = [0, 3456], sizes = [256, 128], strides = [1, 1]} : vector<256x10240xf32> to vector<256x128xf32>
    %lt3A_1229 = arith.constant 0 : i32
    %lt3A_1230 = vector.broadcast %lt3A_1229 : i32 to vector<256x16xi32>
    %lt3A_1231 = arith.cmpi slt, %transpose3A_915, %lt3A_1230 : vector<256x16xi32>
    %add3A_1232 = arith.constant 128 : i32
    %add3A_1233 = vector.broadcast %add3A_1232 : i32 to vector<256x16xi32>
    %add3A_1234 = arith.addi %transpose3A_915, %add3A_1233 : vector<256x16xi32>
    %select_n3A_1235 = arith.select %lt3A_1231, %add3A_1234, %transpose3A_915 : vector<256x16xi1>, vector<256x16xi32>
    %reshape3A_1236 = vector.shape_cast %select_n3A_1235 : vector<256x16xi32> to vector<256x16x1xi32>
    %gather3A_1237 = vector.shape_cast %reshape3A_1236 : vector<256x16x1xi32> to vector<256x16xi32>
    %gather3A_1238 = tpu.dynamic_gather %slice3A_1228[%gather3A_1237] in [1] : vector<256x128xf32>, vector<256x16xi32> -> vector<256x16xf32>
    %slice3A_1239 = vector.extract_strided_slice %sub3A {offsets = [0, 3584], sizes = [256, 128], strides = [1, 1]} : vector<256x10240xf32> to vector<256x128xf32>
    %lt3A_1240 = arith.constant 0 : i32
    %lt3A_1241 = vector.broadcast %lt3A_1240 : i32 to vector<256x16xi32>
    %lt3A_1242 = arith.cmpi slt, %transpose3A_915, %lt3A_1241 : vector<256x16xi32>
    %add3A_1243 = arith.constant 128 : i32
    %add3A_1244 = vector.broadcast %add3A_1243 : i32 to vector<256x16xi32>
    %add3A_1245 = arith.addi %transpose3A_915, %add3A_1244 : vector<256x16xi32>
    %select_n3A_1246 = arith.select %lt3A_1242, %add3A_1245, %transpose3A_915 : vector<256x16xi1>, vector<256x16xi32>
    %reshape3A_1247 = vector.shape_cast %select_n3A_1246 : vector<256x16xi32> to vector<256x16x1xi32>
    %gather3A_1248 = vector.shape_cast %reshape3A_1247 : vector<256x16x1xi32> to vector<256x16xi32>
    %gather3A_1249 = tpu.dynamic_gather %slice3A_1239[%gather3A_1248] in [1] : vector<256x128xf32>, vector<256x16xi32> -> vector<256x16xf32>
    %slice3A_1250 = vector.extract_strided_slice %sub3A {offsets = [0, 3712], sizes = [256, 128], strides = [1, 1]} : vector<256x10240xf32> to vector<256x128xf32>
    %lt3A_1251 = arith.constant 0 : i32
    %lt3A_1252 = vector.broadcast %lt3A_1251 : i32 to vector<256x16xi32>
    %lt3A_1253 = arith.cmpi slt, %transpose3A_915, %lt3A_1252 : vector<256x16xi32>
    %add3A_1254 = arith.constant 128 : i32
    %add3A_1255 = vector.broadcast %add3A_1254 : i32 to vector<256x16xi32>
    %add3A_1256 = arith.addi %transpose3A_915, %add3A_1255 : vector<256x16xi32>
    %select_n3A_1257 = arith.select %lt3A_1253, %add3A_1256, %transpose3A_915 : vector<256x16xi1>, vector<256x16xi32>
    %reshape3A_1258 = vector.shape_cast %select_n3A_1257 : vector<256x16xi32> to vector<256x16x1xi32>
    %gather3A_1259 = vector.shape_cast %reshape3A_1258 : vector<256x16x1xi32> to vector<256x16xi32>
    %gather3A_1260 = tpu.dynamic_gather %slice3A_1250[%gather3A_1259] in [1] : vector<256x128xf32>, vector<256x16xi32> -> vector<256x16xf32>
    %slice3A_1261 = vector.extract_strided_slice %sub3A {offsets = [0, 3840], sizes = [256, 128], strides = [1, 1]} : vector<256x10240xf32> to vector<256x128xf32>
    %lt3A_1262 = arith.constant 0 : i32
    %lt3A_1263 = vector.broadcast %lt3A_1262 : i32 to vector<256x16xi32>
    %lt3A_1264 = arith.cmpi slt, %transpose3A_915, %lt3A_1263 : vector<256x16xi32>
    %add3A_1265 = arith.constant 128 : i32
    %add3A_1266 = vector.broadcast %add3A_1265 : i32 to vector<256x16xi32>
    %add3A_1267 = arith.addi %transpose3A_915, %add3A_1266 : vector<256x16xi32>
    %select_n3A_1268 = arith.select %lt3A_1264, %add3A_1267, %transpose3A_915 : vector<256x16xi1>, vector<256x16xi32>
    %reshape3A_1269 = vector.shape_cast %select_n3A_1268 : vector<256x16xi32> to vector<256x16x1xi32>
    %gather3A_1270 = vector.shape_cast %reshape3A_1269 : vector<256x16x1xi32> to vector<256x16xi32>
    %gather3A_1271 = tpu.dynamic_gather %slice3A_1261[%gather3A_1270] in [1] : vector<256x128xf32>, vector<256x16xi32> -> vector<256x16xf32>
    %slice3A_1272 = vector.extract_strided_slice %sub3A {offsets = [0, 3968], sizes = [256, 128], strides = [1, 1]} : vector<256x10240xf32> to vector<256x128xf32>
    %lt3A_1273 = arith.constant 0 : i32
    %lt3A_1274 = vector.broadcast %lt3A_1273 : i32 to vector<256x16xi32>
    %lt3A_1275 = arith.cmpi slt, %transpose3A_915, %lt3A_1274 : vector<256x16xi32>
    %add3A_1276 = arith.constant 128 : i32
    %add3A_1277 = vector.broadcast %add3A_1276 : i32 to vector<256x16xi32>
    %add3A_1278 = arith.addi %transpose3A_915, %add3A_1277 : vector<256x16xi32>
    %select_n3A_1279 = arith.select %lt3A_1275, %add3A_1278, %transpose3A_915 : vector<256x16xi1>, vector<256x16xi32>
    %reshape3A_1280 = vector.shape_cast %select_n3A_1279 : vector<256x16xi32> to vector<256x16x1xi32>
    %gather3A_1281 = vector.shape_cast %reshape3A_1280 : vector<256x16x1xi32> to vector<256x16xi32>
    %gather3A_1282 = tpu.dynamic_gather %slice3A_1272[%gather3A_1281] in [1] : vector<256x128xf32>, vector<256x16xi32> -> vector<256x16xf32>
    %slice3A_1283 = vector.extract_strided_slice %sub3A {offsets = [0, 4096], sizes = [256, 128], strides = [1, 1]} : vector<256x10240xf32> to vector<256x128xf32>
    %lt3A_1284 = arith.constant 0 : i32
    %lt3A_1285 = vector.broadcast %lt3A_1284 : i32 to vector<256x16xi32>
    %lt3A_1286 = arith.cmpi slt, %transpose3A_915, %lt3A_1285 : vector<256x16xi32>
    %add3A_1287 = arith.constant 128 : i32
    %add3A_1288 = vector.broadcast %add3A_1287 : i32 to vector<256x16xi32>
    %add3A_1289 = arith.addi %transpose3A_915, %add3A_1288 : vector<256x16xi32>
    %select_n3A_1290 = arith.select %lt3A_1286, %add3A_1289, %transpose3A_915 : vector<256x16xi1>, vector<256x16xi32>
    %reshape3A_1291 = vector.shape_cast %select_n3A_1290 : vector<256x16xi32> to vector<256x16x1xi32>
    %gather3A_1292 = vector.shape_cast %reshape3A_1291 : vector<256x16x1xi32> to vector<256x16xi32>
    %gather3A_1293 = tpu.dynamic_gather %slice3A_1283[%gather3A_1292] in [1] : vector<256x128xf32>, vector<256x16xi32> -> vector<256x16xf32>
    %slice3A_1294 = vector.extract_strided_slice %sub3A {offsets = [0, 4224], sizes = [256, 128], strides = [1, 1]} : vector<256x10240xf32> to vector<256x128xf32>
    %lt3A_1295 = arith.constant 0 : i32
    %lt3A_1296 = vector.broadcast %lt3A_1295 : i32 to vector<256x16xi32>
    %lt3A_1297 = arith.cmpi slt, %transpose3A_915, %lt3A_1296 : vector<256x16xi32>
    %add3A_1298 = arith.constant 128 : i32
    %add3A_1299 = vector.broadcast %add3A_1298 : i32 to vector<256x16xi32>
    %add3A_1300 = arith.addi %transpose3A_915, %add3A_1299 : vector<256x16xi32>
    %select_n3A_1301 = arith.select %lt3A_1297, %add3A_1300, %transpose3A_915 : vector<256x16xi1>, vector<256x16xi32>
    %reshape3A_1302 = vector.shape_cast %select_n3A_1301 : vector<256x16xi32> to vector<256x16x1xi32>
    %gather3A_1303 = vector.shape_cast %reshape3A_1302 : vector<256x16x1xi32> to vector<256x16xi32>
    %gather3A_1304 = tpu.dynamic_gather %slice3A_1294[%gather3A_1303] in [1] : vector<256x128xf32>, vector<256x16xi32> -> vector<256x16xf32>
    %slice3A_1305 = vector.extract_strided_slice %sub3A {offsets = [0, 4352], sizes = [256, 128], strides = [1, 1]} : vector<256x10240xf32> to vector<256x128xf32>
    %lt3A_1306 = arith.constant 0 : i32
    %lt3A_1307 = vector.broadcast %lt3A_1306 : i32 to vector<256x16xi32>
    %lt3A_1308 = arith.cmpi slt, %transpose3A_915, %lt3A_1307 : vector<256x16xi32>
    %add3A_1309 = arith.constant 128 : i32
    %add3A_1310 = vector.broadcast %add3A_1309 : i32 to vector<256x16xi32>
    %add3A_1311 = arith.addi %transpose3A_915, %add3A_1310 : vector<256x16xi32>
    %select_n3A_1312 = arith.select %lt3A_1308, %add3A_1311, %transpose3A_915 : vector<256x16xi1>, vector<256x16xi32>
    %reshape3A_1313 = vector.shape_cast %select_n3A_1312 : vector<256x16xi32> to vector<256x16x1xi32>
    %gather3A_1314 = vector.shape_cast %reshape3A_1313 : vector<256x16x1xi32> to vector<256x16xi32>
    %gather3A_1315 = tpu.dynamic_gather %slice3A_1305[%gather3A_1314] in [1] : vector<256x128xf32>, vector<256x16xi32> -> vector<256x16xf32>
    %slice3A_1316 = vector.extract_strided_slice %sub3A {offsets = [0, 4480], sizes = [256, 128], strides = [1, 1]} : vector<256x10240xf32> to vector<256x128xf32>
    %lt3A_1317 = arith.constant 0 : i32
    %lt3A_1318 = vector.broadcast %lt3A_1317 : i32 to vector<256x16xi32>
    %lt3A_1319 = arith.cmpi slt, %transpose3A_915, %lt3A_1318 : vector<256x16xi32>
    %add3A_1320 = arith.constant 128 : i32
    %add3A_1321 = vector.broadcast %add3A_1320 : i32 to vector<256x16xi32>
    %add3A_1322 = arith.addi %transpose3A_915, %add3A_1321 : vector<256x16xi32>
    %select_n3A_1323 = arith.select %lt3A_1319, %add3A_1322, %transpose3A_915 : vector<256x16xi1>, vector<256x16xi32>
    %reshape3A_1324 = vector.shape_cast %select_n3A_1323 : vector<256x16xi32> to vector<256x16x1xi32>
    %gather3A_1325 = vector.shape_cast %reshape3A_1324 : vector<256x16x1xi32> to vector<256x16xi32>
    %gather3A_1326 = tpu.dynamic_gather %slice3A_1316[%gather3A_1325] in [1] : vector<256x128xf32>, vector<256x16xi32> -> vector<256x16xf32>
    %slice3A_1327 = vector.extract_strided_slice %sub3A {offsets = [0, 4608], sizes = [256, 128], strides = [1, 1]} : vector<256x10240xf32> to vector<256x128xf32>
    %lt3A_1328 = arith.constant 0 : i32
    %lt3A_1329 = vector.broadcast %lt3A_1328 : i32 to vector<256x16xi32>
    %lt3A_1330 = arith.cmpi slt, %transpose3A_915, %lt3A_1329 : vector<256x16xi32>
    %add3A_1331 = arith.constant 128 : i32
    %add3A_1332 = vector.broadcast %add3A_1331 : i32 to vector<256x16xi32>
    %add3A_1333 = arith.addi %transpose3A_915, %add3A_1332 : vector<256x16xi32>
    %select_n3A_1334 = arith.select %lt3A_1330, %add3A_1333, %transpose3A_915 : vector<256x16xi1>, vector<256x16xi32>
    %reshape3A_1335 = vector.shape_cast %select_n3A_1334 : vector<256x16xi32> to vector<256x16x1xi32>
    %gather3A_1336 = vector.shape_cast %reshape3A_1335 : vector<256x16x1xi32> to vector<256x16xi32>
    %gather3A_1337 = tpu.dynamic_gather %slice3A_1327[%gather3A_1336] in [1] : vector<256x128xf32>, vector<256x16xi32> -> vector<256x16xf32>
    %slice3A_1338 = vector.extract_strided_slice %sub3A {offsets = [0, 4736], sizes = [256, 128], strides = [1, 1]} : vector<256x10240xf32> to vector<256x128xf32>
    %lt3A_1339 = arith.constant 0 : i32
    %lt3A_1340 = vector.broadcast %lt3A_1339 : i32 to vector<256x16xi32>
    %lt3A_1341 = arith.cmpi slt, %transpose3A_915, %lt3A_1340 : vector<256x16xi32>
    %add3A_1342 = arith.constant 128 : i32
    %add3A_1343 = vector.broadcast %add3A_1342 : i32 to vector<256x16xi32>
    %add3A_1344 = arith.addi %transpose3A_915, %add3A_1343 : vector<256x16xi32>
    %select_n3A_1345 = arith.select %lt3A_1341, %add3A_1344, %transpose3A_915 : vector<256x16xi1>, vector<256x16xi32>
    %reshape3A_1346 = vector.shape_cast %select_n3A_1345 : vector<256x16xi32> to vector<256x16x1xi32>
    %gather3A_1347 = vector.shape_cast %reshape3A_1346 : vector<256x16x1xi32> to vector<256x16xi32>
    %gather3A_1348 = tpu.dynamic_gather %slice3A_1338[%gather3A_1347] in [1] : vector<256x128xf32>, vector<256x16xi32> -> vector<256x16xf32>
    %slice3A_1349 = vector.extract_strided_slice %sub3A {offsets = [0, 4864], sizes = [256, 128], strides = [1, 1]} : vector<256x10240xf32> to vector<256x128xf32>
    %lt3A_1350 = arith.constant 0 : i32
    %lt3A_1351 = vector.broadcast %lt3A_1350 : i32 to vector<256x16xi32>
    %lt3A_1352 = arith.cmpi slt, %transpose3A_915, %lt3A_1351 : vector<256x16xi32>
    %add3A_1353 = arith.constant 128 : i32
    %add3A_1354 = vector.broadcast %add3A_1353 : i32 to vector<256x16xi32>
    %add3A_1355 = arith.addi %transpose3A_915, %add3A_1354 : vector<256x16xi32>
    %select_n3A_1356 = arith.select %lt3A_1352, %add3A_1355, %transpose3A_915 : vector<256x16xi1>, vector<256x16xi32>
    %reshape3A_1357 = vector.shape_cast %select_n3A_1356 : vector<256x16xi32> to vector<256x16x1xi32>
    %gather3A_1358 = vector.shape_cast %reshape3A_1357 : vector<256x16x1xi32> to vector<256x16xi32>
    %gather3A_1359 = tpu.dynamic_gather %slice3A_1349[%gather3A_1358] in [1] : vector<256x128xf32>, vector<256x16xi32> -> vector<256x16xf32>
    %slice3A_1360 = vector.extract_strided_slice %sub3A {offsets = [0, 4992], sizes = [256, 128], strides = [1, 1]} : vector<256x10240xf32> to vector<256x128xf32>
    %lt3A_1361 = arith.constant 0 : i32
    %lt3A_1362 = vector.broadcast %lt3A_1361 : i32 to vector<256x16xi32>
    %lt3A_1363 = arith.cmpi slt, %transpose3A_915, %lt3A_1362 : vector<256x16xi32>
    %add3A_1364 = arith.constant 128 : i32
    %add3A_1365 = vector.broadcast %add3A_1364 : i32 to vector<256x16xi32>
    %add3A_1366 = arith.addi %transpose3A_915, %add3A_1365 : vector<256x16xi32>
    %select_n3A_1367 = arith.select %lt3A_1363, %add3A_1366, %transpose3A_915 : vector<256x16xi1>, vector<256x16xi32>
    %reshape3A_1368 = vector.shape_cast %select_n3A_1367 : vector<256x16xi32> to vector<256x16x1xi32>
    %gather3A_1369 = vector.shape_cast %reshape3A_1368 : vector<256x16x1xi32> to vector<256x16xi32>
    %gather3A_1370 = tpu.dynamic_gather %slice3A_1360[%gather3A_1369] in [1] : vector<256x128xf32>, vector<256x16xi32> -> vector<256x16xf32>
    %slice3A_1371 = vector.extract_strided_slice %sub3A {offsets = [0, 5120], sizes = [256, 128], strides = [1, 1]} : vector<256x10240xf32> to vector<256x128xf32>
    %lt3A_1372 = arith.constant 0 : i32
    %lt3A_1373 = vector.broadcast %lt3A_1372 : i32 to vector<256x16xi32>
    %lt3A_1374 = arith.cmpi slt, %transpose3A_915, %lt3A_1373 : vector<256x16xi32>
    %add3A_1375 = arith.constant 128 : i32
    %add3A_1376 = vector.broadcast %add3A_1375 : i32 to vector<256x16xi32>
    %add3A_1377 = arith.addi %transpose3A_915, %add3A_1376 : vector<256x16xi32>
    %select_n3A_1378 = arith.select %lt3A_1374, %add3A_1377, %transpose3A_915 : vector<256x16xi1>, vector<256x16xi32>
    %reshape3A_1379 = vector.shape_cast %select_n3A_1378 : vector<256x16xi32> to vector<256x16x1xi32>
    %gather3A_1380 = vector.shape_cast %reshape3A_1379 : vector<256x16x1xi32> to vector<256x16xi32>
    %gather3A_1381 = tpu.dynamic_gather %slice3A_1371[%gather3A_1380] in [1] : vector<256x128xf32>, vector<256x16xi32> -> vector<256x16xf32>
    %slice3A_1382 = vector.extract_strided_slice %sub3A {offsets = [0, 5248], sizes = [256, 128], strides = [1, 1]} : vector<256x10240xf32> to vector<256x128xf32>
    %lt3A_1383 = arith.constant 0 : i32
    %lt3A_1384 = vector.broadcast %lt3A_1383 : i32 to vector<256x16xi32>
    %lt3A_1385 = arith.cmpi slt, %transpose3A_915, %lt3A_1384 : vector<256x16xi32>
    %add3A_1386 = arith.constant 128 : i32
    %add3A_1387 = vector.broadcast %add3A_1386 : i32 to vector<256x16xi32>
    %add3A_1388 = arith.addi %transpose3A_915, %add3A_1387 : vector<256x16xi32>
    %select_n3A_1389 = arith.select %lt3A_1385, %add3A_1388, %transpose3A_915 : vector<256x16xi1>, vector<256x16xi32>
    %reshape3A_1390 = vector.shape_cast %select_n3A_1389 : vector<256x16xi32> to vector<256x16x1xi32>
    %gather3A_1391 = vector.shape_cast %reshape3A_1390 : vector<256x16x1xi32> to vector<256x16xi32>
    %gather3A_1392 = tpu.dynamic_gather %slice3A_1382[%gather3A_1391] in [1] : vector<256x128xf32>, vector<256x16xi32> -> vector<256x16xf32>
    %slice3A_1393 = vector.extract_strided_slice %sub3A {offsets = [0, 5376], sizes = [256, 128], strides = [1, 1]} : vector<256x10240xf32> to vector<256x128xf32>
    %lt3A_1394 = arith.constant 0 : i32
    %lt3A_1395 = vector.broadcast %lt3A_1394 : i32 to vector<256x16xi32>
    %lt3A_1396 = arith.cmpi slt, %transpose3A_915, %lt3A_1395 : vector<256x16xi32>
    %add3A_1397 = arith.constant 128 : i32
    %add3A_1398 = vector.broadcast %add3A_1397 : i32 to vector<256x16xi32>
    %add3A_1399 = arith.addi %transpose3A_915, %add3A_1398 : vector<256x16xi32>
    %select_n3A_1400 = arith.select %lt3A_1396, %add3A_1399, %transpose3A_915 : vector<256x16xi1>, vector<256x16xi32>
    %reshape3A_1401 = vector.shape_cast %select_n3A_1400 : vector<256x16xi32> to vector<256x16x1xi32>
    %gather3A_1402 = vector.shape_cast %reshape3A_1401 : vector<256x16x1xi32> to vector<256x16xi32>
    %gather3A_1403 = tpu.dynamic_gather %slice3A_1393[%gather3A_1402] in [1] : vector<256x128xf32>, vector<256x16xi32> -> vector<256x16xf32>
    %slice3A_1404 = vector.extract_strided_slice %sub3A {offsets = [0, 5504], sizes = [256, 128], strides = [1, 1]} : vector<256x10240xf32> to vector<256x128xf32>
    %lt3A_1405 = arith.constant 0 : i32
    %lt3A_1406 = vector.broadcast %lt3A_1405 : i32 to vector<256x16xi32>
    %lt3A_1407 = arith.cmpi slt, %transpose3A_915, %lt3A_1406 : vector<256x16xi32>
    %add3A_1408 = arith.constant 128 : i32
    %add3A_1409 = vector.broadcast %add3A_1408 : i32 to vector<256x16xi32>
    %add3A_1410 = arith.addi %transpose3A_915, %add3A_1409 : vector<256x16xi32>
    %select_n3A_1411 = arith.select %lt3A_1407, %add3A_1410, %transpose3A_915 : vector<256x16xi1>, vector<256x16xi32>
    %reshape3A_1412 = vector.shape_cast %select_n3A_1411 : vector<256x16xi32> to vector<256x16x1xi32>
    %gather3A_1413 = vector.shape_cast %reshape3A_1412 : vector<256x16x1xi32> to vector<256x16xi32>
    %gather3A_1414 = tpu.dynamic_gather %slice3A_1404[%gather3A_1413] in [1] : vector<256x128xf32>, vector<256x16xi32> -> vector<256x16xf32>
    %slice3A_1415 = vector.extract_strided_slice %sub3A {offsets = [0, 5632], sizes = [256, 128], strides = [1, 1]} : vector<256x10240xf32> to vector<256x128xf32>
    %lt3A_1416 = arith.constant 0 : i32
    %lt3A_1417 = vector.broadcast %lt3A_1416 : i32 to vector<256x16xi32>
    %lt3A_1418 = arith.cmpi slt, %transpose3A_915, %lt3A_1417 : vector<256x16xi32>
    %add3A_1419 = arith.constant 128 : i32
    %add3A_1420 = vector.broadcast %add3A_1419 : i32 to vector<256x16xi32>
    %add3A_1421 = arith.addi %transpose3A_915, %add3A_1420 : vector<256x16xi32>
    %select_n3A_1422 = arith.select %lt3A_1418, %add3A_1421, %transpose3A_915 : vector<256x16xi1>, vector<256x16xi32>
    %reshape3A_1423 = vector.shape_cast %select_n3A_1422 : vector<256x16xi32> to vector<256x16x1xi32>
    %gather3A_1424 = vector.shape_cast %reshape3A_1423 : vector<256x16x1xi32> to vector<256x16xi32>
    %gather3A_1425 = tpu.dynamic_gather %slice3A_1415[%gather3A_1424] in [1] : vector<256x128xf32>, vector<256x16xi32> -> vector<256x16xf32>
    %slice3A_1426 = vector.extract_strided_slice %sub3A {offsets = [0, 5760], sizes = [256, 128], strides = [1, 1]} : vector<256x10240xf32> to vector<256x128xf32>
    %lt3A_1427 = arith.constant 0 : i32
    %lt3A_1428 = vector.broadcast %lt3A_1427 : i32 to vector<256x16xi32>
    %lt3A_1429 = arith.cmpi slt, %transpose3A_915, %lt3A_1428 : vector<256x16xi32>
    %add3A_1430 = arith.constant 128 : i32
    %add3A_1431 = vector.broadcast %add3A_1430 : i32 to vector<256x16xi32>
    %add3A_1432 = arith.addi %transpose3A_915, %add3A_1431 : vector<256x16xi32>
    %select_n3A_1433 = arith.select %lt3A_1429, %add3A_1432, %transpose3A_915 : vector<256x16xi1>, vector<256x16xi32>
    %reshape3A_1434 = vector.shape_cast %select_n3A_1433 : vector<256x16xi32> to vector<256x16x1xi32>
    %gather3A_1435 = vector.shape_cast %reshape3A_1434 : vector<256x16x1xi32> to vector<256x16xi32>
    %gather3A_1436 = tpu.dynamic_gather %slice3A_1426[%gather3A_1435] in [1] : vector<256x128xf32>, vector<256x16xi32> -> vector<256x16xf32>
    %slice3A_1437 = vector.extract_strided_slice %sub3A {offsets = [0, 5888], sizes = [256, 128], strides = [1, 1]} : vector<256x10240xf32> to vector<256x128xf32>
    %lt3A_1438 = arith.constant 0 : i32
    %lt3A_1439 = vector.broadcast %lt3A_1438 : i32 to vector<256x16xi32>
    %lt3A_1440 = arith.cmpi slt, %transpose3A_915, %lt3A_1439 : vector<256x16xi32>
    %add3A_1441 = arith.constant 128 : i32
    %add3A_1442 = vector.broadcast %add3A_1441 : i32 to vector<256x16xi32>
    %add3A_1443 = arith.addi %transpose3A_915, %add3A_1442 : vector<256x16xi32>
    %select_n3A_1444 = arith.select %lt3A_1440, %add3A_1443, %transpose3A_915 : vector<256x16xi1>, vector<256x16xi32>
    %reshape3A_1445 = vector.shape_cast %select_n3A_1444 : vector<256x16xi32> to vector<256x16x1xi32>
    %gather3A_1446 = vector.shape_cast %reshape3A_1445 : vector<256x16x1xi32> to vector<256x16xi32>
    %gather3A_1447 = tpu.dynamic_gather %slice3A_1437[%gather3A_1446] in [1] : vector<256x128xf32>, vector<256x16xi32> -> vector<256x16xf32>
    %slice3A_1448 = vector.extract_strided_slice %sub3A {offsets = [0, 6016], sizes = [256, 128], strides = [1, 1]} : vector<256x10240xf32> to vector<256x128xf32>
    %lt3A_1449 = arith.constant 0 : i32
    %lt3A_1450 = vector.broadcast %lt3A_1449 : i32 to vector<256x16xi32>
    %lt3A_1451 = arith.cmpi slt, %transpose3A_915, %lt3A_1450 : vector<256x16xi32>
    %add3A_1452 = arith.constant 128 : i32
    %add3A_1453 = vector.broadcast %add3A_1452 : i32 to vector<256x16xi32>
    %add3A_1454 = arith.addi %transpose3A_915, %add3A_1453 : vector<256x16xi32>
    %select_n3A_1455 = arith.select %lt3A_1451, %add3A_1454, %transpose3A_915 : vector<256x16xi1>, vector<256x16xi32>
    %reshape3A_1456 = vector.shape_cast %select_n3A_1455 : vector<256x16xi32> to vector<256x16x1xi32>
    %gather3A_1457 = vector.shape_cast %reshape3A_1456 : vector<256x16x1xi32> to vector<256x16xi32>
    %gather3A_1458 = tpu.dynamic_gather %slice3A_1448[%gather3A_1457] in [1] : vector<256x128xf32>, vector<256x16xi32> -> vector<256x16xf32>
    %slice3A_1459 = vector.extract_strided_slice %sub3A {offsets = [0, 6144], sizes = [256, 128], strides = [1, 1]} : vector<256x10240xf32> to vector<256x128xf32>
    %lt3A_1460 = arith.constant 0 : i32
    %lt3A_1461 = vector.broadcast %lt3A_1460 : i32 to vector<256x16xi32>
    %lt3A_1462 = arith.cmpi slt, %transpose3A_915, %lt3A_1461 : vector<256x16xi32>
    %add3A_1463 = arith.constant 128 : i32
    %add3A_1464 = vector.broadcast %add3A_1463 : i32 to vector<256x16xi32>
    %add3A_1465 = arith.addi %transpose3A_915, %add3A_1464 : vector<256x16xi32>
    %select_n3A_1466 = arith.select %lt3A_1462, %add3A_1465, %transpose3A_915 : vector<256x16xi1>, vector<256x16xi32>
    %reshape3A_1467 = vector.shape_cast %select_n3A_1466 : vector<256x16xi32> to vector<256x16x1xi32>
    %gather3A_1468 = vector.shape_cast %reshape3A_1467 : vector<256x16x1xi32> to vector<256x16xi32>
    %gather3A_1469 = tpu.dynamic_gather %slice3A_1459[%gather3A_1468] in [1] : vector<256x128xf32>, vector<256x16xi32> -> vector<256x16xf32>
    %slice3A_1470 = vector.extract_strided_slice %sub3A {offsets = [0, 6272], sizes = [256, 128], strides = [1, 1]} : vector<256x10240xf32> to vector<256x128xf32>
    %lt3A_1471 = arith.constant 0 : i32
    %lt3A_1472 = vector.broadcast %lt3A_1471 : i32 to vector<256x16xi32>
    %lt3A_1473 = arith.cmpi slt, %transpose3A_915, %lt3A_1472 : vector<256x16xi32>
    %add3A_1474 = arith.constant 128 : i32
    %add3A_1475 = vector.broadcast %add3A_1474 : i32 to vector<256x16xi32>
    %add3A_1476 = arith.addi %transpose3A_915, %add3A_1475 : vector<256x16xi32>
    %select_n3A_1477 = arith.select %lt3A_1473, %add3A_1476, %transpose3A_915 : vector<256x16xi1>, vector<256x16xi32>
    %reshape3A_1478 = vector.shape_cast %select_n3A_1477 : vector<256x16xi32> to vector<256x16x1xi32>
    %gather3A_1479 = vector.shape_cast %reshape3A_1478 : vector<256x16x1xi32> to vector<256x16xi32>
    %gather3A_1480 = tpu.dynamic_gather %slice3A_1470[%gather3A_1479] in [1] : vector<256x128xf32>, vector<256x16xi32> -> vector<256x16xf32>
    %slice3A_1481 = vector.extract_strided_slice %sub3A {offsets = [0, 6400], sizes = [256, 128], strides = [1, 1]} : vector<256x10240xf32> to vector<256x128xf32>
    %lt3A_1482 = arith.constant 0 : i32
    %lt3A_1483 = vector.broadcast %lt3A_1482 : i32 to vector<256x16xi32>
    %lt3A_1484 = arith.cmpi slt, %transpose3A_915, %lt3A_1483 : vector<256x16xi32>
    %add3A_1485 = arith.constant 128 : i32
    %add3A_1486 = vector.broadcast %add3A_1485 : i32 to vector<256x16xi32>
    %add3A_1487 = arith.addi %transpose3A_915, %add3A_1486 : vector<256x16xi32>
    %select_n3A_1488 = arith.select %lt3A_1484, %add3A_1487, %transpose3A_915 : vector<256x16xi1>, vector<256x16xi32>
    %reshape3A_1489 = vector.shape_cast %select_n3A_1488 : vector<256x16xi32> to vector<256x16x1xi32>
    %gather3A_1490 = vector.shape_cast %reshape3A_1489 : vector<256x16x1xi32> to vector<256x16xi32>
    %gather3A_1491 = tpu.dynamic_gather %slice3A_1481[%gather3A_1490] in [1] : vector<256x128xf32>, vector<256x16xi32> -> vector<256x16xf32>
    %slice3A_1492 = vector.extract_strided_slice %sub3A {offsets = [0, 6528], sizes = [256, 128], strides = [1, 1]} : vector<256x10240xf32> to vector<256x128xf32>
    %lt3A_1493 = arith.constant 0 : i32
    %lt3A_1494 = vector.broadcast %lt3A_1493 : i32 to vector<256x16xi32>
    %lt3A_1495 = arith.cmpi slt, %transpose3A_915, %lt3A_1494 : vector<256x16xi32>
    %add3A_1496 = arith.constant 128 : i32
    %add3A_1497 = vector.broadcast %add3A_1496 : i32 to vector<256x16xi32>
    %add3A_1498 = arith.addi %transpose3A_915, %add3A_1497 : vector<256x16xi32>
    %select_n3A_1499 = arith.select %lt3A_1495, %add3A_1498, %transpose3A_915 : vector<256x16xi1>, vector<256x16xi32>
    %reshape3A_1500 = vector.shape_cast %select_n3A_1499 : vector<256x16xi32> to vector<256x16x1xi32>
    %gather3A_1501 = vector.shape_cast %reshape3A_1500 : vector<256x16x1xi32> to vector<256x16xi32>
    %gather3A_1502 = tpu.dynamic_gather %slice3A_1492[%gather3A_1501] in [1] : vector<256x128xf32>, vector<256x16xi32> -> vector<256x16xf32>
    %slice3A_1503 = vector.extract_strided_slice %sub3A {offsets = [0, 6656], sizes = [256, 128], strides = [1, 1]} : vector<256x10240xf32> to vector<256x128xf32>
    %lt3A_1504 = arith.constant 0 : i32
    %lt3A_1505 = vector.broadcast %lt3A_1504 : i32 to vector<256x16xi32>
    %lt3A_1506 = arith.cmpi slt, %transpose3A_915, %lt3A_1505 : vector<256x16xi32>
    %add3A_1507 = arith.constant 128 : i32
    %add3A_1508 = vector.broadcast %add3A_1507 : i32 to vector<256x16xi32>
    %add3A_1509 = arith.addi %transpose3A_915, %add3A_1508 : vector<256x16xi32>
    %select_n3A_1510 = arith.select %lt3A_1506, %add3A_1509, %transpose3A_915 : vector<256x16xi1>, vector<256x16xi32>
    %reshape3A_1511 = vector.shape_cast %select_n3A_1510 : vector<256x16xi32> to vector<256x16x1xi32>
    %gather3A_1512 = vector.shape_cast %reshape3A_1511 : vector<256x16x1xi32> to vector<256x16xi32>
    %gather3A_1513 = tpu.dynamic_gather %slice3A_1503[%gather3A_1512] in [1] : vector<256x128xf32>, vector<256x16xi32> -> vector<256x16xf32>
    %slice3A_1514 = vector.extract_strided_slice %sub3A {offsets = [0, 6784], sizes = [256, 128], strides = [1, 1]} : vector<256x10240xf32> to vector<256x128xf32>
    %lt3A_1515 = arith.constant 0 : i32
    %lt3A_1516 = vector.broadcast %lt3A_1515 : i32 to vector<256x16xi32>
    %lt3A_1517 = arith.cmpi slt, %transpose3A_915, %lt3A_1516 : vector<256x16xi32>
    %add3A_1518 = arith.constant 128 : i32
    %add3A_1519 = vector.broadcast %add3A_1518 : i32 to vector<256x16xi32>
    %add3A_1520 = arith.addi %transpose3A_915, %add3A_1519 : vector<256x16xi32>
    %select_n3A_1521 = arith.select %lt3A_1517, %add3A_1520, %transpose3A_915 : vector<256x16xi1>, vector<256x16xi32>
    %reshape3A_1522 = vector.shape_cast %select_n3A_1521 : vector<256x16xi32> to vector<256x16x1xi32>
    %gather3A_1523 = vector.shape_cast %reshape3A_1522 : vector<256x16x1xi32> to vector<256x16xi32>
    %gather3A_1524 = tpu.dynamic_gather %slice3A_1514[%gather3A_1523] in [1] : vector<256x128xf32>, vector<256x16xi32> -> vector<256x16xf32>
    %slice3A_1525 = vector.extract_strided_slice %sub3A {offsets = [0, 6912], sizes = [256, 128], strides = [1, 1]} : vector<256x10240xf32> to vector<256x128xf32>
    %lt3A_1526 = arith.constant 0 : i32
    %lt3A_1527 = vector.broadcast %lt3A_1526 : i32 to vector<256x16xi32>
    %lt3A_1528 = arith.cmpi slt, %transpose3A_915, %lt3A_1527 : vector<256x16xi32>
    %add3A_1529 = arith.constant 128 : i32
    %add3A_1530 = vector.broadcast %add3A_1529 : i32 to vector<256x16xi32>
    %add3A_1531 = arith.addi %transpose3A_915, %add3A_1530 : vector<256x16xi32>
    %select_n3A_1532 = arith.select %lt3A_1528, %add3A_1531, %transpose3A_915 : vector<256x16xi1>, vector<256x16xi32>
    %reshape3A_1533 = vector.shape_cast %select_n3A_1532 : vector<256x16xi32> to vector<256x16x1xi32>
    %gather3A_1534 = vector.shape_cast %reshape3A_1533 : vector<256x16x1xi32> to vector<256x16xi32>
    %gather3A_1535 = tpu.dynamic_gather %slice3A_1525[%gather3A_1534] in [1] : vector<256x128xf32>, vector<256x16xi32> -> vector<256x16xf32>
    %slice3A_1536 = vector.extract_strided_slice %sub3A {offsets = [0, 7040], sizes = [256, 128], strides = [1, 1]} : vector<256x10240xf32> to vector<256x128xf32>
    %lt3A_1537 = arith.constant 0 : i32
    %lt3A_1538 = vector.broadcast %lt3A_1537 : i32 to vector<256x16xi32>
    %lt3A_1539 = arith.cmpi slt, %transpose3A_915, %lt3A_1538 : vector<256x16xi32>
    %add3A_1540 = arith.constant 128 : i32
    %add3A_1541 = vector.broadcast %add3A_1540 : i32 to vector<256x16xi32>
    %add3A_1542 = arith.addi %transpose3A_915, %add3A_1541 : vector<256x16xi32>
    %select_n3A_1543 = arith.select %lt3A_1539, %add3A_1542, %transpose3A_915 : vector<256x16xi1>, vector<256x16xi32>
    %reshape3A_1544 = vector.shape_cast %select_n3A_1543 : vector<256x16xi32> to vector<256x16x1xi32>
    %gather3A_1545 = vector.shape_cast %reshape3A_1544 : vector<256x16x1xi32> to vector<256x16xi32>
    %gather3A_1546 = tpu.dynamic_gather %slice3A_1536[%gather3A_1545] in [1] : vector<256x128xf32>, vector<256x16xi32> -> vector<256x16xf32>
    %slice3A_1547 = vector.extract_strided_slice %sub3A {offsets = [0, 7168], sizes = [256, 128], strides = [1, 1]} : vector<256x10240xf32> to vector<256x128xf32>
    %lt3A_1548 = arith.constant 0 : i32
    %lt3A_1549 = vector.broadcast %lt3A_1548 : i32 to vector<256x16xi32>
    %lt3A_1550 = arith.cmpi slt, %transpose3A_915, %lt3A_1549 : vector<256x16xi32>
    %add3A_1551 = arith.constant 128 : i32
    %add3A_1552 = vector.broadcast %add3A_1551 : i32 to vector<256x16xi32>
    %add3A_1553 = arith.addi %transpose3A_915, %add3A_1552 : vector<256x16xi32>
    %select_n3A_1554 = arith.select %lt3A_1550, %add3A_1553, %transpose3A_915 : vector<256x16xi1>, vector<256x16xi32>
    %reshape3A_1555 = vector.shape_cast %select_n3A_1554 : vector<256x16xi32> to vector<256x16x1xi32>
    %gather3A_1556 = vector.shape_cast %reshape3A_1555 : vector<256x16x1xi32> to vector<256x16xi32>
    %gather3A_1557 = tpu.dynamic_gather %slice3A_1547[%gather3A_1556] in [1] : vector<256x128xf32>, vector<256x16xi32> -> vector<256x16xf32>
    %slice3A_1558 = vector.extract_strided_slice %sub3A {offsets = [0, 7296], sizes = [256, 128], strides = [1, 1]} : vector<256x10240xf32> to vector<256x128xf32>
    %lt3A_1559 = arith.constant 0 : i32
    %lt3A_1560 = vector.broadcast %lt3A_1559 : i32 to vector<256x16xi32>
    %lt3A_1561 = arith.cmpi slt, %transpose3A_915, %lt3A_1560 : vector<256x16xi32>
    %add3A_1562 = arith.constant 128 : i32
    %add3A_1563 = vector.broadcast %add3A_1562 : i32 to vector<256x16xi32>
    %add3A_1564 = arith.addi %transpose3A_915, %add3A_1563 : vector<256x16xi32>
    %select_n3A_1565 = arith.select %lt3A_1561, %add3A_1564, %transpose3A_915 : vector<256x16xi1>, vector<256x16xi32>
    %reshape3A_1566 = vector.shape_cast %select_n3A_1565 : vector<256x16xi32> to vector<256x16x1xi32>
    %gather3A_1567 = vector.shape_cast %reshape3A_1566 : vector<256x16x1xi32> to vector<256x16xi32>
    %gather3A_1568 = tpu.dynamic_gather %slice3A_1558[%gather3A_1567] in [1] : vector<256x128xf32>, vector<256x16xi32> -> vector<256x16xf32>
    %slice3A_1569 = vector.extract_strided_slice %sub3A {offsets = [0, 7424], sizes = [256, 128], strides = [1, 1]} : vector<256x10240xf32> to vector<256x128xf32>
    %lt3A_1570 = arith.constant 0 : i32
    %lt3A_1571 = vector.broadcast %lt3A_1570 : i32 to vector<256x16xi32>
    %lt3A_1572 = arith.cmpi slt, %transpose3A_915, %lt3A_1571 : vector<256x16xi32>
    %add3A_1573 = arith.constant 128 : i32
    %add3A_1574 = vector.broadcast %add3A_1573 : i32 to vector<256x16xi32>
    %add3A_1575 = arith.addi %transpose3A_915, %add3A_1574 : vector<256x16xi32>
    %select_n3A_1576 = arith.select %lt3A_1572, %add3A_1575, %transpose3A_915 : vector<256x16xi1>, vector<256x16xi32>
    %reshape3A_1577 = vector.shape_cast %select_n3A_1576 : vector<256x16xi32> to vector<256x16x1xi32>
    %gather3A_1578 = vector.shape_cast %reshape3A_1577 : vector<256x16x1xi32> to vector<256x16xi32>
    %gather3A_1579 = tpu.dynamic_gather %slice3A_1569[%gather3A_1578] in [1] : vector<256x128xf32>, vector<256x16xi32> -> vector<256x16xf32>
    %slice3A_1580 = vector.extract_strided_slice %sub3A {offsets = [0, 7552], sizes = [256, 128], strides = [1, 1]} : vector<256x10240xf32> to vector<256x128xf32>
    %lt3A_1581 = arith.constant 0 : i32
    %lt3A_1582 = vector.broadcast %lt3A_1581 : i32 to vector<256x16xi32>
    %lt3A_1583 = arith.cmpi slt, %transpose3A_915, %lt3A_1582 : vector<256x16xi32>
    %add3A_1584 = arith.constant 128 : i32
    %add3A_1585 = vector.broadcast %add3A_1584 : i32 to vector<256x16xi32>
    %add3A_1586 = arith.addi %transpose3A_915, %add3A_1585 : vector<256x16xi32>
    %select_n3A_1587 = arith.select %lt3A_1583, %add3A_1586, %transpose3A_915 : vector<256x16xi1>, vector<256x16xi32>
    %reshape3A_1588 = vector.shape_cast %select_n3A_1587 : vector<256x16xi32> to vector<256x16x1xi32>
    %gather3A_1589 = vector.shape_cast %reshape3A_1588 : vector<256x16x1xi32> to vector<256x16xi32>
    %gather3A_1590 = tpu.dynamic_gather %slice3A_1580[%gather3A_1589] in [1] : vector<256x128xf32>, vector<256x16xi32> -> vector<256x16xf32>
    %slice3A_1591 = vector.extract_strided_slice %sub3A {offsets = [0, 7680], sizes = [256, 128], strides = [1, 1]} : vector<256x10240xf32> to vector<256x128xf32>
    %lt3A_1592 = arith.constant 0 : i32
    %lt3A_1593 = vector.broadcast %lt3A_1592 : i32 to vector<256x16xi32>
    %lt3A_1594 = arith.cmpi slt, %transpose3A_915, %lt3A_1593 : vector<256x16xi32>
    %add3A_1595 = arith.constant 128 : i32
    %add3A_1596 = vector.broadcast %add3A_1595 : i32 to vector<256x16xi32>
    %add3A_1597 = arith.addi %transpose3A_915, %add3A_1596 : vector<256x16xi32>
    %select_n3A_1598 = arith.select %lt3A_1594, %add3A_1597, %transpose3A_915 : vector<256x16xi1>, vector<256x16xi32>
    %reshape3A_1599 = vector.shape_cast %select_n3A_1598 : vector<256x16xi32> to vector<256x16x1xi32>
    %gather3A_1600 = vector.shape_cast %reshape3A_1599 : vector<256x16x1xi32> to vector<256x16xi32>
    %gather3A_1601 = tpu.dynamic_gather %slice3A_1591[%gather3A_1600] in [1] : vector<256x128xf32>, vector<256x16xi32> -> vector<256x16xf32>
    %slice3A_1602 = vector.extract_strided_slice %sub3A {offsets = [0, 7808], sizes = [256, 128], strides = [1, 1]} : vector<256x10240xf32> to vector<256x128xf32>
    %lt3A_1603 = arith.constant 0 : i32
    %lt3A_1604 = vector.broadcast %lt3A_1603 : i32 to vector<256x16xi32>
    %lt3A_1605 = arith.cmpi slt, %transpose3A_915, %lt3A_1604 : vector<256x16xi32>
    %add3A_1606 = arith.constant 128 : i32
    %add3A_1607 = vector.broadcast %add3A_1606 : i32 to vector<256x16xi32>
    %add3A_1608 = arith.addi %transpose3A_915, %add3A_1607 : vector<256x16xi32>
    %select_n3A_1609 = arith.select %lt3A_1605, %add3A_1608, %transpose3A_915 : vector<256x16xi1>, vector<256x16xi32>
    %reshape3A_1610 = vector.shape_cast %select_n3A_1609 : vector<256x16xi32> to vector<256x16x1xi32>
    %gather3A_1611 = vector.shape_cast %reshape3A_1610 : vector<256x16x1xi32> to vector<256x16xi32>
    %gather3A_1612 = tpu.dynamic_gather %slice3A_1602[%gather3A_1611] in [1] : vector<256x128xf32>, vector<256x16xi32> -> vector<256x16xf32>
    %slice3A_1613 = vector.extract_strided_slice %sub3A {offsets = [0, 7936], sizes = [256, 128], strides = [1, 1]} : vector<256x10240xf32> to vector<256x128xf32>
    %lt3A_1614 = arith.constant 0 : i32
    %lt3A_1615 = vector.broadcast %lt3A_1614 : i32 to vector<256x16xi32>
    %lt3A_1616 = arith.cmpi slt, %transpose3A_915, %lt3A_1615 : vector<256x16xi32>
    %add3A_1617 = arith.constant 128 : i32
    %add3A_1618 = vector.broadcast %add3A_1617 : i32 to vector<256x16xi32>
    %add3A_1619 = arith.addi %transpose3A_915, %add3A_1618 : vector<256x16xi32>
    %select_n3A_1620 = arith.select %lt3A_1616, %add3A_1619, %transpose3A_915 : vector<256x16xi1>, vector<256x16xi32>
    %reshape3A_1621 = vector.shape_cast %select_n3A_1620 : vector<256x16xi32> to vector<256x16x1xi32>
    %gather3A_1622 = vector.shape_cast %reshape3A_1621 : vector<256x16x1xi32> to vector<256x16xi32>
    %gather3A_1623 = tpu.dynamic_gather %slice3A_1613[%gather3A_1622] in [1] : vector<256x128xf32>, vector<256x16xi32> -> vector<256x16xf32>
    %slice3A_1624 = vector.extract_strided_slice %sub3A {offsets = [0, 8064], sizes = [256, 128], strides = [1, 1]} : vector<256x10240xf32> to vector<256x128xf32>
    %lt3A_1625 = arith.constant 0 : i32
    %lt3A_1626 = vector.broadcast %lt3A_1625 : i32 to vector<256x16xi32>
    %lt3A_1627 = arith.cmpi slt, %transpose3A_915, %lt3A_1626 : vector<256x16xi32>
    %add3A_1628 = arith.constant 128 : i32
    %add3A_1629 = vector.broadcast %add3A_1628 : i32 to vector<256x16xi32>
    %add3A_1630 = arith.addi %transpose3A_915, %add3A_1629 : vector<256x16xi32>
    %select_n3A_1631 = arith.select %lt3A_1627, %add3A_1630, %transpose3A_915 : vector<256x16xi1>, vector<256x16xi32>
    %reshape3A_1632 = vector.shape_cast %select_n3A_1631 : vector<256x16xi32> to vector<256x16x1xi32>
    %gather3A_1633 = vector.shape_cast %reshape3A_1632 : vector<256x16x1xi32> to vector<256x16xi32>
    %gather3A_1634 = tpu.dynamic_gather %slice3A_1624[%gather3A_1633] in [1] : vector<256x128xf32>, vector<256x16xi32> -> vector<256x16xf32>
    %slice3A_1635 = vector.extract_strided_slice %sub3A {offsets = [0, 8192], sizes = [256, 128], strides = [1, 1]} : vector<256x10240xf32> to vector<256x128xf32>
    %lt3A_1636 = arith.constant 0 : i32
    %lt3A_1637 = vector.broadcast %lt3A_1636 : i32 to vector<256x16xi32>
    %lt3A_1638 = arith.cmpi slt, %transpose3A_915, %lt3A_1637 : vector<256x16xi32>
    %add3A_1639 = arith.constant 128 : i32
    %add3A_1640 = vector.broadcast %add3A_1639 : i32 to vector<256x16xi32>
    %add3A_1641 = arith.addi %transpose3A_915, %add3A_1640 : vector<256x16xi32>
    %select_n3A_1642 = arith.select %lt3A_1638, %add3A_1641, %transpose3A_915 : vector<256x16xi1>, vector<256x16xi32>
    %reshape3A_1643 = vector.shape_cast %select_n3A_1642 : vector<256x16xi32> to vector<256x16x1xi32>
    %gather3A_1644 = vector.shape_cast %reshape3A_1643 : vector<256x16x1xi32> to vector<256x16xi32>
    %gather3A_1645 = tpu.dynamic_gather %slice3A_1635[%gather3A_1644] in [1] : vector<256x128xf32>, vector<256x16xi32> -> vector<256x16xf32>
    %slice3A_1646 = vector.extract_strided_slice %sub3A {offsets = [0, 8320], sizes = [256, 128], strides = [1, 1]} : vector<256x10240xf32> to vector<256x128xf32>
    %lt3A_1647 = arith.constant 0 : i32
    %lt3A_1648 = vector.broadcast %lt3A_1647 : i32 to vector<256x16xi32>
    %lt3A_1649 = arith.cmpi slt, %transpose3A_915, %lt3A_1648 : vector<256x16xi32>
    %add3A_1650 = arith.constant 128 : i32
    %add3A_1651 = vector.broadcast %add3A_1650 : i32 to vector<256x16xi32>
    %add3A_1652 = arith.addi %transpose3A_915, %add3A_1651 : vector<256x16xi32>
    %select_n3A_1653 = arith.select %lt3A_1649, %add3A_1652, %transpose3A_915 : vector<256x16xi1>, vector<256x16xi32>
    %reshape3A_1654 = vector.shape_cast %select_n3A_1653 : vector<256x16xi32> to vector<256x16x1xi32>
    %gather3A_1655 = vector.shape_cast %reshape3A_1654 : vector<256x16x1xi32> to vector<256x16xi32>
    %gather3A_1656 = tpu.dynamic_gather %slice3A_1646[%gather3A_1655] in [1] : vector<256x128xf32>, vector<256x16xi32> -> vector<256x16xf32>
    %slice3A_1657 = vector.extract_strided_slice %sub3A {offsets = [0, 8448], sizes = [256, 128], strides = [1, 1]} : vector<256x10240xf32> to vector<256x128xf32>
    %lt3A_1658 = arith.constant 0 : i32
    %lt3A_1659 = vector.broadcast %lt3A_1658 : i32 to vector<256x16xi32>
    %lt3A_1660 = arith.cmpi slt, %transpose3A_915, %lt3A_1659 : vector<256x16xi32>
    %add3A_1661 = arith.constant 128 : i32
    %add3A_1662 = vector.broadcast %add3A_1661 : i32 to vector<256x16xi32>
    %add3A_1663 = arith.addi %transpose3A_915, %add3A_1662 : vector<256x16xi32>
    %select_n3A_1664 = arith.select %lt3A_1660, %add3A_1663, %transpose3A_915 : vector<256x16xi1>, vector<256x16xi32>
    %reshape3A_1665 = vector.shape_cast %select_n3A_1664 : vector<256x16xi32> to vector<256x16x1xi32>
    %gather3A_1666 = vector.shape_cast %reshape3A_1665 : vector<256x16x1xi32> to vector<256x16xi32>
    %gather3A_1667 = tpu.dynamic_gather %slice3A_1657[%gather3A_1666] in [1] : vector<256x128xf32>, vector<256x16xi32> -> vector<256x16xf32>
    %slice3A_1668 = vector.extract_strided_slice %sub3A {offsets = [0, 8576], sizes = [256, 128], strides = [1, 1]} : vector<256x10240xf32> to vector<256x128xf32>
    %lt3A_1669 = arith.constant 0 : i32
    %lt3A_1670 = vector.broadcast %lt3A_1669 : i32 to vector<256x16xi32>
    %lt3A_1671 = arith.cmpi slt, %transpose3A_915, %lt3A_1670 : vector<256x16xi32>
    %add3A_1672 = arith.constant 128 : i32
    %add3A_1673 = vector.broadcast %add3A_1672 : i32 to vector<256x16xi32>
    %add3A_1674 = arith.addi %transpose3A_915, %add3A_1673 : vector<256x16xi32>
    %select_n3A_1675 = arith.select %lt3A_1671, %add3A_1674, %transpose3A_915 : vector<256x16xi1>, vector<256x16xi32>
    %reshape3A_1676 = vector.shape_cast %select_n3A_1675 : vector<256x16xi32> to vector<256x16x1xi32>
    %gather3A_1677 = vector.shape_cast %reshape3A_1676 : vector<256x16x1xi32> to vector<256x16xi32>
    %gather3A_1678 = tpu.dynamic_gather %slice3A_1668[%gather3A_1677] in [1] : vector<256x128xf32>, vector<256x16xi32> -> vector<256x16xf32>
    %slice3A_1679 = vector.extract_strided_slice %sub3A {offsets = [0, 8704], sizes = [256, 128], strides = [1, 1]} : vector<256x10240xf32> to vector<256x128xf32>
    %lt3A_1680 = arith.constant 0 : i32
    %lt3A_1681 = vector.broadcast %lt3A_1680 : i32 to vector<256x16xi32>
    %lt3A_1682 = arith.cmpi slt, %transpose3A_915, %lt3A_1681 : vector<256x16xi32>
    %add3A_1683 = arith.constant 128 : i32
    %add3A_1684 = vector.broadcast %add3A_1683 : i32 to vector<256x16xi32>
    %add3A_1685 = arith.addi %transpose3A_915, %add3A_1684 : vector<256x16xi32>
    %select_n3A_1686 = arith.select %lt3A_1682, %add3A_1685, %transpose3A_915 : vector<256x16xi1>, vector<256x16xi32>
    %reshape3A_1687 = vector.shape_cast %select_n3A_1686 : vector<256x16xi32> to vector<256x16x1xi32>
    %gather3A_1688 = vector.shape_cast %reshape3A_1687 : vector<256x16x1xi32> to vector<256x16xi32>
    %gather3A_1689 = tpu.dynamic_gather %slice3A_1679[%gather3A_1688] in [1] : vector<256x128xf32>, vector<256x16xi32> -> vector<256x16xf32>
    %slice3A_1690 = vector.extract_strided_slice %sub3A {offsets = [0, 8832], sizes = [256, 128], strides = [1, 1]} : vector<256x10240xf32> to vector<256x128xf32>
    %lt3A_1691 = arith.constant 0 : i32
    %lt3A_1692 = vector.broadcast %lt3A_1691 : i32 to vector<256x16xi32>
    %lt3A_1693 = arith.cmpi slt, %transpose3A_915, %lt3A_1692 : vector<256x16xi32>
    %add3A_1694 = arith.constant 128 : i32
    %add3A_1695 = vector.broadcast %add3A_1694 : i32 to vector<256x16xi32>
    %add3A_1696 = arith.addi %transpose3A_915, %add3A_1695 : vector<256x16xi32>
    %select_n3A_1697 = arith.select %lt3A_1693, %add3A_1696, %transpose3A_915 : vector<256x16xi1>, vector<256x16xi32>
    %reshape3A_1698 = vector.shape_cast %select_n3A_1697 : vector<256x16xi32> to vector<256x16x1xi32>
    %gather3A_1699 = vector.shape_cast %reshape3A_1698 : vector<256x16x1xi32> to vector<256x16xi32>
    %gather3A_1700 = tpu.dynamic_gather %slice3A_1690[%gather3A_1699] in [1] : vector<256x128xf32>, vector<256x16xi32> -> vector<256x16xf32>
    %slice3A_1701 = vector.extract_strided_slice %sub3A {offsets = [0, 8960], sizes = [256, 128], strides = [1, 1]} : vector<256x10240xf32> to vector<256x128xf32>
    %lt3A_1702 = arith.constant 0 : i32
    %lt3A_1703 = vector.broadcast %lt3A_1702 : i32 to vector<256x16xi32>
    %lt3A_1704 = arith.cmpi slt, %transpose3A_915, %lt3A_1703 : vector<256x16xi32>
    %add3A_1705 = arith.constant 128 : i32
    %add3A_1706 = vector.broadcast %add3A_1705 : i32 to vector<256x16xi32>
    %add3A_1707 = arith.addi %transpose3A_915, %add3A_1706 : vector<256x16xi32>
    %select_n3A_1708 = arith.select %lt3A_1704, %add3A_1707, %transpose3A_915 : vector<256x16xi1>, vector<256x16xi32>
    %reshape3A_1709 = vector.shape_cast %select_n3A_1708 : vector<256x16xi32> to vector<256x16x1xi32>
    %gather3A_1710 = vector.shape_cast %reshape3A_1709 : vector<256x16x1xi32> to vector<256x16xi32>
    %gather3A_1711 = tpu.dynamic_gather %slice3A_1701[%gather3A_1710] in [1] : vector<256x128xf32>, vector<256x16xi32> -> vector<256x16xf32>
    %slice3A_1712 = vector.extract_strided_slice %sub3A {offsets = [0, 9088], sizes = [256, 128], strides = [1, 1]} : vector<256x10240xf32> to vector<256x128xf32>
    %lt3A_1713 = arith.constant 0 : i32
    %lt3A_1714 = vector.broadcast %lt3A_1713 : i32 to vector<256x16xi32>
    %lt3A_1715 = arith.cmpi slt, %transpose3A_915, %lt3A_1714 : vector<256x16xi32>
    %add3A_1716 = arith.constant 128 : i32
    %add3A_1717 = vector.broadcast %add3A_1716 : i32 to vector<256x16xi32>
    %add3A_1718 = arith.addi %transpose3A_915, %add3A_1717 : vector<256x16xi32>
    %select_n3A_1719 = arith.select %lt3A_1715, %add3A_1718, %transpose3A_915 : vector<256x16xi1>, vector<256x16xi32>
    %reshape3A_1720 = vector.shape_cast %select_n3A_1719 : vector<256x16xi32> to vector<256x16x1xi32>
    %gather3A_1721 = vector.shape_cast %reshape3A_1720 : vector<256x16x1xi32> to vector<256x16xi32>
    %gather3A_1722 = tpu.dynamic_gather %slice3A_1712[%gather3A_1721] in [1] : vector<256x128xf32>, vector<256x16xi32> -> vector<256x16xf32>
    %slice3A_1723 = vector.extract_strided_slice %sub3A {offsets = [0, 9216], sizes = [256, 128], strides = [1, 1]} : vector<256x10240xf32> to vector<256x128xf32>
    %lt3A_1724 = arith.constant 0 : i32
    %lt3A_1725 = vector.broadcast %lt3A_1724 : i32 to vector<256x16xi32>
    %lt3A_1726 = arith.cmpi slt, %transpose3A_915, %lt3A_1725 : vector<256x16xi32>
    %add3A_1727 = arith.constant 128 : i32
    %add3A_1728 = vector.broadcast %add3A_1727 : i32 to vector<256x16xi32>
    %add3A_1729 = arith.addi %transpose3A_915, %add3A_1728 : vector<256x16xi32>
    %select_n3A_1730 = arith.select %lt3A_1726, %add3A_1729, %transpose3A_915 : vector<256x16xi1>, vector<256x16xi32>
    %reshape3A_1731 = vector.shape_cast %select_n3A_1730 : vector<256x16xi32> to vector<256x16x1xi32>
    %gather3A_1732 = vector.shape_cast %reshape3A_1731 : vector<256x16x1xi32> to vector<256x16xi32>
    %gather3A_1733 = tpu.dynamic_gather %slice3A_1723[%gather3A_1732] in [1] : vector<256x128xf32>, vector<256x16xi32> -> vector<256x16xf32>
    %slice3A_1734 = vector.extract_strided_slice %sub3A {offsets = [0, 9344], sizes = [256, 128], strides = [1, 1]} : vector<256x10240xf32> to vector<256x128xf32>
    %lt3A_1735 = arith.constant 0 : i32
    %lt3A_1736 = vector.broadcast %lt3A_1735 : i32 to vector<256x16xi32>
    %lt3A_1737 = arith.cmpi slt, %transpose3A_915, %lt3A_1736 : vector<256x16xi32>
    %add3A_1738 = arith.constant 128 : i32
    %add3A_1739 = vector.broadcast %add3A_1738 : i32 to vector<256x16xi32>
    %add3A_1740 = arith.addi %transpose3A_915, %add3A_1739 : vector<256x16xi32>
    %select_n3A_1741 = arith.select %lt3A_1737, %add3A_1740, %transpose3A_915 : vector<256x16xi1>, vector<256x16xi32>
    %reshape3A_1742 = vector.shape_cast %select_n3A_1741 : vector<256x16xi32> to vector<256x16x1xi32>
    %gather3A_1743 = vector.shape_cast %reshape3A_1742 : vector<256x16x1xi32> to vector<256x16xi32>
    %gather3A_1744 = tpu.dynamic_gather %slice3A_1734[%gather3A_1743] in [1] : vector<256x128xf32>, vector<256x16xi32> -> vector<256x16xf32>
    %slice3A_1745 = vector.extract_strided_slice %sub3A {offsets = [0, 9472], sizes = [256, 128], strides = [1, 1]} : vector<256x10240xf32> to vector<256x128xf32>
    %lt3A_1746 = arith.constant 0 : i32
    %lt3A_1747 = vector.broadcast %lt3A_1746 : i32 to vector<256x16xi32>
    %lt3A_1748 = arith.cmpi slt, %transpose3A_915, %lt3A_1747 : vector<256x16xi32>
    %add3A_1749 = arith.constant 128 : i32
    %add3A_1750 = vector.broadcast %add3A_1749 : i32 to vector<256x16xi32>
    %add3A_1751 = arith.addi %transpose3A_915, %add3A_1750 : vector<256x16xi32>
    %select_n3A_1752 = arith.select %lt3A_1748, %add3A_1751, %transpose3A_915 : vector<256x16xi1>, vector<256x16xi32>
    %reshape3A_1753 = vector.shape_cast %select_n3A_1752 : vector<256x16xi32> to vector<256x16x1xi32>
    %gather3A_1754 = vector.shape_cast %reshape3A_1753 : vector<256x16x1xi32> to vector<256x16xi32>
    %gather3A_1755 = tpu.dynamic_gather %slice3A_1745[%gather3A_1754] in [1] : vector<256x128xf32>, vector<256x16xi32> -> vector<256x16xf32>
    %slice3A_1756 = vector.extract_strided_slice %sub3A {offsets = [0, 9600], sizes = [256, 128], strides = [1, 1]} : vector<256x10240xf32> to vector<256x128xf32>
    %lt3A_1757 = arith.constant 0 : i32
    %lt3A_1758 = vector.broadcast %lt3A_1757 : i32 to vector<256x16xi32>
    %lt3A_1759 = arith.cmpi slt, %transpose3A_915, %lt3A_1758 : vector<256x16xi32>
    %add3A_1760 = arith.constant 128 : i32
    %add3A_1761 = vector.broadcast %add3A_1760 : i32 to vector<256x16xi32>
    %add3A_1762 = arith.addi %transpose3A_915, %add3A_1761 : vector<256x16xi32>
    %select_n3A_1763 = arith.select %lt3A_1759, %add3A_1762, %transpose3A_915 : vector<256x16xi1>, vector<256x16xi32>
    %reshape3A_1764 = vector.shape_cast %select_n3A_1763 : vector<256x16xi32> to vector<256x16x1xi32>
    %gather3A_1765 = vector.shape_cast %reshape3A_1764 : vector<256x16x1xi32> to vector<256x16xi32>
    %gather3A_1766 = tpu.dynamic_gather %slice3A_1756[%gather3A_1765] in [1] : vector<256x128xf32>, vector<256x16xi32> -> vector<256x16xf32>
    %slice3A_1767 = vector.extract_strided_slice %sub3A {offsets = [0, 9728], sizes = [256, 128], strides = [1, 1]} : vector<256x10240xf32> to vector<256x128xf32>
    %lt3A_1768 = arith.constant 0 : i32
    %lt3A_1769 = vector.broadcast %lt3A_1768 : i32 to vector<256x16xi32>
    %lt3A_1770 = arith.cmpi slt, %transpose3A_915, %lt3A_1769 : vector<256x16xi32>
    %add3A_1771 = arith.constant 128 : i32
    %add3A_1772 = vector.broadcast %add3A_1771 : i32 to vector<256x16xi32>
    %add3A_1773 = arith.addi %transpose3A_915, %add3A_1772 : vector<256x16xi32>
    %select_n3A_1774 = arith.select %lt3A_1770, %add3A_1773, %transpose3A_915 : vector<256x16xi1>, vector<256x16xi32>
    %reshape3A_1775 = vector.shape_cast %select_n3A_1774 : vector<256x16xi32> to vector<256x16x1xi32>
    %gather3A_1776 = vector.shape_cast %reshape3A_1775 : vector<256x16x1xi32> to vector<256x16xi32>
    %gather3A_1777 = tpu.dynamic_gather %slice3A_1767[%gather3A_1776] in [1] : vector<256x128xf32>, vector<256x16xi32> -> vector<256x16xf32>
    %slice3A_1778 = vector.extract_strided_slice %sub3A {offsets = [0, 9856], sizes = [256, 128], strides = [1, 1]} : vector<256x10240xf32> to vector<256x128xf32>
    %lt3A_1779 = arith.constant 0 : i32
    %lt3A_1780 = vector.broadcast %lt3A_1779 : i32 to vector<256x16xi32>
    %lt3A_1781 = arith.cmpi slt, %transpose3A_915, %lt3A_1780 : vector<256x16xi32>
    %add3A_1782 = arith.constant 128 : i32
    %add3A_1783 = vector.broadcast %add3A_1782 : i32 to vector<256x16xi32>
    %add3A_1784 = arith.addi %transpose3A_915, %add3A_1783 : vector<256x16xi32>
    %select_n3A_1785 = arith.select %lt3A_1781, %add3A_1784, %transpose3A_915 : vector<256x16xi1>, vector<256x16xi32>
    %reshape3A_1786 = vector.shape_cast %select_n3A_1785 : vector<256x16xi32> to vector<256x16x1xi32>
    %gather3A_1787 = vector.shape_cast %reshape3A_1786 : vector<256x16x1xi32> to vector<256x16xi32>
    %gather3A_1788 = tpu.dynamic_gather %slice3A_1778[%gather3A_1787] in [1] : vector<256x128xf32>, vector<256x16xi32> -> vector<256x16xf32>
    %slice3A_1789 = vector.extract_strided_slice %sub3A {offsets = [0, 9984], sizes = [256, 128], strides = [1, 1]} : vector<256x10240xf32> to vector<256x128xf32>
    %lt3A_1790 = arith.constant 0 : i32
    %lt3A_1791 = vector.broadcast %lt3A_1790 : i32 to vector<256x16xi32>
    %lt3A_1792 = arith.cmpi slt, %transpose3A_915, %lt3A_1791 : vector<256x16xi32>
    %add3A_1793 = arith.constant 128 : i32
    %add3A_1794 = vector.broadcast %add3A_1793 : i32 to vector<256x16xi32>
    %add3A_1795 = arith.addi %transpose3A_915, %add3A_1794 : vector<256x16xi32>
    %select_n3A_1796 = arith.select %lt3A_1792, %add3A_1795, %transpose3A_915 : vector<256x16xi1>, vector<256x16xi32>
    %reshape3A_1797 = vector.shape_cast %select_n3A_1796 : vector<256x16xi32> to vector<256x16x1xi32>
    %gather3A_1798 = vector.shape_cast %reshape3A_1797 : vector<256x16x1xi32> to vector<256x16xi32>
    %gather3A_1799 = tpu.dynamic_gather %slice3A_1789[%gather3A_1798] in [1] : vector<256x128xf32>, vector<256x16xi32> -> vector<256x16xf32>
    %slice3A_1800 = vector.extract_strided_slice %sub3A {offsets = [0, 10112], sizes = [256, 128], strides = [1, 1]} : vector<256x10240xf32> to vector<256x128xf32>
    %lt3A_1801 = arith.constant 0 : i32
    %lt3A_1802 = vector.broadcast %lt3A_1801 : i32 to vector<256x16xi32>
    %lt3A_1803 = arith.cmpi slt, %transpose3A_915, %lt3A_1802 : vector<256x16xi32>
    %add3A_1804 = arith.constant 128 : i32
    %add3A_1805 = vector.broadcast %add3A_1804 : i32 to vector<256x16xi32>
    %add3A_1806 = arith.addi %transpose3A_915, %add3A_1805 : vector<256x16xi32>
    %select_n3A_1807 = arith.select %lt3A_1803, %add3A_1806, %transpose3A_915 : vector<256x16xi1>, vector<256x16xi32>
    %reshape3A_1808 = vector.shape_cast %select_n3A_1807 : vector<256x16xi32> to vector<256x16x1xi32>
    %gather3A_1809 = vector.shape_cast %reshape3A_1808 : vector<256x16x1xi32> to vector<256x16xi32>
    %gather3A_1810 = tpu.dynamic_gather %slice3A_1800[%gather3A_1809] in [1] : vector<256x128xf32>, vector<256x16xi32> -> vector<256x16xf32>
    %concatenate3A = tpu.concatenate %gather3A_941, %gather3A_952, %gather3A_963, %gather3A_974, %gather3A_985, %gather3A_996, %gather3A_1007, %gather3A_1018, %gather3A_1029, %gather3A_1040, %gather3A_1051, %gather3A_1062, %gather3A_1073, %gather3A_1084, %gather3A_1095, %gather3A_1106, %gather3A_1117, %gather3A_1128, %gather3A_1139, %gather3A_1150, %gather3A_1161, %gather3A_1172, %gather3A_1183, %gather3A_1194, %gather3A_1205, %gather3A_1216, %gather3A_1227, %gather3A_1238, %gather3A_1249, %gather3A_1260, %gather3A_1271, %gather3A_1282, %gather3A_1293, %gather3A_1304, %gather3A_1315, %gather3A_1326, %gather3A_1337, %gather3A_1348, %gather3A_1359, %gather3A_1370, %gather3A_1381, %gather3A_1392, %gather3A_1403, %gather3A_1414, %gather3A_1425, %gather3A_1436, %gather3A_1447, %gather3A_1458, %gather3A_1469, %gather3A_1480, %gather3A_1491, %gather3A_1502, %gather3A_1513, %gather3A_1524, %gather3A_1535, %gather3A_1546, %gather3A_1557, %gather3A_1568, %gather3A_1579, %gather3A_1590, %gather3A_1601, %gather3A_1612, %gather3A_1623, %gather3A_1634, %gather3A_1645, %gather3A_1656, %gather3A_1667, %gather3A_1678, %gather3A_1689, %gather3A_1700, %gather3A_1711, %gather3A_1722, %gather3A_1733, %gather3A_1744, %gather3A_1755, %gather3A_1766, %gather3A_1777, %gather3A_1788, %gather3A_1799, %gather3A_1810 in 1 : vector<256x16xf32>, vector<256x16xf32>, vector<256x16xf32>, vector<256x16xf32>, vector<256x16xf32>, vector<256x16xf32>, vector<256x16xf32>, vector<256x16xf32>, vector<256x16xf32>, vector<256x16xf32>, vector<256x16xf32>, vector<256x16xf32>, vector<256x16xf32>, vector<256x16xf32>, vector<256x16xf32>, vector<256x16xf32>, vector<256x16xf32>, vector<256x16xf32>, vector<256x16xf32>, vector<256x16xf32>, vector<256x16xf32>, vector<256x16xf32>, vector<256x16xf32>, vector<256x16xf32>, vector<256x16xf32>, vector<256x16xf32>, vector<256x16xf32>, vector<256x16xf32>, vector<256x16xf32>, vector<256x16xf32>, vector<256x16xf32>, vector<256x16xf32>, vector<256x16xf32>, vector<256x16xf32>, vector<256x16xf32>, vector<256x16xf32>, vector<256x16xf32>, vector<256x16xf32>, vector<256x16xf32>, vector<256x16xf32>, vector<256x16xf32>, vector<256x16xf32>, vector<256x16xf32>, vector<256x16xf32>, vector<256x16xf32>, vector<256x16xf32>, vector<256x16xf32>, vector<256x16xf32>, vector<256x16xf32>, vector<256x16xf32>, vector<256x16xf32>, vector<256x16xf32>, vector<256x16xf32>, vector<256x16xf32>, vector<256x16xf32>, vector<256x16xf32>, vector<256x16xf32>, vector<256x16xf32>, vector<256x16xf32>, vector<256x16xf32>, vector<256x16xf32>, vector<256x16xf32>, vector<256x16xf32>, vector<256x16xf32>, vector<256x16xf32>, vector<256x16xf32>, vector<256x16xf32>, vector<256x16xf32>, vector<256x16xf32>, vector<256x16xf32>, vector<256x16xf32>, vector<256x16xf32>, vector<256x16xf32>, vector<256x16xf32>, vector<256x16xf32>, vector<256x16xf32>, vector<256x16xf32>, vector<256x16xf32>, vector<256x16xf32>, vector<256x16xf32> -> vector<256x1280xf32>
    %slice3A_1811 = vector.extract_strided_slice %concatenate3A {offsets = [0, 0], sizes = [256, 128], strides = [1, 1]} : vector<256x1280xf32> to vector<256x128xf32>
    %slice3A_1812 = vector.extract_strided_slice %concatenate3A {offsets = [0, 128], sizes = [256, 128], strides = [1, 1]} : vector<256x1280xf32> to vector<256x128xf32>
    %min3A_1813 = arith.minimumf %slice3A_1811, %slice3A_1812 : vector<256x128xf32>
    %slice3A_1814 = vector.extract_strided_slice %concatenate3A {offsets = [0, 256], sizes = [256, 128], strides = [1, 1]} : vector<256x1280xf32> to vector<256x128xf32>
    %min3A_1815 = arith.minimumf %min3A_1813, %slice3A_1814 : vector<256x128xf32>
    %slice3A_1816 = vector.extract_strided_slice %concatenate3A {offsets = [0, 384], sizes = [256, 128], strides = [1, 1]} : vector<256x1280xf32> to vector<256x128xf32>
    %min3A_1817 = arith.minimumf %min3A_1815, %slice3A_1816 : vector<256x128xf32>
    %slice3A_1818 = vector.extract_strided_slice %concatenate3A {offsets = [0, 512], sizes = [256, 128], strides = [1, 1]} : vector<256x1280xf32> to vector<256x128xf32>
    %min3A_1819 = arith.minimumf %min3A_1817, %slice3A_1818 : vector<256x128xf32>
    %slice3A_1820 = vector.extract_strided_slice %concatenate3A {offsets = [0, 640], sizes = [256, 128], strides = [1, 1]} : vector<256x1280xf32> to vector<256x128xf32>
    %min3A_1821 = arith.minimumf %min3A_1819, %slice3A_1820 : vector<256x128xf32>
    %slice3A_1822 = vector.extract_strided_slice %concatenate3A {offsets = [0, 768], sizes = [256, 128], strides = [1, 1]} : vector<256x1280xf32> to vector<256x128xf32>
    %min3A_1823 = arith.minimumf %min3A_1821, %slice3A_1822 : vector<256x128xf32>
    %slice3A_1824 = vector.extract_strided_slice %concatenate3A {offsets = [0, 896], sizes = [256, 128], strides = [1, 1]} : vector<256x1280xf32> to vector<256x128xf32>
    %min3A_1825 = arith.minimumf %min3A_1823, %slice3A_1824 : vector<256x128xf32>
    %slice3A_1826 = vector.extract_strided_slice %concatenate3A {offsets = [0, 1024], sizes = [256, 128], strides = [1, 1]} : vector<256x1280xf32> to vector<256x128xf32>
    %min3A_1827 = arith.minimumf %min3A_1825, %slice3A_1826 : vector<256x128xf32>
    %slice3A_1828 = vector.extract_strided_slice %concatenate3A {offsets = [0, 1152], sizes = [256, 128], strides = [1, 1]} : vector<256x1280xf32> to vector<256x128xf32>
    %min3A_1829 = arith.minimumf %min3A_1827, %slice3A_1828 : vector<256x128xf32>
    %transpose3A_1830 = tpu.transpose %min3A_1829, [1, 0] : vector<256x128xf32> -> vector<128x256xf32>
    %broadcast_in_dim3A_1831 = arith.constant 0 : i32
    %broadcast_in_dim3A_1832 = vector.broadcast %broadcast_in_dim3A_1831 : i32 to vector<16x256xi32>
    %slice3A_1833 = vector.extract_strided_slice %transpose3A_1830 {offsets = [0, 0], sizes = [64, 256], strides = [1, 1]} : vector<128x256xf32> to vector<64x256xf32>
    %slice3A_1834 = vector.extract_strided_slice %transpose3A_1830 {offsets = [64, 0], sizes = [64, 256], strides = [1, 1]} : vector<128x256xf32> to vector<64x256xf32>
    %min3A_1835 = arith.minimumf %slice3A_1833, %slice3A_1834 : vector<64x256xf32>
    %slice3A_1836 = vector.extract_strided_slice %min3A_1835 {offsets = [0, 0], sizes = [32, 256], strides = [1, 1]} : vector<64x256xf32> to vector<32x256xf32>
    %slice3A_1837 = vector.extract_strided_slice %min3A_1835 {offsets = [32, 0], sizes = [32, 256], strides = [1, 1]} : vector<64x256xf32> to vector<32x256xf32>
    %min3A_1838 = arith.minimumf %slice3A_1836, %slice3A_1837 : vector<32x256xf32>
    %slice3A_1839 = vector.extract_strided_slice %min3A_1838 {offsets = [0, 0], sizes = [16, 256], strides = [1, 1]} : vector<32x256xf32> to vector<16x256xf32>
    %slice3A_1840 = vector.extract_strided_slice %min3A_1838 {offsets = [16, 0], sizes = [16, 256], strides = [1, 1]} : vector<32x256xf32> to vector<16x256xf32>
    %min3A_1841 = arith.minimumf %slice3A_1839, %slice3A_1840 : vector<16x256xf32>
    %slice3A_1842 = vector.extract_strided_slice %min3A_1841 {offsets = [0, 0], sizes = [8, 256], strides = [1, 1]} : vector<16x256xf32> to vector<8x256xf32>
    %slice3A_1843 = vector.extract_strided_slice %min3A_1841 {offsets = [8, 0], sizes = [8, 256], strides = [1, 1]} : vector<16x256xf32> to vector<8x256xf32>
    %min3A_1844 = arith.minimumf %slice3A_1842, %slice3A_1843 : vector<8x256xf32>
    %reduce_min3A_1845 = arith.constant dense<0x7F800000> : vector<256xf32>
    %reduce_min3A_1846 = vector.multi_reduction <minimumf>, %min3A_1844, %reduce_min3A_1845 [0] : vector<8x256xf32> to vector<256xf32>
    %broadcast_in_dim3A_1847 = vector.shape_cast %reduce_min3A_1846 : vector<256xf32> to vector<1x256xf32>
    %eq3A_1848 = vector.broadcast %broadcast_in_dim3A_1847 : vector<1x256xf32> to vector<128x256xf32>
    %eq3A_1849 = arith.cmpf oeq, %transpose3A_1830, %eq3A_1848 : vector<128x256xf32>
    %jit3A_1850 = arith.constant 128 : i32
    %broadcast_in_dim3A_1851 = vector.broadcast %jit3A_1850 : i32 to vector<128x256xi32>
    %select_n3A_1852 = arith.select %eq3A_1849, %iota3A, %broadcast_in_dim3A_1851 : vector<128x256xi1>, vector<128x256xi32>
    %slice3A_1853 = vector.extract_strided_slice %select_n3A_1852 {offsets = [0, 0], sizes = [64, 256], strides = [1, 1]} : vector<128x256xi32> to vector<64x256xi32>
    %slice3A_1854 = vector.extract_strided_slice %select_n3A_1852 {offsets = [64, 0], sizes = [64, 256], strides = [1, 1]} : vector<128x256xi32> to vector<64x256xi32>
    %min3A_1855 = arith.minsi %slice3A_1853, %slice3A_1854 : vector<64x256xi32>
    %slice3A_1856 = vector.extract_strided_slice %min3A_1855 {offsets = [0, 0], sizes = [32, 256], strides = [1, 1]} : vector<64x256xi32> to vector<32x256xi32>
    %slice3A_1857 = vector.extract_strided_slice %min3A_1855 {offsets = [32, 0], sizes = [32, 256], strides = [1, 1]} : vector<64x256xi32> to vector<32x256xi32>
    %min3A_1858 = arith.minsi %slice3A_1856, %slice3A_1857 : vector<32x256xi32>
    %slice3A_1859 = vector.extract_strided_slice %min3A_1858 {offsets = [0, 0], sizes = [16, 256], strides = [1, 1]} : vector<32x256xi32> to vector<16x256xi32>
    %slice3A_1860 = vector.extract_strided_slice %min3A_1858 {offsets = [16, 0], sizes = [16, 256], strides = [1, 1]} : vector<32x256xi32> to vector<16x256xi32>
    %min3A_1861 = arith.minsi %slice3A_1859, %slice3A_1860 : vector<16x256xi32>
    %slice3A_1862 = vector.extract_strided_slice %min3A_1861 {offsets = [0, 0], sizes = [8, 256], strides = [1, 1]} : vector<16x256xi32> to vector<8x256xi32>
    %slice3A_1863 = vector.extract_strided_slice %min3A_1861 {offsets = [8, 0], sizes = [8, 256], strides = [1, 1]} : vector<16x256xi32> to vector<8x256xi32>
    %min3A_1864 = arith.minsi %slice3A_1862, %slice3A_1863 : vector<8x256xi32>
    %reduce_min3A_1865 = arith.constant dense<2147483647> : vector<256xi32>
    %reduce_min3A_1866 = vector.multi_reduction <minsi>, %min3A_1864, %reduce_min3A_1865 [0] : vector<8x256xi32> to vector<256xi32>
    %broadcast_in_dim3A_1867 = vector.shape_cast %reduce_min3A_1866 : vector<256xi32> to vector<1x256xi32>
    %eq3A_1868 = vector.broadcast %broadcast_in_dim3A_1867 : vector<1x256xi32> to vector<128x256xi32>
    %eq3A_1869 = arith.cmpi eq, %iota3A, %eq3A_1868 : vector<128x256xi32>
    %jit3A_1870 = arith.constant 0x7F800000 : f32
    %broadcast_in_dim3A_1871 = vector.broadcast %jit3A_1870 : f32 to vector<128x256xf32>
    %select_n3A_1872 = arith.select %eq3A_1869, %broadcast_in_dim3A_1871, %transpose3A_1830 : vector<128x256xi1>, vector<128x256xf32>
    %eq3A_1873 = arith.constant 0 : i32
    %eq3A_1874 = vector.broadcast %eq3A_1873 : i32 to vector<16x256xi32>
    %eq3A_1875 = arith.cmpi eq, %iota3A_186, %eq3A_1874 : vector<16x256xi32>
    %broadcast_in_dim3A_1876 = vector.shape_cast %broadcast_in_dim3A_1867 : vector<1x256xi32> to vector<1x256xi32>
    %broadcast_in_dim3A_1877 = vector.broadcast %broadcast_in_dim3A_1876 : vector<1x256xi32> to vector<16x256xi32>
    %select_n3A_1878 = arith.select %eq3A_1875, %broadcast_in_dim3A_1877, %broadcast_in_dim3A_1832 : vector<16x256xi1>, vector<16x256xi32>
    %slice3A_1879 = vector.extract_strided_slice %select_n3A_1872 {offsets = [0, 0], sizes = [64, 256], strides = [1, 1]} : vector<128x256xf32> to vector<64x256xf32>
    %slice3A_1880 = vector.extract_strided_slice %select_n3A_1872 {offsets = [64, 0], sizes = [64, 256], strides = [1, 1]} : vector<128x256xf32> to vector<64x256xf32>
    %min3A_1881 = arith.minimumf %slice3A_1879, %slice3A_1880 : vector<64x256xf32>
    %slice3A_1882 = vector.extract_strided_slice %min3A_1881 {offsets = [0, 0], sizes = [32, 256], strides = [1, 1]} : vector<64x256xf32> to vector<32x256xf32>
    %slice3A_1883 = vector.extract_strided_slice %min3A_1881 {offsets = [32, 0], sizes = [32, 256], strides = [1, 1]} : vector<64x256xf32> to vector<32x256xf32>
    %min3A_1884 = arith.minimumf %slice3A_1882, %slice3A_1883 : vector<32x256xf32>
    %slice3A_1885 = vector.extract_strided_slice %min3A_1884 {offsets = [0, 0], sizes = [16, 256], strides = [1, 1]} : vector<32x256xf32> to vector<16x256xf32>
    %slice3A_1886 = vector.extract_strided_slice %min3A_1884 {offsets = [16, 0], sizes = [16, 256], strides = [1, 1]} : vector<32x256xf32> to vector<16x256xf32>
    %min3A_1887 = arith.minimumf %slice3A_1885, %slice3A_1886 : vector<16x256xf32>
    %slice3A_1888 = vector.extract_strided_slice %min3A_1887 {offsets = [0, 0], sizes = [8, 256], strides = [1, 1]} : vector<16x256xf32> to vector<8x256xf32>
    %slice3A_1889 = vector.extract_strided_slice %min3A_1887 {offsets = [8, 0], sizes = [8, 256], strides = [1, 1]} : vector<16x256xf32> to vector<8x256xf32>
    %min3A_1890 = arith.minimumf %slice3A_1888, %slice3A_1889 : vector<8x256xf32>
    %reduce_min3A_1891 = arith.constant dense<0x7F800000> : vector<256xf32>
    %reduce_min3A_1892 = vector.multi_reduction <minimumf>, %min3A_1890, %reduce_min3A_1891 [0] : vector<8x256xf32> to vector<256xf32>
    %broadcast_in_dim3A_1893 = vector.shape_cast %reduce_min3A_1892 : vector<256xf32> to vector<1x256xf32>
    %eq3A_1894 = vector.broadcast %broadcast_in_dim3A_1893 : vector<1x256xf32> to vector<128x256xf32>
    %eq3A_1895 = arith.cmpf oeq, %select_n3A_1872, %eq3A_1894 : vector<128x256xf32>
    %jit3A_1896 = arith.constant 128 : i32
    %broadcast_in_dim3A_1897 = vector.broadcast %jit3A_1896 : i32 to vector<128x256xi32>
    %select_n3A_1898 = arith.select %eq3A_1895, %iota3A, %broadcast_in_dim3A_1897 : vector<128x256xi1>, vector<128x256xi32>
    %slice3A_1899 = vector.extract_strided_slice %select_n3A_1898 {offsets = [0, 0], sizes = [64, 256], strides = [1, 1]} : vector<128x256xi32> to vector<64x256xi32>
    %slice3A_1900 = vector.extract_strided_slice %select_n3A_1898 {offsets = [64, 0], sizes = [64, 256], strides = [1, 1]} : vector<128x256xi32> to vector<64x256xi32>
    %min3A_1901 = arith.minsi %slice3A_1899, %slice3A_1900 : vector<64x256xi32>
    %slice3A_1902 = vector.extract_strided_slice %min3A_1901 {offsets = [0, 0], sizes = [32, 256], strides = [1, 1]} : vector<64x256xi32> to vector<32x256xi32>
    %slice3A_1903 = vector.extract_strided_slice %min3A_1901 {offsets = [32, 0], sizes = [32, 256], strides = [1, 1]} : vector<64x256xi32> to vector<32x256xi32>
    %min3A_1904 = arith.minsi %slice3A_1902, %slice3A_1903 : vector<32x256xi32>
    %slice3A_1905 = vector.extract_strided_slice %min3A_1904 {offsets = [0, 0], sizes = [16, 256], strides = [1, 1]} : vector<32x256xi32> to vector<16x256xi32>
    %slice3A_1906 = vector.extract_strided_slice %min3A_1904 {offsets = [16, 0], sizes = [16, 256], strides = [1, 1]} : vector<32x256xi32> to vector<16x256xi32>
    %min3A_1907 = arith.minsi %slice3A_1905, %slice3A_1906 : vector<16x256xi32>
    %slice3A_1908 = vector.extract_strided_slice %min3A_1907 {offsets = [0, 0], sizes = [8, 256], strides = [1, 1]} : vector<16x256xi32> to vector<8x256xi32>
    %slice3A_1909 = vector.extract_strided_slice %min3A_1907 {offsets = [8, 0], sizes = [8, 256], strides = [1, 1]} : vector<16x256xi32> to vector<8x256xi32>
    %min3A_1910 = arith.minsi %slice3A_1908, %slice3A_1909 : vector<8x256xi32>
    %reduce_min3A_1911 = arith.constant dense<2147483647> : vector<256xi32>
    %reduce_min3A_1912 = vector.multi_reduction <minsi>, %min3A_1910, %reduce_min3A_1911 [0] : vector<8x256xi32> to vector<256xi32>
    %broadcast_in_dim3A_1913 = vector.shape_cast %reduce_min3A_1912 : vector<256xi32> to vector<1x256xi32>
    %eq3A_1914 = vector.broadcast %broadcast_in_dim3A_1913 : vector<1x256xi32> to vector<128x256xi32>
    %eq3A_1915 = arith.cmpi eq, %iota3A, %eq3A_1914 : vector<128x256xi32>
    %jit3A_1916 = arith.constant 0x7F800000 : f32
    %broadcast_in_dim3A_1917 = vector.broadcast %jit3A_1916 : f32 to vector<128x256xf32>
    %select_n3A_1918 = arith.select %eq3A_1915, %broadcast_in_dim3A_1917, %select_n3A_1872 : vector<128x256xi1>, vector<128x256xf32>
    %eq3A_1919 = arith.constant 1 : i32
    %eq3A_1920 = vector.broadcast %eq3A_1919 : i32 to vector<16x256xi32>
    %eq3A_1921 = arith.cmpi eq, %iota3A_186, %eq3A_1920 : vector<16x256xi32>
    %broadcast_in_dim3A_1922 = vector.shape_cast %broadcast_in_dim3A_1913 : vector<1x256xi32> to vector<1x256xi32>
    %broadcast_in_dim3A_1923 = vector.broadcast %broadcast_in_dim3A_1922 : vector<1x256xi32> to vector<16x256xi32>
    %select_n3A_1924 = arith.select %eq3A_1921, %broadcast_in_dim3A_1923, %select_n3A_1878 : vector<16x256xi1>, vector<16x256xi32>
    %slice3A_1925 = vector.extract_strided_slice %select_n3A_1918 {offsets = [0, 0], sizes = [64, 256], strides = [1, 1]} : vector<128x256xf32> to vector<64x256xf32>
    %slice3A_1926 = vector.extract_strided_slice %select_n3A_1918 {offsets = [64, 0], sizes = [64, 256], strides = [1, 1]} : vector<128x256xf32> to vector<64x256xf32>
    %min3A_1927 = arith.minimumf %slice3A_1925, %slice3A_1926 : vector<64x256xf32>
    %slice3A_1928 = vector.extract_strided_slice %min3A_1927 {offsets = [0, 0], sizes = [32, 256], strides = [1, 1]} : vector<64x256xf32> to vector<32x256xf32>
    %slice3A_1929 = vector.extract_strided_slice %min3A_1927 {offsets = [32, 0], sizes = [32, 256], strides = [1, 1]} : vector<64x256xf32> to vector<32x256xf32>
    %min3A_1930 = arith.minimumf %slice3A_1928, %slice3A_1929 : vector<32x256xf32>
    %slice3A_1931 = vector.extract_strided_slice %min3A_1930 {offsets = [0, 0], sizes = [16, 256], strides = [1, 1]} : vector<32x256xf32> to vector<16x256xf32>
    %slice3A_1932 = vector.extract_strided_slice %min3A_1930 {offsets = [16, 0], sizes = [16, 256], strides = [1, 1]} : vector<32x256xf32> to vector<16x256xf32>
    %min3A_1933 = arith.minimumf %slice3A_1931, %slice3A_1932 : vector<16x256xf32>
    %slice3A_1934 = vector.extract_strided_slice %min3A_1933 {offsets = [0, 0], sizes = [8, 256], strides = [1, 1]} : vector<16x256xf32> to vector<8x256xf32>
    %slice3A_1935 = vector.extract_strided_slice %min3A_1933 {offsets = [8, 0], sizes = [8, 256], strides = [1, 1]} : vector<16x256xf32> to vector<8x256xf32>
    %min3A_1936 = arith.minimumf %slice3A_1934, %slice3A_1935 : vector<8x256xf32>
    %reduce_min3A_1937 = arith.constant dense<0x7F800000> : vector<256xf32>
    %reduce_min3A_1938 = vector.multi_reduction <minimumf>, %min3A_1936, %reduce_min3A_1937 [0] : vector<8x256xf32> to vector<256xf32>
    %broadcast_in_dim3A_1939 = vector.shape_cast %reduce_min3A_1938 : vector<256xf32> to vector<1x256xf32>
    %eq3A_1940 = vector.broadcast %broadcast_in_dim3A_1939 : vector<1x256xf32> to vector<128x256xf32>
    %eq3A_1941 = arith.cmpf oeq, %select_n3A_1918, %eq3A_1940 : vector<128x256xf32>
    %jit3A_1942 = arith.constant 128 : i32
    %broadcast_in_dim3A_1943 = vector.broadcast %jit3A_1942 : i32 to vector<128x256xi32>
    %select_n3A_1944 = arith.select %eq3A_1941, %iota3A, %broadcast_in_dim3A_1943 : vector<128x256xi1>, vector<128x256xi32>
    %slice3A_1945 = vector.extract_strided_slice %select_n3A_1944 {offsets = [0, 0], sizes = [64, 256], strides = [1, 1]} : vector<128x256xi32> to vector<64x256xi32>
    %slice3A_1946 = vector.extract_strided_slice %select_n3A_1944 {offsets = [64, 0], sizes = [64, 256], strides = [1, 1]} : vector<128x256xi32> to vector<64x256xi32>
    %min3A_1947 = arith.minsi %slice3A_1945, %slice3A_1946 : vector<64x256xi32>
    %slice3A_1948 = vector.extract_strided_slice %min3A_1947 {offsets = [0, 0], sizes = [32, 256], strides = [1, 1]} : vector<64x256xi32> to vector<32x256xi32>
    %slice3A_1949 = vector.extract_strided_slice %min3A_1947 {offsets = [32, 0], sizes = [32, 256], strides = [1, 1]} : vector<64x256xi32> to vector<32x256xi32>
    %min3A_1950 = arith.minsi %slice3A_1948, %slice3A_1949 : vector<32x256xi32>
    %slice3A_1951 = vector.extract_strided_slice %min3A_1950 {offsets = [0, 0], sizes = [16, 256], strides = [1, 1]} : vector<32x256xi32> to vector<16x256xi32>
    %slice3A_1952 = vector.extract_strided_slice %min3A_1950 {offsets = [16, 0], sizes = [16, 256], strides = [1, 1]} : vector<32x256xi32> to vector<16x256xi32>
    %min3A_1953 = arith.minsi %slice3A_1951, %slice3A_1952 : vector<16x256xi32>
    %slice3A_1954 = vector.extract_strided_slice %min3A_1953 {offsets = [0, 0], sizes = [8, 256], strides = [1, 1]} : vector<16x256xi32> to vector<8x256xi32>
    %slice3A_1955 = vector.extract_strided_slice %min3A_1953 {offsets = [8, 0], sizes = [8, 256], strides = [1, 1]} : vector<16x256xi32> to vector<8x256xi32>
    %min3A_1956 = arith.minsi %slice3A_1954, %slice3A_1955 : vector<8x256xi32>
    %reduce_min3A_1957 = arith.constant dense<2147483647> : vector<256xi32>
    %reduce_min3A_1958 = vector.multi_reduction <minsi>, %min3A_1956, %reduce_min3A_1957 [0] : vector<8x256xi32> to vector<256xi32>
    %broadcast_in_dim3A_1959 = vector.shape_cast %reduce_min3A_1958 : vector<256xi32> to vector<1x256xi32>
    %eq3A_1960 = vector.broadcast %broadcast_in_dim3A_1959 : vector<1x256xi32> to vector<128x256xi32>
    %eq3A_1961 = arith.cmpi eq, %iota3A, %eq3A_1960 : vector<128x256xi32>
    %jit3A_1962 = arith.constant 0x7F800000 : f32
    %broadcast_in_dim3A_1963 = vector.broadcast %jit3A_1962 : f32 to vector<128x256xf32>
    %select_n3A_1964 = arith.select %eq3A_1961, %broadcast_in_dim3A_1963, %select_n3A_1918 : vector<128x256xi1>, vector<128x256xf32>
    %eq3A_1965 = arith.constant 2 : i32
    %eq3A_1966 = vector.broadcast %eq3A_1965 : i32 to vector<16x256xi32>
    %eq3A_1967 = arith.cmpi eq, %iota3A_186, %eq3A_1966 : vector<16x256xi32>
    %broadcast_in_dim3A_1968 = vector.shape_cast %broadcast_in_dim3A_1959 : vector<1x256xi32> to vector<1x256xi32>
    %broadcast_in_dim3A_1969 = vector.broadcast %broadcast_in_dim3A_1968 : vector<1x256xi32> to vector<16x256xi32>
    %select_n3A_1970 = arith.select %eq3A_1967, %broadcast_in_dim3A_1969, %select_n3A_1924 : vector<16x256xi1>, vector<16x256xi32>
    %slice3A_1971 = vector.extract_strided_slice %select_n3A_1964 {offsets = [0, 0], sizes = [64, 256], strides = [1, 1]} : vector<128x256xf32> to vector<64x256xf32>
    %slice3A_1972 = vector.extract_strided_slice %select_n3A_1964 {offsets = [64, 0], sizes = [64, 256], strides = [1, 1]} : vector<128x256xf32> to vector<64x256xf32>
    %min3A_1973 = arith.minimumf %slice3A_1971, %slice3A_1972 : vector<64x256xf32>
    %slice3A_1974 = vector.extract_strided_slice %min3A_1973 {offsets = [0, 0], sizes = [32, 256], strides = [1, 1]} : vector<64x256xf32> to vector<32x256xf32>
    %slice3A_1975 = vector.extract_strided_slice %min3A_1973 {offsets = [32, 0], sizes = [32, 256], strides = [1, 1]} : vector<64x256xf32> to vector<32x256xf32>
    %min3A_1976 = arith.minimumf %slice3A_1974, %slice3A_1975 : vector<32x256xf32>
    %slice3A_1977 = vector.extract_strided_slice %min3A_1976 {offsets = [0, 0], sizes = [16, 256], strides = [1, 1]} : vector<32x256xf32> to vector<16x256xf32>
    %slice3A_1978 = vector.extract_strided_slice %min3A_1976 {offsets = [16, 0], sizes = [16, 256], strides = [1, 1]} : vector<32x256xf32> to vector<16x256xf32>
    %min3A_1979 = arith.minimumf %slice3A_1977, %slice3A_1978 : vector<16x256xf32>
    %slice3A_1980 = vector.extract_strided_slice %min3A_1979 {offsets = [0, 0], sizes = [8, 256], strides = [1, 1]} : vector<16x256xf32> to vector<8x256xf32>
    %slice3A_1981 = vector.extract_strided_slice %min3A_1979 {offsets = [8, 0], sizes = [8, 256], strides = [1, 1]} : vector<16x256xf32> to vector<8x256xf32>
    %min3A_1982 = arith.minimumf %slice3A_1980, %slice3A_1981 : vector<8x256xf32>
    %reduce_min3A_1983 = arith.constant dense<0x7F800000> : vector<256xf32>
    %reduce_min3A_1984 = vector.multi_reduction <minimumf>, %min3A_1982, %reduce_min3A_1983 [0] : vector<8x256xf32> to vector<256xf32>
    %broadcast_in_dim3A_1985 = vector.shape_cast %reduce_min3A_1984 : vector<256xf32> to vector<1x256xf32>
    %eq3A_1986 = vector.broadcast %broadcast_in_dim3A_1985 : vector<1x256xf32> to vector<128x256xf32>
    %eq3A_1987 = arith.cmpf oeq, %select_n3A_1964, %eq3A_1986 : vector<128x256xf32>
    %jit3A_1988 = arith.constant 128 : i32
    %broadcast_in_dim3A_1989 = vector.broadcast %jit3A_1988 : i32 to vector<128x256xi32>
    %select_n3A_1990 = arith.select %eq3A_1987, %iota3A, %broadcast_in_dim3A_1989 : vector<128x256xi1>, vector<128x256xi32>
    %slice3A_1991 = vector.extract_strided_slice %select_n3A_1990 {offsets = [0, 0], sizes = [64, 256], strides = [1, 1]} : vector<128x256xi32> to vector<64x256xi32>
    %slice3A_1992 = vector.extract_strided_slice %select_n3A_1990 {offsets = [64, 0], sizes = [64, 256], strides = [1, 1]} : vector<128x256xi32> to vector<64x256xi32>
    %min3A_1993 = arith.minsi %slice3A_1991, %slice3A_1992 : vector<64x256xi32>
    %slice3A_1994 = vector.extract_strided_slice %min3A_1993 {offsets = [0, 0], sizes = [32, 256], strides = [1, 1]} : vector<64x256xi32> to vector<32x256xi32>
    %slice3A_1995 = vector.extract_strided_slice %min3A_1993 {offsets = [32, 0], sizes = [32, 256], strides = [1, 1]} : vector<64x256xi32> to vector<32x256xi32>
    %min3A_1996 = arith.minsi %slice3A_1994, %slice3A_1995 : vector<32x256xi32>
    %slice3A_1997 = vector.extract_strided_slice %min3A_1996 {offsets = [0, 0], sizes = [16, 256], strides = [1, 1]} : vector<32x256xi32> to vector<16x256xi32>
    %slice3A_1998 = vector.extract_strided_slice %min3A_1996 {offsets = [16, 0], sizes = [16, 256], strides = [1, 1]} : vector<32x256xi32> to vector<16x256xi32>
    %min3A_1999 = arith.minsi %slice3A_1997, %slice3A_1998 : vector<16x256xi32>
    %slice3A_2000 = vector.extract_strided_slice %min3A_1999 {offsets = [0, 0], sizes = [8, 256], strides = [1, 1]} : vector<16x256xi32> to vector<8x256xi32>
    %slice3A_2001 = vector.extract_strided_slice %min3A_1999 {offsets = [8, 0], sizes = [8, 256], strides = [1, 1]} : vector<16x256xi32> to vector<8x256xi32>
    %min3A_2002 = arith.minsi %slice3A_2000, %slice3A_2001 : vector<8x256xi32>
    %reduce_min3A_2003 = arith.constant dense<2147483647> : vector<256xi32>
    %reduce_min3A_2004 = vector.multi_reduction <minsi>, %min3A_2002, %reduce_min3A_2003 [0] : vector<8x256xi32> to vector<256xi32>
    %broadcast_in_dim3A_2005 = vector.shape_cast %reduce_min3A_2004 : vector<256xi32> to vector<1x256xi32>
    %eq3A_2006 = vector.broadcast %broadcast_in_dim3A_2005 : vector<1x256xi32> to vector<128x256xi32>
    %eq3A_2007 = arith.cmpi eq, %iota3A, %eq3A_2006 : vector<128x256xi32>
    %jit3A_2008 = arith.constant 0x7F800000 : f32
    %broadcast_in_dim3A_2009 = vector.broadcast %jit3A_2008 : f32 to vector<128x256xf32>
    %select_n3A_2010 = arith.select %eq3A_2007, %broadcast_in_dim3A_2009, %select_n3A_1964 : vector<128x256xi1>, vector<128x256xf32>
    %eq3A_2011 = arith.constant 3 : i32
    %eq3A_2012 = vector.broadcast %eq3A_2011 : i32 to vector<16x256xi32>
    %eq3A_2013 = arith.cmpi eq, %iota3A_186, %eq3A_2012 : vector<16x256xi32>
    %broadcast_in_dim3A_2014 = vector.shape_cast %broadcast_in_dim3A_2005 : vector<1x256xi32> to vector<1x256xi32>
    %broadcast_in_dim3A_2015 = vector.broadcast %broadcast_in_dim3A_2014 : vector<1x256xi32> to vector<16x256xi32>
    %select_n3A_2016 = arith.select %eq3A_2013, %broadcast_in_dim3A_2015, %select_n3A_1970 : vector<16x256xi1>, vector<16x256xi32>
    %slice3A_2017 = vector.extract_strided_slice %select_n3A_2010 {offsets = [0, 0], sizes = [64, 256], strides = [1, 1]} : vector<128x256xf32> to vector<64x256xf32>
    %slice3A_2018 = vector.extract_strided_slice %select_n3A_2010 {offsets = [64, 0], sizes = [64, 256], strides = [1, 1]} : vector<128x256xf32> to vector<64x256xf32>
    %min3A_2019 = arith.minimumf %slice3A_2017, %slice3A_2018 : vector<64x256xf32>
    %slice3A_2020 = vector.extract_strided_slice %min3A_2019 {offsets = [0, 0], sizes = [32, 256], strides = [1, 1]} : vector<64x256xf32> to vector<32x256xf32>
    %slice3A_2021 = vector.extract_strided_slice %min3A_2019 {offsets = [32, 0], sizes = [32, 256], strides = [1, 1]} : vector<64x256xf32> to vector<32x256xf32>
    %min3A_2022 = arith.minimumf %slice3A_2020, %slice3A_2021 : vector<32x256xf32>
    %slice3A_2023 = vector.extract_strided_slice %min3A_2022 {offsets = [0, 0], sizes = [16, 256], strides = [1, 1]} : vector<32x256xf32> to vector<16x256xf32>
    %slice3A_2024 = vector.extract_strided_slice %min3A_2022 {offsets = [16, 0], sizes = [16, 256], strides = [1, 1]} : vector<32x256xf32> to vector<16x256xf32>
    %min3A_2025 = arith.minimumf %slice3A_2023, %slice3A_2024 : vector<16x256xf32>
    %slice3A_2026 = vector.extract_strided_slice %min3A_2025 {offsets = [0, 0], sizes = [8, 256], strides = [1, 1]} : vector<16x256xf32> to vector<8x256xf32>
    %slice3A_2027 = vector.extract_strided_slice %min3A_2025 {offsets = [8, 0], sizes = [8, 256], strides = [1, 1]} : vector<16x256xf32> to vector<8x256xf32>
    %min3A_2028 = arith.minimumf %slice3A_2026, %slice3A_2027 : vector<8x256xf32>
    %reduce_min3A_2029 = arith.constant dense<0x7F800000> : vector<256xf32>
    %reduce_min3A_2030 = vector.multi_reduction <minimumf>, %min3A_2028, %reduce_min3A_2029 [0] : vector<8x256xf32> to vector<256xf32>
    %broadcast_in_dim3A_2031 = vector.shape_cast %reduce_min3A_2030 : vector<256xf32> to vector<1x256xf32>
    %eq3A_2032 = vector.broadcast %broadcast_in_dim3A_2031 : vector<1x256xf32> to vector<128x256xf32>
    %eq3A_2033 = arith.cmpf oeq, %select_n3A_2010, %eq3A_2032 : vector<128x256xf32>
    %jit3A_2034 = arith.constant 128 : i32
    %broadcast_in_dim3A_2035 = vector.broadcast %jit3A_2034 : i32 to vector<128x256xi32>
    %select_n3A_2036 = arith.select %eq3A_2033, %iota3A, %broadcast_in_dim3A_2035 : vector<128x256xi1>, vector<128x256xi32>
    %slice3A_2037 = vector.extract_strided_slice %select_n3A_2036 {offsets = [0, 0], sizes = [64, 256], strides = [1, 1]} : vector<128x256xi32> to vector<64x256xi32>
    %slice3A_2038 = vector.extract_strided_slice %select_n3A_2036 {offsets = [64, 0], sizes = [64, 256], strides = [1, 1]} : vector<128x256xi32> to vector<64x256xi32>
    %min3A_2039 = arith.minsi %slice3A_2037, %slice3A_2038 : vector<64x256xi32>
    %slice3A_2040 = vector.extract_strided_slice %min3A_2039 {offsets = [0, 0], sizes = [32, 256], strides = [1, 1]} : vector<64x256xi32> to vector<32x256xi32>
    %slice3A_2041 = vector.extract_strided_slice %min3A_2039 {offsets = [32, 0], sizes = [32, 256], strides = [1, 1]} : vector<64x256xi32> to vector<32x256xi32>
    %min3A_2042 = arith.minsi %slice3A_2040, %slice3A_2041 : vector<32x256xi32>
    %slice3A_2043 = vector.extract_strided_slice %min3A_2042 {offsets = [0, 0], sizes = [16, 256], strides = [1, 1]} : vector<32x256xi32> to vector<16x256xi32>
    %slice3A_2044 = vector.extract_strided_slice %min3A_2042 {offsets = [16, 0], sizes = [16, 256], strides = [1, 1]} : vector<32x256xi32> to vector<16x256xi32>
    %min3A_2045 = arith.minsi %slice3A_2043, %slice3A_2044 : vector<16x256xi32>
    %slice3A_2046 = vector.extract_strided_slice %min3A_2045 {offsets = [0, 0], sizes = [8, 256], strides = [1, 1]} : vector<16x256xi32> to vector<8x256xi32>
    %slice3A_2047 = vector.extract_strided_slice %min3A_2045 {offsets = [8, 0], sizes = [8, 256], strides = [1, 1]} : vector<16x256xi32> to vector<8x256xi32>
    %min3A_2048 = arith.minsi %slice3A_2046, %slice3A_2047 : vector<8x256xi32>
    %reduce_min3A_2049 = arith.constant dense<2147483647> : vector<256xi32>
    %reduce_min3A_2050 = vector.multi_reduction <minsi>, %min3A_2048, %reduce_min3A_2049 [0] : vector<8x256xi32> to vector<256xi32>
    %broadcast_in_dim3A_2051 = vector.shape_cast %reduce_min3A_2050 : vector<256xi32> to vector<1x256xi32>
    %eq3A_2052 = vector.broadcast %broadcast_in_dim3A_2051 : vector<1x256xi32> to vector<128x256xi32>
    %eq3A_2053 = arith.cmpi eq, %iota3A, %eq3A_2052 : vector<128x256xi32>
    %jit3A_2054 = arith.constant 0x7F800000 : f32
    %broadcast_in_dim3A_2055 = vector.broadcast %jit3A_2054 : f32 to vector<128x256xf32>
    %select_n3A_2056 = arith.select %eq3A_2053, %broadcast_in_dim3A_2055, %select_n3A_2010 : vector<128x256xi1>, vector<128x256xf32>
    %eq3A_2057 = arith.constant 4 : i32
    %eq3A_2058 = vector.broadcast %eq3A_2057 : i32 to vector<16x256xi32>
    %eq3A_2059 = arith.cmpi eq, %iota3A_186, %eq3A_2058 : vector<16x256xi32>
    %broadcast_in_dim3A_2060 = vector.shape_cast %broadcast_in_dim3A_2051 : vector<1x256xi32> to vector<1x256xi32>
    %broadcast_in_dim3A_2061 = vector.broadcast %broadcast_in_dim3A_2060 : vector<1x256xi32> to vector<16x256xi32>
    %select_n3A_2062 = arith.select %eq3A_2059, %broadcast_in_dim3A_2061, %select_n3A_2016 : vector<16x256xi1>, vector<16x256xi32>
    %slice3A_2063 = vector.extract_strided_slice %select_n3A_2056 {offsets = [0, 0], sizes = [64, 256], strides = [1, 1]} : vector<128x256xf32> to vector<64x256xf32>
    %slice3A_2064 = vector.extract_strided_slice %select_n3A_2056 {offsets = [64, 0], sizes = [64, 256], strides = [1, 1]} : vector<128x256xf32> to vector<64x256xf32>
    %min3A_2065 = arith.minimumf %slice3A_2063, %slice3A_2064 : vector<64x256xf32>
    %slice3A_2066 = vector.extract_strided_slice %min3A_2065 {offsets = [0, 0], sizes = [32, 256], strides = [1, 1]} : vector<64x256xf32> to vector<32x256xf32>
    %slice3A_2067 = vector.extract_strided_slice %min3A_2065 {offsets = [32, 0], sizes = [32, 256], strides = [1, 1]} : vector<64x256xf32> to vector<32x256xf32>
    %min3A_2068 = arith.minimumf %slice3A_2066, %slice3A_2067 : vector<32x256xf32>
    %slice3A_2069 = vector.extract_strided_slice %min3A_2068 {offsets = [0, 0], sizes = [16, 256], strides = [1, 1]} : vector<32x256xf32> to vector<16x256xf32>
    %slice3A_2070 = vector.extract_strided_slice %min3A_2068 {offsets = [16, 0], sizes = [16, 256], strides = [1, 1]} : vector<32x256xf32> to vector<16x256xf32>
    %min3A_2071 = arith.minimumf %slice3A_2069, %slice3A_2070 : vector<16x256xf32>
    %slice3A_2072 = vector.extract_strided_slice %min3A_2071 {offsets = [0, 0], sizes = [8, 256], strides = [1, 1]} : vector<16x256xf32> to vector<8x256xf32>
    %slice3A_2073 = vector.extract_strided_slice %min3A_2071 {offsets = [8, 0], sizes = [8, 256], strides = [1, 1]} : vector<16x256xf32> to vector<8x256xf32>
    %min3A_2074 = arith.minimumf %slice3A_2072, %slice3A_2073 : vector<8x256xf32>
    %reduce_min3A_2075 = arith.constant dense<0x7F800000> : vector<256xf32>
    %reduce_min3A_2076 = vector.multi_reduction <minimumf>, %min3A_2074, %reduce_min3A_2075 [0] : vector<8x256xf32> to vector<256xf32>
    %broadcast_in_dim3A_2077 = vector.shape_cast %reduce_min3A_2076 : vector<256xf32> to vector<1x256xf32>
    %eq3A_2078 = vector.broadcast %broadcast_in_dim3A_2077 : vector<1x256xf32> to vector<128x256xf32>
    %eq3A_2079 = arith.cmpf oeq, %select_n3A_2056, %eq3A_2078 : vector<128x256xf32>
    %jit3A_2080 = arith.constant 128 : i32
    %broadcast_in_dim3A_2081 = vector.broadcast %jit3A_2080 : i32 to vector<128x256xi32>
    %select_n3A_2082 = arith.select %eq3A_2079, %iota3A, %broadcast_in_dim3A_2081 : vector<128x256xi1>, vector<128x256xi32>
    %slice3A_2083 = vector.extract_strided_slice %select_n3A_2082 {offsets = [0, 0], sizes = [64, 256], strides = [1, 1]} : vector<128x256xi32> to vector<64x256xi32>
    %slice3A_2084 = vector.extract_strided_slice %select_n3A_2082 {offsets = [64, 0], sizes = [64, 256], strides = [1, 1]} : vector<128x256xi32> to vector<64x256xi32>
    %min3A_2085 = arith.minsi %slice3A_2083, %slice3A_2084 : vector<64x256xi32>
    %slice3A_2086 = vector.extract_strided_slice %min3A_2085 {offsets = [0, 0], sizes = [32, 256], strides = [1, 1]} : vector<64x256xi32> to vector<32x256xi32>
    %slice3A_2087 = vector.extract_strided_slice %min3A_2085 {offsets = [32, 0], sizes = [32, 256], strides = [1, 1]} : vector<64x256xi32> to vector<32x256xi32>
    %min3A_2088 = arith.minsi %slice3A_2086, %slice3A_2087 : vector<32x256xi32>
    %slice3A_2089 = vector.extract_strided_slice %min3A_2088 {offsets = [0, 0], sizes = [16, 256], strides = [1, 1]} : vector<32x256xi32> to vector<16x256xi32>
    %slice3A_2090 = vector.extract_strided_slice %min3A_2088 {offsets = [16, 0], sizes = [16, 256], strides = [1, 1]} : vector<32x256xi32> to vector<16x256xi32>
    %min3A_2091 = arith.minsi %slice3A_2089, %slice3A_2090 : vector<16x256xi32>
    %slice3A_2092 = vector.extract_strided_slice %min3A_2091 {offsets = [0, 0], sizes = [8, 256], strides = [1, 1]} : vector<16x256xi32> to vector<8x256xi32>
    %slice3A_2093 = vector.extract_strided_slice %min3A_2091 {offsets = [8, 0], sizes = [8, 256], strides = [1, 1]} : vector<16x256xi32> to vector<8x256xi32>
    %min3A_2094 = arith.minsi %slice3A_2092, %slice3A_2093 : vector<8x256xi32>
    %reduce_min3A_2095 = arith.constant dense<2147483647> : vector<256xi32>
    %reduce_min3A_2096 = vector.multi_reduction <minsi>, %min3A_2094, %reduce_min3A_2095 [0] : vector<8x256xi32> to vector<256xi32>
    %broadcast_in_dim3A_2097 = vector.shape_cast %reduce_min3A_2096 : vector<256xi32> to vector<1x256xi32>
    %eq3A_2098 = vector.broadcast %broadcast_in_dim3A_2097 : vector<1x256xi32> to vector<128x256xi32>
    %eq3A_2099 = arith.cmpi eq, %iota3A, %eq3A_2098 : vector<128x256xi32>
    %jit3A_2100 = arith.constant 0x7F800000 : f32
    %broadcast_in_dim3A_2101 = vector.broadcast %jit3A_2100 : f32 to vector<128x256xf32>
    %select_n3A_2102 = arith.select %eq3A_2099, %broadcast_in_dim3A_2101, %select_n3A_2056 : vector<128x256xi1>, vector<128x256xf32>
    %eq3A_2103 = arith.constant 5 : i32
    %eq3A_2104 = vector.broadcast %eq3A_2103 : i32 to vector<16x256xi32>
    %eq3A_2105 = arith.cmpi eq, %iota3A_186, %eq3A_2104 : vector<16x256xi32>
    %broadcast_in_dim3A_2106 = vector.shape_cast %broadcast_in_dim3A_2097 : vector<1x256xi32> to vector<1x256xi32>
    %broadcast_in_dim3A_2107 = vector.broadcast %broadcast_in_dim3A_2106 : vector<1x256xi32> to vector<16x256xi32>
    %select_n3A_2108 = arith.select %eq3A_2105, %broadcast_in_dim3A_2107, %select_n3A_2062 : vector<16x256xi1>, vector<16x256xi32>
    %slice3A_2109 = vector.extract_strided_slice %select_n3A_2102 {offsets = [0, 0], sizes = [64, 256], strides = [1, 1]} : vector<128x256xf32> to vector<64x256xf32>
    %slice3A_2110 = vector.extract_strided_slice %select_n3A_2102 {offsets = [64, 0], sizes = [64, 256], strides = [1, 1]} : vector<128x256xf32> to vector<64x256xf32>
    %min3A_2111 = arith.minimumf %slice3A_2109, %slice3A_2110 : vector<64x256xf32>
    %slice3A_2112 = vector.extract_strided_slice %min3A_2111 {offsets = [0, 0], sizes = [32, 256], strides = [1, 1]} : vector<64x256xf32> to vector<32x256xf32>
    %slice3A_2113 = vector.extract_strided_slice %min3A_2111 {offsets = [32, 0], sizes = [32, 256], strides = [1, 1]} : vector<64x256xf32> to vector<32x256xf32>
    %min3A_2114 = arith.minimumf %slice3A_2112, %slice3A_2113 : vector<32x256xf32>
    %slice3A_2115 = vector.extract_strided_slice %min3A_2114 {offsets = [0, 0], sizes = [16, 256], strides = [1, 1]} : vector<32x256xf32> to vector<16x256xf32>
    %slice3A_2116 = vector.extract_strided_slice %min3A_2114 {offsets = [16, 0], sizes = [16, 256], strides = [1, 1]} : vector<32x256xf32> to vector<16x256xf32>
    %min3A_2117 = arith.minimumf %slice3A_2115, %slice3A_2116 : vector<16x256xf32>
    %slice3A_2118 = vector.extract_strided_slice %min3A_2117 {offsets = [0, 0], sizes = [8, 256], strides = [1, 1]} : vector<16x256xf32> to vector<8x256xf32>
    %slice3A_2119 = vector.extract_strided_slice %min3A_2117 {offsets = [8, 0], sizes = [8, 256], strides = [1, 1]} : vector<16x256xf32> to vector<8x256xf32>
    %min3A_2120 = arith.minimumf %slice3A_2118, %slice3A_2119 : vector<8x256xf32>
    %reduce_min3A_2121 = arith.constant dense<0x7F800000> : vector<256xf32>
    %reduce_min3A_2122 = vector.multi_reduction <minimumf>, %min3A_2120, %reduce_min3A_2121 [0] : vector<8x256xf32> to vector<256xf32>
    %broadcast_in_dim3A_2123 = vector.shape_cast %reduce_min3A_2122 : vector<256xf32> to vector<1x256xf32>
    %eq3A_2124 = vector.broadcast %broadcast_in_dim3A_2123 : vector<1x256xf32> to vector<128x256xf32>
    %eq3A_2125 = arith.cmpf oeq, %select_n3A_2102, %eq3A_2124 : vector<128x256xf32>
    %jit3A_2126 = arith.constant 128 : i32
    %broadcast_in_dim3A_2127 = vector.broadcast %jit3A_2126 : i32 to vector<128x256xi32>
    %select_n3A_2128 = arith.select %eq3A_2125, %iota3A, %broadcast_in_dim3A_2127 : vector<128x256xi1>, vector<128x256xi32>
    %slice3A_2129 = vector.extract_strided_slice %select_n3A_2128 {offsets = [0, 0], sizes = [64, 256], strides = [1, 1]} : vector<128x256xi32> to vector<64x256xi32>
    %slice3A_2130 = vector.extract_strided_slice %select_n3A_2128 {offsets = [64, 0], sizes = [64, 256], strides = [1, 1]} : vector<128x256xi32> to vector<64x256xi32>
    %min3A_2131 = arith.minsi %slice3A_2129, %slice3A_2130 : vector<64x256xi32>
    %slice3A_2132 = vector.extract_strided_slice %min3A_2131 {offsets = [0, 0], sizes = [32, 256], strides = [1, 1]} : vector<64x256xi32> to vector<32x256xi32>
    %slice3A_2133 = vector.extract_strided_slice %min3A_2131 {offsets = [32, 0], sizes = [32, 256], strides = [1, 1]} : vector<64x256xi32> to vector<32x256xi32>
    %min3A_2134 = arith.minsi %slice3A_2132, %slice3A_2133 : vector<32x256xi32>
    %slice3A_2135 = vector.extract_strided_slice %min3A_2134 {offsets = [0, 0], sizes = [16, 256], strides = [1, 1]} : vector<32x256xi32> to vector<16x256xi32>
    %slice3A_2136 = vector.extract_strided_slice %min3A_2134 {offsets = [16, 0], sizes = [16, 256], strides = [1, 1]} : vector<32x256xi32> to vector<16x256xi32>
    %min3A_2137 = arith.minsi %slice3A_2135, %slice3A_2136 : vector<16x256xi32>
    %slice3A_2138 = vector.extract_strided_slice %min3A_2137 {offsets = [0, 0], sizes = [8, 256], strides = [1, 1]} : vector<16x256xi32> to vector<8x256xi32>
    %slice3A_2139 = vector.extract_strided_slice %min3A_2137 {offsets = [8, 0], sizes = [8, 256], strides = [1, 1]} : vector<16x256xi32> to vector<8x256xi32>
    %min3A_2140 = arith.minsi %slice3A_2138, %slice3A_2139 : vector<8x256xi32>
    %reduce_min3A_2141 = arith.constant dense<2147483647> : vector<256xi32>
    %reduce_min3A_2142 = vector.multi_reduction <minsi>, %min3A_2140, %reduce_min3A_2141 [0] : vector<8x256xi32> to vector<256xi32>
    %broadcast_in_dim3A_2143 = vector.shape_cast %reduce_min3A_2142 : vector<256xi32> to vector<1x256xi32>
    %eq3A_2144 = vector.broadcast %broadcast_in_dim3A_2143 : vector<1x256xi32> to vector<128x256xi32>
    %eq3A_2145 = arith.cmpi eq, %iota3A, %eq3A_2144 : vector<128x256xi32>
    %jit3A_2146 = arith.constant 0x7F800000 : f32
    %broadcast_in_dim3A_2147 = vector.broadcast %jit3A_2146 : f32 to vector<128x256xf32>
    %select_n3A_2148 = arith.select %eq3A_2145, %broadcast_in_dim3A_2147, %select_n3A_2102 : vector<128x256xi1>, vector<128x256xf32>
    %eq3A_2149 = arith.constant 6 : i32
    %eq3A_2150 = vector.broadcast %eq3A_2149 : i32 to vector<16x256xi32>
    %eq3A_2151 = arith.cmpi eq, %iota3A_186, %eq3A_2150 : vector<16x256xi32>
    %broadcast_in_dim3A_2152 = vector.shape_cast %broadcast_in_dim3A_2143 : vector<1x256xi32> to vector<1x256xi32>
    %broadcast_in_dim3A_2153 = vector.broadcast %broadcast_in_dim3A_2152 : vector<1x256xi32> to vector<16x256xi32>
    %select_n3A_2154 = arith.select %eq3A_2151, %broadcast_in_dim3A_2153, %select_n3A_2108 : vector<16x256xi1>, vector<16x256xi32>
    %slice3A_2155 = vector.extract_strided_slice %select_n3A_2148 {offsets = [0, 0], sizes = [64, 256], strides = [1, 1]} : vector<128x256xf32> to vector<64x256xf32>
    %slice3A_2156 = vector.extract_strided_slice %select_n3A_2148 {offsets = [64, 0], sizes = [64, 256], strides = [1, 1]} : vector<128x256xf32> to vector<64x256xf32>
    %min3A_2157 = arith.minimumf %slice3A_2155, %slice3A_2156 : vector<64x256xf32>
    %slice3A_2158 = vector.extract_strided_slice %min3A_2157 {offsets = [0, 0], sizes = [32, 256], strides = [1, 1]} : vector<64x256xf32> to vector<32x256xf32>
    %slice3A_2159 = vector.extract_strided_slice %min3A_2157 {offsets = [32, 0], sizes = [32, 256], strides = [1, 1]} : vector<64x256xf32> to vector<32x256xf32>
    %min3A_2160 = arith.minimumf %slice3A_2158, %slice3A_2159 : vector<32x256xf32>
    %slice3A_2161 = vector.extract_strided_slice %min3A_2160 {offsets = [0, 0], sizes = [16, 256], strides = [1, 1]} : vector<32x256xf32> to vector<16x256xf32>
    %slice3A_2162 = vector.extract_strided_slice %min3A_2160 {offsets = [16, 0], sizes = [16, 256], strides = [1, 1]} : vector<32x256xf32> to vector<16x256xf32>
    %min3A_2163 = arith.minimumf %slice3A_2161, %slice3A_2162 : vector<16x256xf32>
    %slice3A_2164 = vector.extract_strided_slice %min3A_2163 {offsets = [0, 0], sizes = [8, 256], strides = [1, 1]} : vector<16x256xf32> to vector<8x256xf32>
    %slice3A_2165 = vector.extract_strided_slice %min3A_2163 {offsets = [8, 0], sizes = [8, 256], strides = [1, 1]} : vector<16x256xf32> to vector<8x256xf32>
    %min3A_2166 = arith.minimumf %slice3A_2164, %slice3A_2165 : vector<8x256xf32>
    %reduce_min3A_2167 = arith.constant dense<0x7F800000> : vector<256xf32>
    %reduce_min3A_2168 = vector.multi_reduction <minimumf>, %min3A_2166, %reduce_min3A_2167 [0] : vector<8x256xf32> to vector<256xf32>
    %broadcast_in_dim3A_2169 = vector.shape_cast %reduce_min3A_2168 : vector<256xf32> to vector<1x256xf32>
    %eq3A_2170 = vector.broadcast %broadcast_in_dim3A_2169 : vector<1x256xf32> to vector<128x256xf32>
    %eq3A_2171 = arith.cmpf oeq, %select_n3A_2148, %eq3A_2170 : vector<128x256xf32>
    %jit3A_2172 = arith.constant 128 : i32
    %broadcast_in_dim3A_2173 = vector.broadcast %jit3A_2172 : i32 to vector<128x256xi32>
    %select_n3A_2174 = arith.select %eq3A_2171, %iota3A, %broadcast_in_dim3A_2173 : vector<128x256xi1>, vector<128x256xi32>
    %slice3A_2175 = vector.extract_strided_slice %select_n3A_2174 {offsets = [0, 0], sizes = [64, 256], strides = [1, 1]} : vector<128x256xi32> to vector<64x256xi32>
    %slice3A_2176 = vector.extract_strided_slice %select_n3A_2174 {offsets = [64, 0], sizes = [64, 256], strides = [1, 1]} : vector<128x256xi32> to vector<64x256xi32>
    %min3A_2177 = arith.minsi %slice3A_2175, %slice3A_2176 : vector<64x256xi32>
    %slice3A_2178 = vector.extract_strided_slice %min3A_2177 {offsets = [0, 0], sizes = [32, 256], strides = [1, 1]} : vector<64x256xi32> to vector<32x256xi32>
    %slice3A_2179 = vector.extract_strided_slice %min3A_2177 {offsets = [32, 0], sizes = [32, 256], strides = [1, 1]} : vector<64x256xi32> to vector<32x256xi32>
    %min3A_2180 = arith.minsi %slice3A_2178, %slice3A_2179 : vector<32x256xi32>
    %slice3A_2181 = vector.extract_strided_slice %min3A_2180 {offsets = [0, 0], sizes = [16, 256], strides = [1, 1]} : vector<32x256xi32> to vector<16x256xi32>
    %slice3A_2182 = vector.extract_strided_slice %min3A_2180 {offsets = [16, 0], sizes = [16, 256], strides = [1, 1]} : vector<32x256xi32> to vector<16x256xi32>
    %min3A_2183 = arith.minsi %slice3A_2181, %slice3A_2182 : vector<16x256xi32>
    %slice3A_2184 = vector.extract_strided_slice %min3A_2183 {offsets = [0, 0], sizes = [8, 256], strides = [1, 1]} : vector<16x256xi32> to vector<8x256xi32>
    %slice3A_2185 = vector.extract_strided_slice %min3A_2183 {offsets = [8, 0], sizes = [8, 256], strides = [1, 1]} : vector<16x256xi32> to vector<8x256xi32>
    %min3A_2186 = arith.minsi %slice3A_2184, %slice3A_2185 : vector<8x256xi32>
    %reduce_min3A_2187 = arith.constant dense<2147483647> : vector<256xi32>
    %reduce_min3A_2188 = vector.multi_reduction <minsi>, %min3A_2186, %reduce_min3A_2187 [0] : vector<8x256xi32> to vector<256xi32>
    %broadcast_in_dim3A_2189 = vector.shape_cast %reduce_min3A_2188 : vector<256xi32> to vector<1x256xi32>
    %eq3A_2190 = vector.broadcast %broadcast_in_dim3A_2189 : vector<1x256xi32> to vector<128x256xi32>
    %eq3A_2191 = arith.cmpi eq, %iota3A, %eq3A_2190 : vector<128x256xi32>
    %jit3A_2192 = arith.constant 0x7F800000 : f32
    %broadcast_in_dim3A_2193 = vector.broadcast %jit3A_2192 : f32 to vector<128x256xf32>
    %select_n3A_2194 = arith.select %eq3A_2191, %broadcast_in_dim3A_2193, %select_n3A_2148 : vector<128x256xi1>, vector<128x256xf32>
    %eq3A_2195 = arith.constant 7 : i32
    %eq3A_2196 = vector.broadcast %eq3A_2195 : i32 to vector<16x256xi32>
    %eq3A_2197 = arith.cmpi eq, %iota3A_186, %eq3A_2196 : vector<16x256xi32>
    %broadcast_in_dim3A_2198 = vector.shape_cast %broadcast_in_dim3A_2189 : vector<1x256xi32> to vector<1x256xi32>
    %broadcast_in_dim3A_2199 = vector.broadcast %broadcast_in_dim3A_2198 : vector<1x256xi32> to vector<16x256xi32>
    %select_n3A_2200 = arith.select %eq3A_2197, %broadcast_in_dim3A_2199, %select_n3A_2154 : vector<16x256xi1>, vector<16x256xi32>
    %slice3A_2201 = vector.extract_strided_slice %select_n3A_2194 {offsets = [0, 0], sizes = [64, 256], strides = [1, 1]} : vector<128x256xf32> to vector<64x256xf32>
    %slice3A_2202 = vector.extract_strided_slice %select_n3A_2194 {offsets = [64, 0], sizes = [64, 256], strides = [1, 1]} : vector<128x256xf32> to vector<64x256xf32>
    %min3A_2203 = arith.minimumf %slice3A_2201, %slice3A_2202 : vector<64x256xf32>
    %slice3A_2204 = vector.extract_strided_slice %min3A_2203 {offsets = [0, 0], sizes = [32, 256], strides = [1, 1]} : vector<64x256xf32> to vector<32x256xf32>
    %slice3A_2205 = vector.extract_strided_slice %min3A_2203 {offsets = [32, 0], sizes = [32, 256], strides = [1, 1]} : vector<64x256xf32> to vector<32x256xf32>
    %min3A_2206 = arith.minimumf %slice3A_2204, %slice3A_2205 : vector<32x256xf32>
    %slice3A_2207 = vector.extract_strided_slice %min3A_2206 {offsets = [0, 0], sizes = [16, 256], strides = [1, 1]} : vector<32x256xf32> to vector<16x256xf32>
    %slice3A_2208 = vector.extract_strided_slice %min3A_2206 {offsets = [16, 0], sizes = [16, 256], strides = [1, 1]} : vector<32x256xf32> to vector<16x256xf32>
    %min3A_2209 = arith.minimumf %slice3A_2207, %slice3A_2208 : vector<16x256xf32>
    %slice3A_2210 = vector.extract_strided_slice %min3A_2209 {offsets = [0, 0], sizes = [8, 256], strides = [1, 1]} : vector<16x256xf32> to vector<8x256xf32>
    %slice3A_2211 = vector.extract_strided_slice %min3A_2209 {offsets = [8, 0], sizes = [8, 256], strides = [1, 1]} : vector<16x256xf32> to vector<8x256xf32>
    %min3A_2212 = arith.minimumf %slice3A_2210, %slice3A_2211 : vector<8x256xf32>
    %reduce_min3A_2213 = arith.constant dense<0x7F800000> : vector<256xf32>
    %reduce_min3A_2214 = vector.multi_reduction <minimumf>, %min3A_2212, %reduce_min3A_2213 [0] : vector<8x256xf32> to vector<256xf32>
    %broadcast_in_dim3A_2215 = vector.shape_cast %reduce_min3A_2214 : vector<256xf32> to vector<1x256xf32>
    %eq3A_2216 = vector.broadcast %broadcast_in_dim3A_2215 : vector<1x256xf32> to vector<128x256xf32>
    %eq3A_2217 = arith.cmpf oeq, %select_n3A_2194, %eq3A_2216 : vector<128x256xf32>
    %jit3A_2218 = arith.constant 128 : i32
    %broadcast_in_dim3A_2219 = vector.broadcast %jit3A_2218 : i32 to vector<128x256xi32>
    %select_n3A_2220 = arith.select %eq3A_2217, %iota3A, %broadcast_in_dim3A_2219 : vector<128x256xi1>, vector<128x256xi32>
    %slice3A_2221 = vector.extract_strided_slice %select_n3A_2220 {offsets = [0, 0], sizes = [64, 256], strides = [1, 1]} : vector<128x256xi32> to vector<64x256xi32>
    %slice3A_2222 = vector.extract_strided_slice %select_n3A_2220 {offsets = [64, 0], sizes = [64, 256], strides = [1, 1]} : vector<128x256xi32> to vector<64x256xi32>
    %min3A_2223 = arith.minsi %slice3A_2221, %slice3A_2222 : vector<64x256xi32>
    %slice3A_2224 = vector.extract_strided_slice %min3A_2223 {offsets = [0, 0], sizes = [32, 256], strides = [1, 1]} : vector<64x256xi32> to vector<32x256xi32>
    %slice3A_2225 = vector.extract_strided_slice %min3A_2223 {offsets = [32, 0], sizes = [32, 256], strides = [1, 1]} : vector<64x256xi32> to vector<32x256xi32>
    %min3A_2226 = arith.minsi %slice3A_2224, %slice3A_2225 : vector<32x256xi32>
    %slice3A_2227 = vector.extract_strided_slice %min3A_2226 {offsets = [0, 0], sizes = [16, 256], strides = [1, 1]} : vector<32x256xi32> to vector<16x256xi32>
    %slice3A_2228 = vector.extract_strided_slice %min3A_2226 {offsets = [16, 0], sizes = [16, 256], strides = [1, 1]} : vector<32x256xi32> to vector<16x256xi32>
    %min3A_2229 = arith.minsi %slice3A_2227, %slice3A_2228 : vector<16x256xi32>
    %slice3A_2230 = vector.extract_strided_slice %min3A_2229 {offsets = [0, 0], sizes = [8, 256], strides = [1, 1]} : vector<16x256xi32> to vector<8x256xi32>
    %slice3A_2231 = vector.extract_strided_slice %min3A_2229 {offsets = [8, 0], sizes = [8, 256], strides = [1, 1]} : vector<16x256xi32> to vector<8x256xi32>
    %min3A_2232 = arith.minsi %slice3A_2230, %slice3A_2231 : vector<8x256xi32>
    %reduce_min3A_2233 = arith.constant dense<2147483647> : vector<256xi32>
    %reduce_min3A_2234 = vector.multi_reduction <minsi>, %min3A_2232, %reduce_min3A_2233 [0] : vector<8x256xi32> to vector<256xi32>
    %broadcast_in_dim3A_2235 = vector.shape_cast %reduce_min3A_2234 : vector<256xi32> to vector<1x256xi32>
    %eq3A_2236 = vector.broadcast %broadcast_in_dim3A_2235 : vector<1x256xi32> to vector<128x256xi32>
    %eq3A_2237 = arith.cmpi eq, %iota3A, %eq3A_2236 : vector<128x256xi32>
    %jit3A_2238 = arith.constant 0x7F800000 : f32
    %broadcast_in_dim3A_2239 = vector.broadcast %jit3A_2238 : f32 to vector<128x256xf32>
    %select_n3A_2240 = arith.select %eq3A_2237, %broadcast_in_dim3A_2239, %select_n3A_2194 : vector<128x256xi1>, vector<128x256xf32>
    %eq3A_2241 = arith.constant 8 : i32
    %eq3A_2242 = vector.broadcast %eq3A_2241 : i32 to vector<16x256xi32>
    %eq3A_2243 = arith.cmpi eq, %iota3A_186, %eq3A_2242 : vector<16x256xi32>
    %broadcast_in_dim3A_2244 = vector.shape_cast %broadcast_in_dim3A_2235 : vector<1x256xi32> to vector<1x256xi32>
    %broadcast_in_dim3A_2245 = vector.broadcast %broadcast_in_dim3A_2244 : vector<1x256xi32> to vector<16x256xi32>
    %select_n3A_2246 = arith.select %eq3A_2243, %broadcast_in_dim3A_2245, %select_n3A_2200 : vector<16x256xi1>, vector<16x256xi32>
    %slice3A_2247 = vector.extract_strided_slice %select_n3A_2240 {offsets = [0, 0], sizes = [64, 256], strides = [1, 1]} : vector<128x256xf32> to vector<64x256xf32>
    %slice3A_2248 = vector.extract_strided_slice %select_n3A_2240 {offsets = [64, 0], sizes = [64, 256], strides = [1, 1]} : vector<128x256xf32> to vector<64x256xf32>
    %min3A_2249 = arith.minimumf %slice3A_2247, %slice3A_2248 : vector<64x256xf32>
    %slice3A_2250 = vector.extract_strided_slice %min3A_2249 {offsets = [0, 0], sizes = [32, 256], strides = [1, 1]} : vector<64x256xf32> to vector<32x256xf32>
    %slice3A_2251 = vector.extract_strided_slice %min3A_2249 {offsets = [32, 0], sizes = [32, 256], strides = [1, 1]} : vector<64x256xf32> to vector<32x256xf32>
    %min3A_2252 = arith.minimumf %slice3A_2250, %slice3A_2251 : vector<32x256xf32>
    %slice3A_2253 = vector.extract_strided_slice %min3A_2252 {offsets = [0, 0], sizes = [16, 256], strides = [1, 1]} : vector<32x256xf32> to vector<16x256xf32>
    %slice3A_2254 = vector.extract_strided_slice %min3A_2252 {offsets = [16, 0], sizes = [16, 256], strides = [1, 1]} : vector<32x256xf32> to vector<16x256xf32>
    %min3A_2255 = arith.minimumf %slice3A_2253, %slice3A_2254 : vector<16x256xf32>
    %slice3A_2256 = vector.extract_strided_slice %min3A_2255 {offsets = [0, 0], sizes = [8, 256], strides = [1, 1]} : vector<16x256xf32> to vector<8x256xf32>
    %slice3A_2257 = vector.extract_strided_slice %min3A_2255 {offsets = [8, 0], sizes = [8, 256], strides = [1, 1]} : vector<16x256xf32> to vector<8x256xf32>
    %min3A_2258 = arith.minimumf %slice3A_2256, %slice3A_2257 : vector<8x256xf32>
    %reduce_min3A_2259 = arith.constant dense<0x7F800000> : vector<256xf32>
    %reduce_min3A_2260 = vector.multi_reduction <minimumf>, %min3A_2258, %reduce_min3A_2259 [0] : vector<8x256xf32> to vector<256xf32>
    %broadcast_in_dim3A_2261 = vector.shape_cast %reduce_min3A_2260 : vector<256xf32> to vector<1x256xf32>
    %eq3A_2262 = vector.broadcast %broadcast_in_dim3A_2261 : vector<1x256xf32> to vector<128x256xf32>
    %eq3A_2263 = arith.cmpf oeq, %select_n3A_2240, %eq3A_2262 : vector<128x256xf32>
    %jit3A_2264 = arith.constant 128 : i32
    %broadcast_in_dim3A_2265 = vector.broadcast %jit3A_2264 : i32 to vector<128x256xi32>
    %select_n3A_2266 = arith.select %eq3A_2263, %iota3A, %broadcast_in_dim3A_2265 : vector<128x256xi1>, vector<128x256xi32>
    %slice3A_2267 = vector.extract_strided_slice %select_n3A_2266 {offsets = [0, 0], sizes = [64, 256], strides = [1, 1]} : vector<128x256xi32> to vector<64x256xi32>
    %slice3A_2268 = vector.extract_strided_slice %select_n3A_2266 {offsets = [64, 0], sizes = [64, 256], strides = [1, 1]} : vector<128x256xi32> to vector<64x256xi32>
    %min3A_2269 = arith.minsi %slice3A_2267, %slice3A_2268 : vector<64x256xi32>
    %slice3A_2270 = vector.extract_strided_slice %min3A_2269 {offsets = [0, 0], sizes = [32, 256], strides = [1, 1]} : vector<64x256xi32> to vector<32x256xi32>
    %slice3A_2271 = vector.extract_strided_slice %min3A_2269 {offsets = [32, 0], sizes = [32, 256], strides = [1, 1]} : vector<64x256xi32> to vector<32x256xi32>
    %min3A_2272 = arith.minsi %slice3A_2270, %slice3A_2271 : vector<32x256xi32>
    %slice3A_2273 = vector.extract_strided_slice %min3A_2272 {offsets = [0, 0], sizes = [16, 256], strides = [1, 1]} : vector<32x256xi32> to vector<16x256xi32>
    %slice3A_2274 = vector.extract_strided_slice %min3A_2272 {offsets = [16, 0], sizes = [16, 256], strides = [1, 1]} : vector<32x256xi32> to vector<16x256xi32>
    %min3A_2275 = arith.minsi %slice3A_2273, %slice3A_2274 : vector<16x256xi32>
    %slice3A_2276 = vector.extract_strided_slice %min3A_2275 {offsets = [0, 0], sizes = [8, 256], strides = [1, 1]} : vector<16x256xi32> to vector<8x256xi32>
    %slice3A_2277 = vector.extract_strided_slice %min3A_2275 {offsets = [8, 0], sizes = [8, 256], strides = [1, 1]} : vector<16x256xi32> to vector<8x256xi32>
    %min3A_2278 = arith.minsi %slice3A_2276, %slice3A_2277 : vector<8x256xi32>
    %reduce_min3A_2279 = arith.constant dense<2147483647> : vector<256xi32>
    %reduce_min3A_2280 = vector.multi_reduction <minsi>, %min3A_2278, %reduce_min3A_2279 [0] : vector<8x256xi32> to vector<256xi32>
    %broadcast_in_dim3A_2281 = vector.shape_cast %reduce_min3A_2280 : vector<256xi32> to vector<1x256xi32>
    %eq3A_2282 = vector.broadcast %broadcast_in_dim3A_2281 : vector<1x256xi32> to vector<128x256xi32>
    %eq3A_2283 = arith.cmpi eq, %iota3A, %eq3A_2282 : vector<128x256xi32>
    %jit3A_2284 = arith.constant 0x7F800000 : f32
    %broadcast_in_dim3A_2285 = vector.broadcast %jit3A_2284 : f32 to vector<128x256xf32>
    %select_n3A_2286 = arith.select %eq3A_2283, %broadcast_in_dim3A_2285, %select_n3A_2240 : vector<128x256xi1>, vector<128x256xf32>
    %eq3A_2287 = arith.constant 9 : i32
    %eq3A_2288 = vector.broadcast %eq3A_2287 : i32 to vector<16x256xi32>
    %eq3A_2289 = arith.cmpi eq, %iota3A_186, %eq3A_2288 : vector<16x256xi32>
    %broadcast_in_dim3A_2290 = vector.shape_cast %broadcast_in_dim3A_2281 : vector<1x256xi32> to vector<1x256xi32>
    %broadcast_in_dim3A_2291 = vector.broadcast %broadcast_in_dim3A_2290 : vector<1x256xi32> to vector<16x256xi32>
    %select_n3A_2292 = arith.select %eq3A_2289, %broadcast_in_dim3A_2291, %select_n3A_2246 : vector<16x256xi1>, vector<16x256xi32>
    %slice3A_2293 = vector.extract_strided_slice %select_n3A_2286 {offsets = [0, 0], sizes = [64, 256], strides = [1, 1]} : vector<128x256xf32> to vector<64x256xf32>
    %slice3A_2294 = vector.extract_strided_slice %select_n3A_2286 {offsets = [64, 0], sizes = [64, 256], strides = [1, 1]} : vector<128x256xf32> to vector<64x256xf32>
    %min3A_2295 = arith.minimumf %slice3A_2293, %slice3A_2294 : vector<64x256xf32>
    %slice3A_2296 = vector.extract_strided_slice %min3A_2295 {offsets = [0, 0], sizes = [32, 256], strides = [1, 1]} : vector<64x256xf32> to vector<32x256xf32>
    %slice3A_2297 = vector.extract_strided_slice %min3A_2295 {offsets = [32, 0], sizes = [32, 256], strides = [1, 1]} : vector<64x256xf32> to vector<32x256xf32>
    %min3A_2298 = arith.minimumf %slice3A_2296, %slice3A_2297 : vector<32x256xf32>
    %slice3A_2299 = vector.extract_strided_slice %min3A_2298 {offsets = [0, 0], sizes = [16, 256], strides = [1, 1]} : vector<32x256xf32> to vector<16x256xf32>
    %slice3A_2300 = vector.extract_strided_slice %min3A_2298 {offsets = [16, 0], sizes = [16, 256], strides = [1, 1]} : vector<32x256xf32> to vector<16x256xf32>
    %min3A_2301 = arith.minimumf %slice3A_2299, %slice3A_2300 : vector<16x256xf32>
    %slice3A_2302 = vector.extract_strided_slice %min3A_2301 {offsets = [0, 0], sizes = [8, 256], strides = [1, 1]} : vector<16x256xf32> to vector<8x256xf32>
    %slice3A_2303 = vector.extract_strided_slice %min3A_2301 {offsets = [8, 0], sizes = [8, 256], strides = [1, 1]} : vector<16x256xf32> to vector<8x256xf32>
    %min3A_2304 = arith.minimumf %slice3A_2302, %slice3A_2303 : vector<8x256xf32>
    %reduce_min3A_2305 = arith.constant dense<0x7F800000> : vector<256xf32>
    %reduce_min3A_2306 = vector.multi_reduction <minimumf>, %min3A_2304, %reduce_min3A_2305 [0] : vector<8x256xf32> to vector<256xf32>
    %broadcast_in_dim3A_2307 = vector.shape_cast %reduce_min3A_2306 : vector<256xf32> to vector<1x256xf32>
    %eq3A_2308 = vector.broadcast %broadcast_in_dim3A_2307 : vector<1x256xf32> to vector<128x256xf32>
    %eq3A_2309 = arith.cmpf oeq, %select_n3A_2286, %eq3A_2308 : vector<128x256xf32>
    %jit3A_2310 = arith.constant 128 : i32
    %broadcast_in_dim3A_2311 = vector.broadcast %jit3A_2310 : i32 to vector<128x256xi32>
    %select_n3A_2312 = arith.select %eq3A_2309, %iota3A, %broadcast_in_dim3A_2311 : vector<128x256xi1>, vector<128x256xi32>
    %slice3A_2313 = vector.extract_strided_slice %select_n3A_2312 {offsets = [0, 0], sizes = [64, 256], strides = [1, 1]} : vector<128x256xi32> to vector<64x256xi32>
    %slice3A_2314 = vector.extract_strided_slice %select_n3A_2312 {offsets = [64, 0], sizes = [64, 256], strides = [1, 1]} : vector<128x256xi32> to vector<64x256xi32>
    %min3A_2315 = arith.minsi %slice3A_2313, %slice3A_2314 : vector<64x256xi32>
    %slice3A_2316 = vector.extract_strided_slice %min3A_2315 {offsets = [0, 0], sizes = [32, 256], strides = [1, 1]} : vector<64x256xi32> to vector<32x256xi32>
    %slice3A_2317 = vector.extract_strided_slice %min3A_2315 {offsets = [32, 0], sizes = [32, 256], strides = [1, 1]} : vector<64x256xi32> to vector<32x256xi32>
    %min3A_2318 = arith.minsi %slice3A_2316, %slice3A_2317 : vector<32x256xi32>
    %slice3A_2319 = vector.extract_strided_slice %min3A_2318 {offsets = [0, 0], sizes = [16, 256], strides = [1, 1]} : vector<32x256xi32> to vector<16x256xi32>
    %slice3A_2320 = vector.extract_strided_slice %min3A_2318 {offsets = [16, 0], sizes = [16, 256], strides = [1, 1]} : vector<32x256xi32> to vector<16x256xi32>
    %min3A_2321 = arith.minsi %slice3A_2319, %slice3A_2320 : vector<16x256xi32>
    %slice3A_2322 = vector.extract_strided_slice %min3A_2321 {offsets = [0, 0], sizes = [8, 256], strides = [1, 1]} : vector<16x256xi32> to vector<8x256xi32>
    %slice3A_2323 = vector.extract_strided_slice %min3A_2321 {offsets = [8, 0], sizes = [8, 256], strides = [1, 1]} : vector<16x256xi32> to vector<8x256xi32>
    %min3A_2324 = arith.minsi %slice3A_2322, %slice3A_2323 : vector<8x256xi32>
    %reduce_min3A_2325 = arith.constant dense<2147483647> : vector<256xi32>
    %reduce_min3A_2326 = vector.multi_reduction <minsi>, %min3A_2324, %reduce_min3A_2325 [0] : vector<8x256xi32> to vector<256xi32>
    %broadcast_in_dim3A_2327 = vector.shape_cast %reduce_min3A_2326 : vector<256xi32> to vector<1x256xi32>
    %eq3A_2328 = vector.broadcast %broadcast_in_dim3A_2327 : vector<1x256xi32> to vector<128x256xi32>
    %eq3A_2329 = arith.cmpi eq, %iota3A, %eq3A_2328 : vector<128x256xi32>
    %jit3A_2330 = arith.constant 0x7F800000 : f32
    %broadcast_in_dim3A_2331 = vector.broadcast %jit3A_2330 : f32 to vector<128x256xf32>
    %select_n3A_2332 = arith.select %eq3A_2329, %broadcast_in_dim3A_2331, %select_n3A_2286 : vector<128x256xi1>, vector<128x256xf32>
    %eq3A_2333 = arith.constant 10 : i32
    %eq3A_2334 = vector.broadcast %eq3A_2333 : i32 to vector<16x256xi32>
    %eq3A_2335 = arith.cmpi eq, %iota3A_186, %eq3A_2334 : vector<16x256xi32>
    %broadcast_in_dim3A_2336 = vector.shape_cast %broadcast_in_dim3A_2327 : vector<1x256xi32> to vector<1x256xi32>
    %broadcast_in_dim3A_2337 = vector.broadcast %broadcast_in_dim3A_2336 : vector<1x256xi32> to vector<16x256xi32>
    %select_n3A_2338 = arith.select %eq3A_2335, %broadcast_in_dim3A_2337, %select_n3A_2292 : vector<16x256xi1>, vector<16x256xi32>
    %slice3A_2339 = vector.extract_strided_slice %select_n3A_2332 {offsets = [0, 0], sizes = [64, 256], strides = [1, 1]} : vector<128x256xf32> to vector<64x256xf32>
    %slice3A_2340 = vector.extract_strided_slice %select_n3A_2332 {offsets = [64, 0], sizes = [64, 256], strides = [1, 1]} : vector<128x256xf32> to vector<64x256xf32>
    %min3A_2341 = arith.minimumf %slice3A_2339, %slice3A_2340 : vector<64x256xf32>
    %slice3A_2342 = vector.extract_strided_slice %min3A_2341 {offsets = [0, 0], sizes = [32, 256], strides = [1, 1]} : vector<64x256xf32> to vector<32x256xf32>
    %slice3A_2343 = vector.extract_strided_slice %min3A_2341 {offsets = [32, 0], sizes = [32, 256], strides = [1, 1]} : vector<64x256xf32> to vector<32x256xf32>
    %min3A_2344 = arith.minimumf %slice3A_2342, %slice3A_2343 : vector<32x256xf32>
    %slice3A_2345 = vector.extract_strided_slice %min3A_2344 {offsets = [0, 0], sizes = [16, 256], strides = [1, 1]} : vector<32x256xf32> to vector<16x256xf32>
    %slice3A_2346 = vector.extract_strided_slice %min3A_2344 {offsets = [16, 0], sizes = [16, 256], strides = [1, 1]} : vector<32x256xf32> to vector<16x256xf32>
    %min3A_2347 = arith.minimumf %slice3A_2345, %slice3A_2346 : vector<16x256xf32>
    %slice3A_2348 = vector.extract_strided_slice %min3A_2347 {offsets = [0, 0], sizes = [8, 256], strides = [1, 1]} : vector<16x256xf32> to vector<8x256xf32>
    %slice3A_2349 = vector.extract_strided_slice %min3A_2347 {offsets = [8, 0], sizes = [8, 256], strides = [1, 1]} : vector<16x256xf32> to vector<8x256xf32>
    %min3A_2350 = arith.minimumf %slice3A_2348, %slice3A_2349 : vector<8x256xf32>
    %reduce_min3A_2351 = arith.constant dense<0x7F800000> : vector<256xf32>
    %reduce_min3A_2352 = vector.multi_reduction <minimumf>, %min3A_2350, %reduce_min3A_2351 [0] : vector<8x256xf32> to vector<256xf32>
    %broadcast_in_dim3A_2353 = vector.shape_cast %reduce_min3A_2352 : vector<256xf32> to vector<1x256xf32>
    %eq3A_2354 = vector.broadcast %broadcast_in_dim3A_2353 : vector<1x256xf32> to vector<128x256xf32>
    %eq3A_2355 = arith.cmpf oeq, %select_n3A_2332, %eq3A_2354 : vector<128x256xf32>
    %jit3A_2356 = arith.constant 128 : i32
    %broadcast_in_dim3A_2357 = vector.broadcast %jit3A_2356 : i32 to vector<128x256xi32>
    %select_n3A_2358 = arith.select %eq3A_2355, %iota3A, %broadcast_in_dim3A_2357 : vector<128x256xi1>, vector<128x256xi32>
    %slice3A_2359 = vector.extract_strided_slice %select_n3A_2358 {offsets = [0, 0], sizes = [64, 256], strides = [1, 1]} : vector<128x256xi32> to vector<64x256xi32>
    %slice3A_2360 = vector.extract_strided_slice %select_n3A_2358 {offsets = [64, 0], sizes = [64, 256], strides = [1, 1]} : vector<128x256xi32> to vector<64x256xi32>
    %min3A_2361 = arith.minsi %slice3A_2359, %slice3A_2360 : vector<64x256xi32>
    %slice3A_2362 = vector.extract_strided_slice %min3A_2361 {offsets = [0, 0], sizes = [32, 256], strides = [1, 1]} : vector<64x256xi32> to vector<32x256xi32>
    %slice3A_2363 = vector.extract_strided_slice %min3A_2361 {offsets = [32, 0], sizes = [32, 256], strides = [1, 1]} : vector<64x256xi32> to vector<32x256xi32>
    %min3A_2364 = arith.minsi %slice3A_2362, %slice3A_2363 : vector<32x256xi32>
    %slice3A_2365 = vector.extract_strided_slice %min3A_2364 {offsets = [0, 0], sizes = [16, 256], strides = [1, 1]} : vector<32x256xi32> to vector<16x256xi32>
    %slice3A_2366 = vector.extract_strided_slice %min3A_2364 {offsets = [16, 0], sizes = [16, 256], strides = [1, 1]} : vector<32x256xi32> to vector<16x256xi32>
    %min3A_2367 = arith.minsi %slice3A_2365, %slice3A_2366 : vector<16x256xi32>
    %slice3A_2368 = vector.extract_strided_slice %min3A_2367 {offsets = [0, 0], sizes = [8, 256], strides = [1, 1]} : vector<16x256xi32> to vector<8x256xi32>
    %slice3A_2369 = vector.extract_strided_slice %min3A_2367 {offsets = [8, 0], sizes = [8, 256], strides = [1, 1]} : vector<16x256xi32> to vector<8x256xi32>
    %min3A_2370 = arith.minsi %slice3A_2368, %slice3A_2369 : vector<8x256xi32>
    %reduce_min3A_2371 = arith.constant dense<2147483647> : vector<256xi32>
    %reduce_min3A_2372 = vector.multi_reduction <minsi>, %min3A_2370, %reduce_min3A_2371 [0] : vector<8x256xi32> to vector<256xi32>
    %broadcast_in_dim3A_2373 = vector.shape_cast %reduce_min3A_2372 : vector<256xi32> to vector<1x256xi32>
    %eq3A_2374 = vector.broadcast %broadcast_in_dim3A_2373 : vector<1x256xi32> to vector<128x256xi32>
    %eq3A_2375 = arith.cmpi eq, %iota3A, %eq3A_2374 : vector<128x256xi32>
    %jit3A_2376 = arith.constant 0x7F800000 : f32
    %broadcast_in_dim3A_2377 = vector.broadcast %jit3A_2376 : f32 to vector<128x256xf32>
    %select_n3A_2378 = arith.select %eq3A_2375, %broadcast_in_dim3A_2377, %select_n3A_2332 : vector<128x256xi1>, vector<128x256xf32>
    %eq3A_2379 = arith.constant 11 : i32
    %eq3A_2380 = vector.broadcast %eq3A_2379 : i32 to vector<16x256xi32>
    %eq3A_2381 = arith.cmpi eq, %iota3A_186, %eq3A_2380 : vector<16x256xi32>
    %broadcast_in_dim3A_2382 = vector.shape_cast %broadcast_in_dim3A_2373 : vector<1x256xi32> to vector<1x256xi32>
    %broadcast_in_dim3A_2383 = vector.broadcast %broadcast_in_dim3A_2382 : vector<1x256xi32> to vector<16x256xi32>
    %select_n3A_2384 = arith.select %eq3A_2381, %broadcast_in_dim3A_2383, %select_n3A_2338 : vector<16x256xi1>, vector<16x256xi32>
    %slice3A_2385 = vector.extract_strided_slice %select_n3A_2378 {offsets = [0, 0], sizes = [64, 256], strides = [1, 1]} : vector<128x256xf32> to vector<64x256xf32>
    %slice3A_2386 = vector.extract_strided_slice %select_n3A_2378 {offsets = [64, 0], sizes = [64, 256], strides = [1, 1]} : vector<128x256xf32> to vector<64x256xf32>
    %min3A_2387 = arith.minimumf %slice3A_2385, %slice3A_2386 : vector<64x256xf32>
    %slice3A_2388 = vector.extract_strided_slice %min3A_2387 {offsets = [0, 0], sizes = [32, 256], strides = [1, 1]} : vector<64x256xf32> to vector<32x256xf32>
    %slice3A_2389 = vector.extract_strided_slice %min3A_2387 {offsets = [32, 0], sizes = [32, 256], strides = [1, 1]} : vector<64x256xf32> to vector<32x256xf32>
    %min3A_2390 = arith.minimumf %slice3A_2388, %slice3A_2389 : vector<32x256xf32>
    %slice3A_2391 = vector.extract_strided_slice %min3A_2390 {offsets = [0, 0], sizes = [16, 256], strides = [1, 1]} : vector<32x256xf32> to vector<16x256xf32>
    %slice3A_2392 = vector.extract_strided_slice %min3A_2390 {offsets = [16, 0], sizes = [16, 256], strides = [1, 1]} : vector<32x256xf32> to vector<16x256xf32>
    %min3A_2393 = arith.minimumf %slice3A_2391, %slice3A_2392 : vector<16x256xf32>
    %slice3A_2394 = vector.extract_strided_slice %min3A_2393 {offsets = [0, 0], sizes = [8, 256], strides = [1, 1]} : vector<16x256xf32> to vector<8x256xf32>
    %slice3A_2395 = vector.extract_strided_slice %min3A_2393 {offsets = [8, 0], sizes = [8, 256], strides = [1, 1]} : vector<16x256xf32> to vector<8x256xf32>
    %min3A_2396 = arith.minimumf %slice3A_2394, %slice3A_2395 : vector<8x256xf32>
    %reduce_min3A_2397 = arith.constant dense<0x7F800000> : vector<256xf32>
    %reduce_min3A_2398 = vector.multi_reduction <minimumf>, %min3A_2396, %reduce_min3A_2397 [0] : vector<8x256xf32> to vector<256xf32>
    %broadcast_in_dim3A_2399 = vector.shape_cast %reduce_min3A_2398 : vector<256xf32> to vector<1x256xf32>
    %eq3A_2400 = vector.broadcast %broadcast_in_dim3A_2399 : vector<1x256xf32> to vector<128x256xf32>
    %eq3A_2401 = arith.cmpf oeq, %select_n3A_2378, %eq3A_2400 : vector<128x256xf32>
    %jit3A_2402 = arith.constant 128 : i32
    %broadcast_in_dim3A_2403 = vector.broadcast %jit3A_2402 : i32 to vector<128x256xi32>
    %select_n3A_2404 = arith.select %eq3A_2401, %iota3A, %broadcast_in_dim3A_2403 : vector<128x256xi1>, vector<128x256xi32>
    %slice3A_2405 = vector.extract_strided_slice %select_n3A_2404 {offsets = [0, 0], sizes = [64, 256], strides = [1, 1]} : vector<128x256xi32> to vector<64x256xi32>
    %slice3A_2406 = vector.extract_strided_slice %select_n3A_2404 {offsets = [64, 0], sizes = [64, 256], strides = [1, 1]} : vector<128x256xi32> to vector<64x256xi32>
    %min3A_2407 = arith.minsi %slice3A_2405, %slice3A_2406 : vector<64x256xi32>
    %slice3A_2408 = vector.extract_strided_slice %min3A_2407 {offsets = [0, 0], sizes = [32, 256], strides = [1, 1]} : vector<64x256xi32> to vector<32x256xi32>
    %slice3A_2409 = vector.extract_strided_slice %min3A_2407 {offsets = [32, 0], sizes = [32, 256], strides = [1, 1]} : vector<64x256xi32> to vector<32x256xi32>
    %min3A_2410 = arith.minsi %slice3A_2408, %slice3A_2409 : vector<32x256xi32>
    %slice3A_2411 = vector.extract_strided_slice %min3A_2410 {offsets = [0, 0], sizes = [16, 256], strides = [1, 1]} : vector<32x256xi32> to vector<16x256xi32>
    %slice3A_2412 = vector.extract_strided_slice %min3A_2410 {offsets = [16, 0], sizes = [16, 256], strides = [1, 1]} : vector<32x256xi32> to vector<16x256xi32>
    %min3A_2413 = arith.minsi %slice3A_2411, %slice3A_2412 : vector<16x256xi32>
    %slice3A_2414 = vector.extract_strided_slice %min3A_2413 {offsets = [0, 0], sizes = [8, 256], strides = [1, 1]} : vector<16x256xi32> to vector<8x256xi32>
    %slice3A_2415 = vector.extract_strided_slice %min3A_2413 {offsets = [8, 0], sizes = [8, 256], strides = [1, 1]} : vector<16x256xi32> to vector<8x256xi32>
    %min3A_2416 = arith.minsi %slice3A_2414, %slice3A_2415 : vector<8x256xi32>
    %reduce_min3A_2417 = arith.constant dense<2147483647> : vector<256xi32>
    %reduce_min3A_2418 = vector.multi_reduction <minsi>, %min3A_2416, %reduce_min3A_2417 [0] : vector<8x256xi32> to vector<256xi32>
    %broadcast_in_dim3A_2419 = vector.shape_cast %reduce_min3A_2418 : vector<256xi32> to vector<1x256xi32>
    %eq3A_2420 = vector.broadcast %broadcast_in_dim3A_2419 : vector<1x256xi32> to vector<128x256xi32>
    %eq3A_2421 = arith.cmpi eq, %iota3A, %eq3A_2420 : vector<128x256xi32>
    %jit3A_2422 = arith.constant 0x7F800000 : f32
    %broadcast_in_dim3A_2423 = vector.broadcast %jit3A_2422 : f32 to vector<128x256xf32>
    %select_n3A_2424 = arith.select %eq3A_2421, %broadcast_in_dim3A_2423, %select_n3A_2378 : vector<128x256xi1>, vector<128x256xf32>
    %eq3A_2425 = arith.constant 12 : i32
    %eq3A_2426 = vector.broadcast %eq3A_2425 : i32 to vector<16x256xi32>
    %eq3A_2427 = arith.cmpi eq, %iota3A_186, %eq3A_2426 : vector<16x256xi32>
    %broadcast_in_dim3A_2428 = vector.shape_cast %broadcast_in_dim3A_2419 : vector<1x256xi32> to vector<1x256xi32>
    %broadcast_in_dim3A_2429 = vector.broadcast %broadcast_in_dim3A_2428 : vector<1x256xi32> to vector<16x256xi32>
    %select_n3A_2430 = arith.select %eq3A_2427, %broadcast_in_dim3A_2429, %select_n3A_2384 : vector<16x256xi1>, vector<16x256xi32>
    %slice3A_2431 = vector.extract_strided_slice %select_n3A_2424 {offsets = [0, 0], sizes = [64, 256], strides = [1, 1]} : vector<128x256xf32> to vector<64x256xf32>
    %slice3A_2432 = vector.extract_strided_slice %select_n3A_2424 {offsets = [64, 0], sizes = [64, 256], strides = [1, 1]} : vector<128x256xf32> to vector<64x256xf32>
    %min3A_2433 = arith.minimumf %slice3A_2431, %slice3A_2432 : vector<64x256xf32>
    %slice3A_2434 = vector.extract_strided_slice %min3A_2433 {offsets = [0, 0], sizes = [32, 256], strides = [1, 1]} : vector<64x256xf32> to vector<32x256xf32>
    %slice3A_2435 = vector.extract_strided_slice %min3A_2433 {offsets = [32, 0], sizes = [32, 256], strides = [1, 1]} : vector<64x256xf32> to vector<32x256xf32>
    %min3A_2436 = arith.minimumf %slice3A_2434, %slice3A_2435 : vector<32x256xf32>
    %slice3A_2437 = vector.extract_strided_slice %min3A_2436 {offsets = [0, 0], sizes = [16, 256], strides = [1, 1]} : vector<32x256xf32> to vector<16x256xf32>
    %slice3A_2438 = vector.extract_strided_slice %min3A_2436 {offsets = [16, 0], sizes = [16, 256], strides = [1, 1]} : vector<32x256xf32> to vector<16x256xf32>
    %min3A_2439 = arith.minimumf %slice3A_2437, %slice3A_2438 : vector<16x256xf32>
    %slice3A_2440 = vector.extract_strided_slice %min3A_2439 {offsets = [0, 0], sizes = [8, 256], strides = [1, 1]} : vector<16x256xf32> to vector<8x256xf32>
    %slice3A_2441 = vector.extract_strided_slice %min3A_2439 {offsets = [8, 0], sizes = [8, 256], strides = [1, 1]} : vector<16x256xf32> to vector<8x256xf32>
    %min3A_2442 = arith.minimumf %slice3A_2440, %slice3A_2441 : vector<8x256xf32>
    %reduce_min3A_2443 = arith.constant dense<0x7F800000> : vector<256xf32>
    %reduce_min3A_2444 = vector.multi_reduction <minimumf>, %min3A_2442, %reduce_min3A_2443 [0] : vector<8x256xf32> to vector<256xf32>
    %broadcast_in_dim3A_2445 = vector.shape_cast %reduce_min3A_2444 : vector<256xf32> to vector<1x256xf32>
    %eq3A_2446 = vector.broadcast %broadcast_in_dim3A_2445 : vector<1x256xf32> to vector<128x256xf32>
    %eq3A_2447 = arith.cmpf oeq, %select_n3A_2424, %eq3A_2446 : vector<128x256xf32>
    %jit3A_2448 = arith.constant 128 : i32
    %broadcast_in_dim3A_2449 = vector.broadcast %jit3A_2448 : i32 to vector<128x256xi32>
    %select_n3A_2450 = arith.select %eq3A_2447, %iota3A, %broadcast_in_dim3A_2449 : vector<128x256xi1>, vector<128x256xi32>
    %slice3A_2451 = vector.extract_strided_slice %select_n3A_2450 {offsets = [0, 0], sizes = [64, 256], strides = [1, 1]} : vector<128x256xi32> to vector<64x256xi32>
    %slice3A_2452 = vector.extract_strided_slice %select_n3A_2450 {offsets = [64, 0], sizes = [64, 256], strides = [1, 1]} : vector<128x256xi32> to vector<64x256xi32>
    %min3A_2453 = arith.minsi %slice3A_2451, %slice3A_2452 : vector<64x256xi32>
    %slice3A_2454 = vector.extract_strided_slice %min3A_2453 {offsets = [0, 0], sizes = [32, 256], strides = [1, 1]} : vector<64x256xi32> to vector<32x256xi32>
    %slice3A_2455 = vector.extract_strided_slice %min3A_2453 {offsets = [32, 0], sizes = [32, 256], strides = [1, 1]} : vector<64x256xi32> to vector<32x256xi32>
    %min3A_2456 = arith.minsi %slice3A_2454, %slice3A_2455 : vector<32x256xi32>
    %slice3A_2457 = vector.extract_strided_slice %min3A_2456 {offsets = [0, 0], sizes = [16, 256], strides = [1, 1]} : vector<32x256xi32> to vector<16x256xi32>
    %slice3A_2458 = vector.extract_strided_slice %min3A_2456 {offsets = [16, 0], sizes = [16, 256], strides = [1, 1]} : vector<32x256xi32> to vector<16x256xi32>
    %min3A_2459 = arith.minsi %slice3A_2457, %slice3A_2458 : vector<16x256xi32>
    %slice3A_2460 = vector.extract_strided_slice %min3A_2459 {offsets = [0, 0], sizes = [8, 256], strides = [1, 1]} : vector<16x256xi32> to vector<8x256xi32>
    %slice3A_2461 = vector.extract_strided_slice %min3A_2459 {offsets = [8, 0], sizes = [8, 256], strides = [1, 1]} : vector<16x256xi32> to vector<8x256xi32>
    %min3A_2462 = arith.minsi %slice3A_2460, %slice3A_2461 : vector<8x256xi32>
    %reduce_min3A_2463 = arith.constant dense<2147483647> : vector<256xi32>
    %reduce_min3A_2464 = vector.multi_reduction <minsi>, %min3A_2462, %reduce_min3A_2463 [0] : vector<8x256xi32> to vector<256xi32>
    %broadcast_in_dim3A_2465 = vector.shape_cast %reduce_min3A_2464 : vector<256xi32> to vector<1x256xi32>
    %eq3A_2466 = vector.broadcast %broadcast_in_dim3A_2465 : vector<1x256xi32> to vector<128x256xi32>
    %eq3A_2467 = arith.cmpi eq, %iota3A, %eq3A_2466 : vector<128x256xi32>
    %jit3A_2468 = arith.constant 0x7F800000 : f32
    %broadcast_in_dim3A_2469 = vector.broadcast %jit3A_2468 : f32 to vector<128x256xf32>
    %select_n3A_2470 = arith.select %eq3A_2467, %broadcast_in_dim3A_2469, %select_n3A_2424 : vector<128x256xi1>, vector<128x256xf32>
    %eq3A_2471 = arith.constant 13 : i32
    %eq3A_2472 = vector.broadcast %eq3A_2471 : i32 to vector<16x256xi32>
    %eq3A_2473 = arith.cmpi eq, %iota3A_186, %eq3A_2472 : vector<16x256xi32>
    %broadcast_in_dim3A_2474 = vector.shape_cast %broadcast_in_dim3A_2465 : vector<1x256xi32> to vector<1x256xi32>
    %broadcast_in_dim3A_2475 = vector.broadcast %broadcast_in_dim3A_2474 : vector<1x256xi32> to vector<16x256xi32>
    %select_n3A_2476 = arith.select %eq3A_2473, %broadcast_in_dim3A_2475, %select_n3A_2430 : vector<16x256xi1>, vector<16x256xi32>
    %slice3A_2477 = vector.extract_strided_slice %select_n3A_2470 {offsets = [0, 0], sizes = [64, 256], strides = [1, 1]} : vector<128x256xf32> to vector<64x256xf32>
    %slice3A_2478 = vector.extract_strided_slice %select_n3A_2470 {offsets = [64, 0], sizes = [64, 256], strides = [1, 1]} : vector<128x256xf32> to vector<64x256xf32>
    %min3A_2479 = arith.minimumf %slice3A_2477, %slice3A_2478 : vector<64x256xf32>
    %slice3A_2480 = vector.extract_strided_slice %min3A_2479 {offsets = [0, 0], sizes = [32, 256], strides = [1, 1]} : vector<64x256xf32> to vector<32x256xf32>
    %slice3A_2481 = vector.extract_strided_slice %min3A_2479 {offsets = [32, 0], sizes = [32, 256], strides = [1, 1]} : vector<64x256xf32> to vector<32x256xf32>
    %min3A_2482 = arith.minimumf %slice3A_2480, %slice3A_2481 : vector<32x256xf32>
    %slice3A_2483 = vector.extract_strided_slice %min3A_2482 {offsets = [0, 0], sizes = [16, 256], strides = [1, 1]} : vector<32x256xf32> to vector<16x256xf32>
    %slice3A_2484 = vector.extract_strided_slice %min3A_2482 {offsets = [16, 0], sizes = [16, 256], strides = [1, 1]} : vector<32x256xf32> to vector<16x256xf32>
    %min3A_2485 = arith.minimumf %slice3A_2483, %slice3A_2484 : vector<16x256xf32>
    %slice3A_2486 = vector.extract_strided_slice %min3A_2485 {offsets = [0, 0], sizes = [8, 256], strides = [1, 1]} : vector<16x256xf32> to vector<8x256xf32>
    %slice3A_2487 = vector.extract_strided_slice %min3A_2485 {offsets = [8, 0], sizes = [8, 256], strides = [1, 1]} : vector<16x256xf32> to vector<8x256xf32>
    %min3A_2488 = arith.minimumf %slice3A_2486, %slice3A_2487 : vector<8x256xf32>
    %reduce_min3A_2489 = arith.constant dense<0x7F800000> : vector<256xf32>
    %reduce_min3A_2490 = vector.multi_reduction <minimumf>, %min3A_2488, %reduce_min3A_2489 [0] : vector<8x256xf32> to vector<256xf32>
    %broadcast_in_dim3A_2491 = vector.shape_cast %reduce_min3A_2490 : vector<256xf32> to vector<1x256xf32>
    %eq3A_2492 = vector.broadcast %broadcast_in_dim3A_2491 : vector<1x256xf32> to vector<128x256xf32>
    %eq3A_2493 = arith.cmpf oeq, %select_n3A_2470, %eq3A_2492 : vector<128x256xf32>
    %jit3A_2494 = arith.constant 128 : i32
    %broadcast_in_dim3A_2495 = vector.broadcast %jit3A_2494 : i32 to vector<128x256xi32>
    %select_n3A_2496 = arith.select %eq3A_2493, %iota3A, %broadcast_in_dim3A_2495 : vector<128x256xi1>, vector<128x256xi32>
    %slice3A_2497 = vector.extract_strided_slice %select_n3A_2496 {offsets = [0, 0], sizes = [64, 256], strides = [1, 1]} : vector<128x256xi32> to vector<64x256xi32>
    %slice3A_2498 = vector.extract_strided_slice %select_n3A_2496 {offsets = [64, 0], sizes = [64, 256], strides = [1, 1]} : vector<128x256xi32> to vector<64x256xi32>
    %min3A_2499 = arith.minsi %slice3A_2497, %slice3A_2498 : vector<64x256xi32>
    %slice3A_2500 = vector.extract_strided_slice %min3A_2499 {offsets = [0, 0], sizes = [32, 256], strides = [1, 1]} : vector<64x256xi32> to vector<32x256xi32>
    %slice3A_2501 = vector.extract_strided_slice %min3A_2499 {offsets = [32, 0], sizes = [32, 256], strides = [1, 1]} : vector<64x256xi32> to vector<32x256xi32>
    %min3A_2502 = arith.minsi %slice3A_2500, %slice3A_2501 : vector<32x256xi32>
    %slice3A_2503 = vector.extract_strided_slice %min3A_2502 {offsets = [0, 0], sizes = [16, 256], strides = [1, 1]} : vector<32x256xi32> to vector<16x256xi32>
    %slice3A_2504 = vector.extract_strided_slice %min3A_2502 {offsets = [16, 0], sizes = [16, 256], strides = [1, 1]} : vector<32x256xi32> to vector<16x256xi32>
    %min3A_2505 = arith.minsi %slice3A_2503, %slice3A_2504 : vector<16x256xi32>
    %slice3A_2506 = vector.extract_strided_slice %min3A_2505 {offsets = [0, 0], sizes = [8, 256], strides = [1, 1]} : vector<16x256xi32> to vector<8x256xi32>
    %slice3A_2507 = vector.extract_strided_slice %min3A_2505 {offsets = [8, 0], sizes = [8, 256], strides = [1, 1]} : vector<16x256xi32> to vector<8x256xi32>
    %min3A_2508 = arith.minsi %slice3A_2506, %slice3A_2507 : vector<8x256xi32>
    %reduce_min3A_2509 = arith.constant dense<2147483647> : vector<256xi32>
    %reduce_min3A_2510 = vector.multi_reduction <minsi>, %min3A_2508, %reduce_min3A_2509 [0] : vector<8x256xi32> to vector<256xi32>
    %broadcast_in_dim3A_2511 = vector.shape_cast %reduce_min3A_2510 : vector<256xi32> to vector<1x256xi32>
    %eq3A_2512 = vector.broadcast %broadcast_in_dim3A_2511 : vector<1x256xi32> to vector<128x256xi32>
    %eq3A_2513 = arith.cmpi eq, %iota3A, %eq3A_2512 : vector<128x256xi32>
    %jit3A_2514 = arith.constant 0x7F800000 : f32
    %broadcast_in_dim3A_2515 = vector.broadcast %jit3A_2514 : f32 to vector<128x256xf32>
    %select_n3A_2516 = arith.select %eq3A_2513, %broadcast_in_dim3A_2515, %select_n3A_2470 : vector<128x256xi1>, vector<128x256xf32>
    %eq3A_2517 = arith.constant 14 : i32
    %eq3A_2518 = vector.broadcast %eq3A_2517 : i32 to vector<16x256xi32>
    %eq3A_2519 = arith.cmpi eq, %iota3A_186, %eq3A_2518 : vector<16x256xi32>
    %broadcast_in_dim3A_2520 = vector.shape_cast %broadcast_in_dim3A_2511 : vector<1x256xi32> to vector<1x256xi32>
    %broadcast_in_dim3A_2521 = vector.broadcast %broadcast_in_dim3A_2520 : vector<1x256xi32> to vector<16x256xi32>
    %select_n3A_2522 = arith.select %eq3A_2519, %broadcast_in_dim3A_2521, %select_n3A_2476 : vector<16x256xi1>, vector<16x256xi32>
    %slice3A_2523 = vector.extract_strided_slice %select_n3A_2516 {offsets = [0, 0], sizes = [64, 256], strides = [1, 1]} : vector<128x256xf32> to vector<64x256xf32>
    %slice3A_2524 = vector.extract_strided_slice %select_n3A_2516 {offsets = [64, 0], sizes = [64, 256], strides = [1, 1]} : vector<128x256xf32> to vector<64x256xf32>
    %min3A_2525 = arith.minimumf %slice3A_2523, %slice3A_2524 : vector<64x256xf32>
    %slice3A_2526 = vector.extract_strided_slice %min3A_2525 {offsets = [0, 0], sizes = [32, 256], strides = [1, 1]} : vector<64x256xf32> to vector<32x256xf32>
    %slice3A_2527 = vector.extract_strided_slice %min3A_2525 {offsets = [32, 0], sizes = [32, 256], strides = [1, 1]} : vector<64x256xf32> to vector<32x256xf32>
    %min3A_2528 = arith.minimumf %slice3A_2526, %slice3A_2527 : vector<32x256xf32>
    %slice3A_2529 = vector.extract_strided_slice %min3A_2528 {offsets = [0, 0], sizes = [16, 256], strides = [1, 1]} : vector<32x256xf32> to vector<16x256xf32>
    %slice3A_2530 = vector.extract_strided_slice %min3A_2528 {offsets = [16, 0], sizes = [16, 256], strides = [1, 1]} : vector<32x256xf32> to vector<16x256xf32>
    %min3A_2531 = arith.minimumf %slice3A_2529, %slice3A_2530 : vector<16x256xf32>
    %slice3A_2532 = vector.extract_strided_slice %min3A_2531 {offsets = [0, 0], sizes = [8, 256], strides = [1, 1]} : vector<16x256xf32> to vector<8x256xf32>
    %slice3A_2533 = vector.extract_strided_slice %min3A_2531 {offsets = [8, 0], sizes = [8, 256], strides = [1, 1]} : vector<16x256xf32> to vector<8x256xf32>
    %min3A_2534 = arith.minimumf %slice3A_2532, %slice3A_2533 : vector<8x256xf32>
    %reduce_min3A_2535 = arith.constant dense<0x7F800000> : vector<256xf32>
    %reduce_min3A_2536 = vector.multi_reduction <minimumf>, %min3A_2534, %reduce_min3A_2535 [0] : vector<8x256xf32> to vector<256xf32>
    %broadcast_in_dim3A_2537 = vector.shape_cast %reduce_min3A_2536 : vector<256xf32> to vector<1x256xf32>
    %eq3A_2538 = vector.broadcast %broadcast_in_dim3A_2537 : vector<1x256xf32> to vector<128x256xf32>
    %eq3A_2539 = arith.cmpf oeq, %select_n3A_2516, %eq3A_2538 : vector<128x256xf32>
    %jit3A_2540 = arith.constant 128 : i32
    %broadcast_in_dim3A_2541 = vector.broadcast %jit3A_2540 : i32 to vector<128x256xi32>
    %select_n3A_2542 = arith.select %eq3A_2539, %iota3A, %broadcast_in_dim3A_2541 : vector<128x256xi1>, vector<128x256xi32>
    %slice3A_2543 = vector.extract_strided_slice %select_n3A_2542 {offsets = [0, 0], sizes = [64, 256], strides = [1, 1]} : vector<128x256xi32> to vector<64x256xi32>
    %slice3A_2544 = vector.extract_strided_slice %select_n3A_2542 {offsets = [64, 0], sizes = [64, 256], strides = [1, 1]} : vector<128x256xi32> to vector<64x256xi32>
    %min3A_2545 = arith.minsi %slice3A_2543, %slice3A_2544 : vector<64x256xi32>
    %slice3A_2546 = vector.extract_strided_slice %min3A_2545 {offsets = [0, 0], sizes = [32, 256], strides = [1, 1]} : vector<64x256xi32> to vector<32x256xi32>
    %slice3A_2547 = vector.extract_strided_slice %min3A_2545 {offsets = [32, 0], sizes = [32, 256], strides = [1, 1]} : vector<64x256xi32> to vector<32x256xi32>
    %min3A_2548 = arith.minsi %slice3A_2546, %slice3A_2547 : vector<32x256xi32>
    %slice3A_2549 = vector.extract_strided_slice %min3A_2548 {offsets = [0, 0], sizes = [16, 256], strides = [1, 1]} : vector<32x256xi32> to vector<16x256xi32>
    %slice3A_2550 = vector.extract_strided_slice %min3A_2548 {offsets = [16, 0], sizes = [16, 256], strides = [1, 1]} : vector<32x256xi32> to vector<16x256xi32>
    %min3A_2551 = arith.minsi %slice3A_2549, %slice3A_2550 : vector<16x256xi32>
    %slice3A_2552 = vector.extract_strided_slice %min3A_2551 {offsets = [0, 0], sizes = [8, 256], strides = [1, 1]} : vector<16x256xi32> to vector<8x256xi32>
    %slice3A_2553 = vector.extract_strided_slice %min3A_2551 {offsets = [8, 0], sizes = [8, 256], strides = [1, 1]} : vector<16x256xi32> to vector<8x256xi32>
    %min3A_2554 = arith.minsi %slice3A_2552, %slice3A_2553 : vector<8x256xi32>
    %reduce_min3A_2555 = arith.constant dense<2147483647> : vector<256xi32>
    %reduce_min3A_2556 = vector.multi_reduction <minsi>, %min3A_2554, %reduce_min3A_2555 [0] : vector<8x256xi32> to vector<256xi32>
    %broadcast_in_dim3A_2557 = vector.shape_cast %reduce_min3A_2556 : vector<256xi32> to vector<1x256xi32>
    %eq3A_2558 = arith.constant 15 : i32
    %eq3A_2559 = vector.broadcast %eq3A_2558 : i32 to vector<16x256xi32>
    %eq3A_2560 = arith.cmpi eq, %iota3A_186, %eq3A_2559 : vector<16x256xi32>
    %broadcast_in_dim3A_2561 = vector.shape_cast %broadcast_in_dim3A_2557 : vector<1x256xi32> to vector<1x256xi32>
    %broadcast_in_dim3A_2562 = vector.broadcast %broadcast_in_dim3A_2561 : vector<1x256xi32> to vector<16x256xi32>
    %select_n3A_2563 = arith.select %eq3A_2560, %broadcast_in_dim3A_2562, %select_n3A_2522 : vector<16x256xi1>, vector<16x256xi32>
    %transpose3A_2564 = tpu.transpose %select_n3A_2563, [1, 0] : vector<16x256xi32> -> vector<256x16xi32>
    %slice3A_2565 = vector.extract_strided_slice %concatenate3A {offsets = [0, 0], sizes = [256, 128], strides = [1, 1]} : vector<256x1280xf32> to vector<256x128xf32>
    %lt3A_2566 = arith.constant 0 : i32
    %lt3A_2567 = vector.broadcast %lt3A_2566 : i32 to vector<256x16xi32>
    %lt3A_2568 = arith.cmpi slt, %transpose3A_2564, %lt3A_2567 : vector<256x16xi32>
    %add3A_2569 = arith.constant 128 : i32
    %add3A_2570 = vector.broadcast %add3A_2569 : i32 to vector<256x16xi32>
    %add3A_2571 = arith.addi %transpose3A_2564, %add3A_2570 : vector<256x16xi32>
    %select_n3A_2572 = arith.select %lt3A_2568, %add3A_2571, %transpose3A_2564 : vector<256x16xi1>, vector<256x16xi32>
    %reshape3A_2573 = vector.shape_cast %select_n3A_2572 : vector<256x16xi32> to vector<256x16x1xi32>
    %gather3A_2574 = vector.shape_cast %reshape3A_2573 : vector<256x16x1xi32> to vector<256x16xi32>
    %gather3A_2575 = tpu.dynamic_gather %slice3A_2565[%gather3A_2574] in [1] : vector<256x128xf32>, vector<256x16xi32> -> vector<256x16xf32>
    %slice3A_2576 = vector.extract_strided_slice %concatenate3A {offsets = [0, 128], sizes = [256, 128], strides = [1, 1]} : vector<256x1280xf32> to vector<256x128xf32>
    %lt3A_2577 = arith.constant 0 : i32
    %lt3A_2578 = vector.broadcast %lt3A_2577 : i32 to vector<256x16xi32>
    %lt3A_2579 = arith.cmpi slt, %transpose3A_2564, %lt3A_2578 : vector<256x16xi32>
    %add3A_2580 = arith.constant 128 : i32
    %add3A_2581 = vector.broadcast %add3A_2580 : i32 to vector<256x16xi32>
    %add3A_2582 = arith.addi %transpose3A_2564, %add3A_2581 : vector<256x16xi32>
    %select_n3A_2583 = arith.select %lt3A_2579, %add3A_2582, %transpose3A_2564 : vector<256x16xi1>, vector<256x16xi32>
    %reshape3A_2584 = vector.shape_cast %select_n3A_2583 : vector<256x16xi32> to vector<256x16x1xi32>
    %gather3A_2585 = vector.shape_cast %reshape3A_2584 : vector<256x16x1xi32> to vector<256x16xi32>
    %gather3A_2586 = tpu.dynamic_gather %slice3A_2576[%gather3A_2585] in [1] : vector<256x128xf32>, vector<256x16xi32> -> vector<256x16xf32>
    %slice3A_2587 = vector.extract_strided_slice %concatenate3A {offsets = [0, 256], sizes = [256, 128], strides = [1, 1]} : vector<256x1280xf32> to vector<256x128xf32>
    %lt3A_2588 = arith.constant 0 : i32
    %lt3A_2589 = vector.broadcast %lt3A_2588 : i32 to vector<256x16xi32>
    %lt3A_2590 = arith.cmpi slt, %transpose3A_2564, %lt3A_2589 : vector<256x16xi32>
    %add3A_2591 = arith.constant 128 : i32
    %add3A_2592 = vector.broadcast %add3A_2591 : i32 to vector<256x16xi32>
    %add3A_2593 = arith.addi %transpose3A_2564, %add3A_2592 : vector<256x16xi32>
    %select_n3A_2594 = arith.select %lt3A_2590, %add3A_2593, %transpose3A_2564 : vector<256x16xi1>, vector<256x16xi32>
    %reshape3A_2595 = vector.shape_cast %select_n3A_2594 : vector<256x16xi32> to vector<256x16x1xi32>
    %gather3A_2596 = vector.shape_cast %reshape3A_2595 : vector<256x16x1xi32> to vector<256x16xi32>
    %gather3A_2597 = tpu.dynamic_gather %slice3A_2587[%gather3A_2596] in [1] : vector<256x128xf32>, vector<256x16xi32> -> vector<256x16xf32>
    %slice3A_2598 = vector.extract_strided_slice %concatenate3A {offsets = [0, 384], sizes = [256, 128], strides = [1, 1]} : vector<256x1280xf32> to vector<256x128xf32>
    %lt3A_2599 = arith.constant 0 : i32
    %lt3A_2600 = vector.broadcast %lt3A_2599 : i32 to vector<256x16xi32>
    %lt3A_2601 = arith.cmpi slt, %transpose3A_2564, %lt3A_2600 : vector<256x16xi32>
    %add3A_2602 = arith.constant 128 : i32
    %add3A_2603 = vector.broadcast %add3A_2602 : i32 to vector<256x16xi32>
    %add3A_2604 = arith.addi %transpose3A_2564, %add3A_2603 : vector<256x16xi32>
    %select_n3A_2605 = arith.select %lt3A_2601, %add3A_2604, %transpose3A_2564 : vector<256x16xi1>, vector<256x16xi32>
    %reshape3A_2606 = vector.shape_cast %select_n3A_2605 : vector<256x16xi32> to vector<256x16x1xi32>
    %gather3A_2607 = vector.shape_cast %reshape3A_2606 : vector<256x16x1xi32> to vector<256x16xi32>
    %gather3A_2608 = tpu.dynamic_gather %slice3A_2598[%gather3A_2607] in [1] : vector<256x128xf32>, vector<256x16xi32> -> vector<256x16xf32>
    %slice3A_2609 = vector.extract_strided_slice %concatenate3A {offsets = [0, 512], sizes = [256, 128], strides = [1, 1]} : vector<256x1280xf32> to vector<256x128xf32>
    %lt3A_2610 = arith.constant 0 : i32
    %lt3A_2611 = vector.broadcast %lt3A_2610 : i32 to vector<256x16xi32>
    %lt3A_2612 = arith.cmpi slt, %transpose3A_2564, %lt3A_2611 : vector<256x16xi32>
    %add3A_2613 = arith.constant 128 : i32
    %add3A_2614 = vector.broadcast %add3A_2613 : i32 to vector<256x16xi32>
    %add3A_2615 = arith.addi %transpose3A_2564, %add3A_2614 : vector<256x16xi32>
    %select_n3A_2616 = arith.select %lt3A_2612, %add3A_2615, %transpose3A_2564 : vector<256x16xi1>, vector<256x16xi32>
    %reshape3A_2617 = vector.shape_cast %select_n3A_2616 : vector<256x16xi32> to vector<256x16x1xi32>
    %gather3A_2618 = vector.shape_cast %reshape3A_2617 : vector<256x16x1xi32> to vector<256x16xi32>
    %gather3A_2619 = tpu.dynamic_gather %slice3A_2609[%gather3A_2618] in [1] : vector<256x128xf32>, vector<256x16xi32> -> vector<256x16xf32>
    %slice3A_2620 = vector.extract_strided_slice %concatenate3A {offsets = [0, 640], sizes = [256, 128], strides = [1, 1]} : vector<256x1280xf32> to vector<256x128xf32>
    %lt3A_2621 = arith.constant 0 : i32
    %lt3A_2622 = vector.broadcast %lt3A_2621 : i32 to vector<256x16xi32>
    %lt3A_2623 = arith.cmpi slt, %transpose3A_2564, %lt3A_2622 : vector<256x16xi32>
    %add3A_2624 = arith.constant 128 : i32
    %add3A_2625 = vector.broadcast %add3A_2624 : i32 to vector<256x16xi32>
    %add3A_2626 = arith.addi %transpose3A_2564, %add3A_2625 : vector<256x16xi32>
    %select_n3A_2627 = arith.select %lt3A_2623, %add3A_2626, %transpose3A_2564 : vector<256x16xi1>, vector<256x16xi32>
    %reshape3A_2628 = vector.shape_cast %select_n3A_2627 : vector<256x16xi32> to vector<256x16x1xi32>
    %gather3A_2629 = vector.shape_cast %reshape3A_2628 : vector<256x16x1xi32> to vector<256x16xi32>
    %gather3A_2630 = tpu.dynamic_gather %slice3A_2620[%gather3A_2629] in [1] : vector<256x128xf32>, vector<256x16xi32> -> vector<256x16xf32>
    %slice3A_2631 = vector.extract_strided_slice %concatenate3A {offsets = [0, 768], sizes = [256, 128], strides = [1, 1]} : vector<256x1280xf32> to vector<256x128xf32>
    %lt3A_2632 = arith.constant 0 : i32
    %lt3A_2633 = vector.broadcast %lt3A_2632 : i32 to vector<256x16xi32>
    %lt3A_2634 = arith.cmpi slt, %transpose3A_2564, %lt3A_2633 : vector<256x16xi32>
    %add3A_2635 = arith.constant 128 : i32
    %add3A_2636 = vector.broadcast %add3A_2635 : i32 to vector<256x16xi32>
    %add3A_2637 = arith.addi %transpose3A_2564, %add3A_2636 : vector<256x16xi32>
    %select_n3A_2638 = arith.select %lt3A_2634, %add3A_2637, %transpose3A_2564 : vector<256x16xi1>, vector<256x16xi32>
    %reshape3A_2639 = vector.shape_cast %select_n3A_2638 : vector<256x16xi32> to vector<256x16x1xi32>
    %gather3A_2640 = vector.shape_cast %reshape3A_2639 : vector<256x16x1xi32> to vector<256x16xi32>
    %gather3A_2641 = tpu.dynamic_gather %slice3A_2631[%gather3A_2640] in [1] : vector<256x128xf32>, vector<256x16xi32> -> vector<256x16xf32>
    %slice3A_2642 = vector.extract_strided_slice %concatenate3A {offsets = [0, 896], sizes = [256, 128], strides = [1, 1]} : vector<256x1280xf32> to vector<256x128xf32>
    %lt3A_2643 = arith.constant 0 : i32
    %lt3A_2644 = vector.broadcast %lt3A_2643 : i32 to vector<256x16xi32>
    %lt3A_2645 = arith.cmpi slt, %transpose3A_2564, %lt3A_2644 : vector<256x16xi32>
    %add3A_2646 = arith.constant 128 : i32
    %add3A_2647 = vector.broadcast %add3A_2646 : i32 to vector<256x16xi32>
    %add3A_2648 = arith.addi %transpose3A_2564, %add3A_2647 : vector<256x16xi32>
    %select_n3A_2649 = arith.select %lt3A_2645, %add3A_2648, %transpose3A_2564 : vector<256x16xi1>, vector<256x16xi32>
    %reshape3A_2650 = vector.shape_cast %select_n3A_2649 : vector<256x16xi32> to vector<256x16x1xi32>
    %gather3A_2651 = vector.shape_cast %reshape3A_2650 : vector<256x16x1xi32> to vector<256x16xi32>
    %gather3A_2652 = tpu.dynamic_gather %slice3A_2642[%gather3A_2651] in [1] : vector<256x128xf32>, vector<256x16xi32> -> vector<256x16xf32>
    %slice3A_2653 = vector.extract_strided_slice %concatenate3A {offsets = [0, 1024], sizes = [256, 128], strides = [1, 1]} : vector<256x1280xf32> to vector<256x128xf32>
    %lt3A_2654 = arith.constant 0 : i32
    %lt3A_2655 = vector.broadcast %lt3A_2654 : i32 to vector<256x16xi32>
    %lt3A_2656 = arith.cmpi slt, %transpose3A_2564, %lt3A_2655 : vector<256x16xi32>
    %add3A_2657 = arith.constant 128 : i32
    %add3A_2658 = vector.broadcast %add3A_2657 : i32 to vector<256x16xi32>
    %add3A_2659 = arith.addi %transpose3A_2564, %add3A_2658 : vector<256x16xi32>
    %select_n3A_2660 = arith.select %lt3A_2656, %add3A_2659, %transpose3A_2564 : vector<256x16xi1>, vector<256x16xi32>
    %reshape3A_2661 = vector.shape_cast %select_n3A_2660 : vector<256x16xi32> to vector<256x16x1xi32>
    %gather3A_2662 = vector.shape_cast %reshape3A_2661 : vector<256x16x1xi32> to vector<256x16xi32>
    %gather3A_2663 = tpu.dynamic_gather %slice3A_2653[%gather3A_2662] in [1] : vector<256x128xf32>, vector<256x16xi32> -> vector<256x16xf32>
    %slice3A_2664 = vector.extract_strided_slice %concatenate3A {offsets = [0, 1152], sizes = [256, 128], strides = [1, 1]} : vector<256x1280xf32> to vector<256x128xf32>
    %lt3A_2665 = arith.constant 0 : i32
    %lt3A_2666 = vector.broadcast %lt3A_2665 : i32 to vector<256x16xi32>
    %lt3A_2667 = arith.cmpi slt, %transpose3A_2564, %lt3A_2666 : vector<256x16xi32>
    %add3A_2668 = arith.constant 128 : i32
    %add3A_2669 = vector.broadcast %add3A_2668 : i32 to vector<256x16xi32>
    %add3A_2670 = arith.addi %transpose3A_2564, %add3A_2669 : vector<256x16xi32>
    %select_n3A_2671 = arith.select %lt3A_2667, %add3A_2670, %transpose3A_2564 : vector<256x16xi1>, vector<256x16xi32>
    %reshape3A_2672 = vector.shape_cast %select_n3A_2671 : vector<256x16xi32> to vector<256x16x1xi32>
    %gather3A_2673 = vector.shape_cast %reshape3A_2672 : vector<256x16x1xi32> to vector<256x16xi32>
    %gather3A_2674 = tpu.dynamic_gather %slice3A_2664[%gather3A_2673] in [1] : vector<256x128xf32>, vector<256x16xi32> -> vector<256x16xf32>
    %slice3A_2675 = vector.extract_strided_slice %add3A_930 {offsets = [0, 0], sizes = [256, 128], strides = [1, 1]} : vector<256x1280xi32> to vector<256x128xi32>
    %lt3A_2676 = arith.constant 0 : i32
    %lt3A_2677 = vector.broadcast %lt3A_2676 : i32 to vector<256x16xi32>
    %lt3A_2678 = arith.cmpi slt, %transpose3A_2564, %lt3A_2677 : vector<256x16xi32>
    %add3A_2679 = arith.constant 128 : i32
    %add3A_2680 = vector.broadcast %add3A_2679 : i32 to vector<256x16xi32>
    %add3A_2681 = arith.addi %transpose3A_2564, %add3A_2680 : vector<256x16xi32>
    %select_n3A_2682 = arith.select %lt3A_2678, %add3A_2681, %transpose3A_2564 : vector<256x16xi1>, vector<256x16xi32>
    %reshape3A_2683 = vector.shape_cast %select_n3A_2682 : vector<256x16xi32> to vector<256x16x1xi32>
    %gather3A_2684 = vector.shape_cast %reshape3A_2683 : vector<256x16x1xi32> to vector<256x16xi32>
    %gather3A_2685 = tpu.dynamic_gather %slice3A_2675[%gather3A_2684] in [1] : vector<256x128xi32>, vector<256x16xi32> -> vector<256x16xi32>
    %slice3A_2686 = vector.extract_strided_slice %add3A_930 {offsets = [0, 128], sizes = [256, 128], strides = [1, 1]} : vector<256x1280xi32> to vector<256x128xi32>
    %lt3A_2687 = arith.constant 0 : i32
    %lt3A_2688 = vector.broadcast %lt3A_2687 : i32 to vector<256x16xi32>
    %lt3A_2689 = arith.cmpi slt, %transpose3A_2564, %lt3A_2688 : vector<256x16xi32>
    %add3A_2690 = arith.constant 128 : i32
    %add3A_2691 = vector.broadcast %add3A_2690 : i32 to vector<256x16xi32>
    %add3A_2692 = arith.addi %transpose3A_2564, %add3A_2691 : vector<256x16xi32>
    %select_n3A_2693 = arith.select %lt3A_2689, %add3A_2692, %transpose3A_2564 : vector<256x16xi1>, vector<256x16xi32>
    %reshape3A_2694 = vector.shape_cast %select_n3A_2693 : vector<256x16xi32> to vector<256x16x1xi32>
    %gather3A_2695 = vector.shape_cast %reshape3A_2694 : vector<256x16x1xi32> to vector<256x16xi32>
    %gather3A_2696 = tpu.dynamic_gather %slice3A_2686[%gather3A_2695] in [1] : vector<256x128xi32>, vector<256x16xi32> -> vector<256x16xi32>
    %slice3A_2697 = vector.extract_strided_slice %add3A_930 {offsets = [0, 256], sizes = [256, 128], strides = [1, 1]} : vector<256x1280xi32> to vector<256x128xi32>
    %lt3A_2698 = arith.constant 0 : i32
    %lt3A_2699 = vector.broadcast %lt3A_2698 : i32 to vector<256x16xi32>
    %lt3A_2700 = arith.cmpi slt, %transpose3A_2564, %lt3A_2699 : vector<256x16xi32>
    %add3A_2701 = arith.constant 128 : i32
    %add3A_2702 = vector.broadcast %add3A_2701 : i32 to vector<256x16xi32>
    %add3A_2703 = arith.addi %transpose3A_2564, %add3A_2702 : vector<256x16xi32>
    %select_n3A_2704 = arith.select %lt3A_2700, %add3A_2703, %transpose3A_2564 : vector<256x16xi1>, vector<256x16xi32>
    %reshape3A_2705 = vector.shape_cast %select_n3A_2704 : vector<256x16xi32> to vector<256x16x1xi32>
    %gather3A_2706 = vector.shape_cast %reshape3A_2705 : vector<256x16x1xi32> to vector<256x16xi32>
    %gather3A_2707 = tpu.dynamic_gather %slice3A_2697[%gather3A_2706] in [1] : vector<256x128xi32>, vector<256x16xi32> -> vector<256x16xi32>
    %slice3A_2708 = vector.extract_strided_slice %add3A_930 {offsets = [0, 384], sizes = [256, 128], strides = [1, 1]} : vector<256x1280xi32> to vector<256x128xi32>
    %lt3A_2709 = arith.constant 0 : i32
    %lt3A_2710 = vector.broadcast %lt3A_2709 : i32 to vector<256x16xi32>
    %lt3A_2711 = arith.cmpi slt, %transpose3A_2564, %lt3A_2710 : vector<256x16xi32>
    %add3A_2712 = arith.constant 128 : i32
    %add3A_2713 = vector.broadcast %add3A_2712 : i32 to vector<256x16xi32>
    %add3A_2714 = arith.addi %transpose3A_2564, %add3A_2713 : vector<256x16xi32>
    %select_n3A_2715 = arith.select %lt3A_2711, %add3A_2714, %transpose3A_2564 : vector<256x16xi1>, vector<256x16xi32>
    %reshape3A_2716 = vector.shape_cast %select_n3A_2715 : vector<256x16xi32> to vector<256x16x1xi32>
    %gather3A_2717 = vector.shape_cast %reshape3A_2716 : vector<256x16x1xi32> to vector<256x16xi32>
    %gather3A_2718 = tpu.dynamic_gather %slice3A_2708[%gather3A_2717] in [1] : vector<256x128xi32>, vector<256x16xi32> -> vector<256x16xi32>
    %slice3A_2719 = vector.extract_strided_slice %add3A_930 {offsets = [0, 512], sizes = [256, 128], strides = [1, 1]} : vector<256x1280xi32> to vector<256x128xi32>
    %lt3A_2720 = arith.constant 0 : i32
    %lt3A_2721 = vector.broadcast %lt3A_2720 : i32 to vector<256x16xi32>
    %lt3A_2722 = arith.cmpi slt, %transpose3A_2564, %lt3A_2721 : vector<256x16xi32>
    %add3A_2723 = arith.constant 128 : i32
    %add3A_2724 = vector.broadcast %add3A_2723 : i32 to vector<256x16xi32>
    %add3A_2725 = arith.addi %transpose3A_2564, %add3A_2724 : vector<256x16xi32>
    %select_n3A_2726 = arith.select %lt3A_2722, %add3A_2725, %transpose3A_2564 : vector<256x16xi1>, vector<256x16xi32>
    %reshape3A_2727 = vector.shape_cast %select_n3A_2726 : vector<256x16xi32> to vector<256x16x1xi32>
    %gather3A_2728 = vector.shape_cast %reshape3A_2727 : vector<256x16x1xi32> to vector<256x16xi32>
    %gather3A_2729 = tpu.dynamic_gather %slice3A_2719[%gather3A_2728] in [1] : vector<256x128xi32>, vector<256x16xi32> -> vector<256x16xi32>
    %slice3A_2730 = vector.extract_strided_slice %add3A_930 {offsets = [0, 640], sizes = [256, 128], strides = [1, 1]} : vector<256x1280xi32> to vector<256x128xi32>
    %lt3A_2731 = arith.constant 0 : i32
    %lt3A_2732 = vector.broadcast %lt3A_2731 : i32 to vector<256x16xi32>
    %lt3A_2733 = arith.cmpi slt, %transpose3A_2564, %lt3A_2732 : vector<256x16xi32>
    %add3A_2734 = arith.constant 128 : i32
    %add3A_2735 = vector.broadcast %add3A_2734 : i32 to vector<256x16xi32>
    %add3A_2736 = arith.addi %transpose3A_2564, %add3A_2735 : vector<256x16xi32>
    %select_n3A_2737 = arith.select %lt3A_2733, %add3A_2736, %transpose3A_2564 : vector<256x16xi1>, vector<256x16xi32>
    %reshape3A_2738 = vector.shape_cast %select_n3A_2737 : vector<256x16xi32> to vector<256x16x1xi32>
    %gather3A_2739 = vector.shape_cast %reshape3A_2738 : vector<256x16x1xi32> to vector<256x16xi32>
    %gather3A_2740 = tpu.dynamic_gather %slice3A_2730[%gather3A_2739] in [1] : vector<256x128xi32>, vector<256x16xi32> -> vector<256x16xi32>
    %slice3A_2741 = vector.extract_strided_slice %add3A_930 {offsets = [0, 768], sizes = [256, 128], strides = [1, 1]} : vector<256x1280xi32> to vector<256x128xi32>
    %lt3A_2742 = arith.constant 0 : i32
    %lt3A_2743 = vector.broadcast %lt3A_2742 : i32 to vector<256x16xi32>
    %lt3A_2744 = arith.cmpi slt, %transpose3A_2564, %lt3A_2743 : vector<256x16xi32>
    %add3A_2745 = arith.constant 128 : i32
    %add3A_2746 = vector.broadcast %add3A_2745 : i32 to vector<256x16xi32>
    %add3A_2747 = arith.addi %transpose3A_2564, %add3A_2746 : vector<256x16xi32>
    %select_n3A_2748 = arith.select %lt3A_2744, %add3A_2747, %transpose3A_2564 : vector<256x16xi1>, vector<256x16xi32>
    %reshape3A_2749 = vector.shape_cast %select_n3A_2748 : vector<256x16xi32> to vector<256x16x1xi32>
    %gather3A_2750 = vector.shape_cast %reshape3A_2749 : vector<256x16x1xi32> to vector<256x16xi32>
    %gather3A_2751 = tpu.dynamic_gather %slice3A_2741[%gather3A_2750] in [1] : vector<256x128xi32>, vector<256x16xi32> -> vector<256x16xi32>
    %slice3A_2752 = vector.extract_strided_slice %add3A_930 {offsets = [0, 896], sizes = [256, 128], strides = [1, 1]} : vector<256x1280xi32> to vector<256x128xi32>
    %lt3A_2753 = arith.constant 0 : i32
    %lt3A_2754 = vector.broadcast %lt3A_2753 : i32 to vector<256x16xi32>
    %lt3A_2755 = arith.cmpi slt, %transpose3A_2564, %lt3A_2754 : vector<256x16xi32>
    %add3A_2756 = arith.constant 128 : i32
    %add3A_2757 = vector.broadcast %add3A_2756 : i32 to vector<256x16xi32>
    %add3A_2758 = arith.addi %transpose3A_2564, %add3A_2757 : vector<256x16xi32>
    %select_n3A_2759 = arith.select %lt3A_2755, %add3A_2758, %transpose3A_2564 : vector<256x16xi1>, vector<256x16xi32>
    %reshape3A_2760 = vector.shape_cast %select_n3A_2759 : vector<256x16xi32> to vector<256x16x1xi32>
    %gather3A_2761 = vector.shape_cast %reshape3A_2760 : vector<256x16x1xi32> to vector<256x16xi32>
    %gather3A_2762 = tpu.dynamic_gather %slice3A_2752[%gather3A_2761] in [1] : vector<256x128xi32>, vector<256x16xi32> -> vector<256x16xi32>
    %slice3A_2763 = vector.extract_strided_slice %add3A_930 {offsets = [0, 1024], sizes = [256, 128], strides = [1, 1]} : vector<256x1280xi32> to vector<256x128xi32>
    %lt3A_2764 = arith.constant 0 : i32
    %lt3A_2765 = vector.broadcast %lt3A_2764 : i32 to vector<256x16xi32>
    %lt3A_2766 = arith.cmpi slt, %transpose3A_2564, %lt3A_2765 : vector<256x16xi32>
    %add3A_2767 = arith.constant 128 : i32
    %add3A_2768 = vector.broadcast %add3A_2767 : i32 to vector<256x16xi32>
    %add3A_2769 = arith.addi %transpose3A_2564, %add3A_2768 : vector<256x16xi32>
    %select_n3A_2770 = arith.select %lt3A_2766, %add3A_2769, %transpose3A_2564 : vector<256x16xi1>, vector<256x16xi32>
    %reshape3A_2771 = vector.shape_cast %select_n3A_2770 : vector<256x16xi32> to vector<256x16x1xi32>
    %gather3A_2772 = vector.shape_cast %reshape3A_2771 : vector<256x16x1xi32> to vector<256x16xi32>
    %gather3A_2773 = tpu.dynamic_gather %slice3A_2763[%gather3A_2772] in [1] : vector<256x128xi32>, vector<256x16xi32> -> vector<256x16xi32>
    %slice3A_2774 = vector.extract_strided_slice %add3A_930 {offsets = [0, 1152], sizes = [256, 128], strides = [1, 1]} : vector<256x1280xi32> to vector<256x128xi32>
    %lt3A_2775 = arith.constant 0 : i32
    %lt3A_2776 = vector.broadcast %lt3A_2775 : i32 to vector<256x16xi32>
    %lt3A_2777 = arith.cmpi slt, %transpose3A_2564, %lt3A_2776 : vector<256x16xi32>
    %add3A_2778 = arith.constant 128 : i32
    %add3A_2779 = vector.broadcast %add3A_2778 : i32 to vector<256x16xi32>
    %add3A_2780 = arith.addi %transpose3A_2564, %add3A_2779 : vector<256x16xi32>
    %select_n3A_2781 = arith.select %lt3A_2777, %add3A_2780, %transpose3A_2564 : vector<256x16xi1>, vector<256x16xi32>
    %reshape3A_2782 = vector.shape_cast %select_n3A_2781 : vector<256x16xi32> to vector<256x16x1xi32>
    %gather3A_2783 = vector.shape_cast %reshape3A_2782 : vector<256x16x1xi32> to vector<256x16xi32>
    %gather3A_2784 = tpu.dynamic_gather %slice3A_2774[%gather3A_2783] in [1] : vector<256x128xi32>, vector<256x16xi32> -> vector<256x16xi32>
    %concatenate3A_2785 = tpu.concatenate %gather3A_2575, %gather3A_2586, %gather3A_2597, %gather3A_2608, %gather3A_2619, %gather3A_2630, %gather3A_2641, %gather3A_2652, %gather3A_2663, %gather3A_2674 in 1 : vector<256x16xf32>, vector<256x16xf32>, vector<256x16xf32>, vector<256x16xf32>, vector<256x16xf32>, vector<256x16xf32>, vector<256x16xf32>, vector<256x16xf32>, vector<256x16xf32>, vector<256x16xf32> -> vector<256x160xf32>
    %concatenate3A_2786 = tpu.concatenate %gather3A_2685, %gather3A_2696, %gather3A_2707, %gather3A_2718, %gather3A_2729, %gather3A_2740, %gather3A_2751, %gather3A_2762, %gather3A_2773, %gather3A_2784 in 1 : vector<256x16xi32>, vector<256x16xi32>, vector<256x16xi32>, vector<256x16xi32>, vector<256x16xi32>, vector<256x16xi32>, vector<256x16xi32>, vector<256x16xi32>, vector<256x16xi32>, vector<256x16xi32> -> vector<256x160xi32>
    %transpose3A_2787 = tpu.transpose %concatenate3A_2785, [1, 0] : vector<256x160xf32> -> vector<160x256xf32>
    %transpose3A_2788 = tpu.transpose %concatenate3A_2786, [1, 0] : vector<256x160xi32> -> vector<160x256xi32>
    %broadcast_in_dim3A_2789 = arith.constant 0 : i32
    %broadcast_in_dim3A_2790 = vector.broadcast %broadcast_in_dim3A_2789 : i32 to vector<16x256xi32>
    %slice3A_2791 = vector.extract_strided_slice %transpose3A_2787 {offsets = [0, 0], sizes = [80, 256], strides = [1, 1]} : vector<160x256xf32> to vector<80x256xf32>
    %slice3A_2792 = vector.extract_strided_slice %transpose3A_2787 {offsets = [80, 0], sizes = [80, 256], strides = [1, 1]} : vector<160x256xf32> to vector<80x256xf32>
    %min3A_2793 = arith.minimumf %slice3A_2791, %slice3A_2792 : vector<80x256xf32>
    %slice3A_2794 = vector.extract_strided_slice %min3A_2793 {offsets = [0, 0], sizes = [40, 256], strides = [1, 1]} : vector<80x256xf32> to vector<40x256xf32>
    %slice3A_2795 = vector.extract_strided_slice %min3A_2793 {offsets = [40, 0], sizes = [40, 256], strides = [1, 1]} : vector<80x256xf32> to vector<40x256xf32>
    %min3A_2796 = arith.minimumf %slice3A_2794, %slice3A_2795 : vector<40x256xf32>
    %slice3A_2797 = vector.extract_strided_slice %min3A_2796 {offsets = [0, 0], sizes = [20, 256], strides = [1, 1]} : vector<40x256xf32> to vector<20x256xf32>
    %slice3A_2798 = vector.extract_strided_slice %min3A_2796 {offsets = [20, 0], sizes = [20, 256], strides = [1, 1]} : vector<40x256xf32> to vector<20x256xf32>
    %min3A_2799 = arith.minimumf %slice3A_2797, %slice3A_2798 : vector<20x256xf32>
    %slice3A_2800 = vector.extract_strided_slice %min3A_2799 {offsets = [0, 0], sizes = [10, 256], strides = [1, 1]} : vector<20x256xf32> to vector<10x256xf32>
    %slice3A_2801 = vector.extract_strided_slice %min3A_2799 {offsets = [10, 0], sizes = [10, 256], strides = [1, 1]} : vector<20x256xf32> to vector<10x256xf32>
    %min3A_2802 = arith.minimumf %slice3A_2800, %slice3A_2801 : vector<10x256xf32>
    %slice3A_2803 = vector.extract_strided_slice %min3A_2802 {offsets = [0, 0], sizes = [5, 256], strides = [1, 1]} : vector<10x256xf32> to vector<5x256xf32>
    %slice3A_2804 = vector.extract_strided_slice %min3A_2802 {offsets = [5, 0], sizes = [5, 256], strides = [1, 1]} : vector<10x256xf32> to vector<5x256xf32>
    %min3A_2805 = arith.minimumf %slice3A_2803, %slice3A_2804 : vector<5x256xf32>
    %reduce_min3A_2806 = arith.constant dense<0x7F800000> : vector<256xf32>
    %reduce_min3A_2807 = vector.multi_reduction <minimumf>, %min3A_2805, %reduce_min3A_2806 [0] : vector<5x256xf32> to vector<256xf32>
    %broadcast_in_dim3A_2808 = vector.shape_cast %reduce_min3A_2807 : vector<256xf32> to vector<1x256xf32>
    %eq3A_2809 = vector.broadcast %broadcast_in_dim3A_2808 : vector<1x256xf32> to vector<160x256xf32>
    %eq3A_2810 = arith.cmpf oeq, %transpose3A_2787, %eq3A_2809 : vector<160x256xf32>
    %jit3A_2811 = arith.constant 1073741824 : i32
    %broadcast_in_dim3A_2812 = vector.broadcast %jit3A_2811 : i32 to vector<160x256xi32>
    %select_n3A_2813 = arith.select %eq3A_2810, %transpose3A_2788, %broadcast_in_dim3A_2812 : vector<160x256xi1>, vector<160x256xi32>
    %slice3A_2814 = vector.extract_strided_slice %select_n3A_2813 {offsets = [0, 0], sizes = [80, 256], strides = [1, 1]} : vector<160x256xi32> to vector<80x256xi32>
    %slice3A_2815 = vector.extract_strided_slice %select_n3A_2813 {offsets = [80, 0], sizes = [80, 256], strides = [1, 1]} : vector<160x256xi32> to vector<80x256xi32>
    %min3A_2816 = arith.minsi %slice3A_2814, %slice3A_2815 : vector<80x256xi32>
    %slice3A_2817 = vector.extract_strided_slice %min3A_2816 {offsets = [0, 0], sizes = [40, 256], strides = [1, 1]} : vector<80x256xi32> to vector<40x256xi32>
    %slice3A_2818 = vector.extract_strided_slice %min3A_2816 {offsets = [40, 0], sizes = [40, 256], strides = [1, 1]} : vector<80x256xi32> to vector<40x256xi32>
    %min3A_2819 = arith.minsi %slice3A_2817, %slice3A_2818 : vector<40x256xi32>
    %slice3A_2820 = vector.extract_strided_slice %min3A_2819 {offsets = [0, 0], sizes = [20, 256], strides = [1, 1]} : vector<40x256xi32> to vector<20x256xi32>
    %slice3A_2821 = vector.extract_strided_slice %min3A_2819 {offsets = [20, 0], sizes = [20, 256], strides = [1, 1]} : vector<40x256xi32> to vector<20x256xi32>
    %min3A_2822 = arith.minsi %slice3A_2820, %slice3A_2821 : vector<20x256xi32>
    %slice3A_2823 = vector.extract_strided_slice %min3A_2822 {offsets = [0, 0], sizes = [10, 256], strides = [1, 1]} : vector<20x256xi32> to vector<10x256xi32>
    %slice3A_2824 = vector.extract_strided_slice %min3A_2822 {offsets = [10, 0], sizes = [10, 256], strides = [1, 1]} : vector<20x256xi32> to vector<10x256xi32>
    %min3A_2825 = arith.minsi %slice3A_2823, %slice3A_2824 : vector<10x256xi32>
    %slice3A_2826 = vector.extract_strided_slice %min3A_2825 {offsets = [0, 0], sizes = [5, 256], strides = [1, 1]} : vector<10x256xi32> to vector<5x256xi32>
    %slice3A_2827 = vector.extract_strided_slice %min3A_2825 {offsets = [5, 0], sizes = [5, 256], strides = [1, 1]} : vector<10x256xi32> to vector<5x256xi32>
    %min3A_2828 = arith.minsi %slice3A_2826, %slice3A_2827 : vector<5x256xi32>
    %reduce_min3A_2829 = arith.constant dense<2147483647> : vector<256xi32>
    %reduce_min3A_2830 = vector.multi_reduction <minsi>, %min3A_2828, %reduce_min3A_2829 [0] : vector<5x256xi32> to vector<256xi32>
    %broadcast_in_dim3A_2831 = vector.shape_cast %reduce_min3A_2830 : vector<256xi32> to vector<1x256xi32>
    %eq3A_2832 = vector.broadcast %broadcast_in_dim3A_2831 : vector<1x256xi32> to vector<160x256xi32>
    %eq3A_2833 = arith.cmpi eq, %transpose3A_2788, %eq3A_2832 : vector<160x256xi32>
    %jit3A_2834 = arith.constant 0x7F800000 : f32
    %broadcast_in_dim3A_2835 = vector.broadcast %jit3A_2834 : f32 to vector<160x256xf32>
    %select_n3A_2836 = arith.select %eq3A_2833, %broadcast_in_dim3A_2835, %transpose3A_2787 : vector<160x256xi1>, vector<160x256xf32>
    %eq3A_2837 = arith.constant 0 : i32
    %eq3A_2838 = vector.broadcast %eq3A_2837 : i32 to vector<16x256xi32>
    %eq3A_2839 = arith.cmpi eq, %iota3A_186, %eq3A_2838 : vector<16x256xi32>
    %broadcast_in_dim3A_2840 = vector.shape_cast %broadcast_in_dim3A_2831 : vector<1x256xi32> to vector<1x256xi32>
    %broadcast_in_dim3A_2841 = vector.broadcast %broadcast_in_dim3A_2840 : vector<1x256xi32> to vector<16x256xi32>
    %select_n3A_2842 = arith.select %eq3A_2839, %broadcast_in_dim3A_2841, %broadcast_in_dim3A_2790 : vector<16x256xi1>, vector<16x256xi32>
    %slice3A_2843 = vector.extract_strided_slice %select_n3A_2836 {offsets = [0, 0], sizes = [80, 256], strides = [1, 1]} : vector<160x256xf32> to vector<80x256xf32>
    %slice3A_2844 = vector.extract_strided_slice %select_n3A_2836 {offsets = [80, 0], sizes = [80, 256], strides = [1, 1]} : vector<160x256xf32> to vector<80x256xf32>
    %min3A_2845 = arith.minimumf %slice3A_2843, %slice3A_2844 : vector<80x256xf32>
    %slice3A_2846 = vector.extract_strided_slice %min3A_2845 {offsets = [0, 0], sizes = [40, 256], strides = [1, 1]} : vector<80x256xf32> to vector<40x256xf32>
    %slice3A_2847 = vector.extract_strided_slice %min3A_2845 {offsets = [40, 0], sizes = [40, 256], strides = [1, 1]} : vector<80x256xf32> to vector<40x256xf32>
    %min3A_2848 = arith.minimumf %slice3A_2846, %slice3A_2847 : vector<40x256xf32>
    %slice3A_2849 = vector.extract_strided_slice %min3A_2848 {offsets = [0, 0], sizes = [20, 256], strides = [1, 1]} : vector<40x256xf32> to vector<20x256xf32>
    %slice3A_2850 = vector.extract_strided_slice %min3A_2848 {offsets = [20, 0], sizes = [20, 256], strides = [1, 1]} : vector<40x256xf32> to vector<20x256xf32>
    %min3A_2851 = arith.minimumf %slice3A_2849, %slice3A_2850 : vector<20x256xf32>
    %slice3A_2852 = vector.extract_strided_slice %min3A_2851 {offsets = [0, 0], sizes = [10, 256], strides = [1, 1]} : vector<20x256xf32> to vector<10x256xf32>
    %slice3A_2853 = vector.extract_strided_slice %min3A_2851 {offsets = [10, 0], sizes = [10, 256], strides = [1, 1]} : vector<20x256xf32> to vector<10x256xf32>
    %min3A_2854 = arith.minimumf %slice3A_2852, %slice3A_2853 : vector<10x256xf32>
    %slice3A_2855 = vector.extract_strided_slice %min3A_2854 {offsets = [0, 0], sizes = [5, 256], strides = [1, 1]} : vector<10x256xf32> to vector<5x256xf32>
    %slice3A_2856 = vector.extract_strided_slice %min3A_2854 {offsets = [5, 0], sizes = [5, 256], strides = [1, 1]} : vector<10x256xf32> to vector<5x256xf32>
    %min3A_2857 = arith.minimumf %slice3A_2855, %slice3A_2856 : vector<5x256xf32>
    %reduce_min3A_2858 = arith.constant dense<0x7F800000> : vector<256xf32>
    %reduce_min3A_2859 = vector.multi_reduction <minimumf>, %min3A_2857, %reduce_min3A_2858 [0] : vector<5x256xf32> to vector<256xf32>
    %broadcast_in_dim3A_2860 = vector.shape_cast %reduce_min3A_2859 : vector<256xf32> to vector<1x256xf32>
    %eq3A_2861 = vector.broadcast %broadcast_in_dim3A_2860 : vector<1x256xf32> to vector<160x256xf32>
    %eq3A_2862 = arith.cmpf oeq, %select_n3A_2836, %eq3A_2861 : vector<160x256xf32>
    %jit3A_2863 = arith.constant 1073741824 : i32
    %broadcast_in_dim3A_2864 = vector.broadcast %jit3A_2863 : i32 to vector<160x256xi32>
    %select_n3A_2865 = arith.select %eq3A_2862, %transpose3A_2788, %broadcast_in_dim3A_2864 : vector<160x256xi1>, vector<160x256xi32>
    %slice3A_2866 = vector.extract_strided_slice %select_n3A_2865 {offsets = [0, 0], sizes = [80, 256], strides = [1, 1]} : vector<160x256xi32> to vector<80x256xi32>
    %slice3A_2867 = vector.extract_strided_slice %select_n3A_2865 {offsets = [80, 0], sizes = [80, 256], strides = [1, 1]} : vector<160x256xi32> to vector<80x256xi32>
    %min3A_2868 = arith.minsi %slice3A_2866, %slice3A_2867 : vector<80x256xi32>
    %slice3A_2869 = vector.extract_strided_slice %min3A_2868 {offsets = [0, 0], sizes = [40, 256], strides = [1, 1]} : vector<80x256xi32> to vector<40x256xi32>
    %slice3A_2870 = vector.extract_strided_slice %min3A_2868 {offsets = [40, 0], sizes = [40, 256], strides = [1, 1]} : vector<80x256xi32> to vector<40x256xi32>
    %min3A_2871 = arith.minsi %slice3A_2869, %slice3A_2870 : vector<40x256xi32>
    %slice3A_2872 = vector.extract_strided_slice %min3A_2871 {offsets = [0, 0], sizes = [20, 256], strides = [1, 1]} : vector<40x256xi32> to vector<20x256xi32>
    %slice3A_2873 = vector.extract_strided_slice %min3A_2871 {offsets = [20, 0], sizes = [20, 256], strides = [1, 1]} : vector<40x256xi32> to vector<20x256xi32>
    %min3A_2874 = arith.minsi %slice3A_2872, %slice3A_2873 : vector<20x256xi32>
    %slice3A_2875 = vector.extract_strided_slice %min3A_2874 {offsets = [0, 0], sizes = [10, 256], strides = [1, 1]} : vector<20x256xi32> to vector<10x256xi32>
    %slice3A_2876 = vector.extract_strided_slice %min3A_2874 {offsets = [10, 0], sizes = [10, 256], strides = [1, 1]} : vector<20x256xi32> to vector<10x256xi32>
    %min3A_2877 = arith.minsi %slice3A_2875, %slice3A_2876 : vector<10x256xi32>
    %slice3A_2878 = vector.extract_strided_slice %min3A_2877 {offsets = [0, 0], sizes = [5, 256], strides = [1, 1]} : vector<10x256xi32> to vector<5x256xi32>
    %slice3A_2879 = vector.extract_strided_slice %min3A_2877 {offsets = [5, 0], sizes = [5, 256], strides = [1, 1]} : vector<10x256xi32> to vector<5x256xi32>
    %min3A_2880 = arith.minsi %slice3A_2878, %slice3A_2879 : vector<5x256xi32>
    %reduce_min3A_2881 = arith.constant dense<2147483647> : vector<256xi32>
    %reduce_min3A_2882 = vector.multi_reduction <minsi>, %min3A_2880, %reduce_min3A_2881 [0] : vector<5x256xi32> to vector<256xi32>
    %broadcast_in_dim3A_2883 = vector.shape_cast %reduce_min3A_2882 : vector<256xi32> to vector<1x256xi32>
    %eq3A_2884 = vector.broadcast %broadcast_in_dim3A_2883 : vector<1x256xi32> to vector<160x256xi32>
    %eq3A_2885 = arith.cmpi eq, %transpose3A_2788, %eq3A_2884 : vector<160x256xi32>
    %jit3A_2886 = arith.constant 0x7F800000 : f32
    %broadcast_in_dim3A_2887 = vector.broadcast %jit3A_2886 : f32 to vector<160x256xf32>
    %select_n3A_2888 = arith.select %eq3A_2885, %broadcast_in_dim3A_2887, %select_n3A_2836 : vector<160x256xi1>, vector<160x256xf32>
    %eq3A_2889 = arith.constant 1 : i32
    %eq3A_2890 = vector.broadcast %eq3A_2889 : i32 to vector<16x256xi32>
    %eq3A_2891 = arith.cmpi eq, %iota3A_186, %eq3A_2890 : vector<16x256xi32>
    %broadcast_in_dim3A_2892 = vector.shape_cast %broadcast_in_dim3A_2883 : vector<1x256xi32> to vector<1x256xi32>
    %broadcast_in_dim3A_2893 = vector.broadcast %broadcast_in_dim3A_2892 : vector<1x256xi32> to vector<16x256xi32>
    %select_n3A_2894 = arith.select %eq3A_2891, %broadcast_in_dim3A_2893, %select_n3A_2842 : vector<16x256xi1>, vector<16x256xi32>
    %slice3A_2895 = vector.extract_strided_slice %select_n3A_2888 {offsets = [0, 0], sizes = [80, 256], strides = [1, 1]} : vector<160x256xf32> to vector<80x256xf32>
    %slice3A_2896 = vector.extract_strided_slice %select_n3A_2888 {offsets = [80, 0], sizes = [80, 256], strides = [1, 1]} : vector<160x256xf32> to vector<80x256xf32>
    %min3A_2897 = arith.minimumf %slice3A_2895, %slice3A_2896 : vector<80x256xf32>
    %slice3A_2898 = vector.extract_strided_slice %min3A_2897 {offsets = [0, 0], sizes = [40, 256], strides = [1, 1]} : vector<80x256xf32> to vector<40x256xf32>
    %slice3A_2899 = vector.extract_strided_slice %min3A_2897 {offsets = [40, 0], sizes = [40, 256], strides = [1, 1]} : vector<80x256xf32> to vector<40x256xf32>
    %min3A_2900 = arith.minimumf %slice3A_2898, %slice3A_2899 : vector<40x256xf32>
    %slice3A_2901 = vector.extract_strided_slice %min3A_2900 {offsets = [0, 0], sizes = [20, 256], strides = [1, 1]} : vector<40x256xf32> to vector<20x256xf32>
    %slice3A_2902 = vector.extract_strided_slice %min3A_2900 {offsets = [20, 0], sizes = [20, 256], strides = [1, 1]} : vector<40x256xf32> to vector<20x256xf32>
    %min3A_2903 = arith.minimumf %slice3A_2901, %slice3A_2902 : vector<20x256xf32>
    %slice3A_2904 = vector.extract_strided_slice %min3A_2903 {offsets = [0, 0], sizes = [10, 256], strides = [1, 1]} : vector<20x256xf32> to vector<10x256xf32>
    %slice3A_2905 = vector.extract_strided_slice %min3A_2903 {offsets = [10, 0], sizes = [10, 256], strides = [1, 1]} : vector<20x256xf32> to vector<10x256xf32>
    %min3A_2906 = arith.minimumf %slice3A_2904, %slice3A_2905 : vector<10x256xf32>
    %slice3A_2907 = vector.extract_strided_slice %min3A_2906 {offsets = [0, 0], sizes = [5, 256], strides = [1, 1]} : vector<10x256xf32> to vector<5x256xf32>
    %slice3A_2908 = vector.extract_strided_slice %min3A_2906 {offsets = [5, 0], sizes = [5, 256], strides = [1, 1]} : vector<10x256xf32> to vector<5x256xf32>
    %min3A_2909 = arith.minimumf %slice3A_2907, %slice3A_2908 : vector<5x256xf32>
    %reduce_min3A_2910 = arith.constant dense<0x7F800000> : vector<256xf32>
    %reduce_min3A_2911 = vector.multi_reduction <minimumf>, %min3A_2909, %reduce_min3A_2910 [0] : vector<5x256xf32> to vector<256xf32>
    %broadcast_in_dim3A_2912 = vector.shape_cast %reduce_min3A_2911 : vector<256xf32> to vector<1x256xf32>
    %eq3A_2913 = vector.broadcast %broadcast_in_dim3A_2912 : vector<1x256xf32> to vector<160x256xf32>
    %eq3A_2914 = arith.cmpf oeq, %select_n3A_2888, %eq3A_2913 : vector<160x256xf32>
    %jit3A_2915 = arith.constant 1073741824 : i32
    %broadcast_in_dim3A_2916 = vector.broadcast %jit3A_2915 : i32 to vector<160x256xi32>
    %select_n3A_2917 = arith.select %eq3A_2914, %transpose3A_2788, %broadcast_in_dim3A_2916 : vector<160x256xi1>, vector<160x256xi32>
    %slice3A_2918 = vector.extract_strided_slice %select_n3A_2917 {offsets = [0, 0], sizes = [80, 256], strides = [1, 1]} : vector<160x256xi32> to vector<80x256xi32>
    %slice3A_2919 = vector.extract_strided_slice %select_n3A_2917 {offsets = [80, 0], sizes = [80, 256], strides = [1, 1]} : vector<160x256xi32> to vector<80x256xi32>
    %min3A_2920 = arith.minsi %slice3A_2918, %slice3A_2919 : vector<80x256xi32>
    %slice3A_2921 = vector.extract_strided_slice %min3A_2920 {offsets = [0, 0], sizes = [40, 256], strides = [1, 1]} : vector<80x256xi32> to vector<40x256xi32>
    %slice3A_2922 = vector.extract_strided_slice %min3A_2920 {offsets = [40, 0], sizes = [40, 256], strides = [1, 1]} : vector<80x256xi32> to vector<40x256xi32>
    %min3A_2923 = arith.minsi %slice3A_2921, %slice3A_2922 : vector<40x256xi32>
    %slice3A_2924 = vector.extract_strided_slice %min3A_2923 {offsets = [0, 0], sizes = [20, 256], strides = [1, 1]} : vector<40x256xi32> to vector<20x256xi32>
    %slice3A_2925 = vector.extract_strided_slice %min3A_2923 {offsets = [20, 0], sizes = [20, 256], strides = [1, 1]} : vector<40x256xi32> to vector<20x256xi32>
    %min3A_2926 = arith.minsi %slice3A_2924, %slice3A_2925 : vector<20x256xi32>
    %slice3A_2927 = vector.extract_strided_slice %min3A_2926 {offsets = [0, 0], sizes = [10, 256], strides = [1, 1]} : vector<20x256xi32> to vector<10x256xi32>
    %slice3A_2928 = vector.extract_strided_slice %min3A_2926 {offsets = [10, 0], sizes = [10, 256], strides = [1, 1]} : vector<20x256xi32> to vector<10x256xi32>
    %min3A_2929 = arith.minsi %slice3A_2927, %slice3A_2928 : vector<10x256xi32>
    %slice3A_2930 = vector.extract_strided_slice %min3A_2929 {offsets = [0, 0], sizes = [5, 256], strides = [1, 1]} : vector<10x256xi32> to vector<5x256xi32>
    %slice3A_2931 = vector.extract_strided_slice %min3A_2929 {offsets = [5, 0], sizes = [5, 256], strides = [1, 1]} : vector<10x256xi32> to vector<5x256xi32>
    %min3A_2932 = arith.minsi %slice3A_2930, %slice3A_2931 : vector<5x256xi32>
    %reduce_min3A_2933 = arith.constant dense<2147483647> : vector<256xi32>
    %reduce_min3A_2934 = vector.multi_reduction <minsi>, %min3A_2932, %reduce_min3A_2933 [0] : vector<5x256xi32> to vector<256xi32>
    %broadcast_in_dim3A_2935 = vector.shape_cast %reduce_min3A_2934 : vector<256xi32> to vector<1x256xi32>
    %eq3A_2936 = vector.broadcast %broadcast_in_dim3A_2935 : vector<1x256xi32> to vector<160x256xi32>
    %eq3A_2937 = arith.cmpi eq, %transpose3A_2788, %eq3A_2936 : vector<160x256xi32>
    %jit3A_2938 = arith.constant 0x7F800000 : f32
    %broadcast_in_dim3A_2939 = vector.broadcast %jit3A_2938 : f32 to vector<160x256xf32>
    %select_n3A_2940 = arith.select %eq3A_2937, %broadcast_in_dim3A_2939, %select_n3A_2888 : vector<160x256xi1>, vector<160x256xf32>
    %eq3A_2941 = arith.constant 2 : i32
    %eq3A_2942 = vector.broadcast %eq3A_2941 : i32 to vector<16x256xi32>
    %eq3A_2943 = arith.cmpi eq, %iota3A_186, %eq3A_2942 : vector<16x256xi32>
    %broadcast_in_dim3A_2944 = vector.shape_cast %broadcast_in_dim3A_2935 : vector<1x256xi32> to vector<1x256xi32>
    %broadcast_in_dim3A_2945 = vector.broadcast %broadcast_in_dim3A_2944 : vector<1x256xi32> to vector<16x256xi32>
    %select_n3A_2946 = arith.select %eq3A_2943, %broadcast_in_dim3A_2945, %select_n3A_2894 : vector<16x256xi1>, vector<16x256xi32>
    %slice3A_2947 = vector.extract_strided_slice %select_n3A_2940 {offsets = [0, 0], sizes = [80, 256], strides = [1, 1]} : vector<160x256xf32> to vector<80x256xf32>
    %slice3A_2948 = vector.extract_strided_slice %select_n3A_2940 {offsets = [80, 0], sizes = [80, 256], strides = [1, 1]} : vector<160x256xf32> to vector<80x256xf32>
    %min3A_2949 = arith.minimumf %slice3A_2947, %slice3A_2948 : vector<80x256xf32>
    %slice3A_2950 = vector.extract_strided_slice %min3A_2949 {offsets = [0, 0], sizes = [40, 256], strides = [1, 1]} : vector<80x256xf32> to vector<40x256xf32>
    %slice3A_2951 = vector.extract_strided_slice %min3A_2949 {offsets = [40, 0], sizes = [40, 256], strides = [1, 1]} : vector<80x256xf32> to vector<40x256xf32>
    %min3A_2952 = arith.minimumf %slice3A_2950, %slice3A_2951 : vector<40x256xf32>
    %slice3A_2953 = vector.extract_strided_slice %min3A_2952 {offsets = [0, 0], sizes = [20, 256], strides = [1, 1]} : vector<40x256xf32> to vector<20x256xf32>
    %slice3A_2954 = vector.extract_strided_slice %min3A_2952 {offsets = [20, 0], sizes = [20, 256], strides = [1, 1]} : vector<40x256xf32> to vector<20x256xf32>
    %min3A_2955 = arith.minimumf %slice3A_2953, %slice3A_2954 : vector<20x256xf32>
    %slice3A_2956 = vector.extract_strided_slice %min3A_2955 {offsets = [0, 0], sizes = [10, 256], strides = [1, 1]} : vector<20x256xf32> to vector<10x256xf32>
    %slice3A_2957 = vector.extract_strided_slice %min3A_2955 {offsets = [10, 0], sizes = [10, 256], strides = [1, 1]} : vector<20x256xf32> to vector<10x256xf32>
    %min3A_2958 = arith.minimumf %slice3A_2956, %slice3A_2957 : vector<10x256xf32>
    %slice3A_2959 = vector.extract_strided_slice %min3A_2958 {offsets = [0, 0], sizes = [5, 256], strides = [1, 1]} : vector<10x256xf32> to vector<5x256xf32>
    %slice3A_2960 = vector.extract_strided_slice %min3A_2958 {offsets = [5, 0], sizes = [5, 256], strides = [1, 1]} : vector<10x256xf32> to vector<5x256xf32>
    %min3A_2961 = arith.minimumf %slice3A_2959, %slice3A_2960 : vector<5x256xf32>
    %reduce_min3A_2962 = arith.constant dense<0x7F800000> : vector<256xf32>
    %reduce_min3A_2963 = vector.multi_reduction <minimumf>, %min3A_2961, %reduce_min3A_2962 [0] : vector<5x256xf32> to vector<256xf32>
    %broadcast_in_dim3A_2964 = vector.shape_cast %reduce_min3A_2963 : vector<256xf32> to vector<1x256xf32>
    %eq3A_2965 = vector.broadcast %broadcast_in_dim3A_2964 : vector<1x256xf32> to vector<160x256xf32>
    %eq3A_2966 = arith.cmpf oeq, %select_n3A_2940, %eq3A_2965 : vector<160x256xf32>
    %jit3A_2967 = arith.constant 1073741824 : i32
    %broadcast_in_dim3A_2968 = vector.broadcast %jit3A_2967 : i32 to vector<160x256xi32>
    %select_n3A_2969 = arith.select %eq3A_2966, %transpose3A_2788, %broadcast_in_dim3A_2968 : vector<160x256xi1>, vector<160x256xi32>
    %slice3A_2970 = vector.extract_strided_slice %select_n3A_2969 {offsets = [0, 0], sizes = [80, 256], strides = [1, 1]} : vector<160x256xi32> to vector<80x256xi32>
    %slice3A_2971 = vector.extract_strided_slice %select_n3A_2969 {offsets = [80, 0], sizes = [80, 256], strides = [1, 1]} : vector<160x256xi32> to vector<80x256xi32>
    %min3A_2972 = arith.minsi %slice3A_2970, %slice3A_2971 : vector<80x256xi32>
    %slice3A_2973 = vector.extract_strided_slice %min3A_2972 {offsets = [0, 0], sizes = [40, 256], strides = [1, 1]} : vector<80x256xi32> to vector<40x256xi32>
    %slice3A_2974 = vector.extract_strided_slice %min3A_2972 {offsets = [40, 0], sizes = [40, 256], strides = [1, 1]} : vector<80x256xi32> to vector<40x256xi32>
    %min3A_2975 = arith.minsi %slice3A_2973, %slice3A_2974 : vector<40x256xi32>
    %slice3A_2976 = vector.extract_strided_slice %min3A_2975 {offsets = [0, 0], sizes = [20, 256], strides = [1, 1]} : vector<40x256xi32> to vector<20x256xi32>
    %slice3A_2977 = vector.extract_strided_slice %min3A_2975 {offsets = [20, 0], sizes = [20, 256], strides = [1, 1]} : vector<40x256xi32> to vector<20x256xi32>
    %min3A_2978 = arith.minsi %slice3A_2976, %slice3A_2977 : vector<20x256xi32>
    %slice3A_2979 = vector.extract_strided_slice %min3A_2978 {offsets = [0, 0], sizes = [10, 256], strides = [1, 1]} : vector<20x256xi32> to vector<10x256xi32>
    %slice3A_2980 = vector.extract_strided_slice %min3A_2978 {offsets = [10, 0], sizes = [10, 256], strides = [1, 1]} : vector<20x256xi32> to vector<10x256xi32>
    %min3A_2981 = arith.minsi %slice3A_2979, %slice3A_2980 : vector<10x256xi32>
    %slice3A_2982 = vector.extract_strided_slice %min3A_2981 {offsets = [0, 0], sizes = [5, 256], strides = [1, 1]} : vector<10x256xi32> to vector<5x256xi32>
    %slice3A_2983 = vector.extract_strided_slice %min3A_2981 {offsets = [5, 0], sizes = [5, 256], strides = [1, 1]} : vector<10x256xi32> to vector<5x256xi32>
    %min3A_2984 = arith.minsi %slice3A_2982, %slice3A_2983 : vector<5x256xi32>
    %reduce_min3A_2985 = arith.constant dense<2147483647> : vector<256xi32>
    %reduce_min3A_2986 = vector.multi_reduction <minsi>, %min3A_2984, %reduce_min3A_2985 [0] : vector<5x256xi32> to vector<256xi32>
    %broadcast_in_dim3A_2987 = vector.shape_cast %reduce_min3A_2986 : vector<256xi32> to vector<1x256xi32>
    %eq3A_2988 = vector.broadcast %broadcast_in_dim3A_2987 : vector<1x256xi32> to vector<160x256xi32>
    %eq3A_2989 = arith.cmpi eq, %transpose3A_2788, %eq3A_2988 : vector<160x256xi32>
    %jit3A_2990 = arith.constant 0x7F800000 : f32
    %broadcast_in_dim3A_2991 = vector.broadcast %jit3A_2990 : f32 to vector<160x256xf32>
    %select_n3A_2992 = arith.select %eq3A_2989, %broadcast_in_dim3A_2991, %select_n3A_2940 : vector<160x256xi1>, vector<160x256xf32>
    %eq3A_2993 = arith.constant 3 : i32
    %eq3A_2994 = vector.broadcast %eq3A_2993 : i32 to vector<16x256xi32>
    %eq3A_2995 = arith.cmpi eq, %iota3A_186, %eq3A_2994 : vector<16x256xi32>
    %broadcast_in_dim3A_2996 = vector.shape_cast %broadcast_in_dim3A_2987 : vector<1x256xi32> to vector<1x256xi32>
    %broadcast_in_dim3A_2997 = vector.broadcast %broadcast_in_dim3A_2996 : vector<1x256xi32> to vector<16x256xi32>
    %select_n3A_2998 = arith.select %eq3A_2995, %broadcast_in_dim3A_2997, %select_n3A_2946 : vector<16x256xi1>, vector<16x256xi32>
    %slice3A_2999 = vector.extract_strided_slice %select_n3A_2992 {offsets = [0, 0], sizes = [80, 256], strides = [1, 1]} : vector<160x256xf32> to vector<80x256xf32>
    %slice3A_3000 = vector.extract_strided_slice %select_n3A_2992 {offsets = [80, 0], sizes = [80, 256], strides = [1, 1]} : vector<160x256xf32> to vector<80x256xf32>
    %min3A_3001 = arith.minimumf %slice3A_2999, %slice3A_3000 : vector<80x256xf32>
    %slice3A_3002 = vector.extract_strided_slice %min3A_3001 {offsets = [0, 0], sizes = [40, 256], strides = [1, 1]} : vector<80x256xf32> to vector<40x256xf32>
    %slice3A_3003 = vector.extract_strided_slice %min3A_3001 {offsets = [40, 0], sizes = [40, 256], strides = [1, 1]} : vector<80x256xf32> to vector<40x256xf32>
    %min3A_3004 = arith.minimumf %slice3A_3002, %slice3A_3003 : vector<40x256xf32>
    %slice3A_3005 = vector.extract_strided_slice %min3A_3004 {offsets = [0, 0], sizes = [20, 256], strides = [1, 1]} : vector<40x256xf32> to vector<20x256xf32>
    %slice3A_3006 = vector.extract_strided_slice %min3A_3004 {offsets = [20, 0], sizes = [20, 256], strides = [1, 1]} : vector<40x256xf32> to vector<20x256xf32>
    %min3A_3007 = arith.minimumf %slice3A_3005, %slice3A_3006 : vector<20x256xf32>
    %slice3A_3008 = vector.extract_strided_slice %min3A_3007 {offsets = [0, 0], sizes = [10, 256], strides = [1, 1]} : vector<20x256xf32> to vector<10x256xf32>
    %slice3A_3009 = vector.extract_strided_slice %min3A_3007 {offsets = [10, 0], sizes = [10, 256], strides = [1, 1]} : vector<20x256xf32> to vector<10x256xf32>
    %min3A_3010 = arith.minimumf %slice3A_3008, %slice3A_3009 : vector<10x256xf32>
    %slice3A_3011 = vector.extract_strided_slice %min3A_3010 {offsets = [0, 0], sizes = [5, 256], strides = [1, 1]} : vector<10x256xf32> to vector<5x256xf32>
    %slice3A_3012 = vector.extract_strided_slice %min3A_3010 {offsets = [5, 0], sizes = [5, 256], strides = [1, 1]} : vector<10x256xf32> to vector<5x256xf32>
    %min3A_3013 = arith.minimumf %slice3A_3011, %slice3A_3012 : vector<5x256xf32>
    %reduce_min3A_3014 = arith.constant dense<0x7F800000> : vector<256xf32>
    %reduce_min3A_3015 = vector.multi_reduction <minimumf>, %min3A_3013, %reduce_min3A_3014 [0] : vector<5x256xf32> to vector<256xf32>
    %broadcast_in_dim3A_3016 = vector.shape_cast %reduce_min3A_3015 : vector<256xf32> to vector<1x256xf32>
    %eq3A_3017 = vector.broadcast %broadcast_in_dim3A_3016 : vector<1x256xf32> to vector<160x256xf32>
    %eq3A_3018 = arith.cmpf oeq, %select_n3A_2992, %eq3A_3017 : vector<160x256xf32>
    %jit3A_3019 = arith.constant 1073741824 : i32
    %broadcast_in_dim3A_3020 = vector.broadcast %jit3A_3019 : i32 to vector<160x256xi32>
    %select_n3A_3021 = arith.select %eq3A_3018, %transpose3A_2788, %broadcast_in_dim3A_3020 : vector<160x256xi1>, vector<160x256xi32>
    %slice3A_3022 = vector.extract_strided_slice %select_n3A_3021 {offsets = [0, 0], sizes = [80, 256], strides = [1, 1]} : vector<160x256xi32> to vector<80x256xi32>
    %slice3A_3023 = vector.extract_strided_slice %select_n3A_3021 {offsets = [80, 0], sizes = [80, 256], strides = [1, 1]} : vector<160x256xi32> to vector<80x256xi32>
    %min3A_3024 = arith.minsi %slice3A_3022, %slice3A_3023 : vector<80x256xi32>
    %slice3A_3025 = vector.extract_strided_slice %min3A_3024 {offsets = [0, 0], sizes = [40, 256], strides = [1, 1]} : vector<80x256xi32> to vector<40x256xi32>
    %slice3A_3026 = vector.extract_strided_slice %min3A_3024 {offsets = [40, 0], sizes = [40, 256], strides = [1, 1]} : vector<80x256xi32> to vector<40x256xi32>
    %min3A_3027 = arith.minsi %slice3A_3025, %slice3A_3026 : vector<40x256xi32>
    %slice3A_3028 = vector.extract_strided_slice %min3A_3027 {offsets = [0, 0], sizes = [20, 256], strides = [1, 1]} : vector<40x256xi32> to vector<20x256xi32>
    %slice3A_3029 = vector.extract_strided_slice %min3A_3027 {offsets = [20, 0], sizes = [20, 256], strides = [1, 1]} : vector<40x256xi32> to vector<20x256xi32>
    %min3A_3030 = arith.minsi %slice3A_3028, %slice3A_3029 : vector<20x256xi32>
    %slice3A_3031 = vector.extract_strided_slice %min3A_3030 {offsets = [0, 0], sizes = [10, 256], strides = [1, 1]} : vector<20x256xi32> to vector<10x256xi32>
    %slice3A_3032 = vector.extract_strided_slice %min3A_3030 {offsets = [10, 0], sizes = [10, 256], strides = [1, 1]} : vector<20x256xi32> to vector<10x256xi32>
    %min3A_3033 = arith.minsi %slice3A_3031, %slice3A_3032 : vector<10x256xi32>
    %slice3A_3034 = vector.extract_strided_slice %min3A_3033 {offsets = [0, 0], sizes = [5, 256], strides = [1, 1]} : vector<10x256xi32> to vector<5x256xi32>
    %slice3A_3035 = vector.extract_strided_slice %min3A_3033 {offsets = [5, 0], sizes = [5, 256], strides = [1, 1]} : vector<10x256xi32> to vector<5x256xi32>
    %min3A_3036 = arith.minsi %slice3A_3034, %slice3A_3035 : vector<5x256xi32>
    %reduce_min3A_3037 = arith.constant dense<2147483647> : vector<256xi32>
    %reduce_min3A_3038 = vector.multi_reduction <minsi>, %min3A_3036, %reduce_min3A_3037 [0] : vector<5x256xi32> to vector<256xi32>
    %broadcast_in_dim3A_3039 = vector.shape_cast %reduce_min3A_3038 : vector<256xi32> to vector<1x256xi32>
    %eq3A_3040 = vector.broadcast %broadcast_in_dim3A_3039 : vector<1x256xi32> to vector<160x256xi32>
    %eq3A_3041 = arith.cmpi eq, %transpose3A_2788, %eq3A_3040 : vector<160x256xi32>
    %jit3A_3042 = arith.constant 0x7F800000 : f32
    %broadcast_in_dim3A_3043 = vector.broadcast %jit3A_3042 : f32 to vector<160x256xf32>
    %select_n3A_3044 = arith.select %eq3A_3041, %broadcast_in_dim3A_3043, %select_n3A_2992 : vector<160x256xi1>, vector<160x256xf32>
    %eq3A_3045 = arith.constant 4 : i32
    %eq3A_3046 = vector.broadcast %eq3A_3045 : i32 to vector<16x256xi32>
    %eq3A_3047 = arith.cmpi eq, %iota3A_186, %eq3A_3046 : vector<16x256xi32>
    %broadcast_in_dim3A_3048 = vector.shape_cast %broadcast_in_dim3A_3039 : vector<1x256xi32> to vector<1x256xi32>
    %broadcast_in_dim3A_3049 = vector.broadcast %broadcast_in_dim3A_3048 : vector<1x256xi32> to vector<16x256xi32>
    %select_n3A_3050 = arith.select %eq3A_3047, %broadcast_in_dim3A_3049, %select_n3A_2998 : vector<16x256xi1>, vector<16x256xi32>
    %slice3A_3051 = vector.extract_strided_slice %select_n3A_3044 {offsets = [0, 0], sizes = [80, 256], strides = [1, 1]} : vector<160x256xf32> to vector<80x256xf32>
    %slice3A_3052 = vector.extract_strided_slice %select_n3A_3044 {offsets = [80, 0], sizes = [80, 256], strides = [1, 1]} : vector<160x256xf32> to vector<80x256xf32>
    %min3A_3053 = arith.minimumf %slice3A_3051, %slice3A_3052 : vector<80x256xf32>
    %slice3A_3054 = vector.extract_strided_slice %min3A_3053 {offsets = [0, 0], sizes = [40, 256], strides = [1, 1]} : vector<80x256xf32> to vector<40x256xf32>
    %slice3A_3055 = vector.extract_strided_slice %min3A_3053 {offsets = [40, 0], sizes = [40, 256], strides = [1, 1]} : vector<80x256xf32> to vector<40x256xf32>
    %min3A_3056 = arith.minimumf %slice3A_3054, %slice3A_3055 : vector<40x256xf32>
    %slice3A_3057 = vector.extract_strided_slice %min3A_3056 {offsets = [0, 0], sizes = [20, 256], strides = [1, 1]} : vector<40x256xf32> to vector<20x256xf32>
    %slice3A_3058 = vector.extract_strided_slice %min3A_3056 {offsets = [20, 0], sizes = [20, 256], strides = [1, 1]} : vector<40x256xf32> to vector<20x256xf32>
    %min3A_3059 = arith.minimumf %slice3A_3057, %slice3A_3058 : vector<20x256xf32>
    %slice3A_3060 = vector.extract_strided_slice %min3A_3059 {offsets = [0, 0], sizes = [10, 256], strides = [1, 1]} : vector<20x256xf32> to vector<10x256xf32>
    %slice3A_3061 = vector.extract_strided_slice %min3A_3059 {offsets = [10, 0], sizes = [10, 256], strides = [1, 1]} : vector<20x256xf32> to vector<10x256xf32>
    %min3A_3062 = arith.minimumf %slice3A_3060, %slice3A_3061 : vector<10x256xf32>
    %slice3A_3063 = vector.extract_strided_slice %min3A_3062 {offsets = [0, 0], sizes = [5, 256], strides = [1, 1]} : vector<10x256xf32> to vector<5x256xf32>
    %slice3A_3064 = vector.extract_strided_slice %min3A_3062 {offsets = [5, 0], sizes = [5, 256], strides = [1, 1]} : vector<10x256xf32> to vector<5x256xf32>
    %min3A_3065 = arith.minimumf %slice3A_3063, %slice3A_3064 : vector<5x256xf32>
    %reduce_min3A_3066 = arith.constant dense<0x7F800000> : vector<256xf32>
    %reduce_min3A_3067 = vector.multi_reduction <minimumf>, %min3A_3065, %reduce_min3A_3066 [0] : vector<5x256xf32> to vector<256xf32>
    %broadcast_in_dim3A_3068 = vector.shape_cast %reduce_min3A_3067 : vector<256xf32> to vector<1x256xf32>
    %eq3A_3069 = vector.broadcast %broadcast_in_dim3A_3068 : vector<1x256xf32> to vector<160x256xf32>
    %eq3A_3070 = arith.cmpf oeq, %select_n3A_3044, %eq3A_3069 : vector<160x256xf32>
    %jit3A_3071 = arith.constant 1073741824 : i32
    %broadcast_in_dim3A_3072 = vector.broadcast %jit3A_3071 : i32 to vector<160x256xi32>
    %select_n3A_3073 = arith.select %eq3A_3070, %transpose3A_2788, %broadcast_in_dim3A_3072 : vector<160x256xi1>, vector<160x256xi32>
    %slice3A_3074 = vector.extract_strided_slice %select_n3A_3073 {offsets = [0, 0], sizes = [80, 256], strides = [1, 1]} : vector<160x256xi32> to vector<80x256xi32>
    %slice3A_3075 = vector.extract_strided_slice %select_n3A_3073 {offsets = [80, 0], sizes = [80, 256], strides = [1, 1]} : vector<160x256xi32> to vector<80x256xi32>
    %min3A_3076 = arith.minsi %slice3A_3074, %slice3A_3075 : vector<80x256xi32>
    %slice3A_3077 = vector.extract_strided_slice %min3A_3076 {offsets = [0, 0], sizes = [40, 256], strides = [1, 1]} : vector<80x256xi32> to vector<40x256xi32>
    %slice3A_3078 = vector.extract_strided_slice %min3A_3076 {offsets = [40, 0], sizes = [40, 256], strides = [1, 1]} : vector<80x256xi32> to vector<40x256xi32>
    %min3A_3079 = arith.minsi %slice3A_3077, %slice3A_3078 : vector<40x256xi32>
    %slice3A_3080 = vector.extract_strided_slice %min3A_3079 {offsets = [0, 0], sizes = [20, 256], strides = [1, 1]} : vector<40x256xi32> to vector<20x256xi32>
    %slice3A_3081 = vector.extract_strided_slice %min3A_3079 {offsets = [20, 0], sizes = [20, 256], strides = [1, 1]} : vector<40x256xi32> to vector<20x256xi32>
    %min3A_3082 = arith.minsi %slice3A_3080, %slice3A_3081 : vector<20x256xi32>
    %slice3A_3083 = vector.extract_strided_slice %min3A_3082 {offsets = [0, 0], sizes = [10, 256], strides = [1, 1]} : vector<20x256xi32> to vector<10x256xi32>
    %slice3A_3084 = vector.extract_strided_slice %min3A_3082 {offsets = [10, 0], sizes = [10, 256], strides = [1, 1]} : vector<20x256xi32> to vector<10x256xi32>
    %min3A_3085 = arith.minsi %slice3A_3083, %slice3A_3084 : vector<10x256xi32>
    %slice3A_3086 = vector.extract_strided_slice %min3A_3085 {offsets = [0, 0], sizes = [5, 256], strides = [1, 1]} : vector<10x256xi32> to vector<5x256xi32>
    %slice3A_3087 = vector.extract_strided_slice %min3A_3085 {offsets = [5, 0], sizes = [5, 256], strides = [1, 1]} : vector<10x256xi32> to vector<5x256xi32>
    %min3A_3088 = arith.minsi %slice3A_3086, %slice3A_3087 : vector<5x256xi32>
    %reduce_min3A_3089 = arith.constant dense<2147483647> : vector<256xi32>
    %reduce_min3A_3090 = vector.multi_reduction <minsi>, %min3A_3088, %reduce_min3A_3089 [0] : vector<5x256xi32> to vector<256xi32>
    %broadcast_in_dim3A_3091 = vector.shape_cast %reduce_min3A_3090 : vector<256xi32> to vector<1x256xi32>
    %eq3A_3092 = vector.broadcast %broadcast_in_dim3A_3091 : vector<1x256xi32> to vector<160x256xi32>
    %eq3A_3093 = arith.cmpi eq, %transpose3A_2788, %eq3A_3092 : vector<160x256xi32>
    %jit3A_3094 = arith.constant 0x7F800000 : f32
    %broadcast_in_dim3A_3095 = vector.broadcast %jit3A_3094 : f32 to vector<160x256xf32>
    %select_n3A_3096 = arith.select %eq3A_3093, %broadcast_in_dim3A_3095, %select_n3A_3044 : vector<160x256xi1>, vector<160x256xf32>
    %eq3A_3097 = arith.constant 5 : i32
    %eq3A_3098 = vector.broadcast %eq3A_3097 : i32 to vector<16x256xi32>
    %eq3A_3099 = arith.cmpi eq, %iota3A_186, %eq3A_3098 : vector<16x256xi32>
    %broadcast_in_dim3A_3100 = vector.shape_cast %broadcast_in_dim3A_3091 : vector<1x256xi32> to vector<1x256xi32>
    %broadcast_in_dim3A_3101 = vector.broadcast %broadcast_in_dim3A_3100 : vector<1x256xi32> to vector<16x256xi32>
    %select_n3A_3102 = arith.select %eq3A_3099, %broadcast_in_dim3A_3101, %select_n3A_3050 : vector<16x256xi1>, vector<16x256xi32>
    %slice3A_3103 = vector.extract_strided_slice %select_n3A_3096 {offsets = [0, 0], sizes = [80, 256], strides = [1, 1]} : vector<160x256xf32> to vector<80x256xf32>
    %slice3A_3104 = vector.extract_strided_slice %select_n3A_3096 {offsets = [80, 0], sizes = [80, 256], strides = [1, 1]} : vector<160x256xf32> to vector<80x256xf32>
    %min3A_3105 = arith.minimumf %slice3A_3103, %slice3A_3104 : vector<80x256xf32>
    %slice3A_3106 = vector.extract_strided_slice %min3A_3105 {offsets = [0, 0], sizes = [40, 256], strides = [1, 1]} : vector<80x256xf32> to vector<40x256xf32>
    %slice3A_3107 = vector.extract_strided_slice %min3A_3105 {offsets = [40, 0], sizes = [40, 256], strides = [1, 1]} : vector<80x256xf32> to vector<40x256xf32>
    %min3A_3108 = arith.minimumf %slice3A_3106, %slice3A_3107 : vector<40x256xf32>
    %slice3A_3109 = vector.extract_strided_slice %min3A_3108 {offsets = [0, 0], sizes = [20, 256], strides = [1, 1]} : vector<40x256xf32> to vector<20x256xf32>
    %slice3A_3110 = vector.extract_strided_slice %min3A_3108 {offsets = [20, 0], sizes = [20, 256], strides = [1, 1]} : vector<40x256xf32> to vector<20x256xf32>
    %min3A_3111 = arith.minimumf %slice3A_3109, %slice3A_3110 : vector<20x256xf32>
    %slice3A_3112 = vector.extract_strided_slice %min3A_3111 {offsets = [0, 0], sizes = [10, 256], strides = [1, 1]} : vector<20x256xf32> to vector<10x256xf32>
    %slice3A_3113 = vector.extract_strided_slice %min3A_3111 {offsets = [10, 0], sizes = [10, 256], strides = [1, 1]} : vector<20x256xf32> to vector<10x256xf32>
    %min3A_3114 = arith.minimumf %slice3A_3112, %slice3A_3113 : vector<10x256xf32>
    %slice3A_3115 = vector.extract_strided_slice %min3A_3114 {offsets = [0, 0], sizes = [5, 256], strides = [1, 1]} : vector<10x256xf32> to vector<5x256xf32>
    %slice3A_3116 = vector.extract_strided_slice %min3A_3114 {offsets = [5, 0], sizes = [5, 256], strides = [1, 1]} : vector<10x256xf32> to vector<5x256xf32>
    %min3A_3117 = arith.minimumf %slice3A_3115, %slice3A_3116 : vector<5x256xf32>
    %reduce_min3A_3118 = arith.constant dense<0x7F800000> : vector<256xf32>
    %reduce_min3A_3119 = vector.multi_reduction <minimumf>, %min3A_3117, %reduce_min3A_3118 [0] : vector<5x256xf32> to vector<256xf32>
    %broadcast_in_dim3A_3120 = vector.shape_cast %reduce_min3A_3119 : vector<256xf32> to vector<1x256xf32>
    %eq3A_3121 = vector.broadcast %broadcast_in_dim3A_3120 : vector<1x256xf32> to vector<160x256xf32>
    %eq3A_3122 = arith.cmpf oeq, %select_n3A_3096, %eq3A_3121 : vector<160x256xf32>
    %jit3A_3123 = arith.constant 1073741824 : i32
    %broadcast_in_dim3A_3124 = vector.broadcast %jit3A_3123 : i32 to vector<160x256xi32>
    %select_n3A_3125 = arith.select %eq3A_3122, %transpose3A_2788, %broadcast_in_dim3A_3124 : vector<160x256xi1>, vector<160x256xi32>
    %slice3A_3126 = vector.extract_strided_slice %select_n3A_3125 {offsets = [0, 0], sizes = [80, 256], strides = [1, 1]} : vector<160x256xi32> to vector<80x256xi32>
    %slice3A_3127 = vector.extract_strided_slice %select_n3A_3125 {offsets = [80, 0], sizes = [80, 256], strides = [1, 1]} : vector<160x256xi32> to vector<80x256xi32>
    %min3A_3128 = arith.minsi %slice3A_3126, %slice3A_3127 : vector<80x256xi32>
    %slice3A_3129 = vector.extract_strided_slice %min3A_3128 {offsets = [0, 0], sizes = [40, 256], strides = [1, 1]} : vector<80x256xi32> to vector<40x256xi32>
    %slice3A_3130 = vector.extract_strided_slice %min3A_3128 {offsets = [40, 0], sizes = [40, 256], strides = [1, 1]} : vector<80x256xi32> to vector<40x256xi32>
    %min3A_3131 = arith.minsi %slice3A_3129, %slice3A_3130 : vector<40x256xi32>
    %slice3A_3132 = vector.extract_strided_slice %min3A_3131 {offsets = [0, 0], sizes = [20, 256], strides = [1, 1]} : vector<40x256xi32> to vector<20x256xi32>
    %slice3A_3133 = vector.extract_strided_slice %min3A_3131 {offsets = [20, 0], sizes = [20, 256], strides = [1, 1]} : vector<40x256xi32> to vector<20x256xi32>
    %min3A_3134 = arith.minsi %slice3A_3132, %slice3A_3133 : vector<20x256xi32>
    %slice3A_3135 = vector.extract_strided_slice %min3A_3134 {offsets = [0, 0], sizes = [10, 256], strides = [1, 1]} : vector<20x256xi32> to vector<10x256xi32>
    %slice3A_3136 = vector.extract_strided_slice %min3A_3134 {offsets = [10, 0], sizes = [10, 256], strides = [1, 1]} : vector<20x256xi32> to vector<10x256xi32>
    %min3A_3137 = arith.minsi %slice3A_3135, %slice3A_3136 : vector<10x256xi32>
    %slice3A_3138 = vector.extract_strided_slice %min3A_3137 {offsets = [0, 0], sizes = [5, 256], strides = [1, 1]} : vector<10x256xi32> to vector<5x256xi32>
    %slice3A_3139 = vector.extract_strided_slice %min3A_3137 {offsets = [5, 0], sizes = [5, 256], strides = [1, 1]} : vector<10x256xi32> to vector<5x256xi32>
    %min3A_3140 = arith.minsi %slice3A_3138, %slice3A_3139 : vector<5x256xi32>
    %reduce_min3A_3141 = arith.constant dense<2147483647> : vector<256xi32>
    %reduce_min3A_3142 = vector.multi_reduction <minsi>, %min3A_3140, %reduce_min3A_3141 [0] : vector<5x256xi32> to vector<256xi32>
    %broadcast_in_dim3A_3143 = vector.shape_cast %reduce_min3A_3142 : vector<256xi32> to vector<1x256xi32>
    %eq3A_3144 = vector.broadcast %broadcast_in_dim3A_3143 : vector<1x256xi32> to vector<160x256xi32>
    %eq3A_3145 = arith.cmpi eq, %transpose3A_2788, %eq3A_3144 : vector<160x256xi32>
    %jit3A_3146 = arith.constant 0x7F800000 : f32
    %broadcast_in_dim3A_3147 = vector.broadcast %jit3A_3146 : f32 to vector<160x256xf32>
    %select_n3A_3148 = arith.select %eq3A_3145, %broadcast_in_dim3A_3147, %select_n3A_3096 : vector<160x256xi1>, vector<160x256xf32>
    %eq3A_3149 = arith.constant 6 : i32
    %eq3A_3150 = vector.broadcast %eq3A_3149 : i32 to vector<16x256xi32>
    %eq3A_3151 = arith.cmpi eq, %iota3A_186, %eq3A_3150 : vector<16x256xi32>
    %broadcast_in_dim3A_3152 = vector.shape_cast %broadcast_in_dim3A_3143 : vector<1x256xi32> to vector<1x256xi32>
    %broadcast_in_dim3A_3153 = vector.broadcast %broadcast_in_dim3A_3152 : vector<1x256xi32> to vector<16x256xi32>
    %select_n3A_3154 = arith.select %eq3A_3151, %broadcast_in_dim3A_3153, %select_n3A_3102 : vector<16x256xi1>, vector<16x256xi32>
    %slice3A_3155 = vector.extract_strided_slice %select_n3A_3148 {offsets = [0, 0], sizes = [80, 256], strides = [1, 1]} : vector<160x256xf32> to vector<80x256xf32>
    %slice3A_3156 = vector.extract_strided_slice %select_n3A_3148 {offsets = [80, 0], sizes = [80, 256], strides = [1, 1]} : vector<160x256xf32> to vector<80x256xf32>
    %min3A_3157 = arith.minimumf %slice3A_3155, %slice3A_3156 : vector<80x256xf32>
    %slice3A_3158 = vector.extract_strided_slice %min3A_3157 {offsets = [0, 0], sizes = [40, 256], strides = [1, 1]} : vector<80x256xf32> to vector<40x256xf32>
    %slice3A_3159 = vector.extract_strided_slice %min3A_3157 {offsets = [40, 0], sizes = [40, 256], strides = [1, 1]} : vector<80x256xf32> to vector<40x256xf32>
    %min3A_3160 = arith.minimumf %slice3A_3158, %slice3A_3159 : vector<40x256xf32>
    %slice3A_3161 = vector.extract_strided_slice %min3A_3160 {offsets = [0, 0], sizes = [20, 256], strides = [1, 1]} : vector<40x256xf32> to vector<20x256xf32>
    %slice3A_3162 = vector.extract_strided_slice %min3A_3160 {offsets = [20, 0], sizes = [20, 256], strides = [1, 1]} : vector<40x256xf32> to vector<20x256xf32>
    %min3A_3163 = arith.minimumf %slice3A_3161, %slice3A_3162 : vector<20x256xf32>
    %slice3A_3164 = vector.extract_strided_slice %min3A_3163 {offsets = [0, 0], sizes = [10, 256], strides = [1, 1]} : vector<20x256xf32> to vector<10x256xf32>
    %slice3A_3165 = vector.extract_strided_slice %min3A_3163 {offsets = [10, 0], sizes = [10, 256], strides = [1, 1]} : vector<20x256xf32> to vector<10x256xf32>
    %min3A_3166 = arith.minimumf %slice3A_3164, %slice3A_3165 : vector<10x256xf32>
    %slice3A_3167 = vector.extract_strided_slice %min3A_3166 {offsets = [0, 0], sizes = [5, 256], strides = [1, 1]} : vector<10x256xf32> to vector<5x256xf32>
    %slice3A_3168 = vector.extract_strided_slice %min3A_3166 {offsets = [5, 0], sizes = [5, 256], strides = [1, 1]} : vector<10x256xf32> to vector<5x256xf32>
    %min3A_3169 = arith.minimumf %slice3A_3167, %slice3A_3168 : vector<5x256xf32>
    %reduce_min3A_3170 = arith.constant dense<0x7F800000> : vector<256xf32>
    %reduce_min3A_3171 = vector.multi_reduction <minimumf>, %min3A_3169, %reduce_min3A_3170 [0] : vector<5x256xf32> to vector<256xf32>
    %broadcast_in_dim3A_3172 = vector.shape_cast %reduce_min3A_3171 : vector<256xf32> to vector<1x256xf32>
    %eq3A_3173 = vector.broadcast %broadcast_in_dim3A_3172 : vector<1x256xf32> to vector<160x256xf32>
    %eq3A_3174 = arith.cmpf oeq, %select_n3A_3148, %eq3A_3173 : vector<160x256xf32>
    %jit3A_3175 = arith.constant 1073741824 : i32
    %broadcast_in_dim3A_3176 = vector.broadcast %jit3A_3175 : i32 to vector<160x256xi32>
    %select_n3A_3177 = arith.select %eq3A_3174, %transpose3A_2788, %broadcast_in_dim3A_3176 : vector<160x256xi1>, vector<160x256xi32>
    %slice3A_3178 = vector.extract_strided_slice %select_n3A_3177 {offsets = [0, 0], sizes = [80, 256], strides = [1, 1]} : vector<160x256xi32> to vector<80x256xi32>
    %slice3A_3179 = vector.extract_strided_slice %select_n3A_3177 {offsets = [80, 0], sizes = [80, 256], strides = [1, 1]} : vector<160x256xi32> to vector<80x256xi32>
    %min3A_3180 = arith.minsi %slice3A_3178, %slice3A_3179 : vector<80x256xi32>
    %slice3A_3181 = vector.extract_strided_slice %min3A_3180 {offsets = [0, 0], sizes = [40, 256], strides = [1, 1]} : vector<80x256xi32> to vector<40x256xi32>
    %slice3A_3182 = vector.extract_strided_slice %min3A_3180 {offsets = [40, 0], sizes = [40, 256], strides = [1, 1]} : vector<80x256xi32> to vector<40x256xi32>
    %min3A_3183 = arith.minsi %slice3A_3181, %slice3A_3182 : vector<40x256xi32>
    %slice3A_3184 = vector.extract_strided_slice %min3A_3183 {offsets = [0, 0], sizes = [20, 256], strides = [1, 1]} : vector<40x256xi32> to vector<20x256xi32>
    %slice3A_3185 = vector.extract_strided_slice %min3A_3183 {offsets = [20, 0], sizes = [20, 256], strides = [1, 1]} : vector<40x256xi32> to vector<20x256xi32>
    %min3A_3186 = arith.minsi %slice3A_3184, %slice3A_3185 : vector<20x256xi32>
    %slice3A_3187 = vector.extract_strided_slice %min3A_3186 {offsets = [0, 0], sizes = [10, 256], strides = [1, 1]} : vector<20x256xi32> to vector<10x256xi32>
    %slice3A_3188 = vector.extract_strided_slice %min3A_3186 {offsets = [10, 0], sizes = [10, 256], strides = [1, 1]} : vector<20x256xi32> to vector<10x256xi32>
    %min3A_3189 = arith.minsi %slice3A_3187, %slice3A_3188 : vector<10x256xi32>
    %slice3A_3190 = vector.extract_strided_slice %min3A_3189 {offsets = [0, 0], sizes = [5, 256], strides = [1, 1]} : vector<10x256xi32> to vector<5x256xi32>
    %slice3A_3191 = vector.extract_strided_slice %min3A_3189 {offsets = [5, 0], sizes = [5, 256], strides = [1, 1]} : vector<10x256xi32> to vector<5x256xi32>
    %min3A_3192 = arith.minsi %slice3A_3190, %slice3A_3191 : vector<5x256xi32>
    %reduce_min3A_3193 = arith.constant dense<2147483647> : vector<256xi32>
    %reduce_min3A_3194 = vector.multi_reduction <minsi>, %min3A_3192, %reduce_min3A_3193 [0] : vector<5x256xi32> to vector<256xi32>
    %broadcast_in_dim3A_3195 = vector.shape_cast %reduce_min3A_3194 : vector<256xi32> to vector<1x256xi32>
    %eq3A_3196 = vector.broadcast %broadcast_in_dim3A_3195 : vector<1x256xi32> to vector<160x256xi32>
    %eq3A_3197 = arith.cmpi eq, %transpose3A_2788, %eq3A_3196 : vector<160x256xi32>
    %jit3A_3198 = arith.constant 0x7F800000 : f32
    %broadcast_in_dim3A_3199 = vector.broadcast %jit3A_3198 : f32 to vector<160x256xf32>
    %select_n3A_3200 = arith.select %eq3A_3197, %broadcast_in_dim3A_3199, %select_n3A_3148 : vector<160x256xi1>, vector<160x256xf32>
    %eq3A_3201 = arith.constant 7 : i32
    %eq3A_3202 = vector.broadcast %eq3A_3201 : i32 to vector<16x256xi32>
    %eq3A_3203 = arith.cmpi eq, %iota3A_186, %eq3A_3202 : vector<16x256xi32>
    %broadcast_in_dim3A_3204 = vector.shape_cast %broadcast_in_dim3A_3195 : vector<1x256xi32> to vector<1x256xi32>
    %broadcast_in_dim3A_3205 = vector.broadcast %broadcast_in_dim3A_3204 : vector<1x256xi32> to vector<16x256xi32>
    %select_n3A_3206 = arith.select %eq3A_3203, %broadcast_in_dim3A_3205, %select_n3A_3154 : vector<16x256xi1>, vector<16x256xi32>
    %slice3A_3207 = vector.extract_strided_slice %select_n3A_3200 {offsets = [0, 0], sizes = [80, 256], strides = [1, 1]} : vector<160x256xf32> to vector<80x256xf32>
    %slice3A_3208 = vector.extract_strided_slice %select_n3A_3200 {offsets = [80, 0], sizes = [80, 256], strides = [1, 1]} : vector<160x256xf32> to vector<80x256xf32>
    %min3A_3209 = arith.minimumf %slice3A_3207, %slice3A_3208 : vector<80x256xf32>
    %slice3A_3210 = vector.extract_strided_slice %min3A_3209 {offsets = [0, 0], sizes = [40, 256], strides = [1, 1]} : vector<80x256xf32> to vector<40x256xf32>
    %slice3A_3211 = vector.extract_strided_slice %min3A_3209 {offsets = [40, 0], sizes = [40, 256], strides = [1, 1]} : vector<80x256xf32> to vector<40x256xf32>
    %min3A_3212 = arith.minimumf %slice3A_3210, %slice3A_3211 : vector<40x256xf32>
    %slice3A_3213 = vector.extract_strided_slice %min3A_3212 {offsets = [0, 0], sizes = [20, 256], strides = [1, 1]} : vector<40x256xf32> to vector<20x256xf32>
    %slice3A_3214 = vector.extract_strided_slice %min3A_3212 {offsets = [20, 0], sizes = [20, 256], strides = [1, 1]} : vector<40x256xf32> to vector<20x256xf32>
    %min3A_3215 = arith.minimumf %slice3A_3213, %slice3A_3214 : vector<20x256xf32>
    %slice3A_3216 = vector.extract_strided_slice %min3A_3215 {offsets = [0, 0], sizes = [10, 256], strides = [1, 1]} : vector<20x256xf32> to vector<10x256xf32>
    %slice3A_3217 = vector.extract_strided_slice %min3A_3215 {offsets = [10, 0], sizes = [10, 256], strides = [1, 1]} : vector<20x256xf32> to vector<10x256xf32>
    %min3A_3218 = arith.minimumf %slice3A_3216, %slice3A_3217 : vector<10x256xf32>
    %slice3A_3219 = vector.extract_strided_slice %min3A_3218 {offsets = [0, 0], sizes = [5, 256], strides = [1, 1]} : vector<10x256xf32> to vector<5x256xf32>
    %slice3A_3220 = vector.extract_strided_slice %min3A_3218 {offsets = [5, 0], sizes = [5, 256], strides = [1, 1]} : vector<10x256xf32> to vector<5x256xf32>
    %min3A_3221 = arith.minimumf %slice3A_3219, %slice3A_3220 : vector<5x256xf32>
    %reduce_min3A_3222 = arith.constant dense<0x7F800000> : vector<256xf32>
    %reduce_min3A_3223 = vector.multi_reduction <minimumf>, %min3A_3221, %reduce_min3A_3222 [0] : vector<5x256xf32> to vector<256xf32>
    %broadcast_in_dim3A_3224 = vector.shape_cast %reduce_min3A_3223 : vector<256xf32> to vector<1x256xf32>
    %eq3A_3225 = vector.broadcast %broadcast_in_dim3A_3224 : vector<1x256xf32> to vector<160x256xf32>
    %eq3A_3226 = arith.cmpf oeq, %select_n3A_3200, %eq3A_3225 : vector<160x256xf32>
    %jit3A_3227 = arith.constant 1073741824 : i32
    %broadcast_in_dim3A_3228 = vector.broadcast %jit3A_3227 : i32 to vector<160x256xi32>
    %select_n3A_3229 = arith.select %eq3A_3226, %transpose3A_2788, %broadcast_in_dim3A_3228 : vector<160x256xi1>, vector<160x256xi32>
    %slice3A_3230 = vector.extract_strided_slice %select_n3A_3229 {offsets = [0, 0], sizes = [80, 256], strides = [1, 1]} : vector<160x256xi32> to vector<80x256xi32>
    %slice3A_3231 = vector.extract_strided_slice %select_n3A_3229 {offsets = [80, 0], sizes = [80, 256], strides = [1, 1]} : vector<160x256xi32> to vector<80x256xi32>
    %min3A_3232 = arith.minsi %slice3A_3230, %slice3A_3231 : vector<80x256xi32>
    %slice3A_3233 = vector.extract_strided_slice %min3A_3232 {offsets = [0, 0], sizes = [40, 256], strides = [1, 1]} : vector<80x256xi32> to vector<40x256xi32>
    %slice3A_3234 = vector.extract_strided_slice %min3A_3232 {offsets = [40, 0], sizes = [40, 256], strides = [1, 1]} : vector<80x256xi32> to vector<40x256xi32>
    %min3A_3235 = arith.minsi %slice3A_3233, %slice3A_3234 : vector<40x256xi32>
    %slice3A_3236 = vector.extract_strided_slice %min3A_3235 {offsets = [0, 0], sizes = [20, 256], strides = [1, 1]} : vector<40x256xi32> to vector<20x256xi32>
    %slice3A_3237 = vector.extract_strided_slice %min3A_3235 {offsets = [20, 0], sizes = [20, 256], strides = [1, 1]} : vector<40x256xi32> to vector<20x256xi32>
    %min3A_3238 = arith.minsi %slice3A_3236, %slice3A_3237 : vector<20x256xi32>
    %slice3A_3239 = vector.extract_strided_slice %min3A_3238 {offsets = [0, 0], sizes = [10, 256], strides = [1, 1]} : vector<20x256xi32> to vector<10x256xi32>
    %slice3A_3240 = vector.extract_strided_slice %min3A_3238 {offsets = [10, 0], sizes = [10, 256], strides = [1, 1]} : vector<20x256xi32> to vector<10x256xi32>
    %min3A_3241 = arith.minsi %slice3A_3239, %slice3A_3240 : vector<10x256xi32>
    %slice3A_3242 = vector.extract_strided_slice %min3A_3241 {offsets = [0, 0], sizes = [5, 256], strides = [1, 1]} : vector<10x256xi32> to vector<5x256xi32>
    %slice3A_3243 = vector.extract_strided_slice %min3A_3241 {offsets = [5, 0], sizes = [5, 256], strides = [1, 1]} : vector<10x256xi32> to vector<5x256xi32>
    %min3A_3244 = arith.minsi %slice3A_3242, %slice3A_3243 : vector<5x256xi32>
    %reduce_min3A_3245 = arith.constant dense<2147483647> : vector<256xi32>
    %reduce_min3A_3246 = vector.multi_reduction <minsi>, %min3A_3244, %reduce_min3A_3245 [0] : vector<5x256xi32> to vector<256xi32>
    %broadcast_in_dim3A_3247 = vector.shape_cast %reduce_min3A_3246 : vector<256xi32> to vector<1x256xi32>
    %eq3A_3248 = vector.broadcast %broadcast_in_dim3A_3247 : vector<1x256xi32> to vector<160x256xi32>
    %eq3A_3249 = arith.cmpi eq, %transpose3A_2788, %eq3A_3248 : vector<160x256xi32>
    %jit3A_3250 = arith.constant 0x7F800000 : f32
    %broadcast_in_dim3A_3251 = vector.broadcast %jit3A_3250 : f32 to vector<160x256xf32>
    %select_n3A_3252 = arith.select %eq3A_3249, %broadcast_in_dim3A_3251, %select_n3A_3200 : vector<160x256xi1>, vector<160x256xf32>
    %eq3A_3253 = arith.constant 8 : i32
    %eq3A_3254 = vector.broadcast %eq3A_3253 : i32 to vector<16x256xi32>
    %eq3A_3255 = arith.cmpi eq, %iota3A_186, %eq3A_3254 : vector<16x256xi32>
    %broadcast_in_dim3A_3256 = vector.shape_cast %broadcast_in_dim3A_3247 : vector<1x256xi32> to vector<1x256xi32>
    %broadcast_in_dim3A_3257 = vector.broadcast %broadcast_in_dim3A_3256 : vector<1x256xi32> to vector<16x256xi32>
    %select_n3A_3258 = arith.select %eq3A_3255, %broadcast_in_dim3A_3257, %select_n3A_3206 : vector<16x256xi1>, vector<16x256xi32>
    %slice3A_3259 = vector.extract_strided_slice %select_n3A_3252 {offsets = [0, 0], sizes = [80, 256], strides = [1, 1]} : vector<160x256xf32> to vector<80x256xf32>
    %slice3A_3260 = vector.extract_strided_slice %select_n3A_3252 {offsets = [80, 0], sizes = [80, 256], strides = [1, 1]} : vector<160x256xf32> to vector<80x256xf32>
    %min3A_3261 = arith.minimumf %slice3A_3259, %slice3A_3260 : vector<80x256xf32>
    %slice3A_3262 = vector.extract_strided_slice %min3A_3261 {offsets = [0, 0], sizes = [40, 256], strides = [1, 1]} : vector<80x256xf32> to vector<40x256xf32>
    %slice3A_3263 = vector.extract_strided_slice %min3A_3261 {offsets = [40, 0], sizes = [40, 256], strides = [1, 1]} : vector<80x256xf32> to vector<40x256xf32>
    %min3A_3264 = arith.minimumf %slice3A_3262, %slice3A_3263 : vector<40x256xf32>
    %slice3A_3265 = vector.extract_strided_slice %min3A_3264 {offsets = [0, 0], sizes = [20, 256], strides = [1, 1]} : vector<40x256xf32> to vector<20x256xf32>
    %slice3A_3266 = vector.extract_strided_slice %min3A_3264 {offsets = [20, 0], sizes = [20, 256], strides = [1, 1]} : vector<40x256xf32> to vector<20x256xf32>
    %min3A_3267 = arith.minimumf %slice3A_3265, %slice3A_3266 : vector<20x256xf32>
    %slice3A_3268 = vector.extract_strided_slice %min3A_3267 {offsets = [0, 0], sizes = [10, 256], strides = [1, 1]} : vector<20x256xf32> to vector<10x256xf32>
    %slice3A_3269 = vector.extract_strided_slice %min3A_3267 {offsets = [10, 0], sizes = [10, 256], strides = [1, 1]} : vector<20x256xf32> to vector<10x256xf32>
    %min3A_3270 = arith.minimumf %slice3A_3268, %slice3A_3269 : vector<10x256xf32>
    %slice3A_3271 = vector.extract_strided_slice %min3A_3270 {offsets = [0, 0], sizes = [5, 256], strides = [1, 1]} : vector<10x256xf32> to vector<5x256xf32>
    %slice3A_3272 = vector.extract_strided_slice %min3A_3270 {offsets = [5, 0], sizes = [5, 256], strides = [1, 1]} : vector<10x256xf32> to vector<5x256xf32>
    %min3A_3273 = arith.minimumf %slice3A_3271, %slice3A_3272 : vector<5x256xf32>
    %reduce_min3A_3274 = arith.constant dense<0x7F800000> : vector<256xf32>
    %reduce_min3A_3275 = vector.multi_reduction <minimumf>, %min3A_3273, %reduce_min3A_3274 [0] : vector<5x256xf32> to vector<256xf32>
    %broadcast_in_dim3A_3276 = vector.shape_cast %reduce_min3A_3275 : vector<256xf32> to vector<1x256xf32>
    %eq3A_3277 = vector.broadcast %broadcast_in_dim3A_3276 : vector<1x256xf32> to vector<160x256xf32>
    %eq3A_3278 = arith.cmpf oeq, %select_n3A_3252, %eq3A_3277 : vector<160x256xf32>
    %jit3A_3279 = arith.constant 1073741824 : i32
    %broadcast_in_dim3A_3280 = vector.broadcast %jit3A_3279 : i32 to vector<160x256xi32>
    %select_n3A_3281 = arith.select %eq3A_3278, %transpose3A_2788, %broadcast_in_dim3A_3280 : vector<160x256xi1>, vector<160x256xi32>
    %slice3A_3282 = vector.extract_strided_slice %select_n3A_3281 {offsets = [0, 0], sizes = [80, 256], strides = [1, 1]} : vector<160x256xi32> to vector<80x256xi32>
    %slice3A_3283 = vector.extract_strided_slice %select_n3A_3281 {offsets = [80, 0], sizes = [80, 256], strides = [1, 1]} : vector<160x256xi32> to vector<80x256xi32>
    %min3A_3284 = arith.minsi %slice3A_3282, %slice3A_3283 : vector<80x256xi32>
    %slice3A_3285 = vector.extract_strided_slice %min3A_3284 {offsets = [0, 0], sizes = [40, 256], strides = [1, 1]} : vector<80x256xi32> to vector<40x256xi32>
    %slice3A_3286 = vector.extract_strided_slice %min3A_3284 {offsets = [40, 0], sizes = [40, 256], strides = [1, 1]} : vector<80x256xi32> to vector<40x256xi32>
    %min3A_3287 = arith.minsi %slice3A_3285, %slice3A_3286 : vector<40x256xi32>
    %slice3A_3288 = vector.extract_strided_slice %min3A_3287 {offsets = [0, 0], sizes = [20, 256], strides = [1, 1]} : vector<40x256xi32> to vector<20x256xi32>
    %slice3A_3289 = vector.extract_strided_slice %min3A_3287 {offsets = [20, 0], sizes = [20, 256], strides = [1, 1]} : vector<40x256xi32> to vector<20x256xi32>
    %min3A_3290 = arith.minsi %slice3A_3288, %slice3A_3289 : vector<20x256xi32>
    %slice3A_3291 = vector.extract_strided_slice %min3A_3290 {offsets = [0, 0], sizes = [10, 256], strides = [1, 1]} : vector<20x256xi32> to vector<10x256xi32>
    %slice3A_3292 = vector.extract_strided_slice %min3A_3290 {offsets = [10, 0], sizes = [10, 256], strides = [1, 1]} : vector<20x256xi32> to vector<10x256xi32>
    %min3A_3293 = arith.minsi %slice3A_3291, %slice3A_3292 : vector<10x256xi32>
    %slice3A_3294 = vector.extract_strided_slice %min3A_3293 {offsets = [0, 0], sizes = [5, 256], strides = [1, 1]} : vector<10x256xi32> to vector<5x256xi32>
    %slice3A_3295 = vector.extract_strided_slice %min3A_3293 {offsets = [5, 0], sizes = [5, 256], strides = [1, 1]} : vector<10x256xi32> to vector<5x256xi32>
    %min3A_3296 = arith.minsi %slice3A_3294, %slice3A_3295 : vector<5x256xi32>
    %reduce_min3A_3297 = arith.constant dense<2147483647> : vector<256xi32>
    %reduce_min3A_3298 = vector.multi_reduction <minsi>, %min3A_3296, %reduce_min3A_3297 [0] : vector<5x256xi32> to vector<256xi32>
    %broadcast_in_dim3A_3299 = vector.shape_cast %reduce_min3A_3298 : vector<256xi32> to vector<1x256xi32>
    %eq3A_3300 = vector.broadcast %broadcast_in_dim3A_3299 : vector<1x256xi32> to vector<160x256xi32>
    %eq3A_3301 = arith.cmpi eq, %transpose3A_2788, %eq3A_3300 : vector<160x256xi32>
    %jit3A_3302 = arith.constant 0x7F800000 : f32
    %broadcast_in_dim3A_3303 = vector.broadcast %jit3A_3302 : f32 to vector<160x256xf32>
    %select_n3A_3304 = arith.select %eq3A_3301, %broadcast_in_dim3A_3303, %select_n3A_3252 : vector<160x256xi1>, vector<160x256xf32>
    %eq3A_3305 = arith.constant 9 : i32
    %eq3A_3306 = vector.broadcast %eq3A_3305 : i32 to vector<16x256xi32>
    %eq3A_3307 = arith.cmpi eq, %iota3A_186, %eq3A_3306 : vector<16x256xi32>
    %broadcast_in_dim3A_3308 = vector.shape_cast %broadcast_in_dim3A_3299 : vector<1x256xi32> to vector<1x256xi32>
    %broadcast_in_dim3A_3309 = vector.broadcast %broadcast_in_dim3A_3308 : vector<1x256xi32> to vector<16x256xi32>
    %select_n3A_3310 = arith.select %eq3A_3307, %broadcast_in_dim3A_3309, %select_n3A_3258 : vector<16x256xi1>, vector<16x256xi32>
    %slice3A_3311 = vector.extract_strided_slice %select_n3A_3304 {offsets = [0, 0], sizes = [80, 256], strides = [1, 1]} : vector<160x256xf32> to vector<80x256xf32>
    %slice3A_3312 = vector.extract_strided_slice %select_n3A_3304 {offsets = [80, 0], sizes = [80, 256], strides = [1, 1]} : vector<160x256xf32> to vector<80x256xf32>
    %min3A_3313 = arith.minimumf %slice3A_3311, %slice3A_3312 : vector<80x256xf32>
    %slice3A_3314 = vector.extract_strided_slice %min3A_3313 {offsets = [0, 0], sizes = [40, 256], strides = [1, 1]} : vector<80x256xf32> to vector<40x256xf32>
    %slice3A_3315 = vector.extract_strided_slice %min3A_3313 {offsets = [40, 0], sizes = [40, 256], strides = [1, 1]} : vector<80x256xf32> to vector<40x256xf32>
    %min3A_3316 = arith.minimumf %slice3A_3314, %slice3A_3315 : vector<40x256xf32>
    %slice3A_3317 = vector.extract_strided_slice %min3A_3316 {offsets = [0, 0], sizes = [20, 256], strides = [1, 1]} : vector<40x256xf32> to vector<20x256xf32>
    %slice3A_3318 = vector.extract_strided_slice %min3A_3316 {offsets = [20, 0], sizes = [20, 256], strides = [1, 1]} : vector<40x256xf32> to vector<20x256xf32>
    %min3A_3319 = arith.minimumf %slice3A_3317, %slice3A_3318 : vector<20x256xf32>
    %slice3A_3320 = vector.extract_strided_slice %min3A_3319 {offsets = [0, 0], sizes = [10, 256], strides = [1, 1]} : vector<20x256xf32> to vector<10x256xf32>
    %slice3A_3321 = vector.extract_strided_slice %min3A_3319 {offsets = [10, 0], sizes = [10, 256], strides = [1, 1]} : vector<20x256xf32> to vector<10x256xf32>
    %min3A_3322 = arith.minimumf %slice3A_3320, %slice3A_3321 : vector<10x256xf32>
    %slice3A_3323 = vector.extract_strided_slice %min3A_3322 {offsets = [0, 0], sizes = [5, 256], strides = [1, 1]} : vector<10x256xf32> to vector<5x256xf32>
    %slice3A_3324 = vector.extract_strided_slice %min3A_3322 {offsets = [5, 0], sizes = [5, 256], strides = [1, 1]} : vector<10x256xf32> to vector<5x256xf32>
    %min3A_3325 = arith.minimumf %slice3A_3323, %slice3A_3324 : vector<5x256xf32>
    %reduce_min3A_3326 = arith.constant dense<0x7F800000> : vector<256xf32>
    %reduce_min3A_3327 = vector.multi_reduction <minimumf>, %min3A_3325, %reduce_min3A_3326 [0] : vector<5x256xf32> to vector<256xf32>
    %broadcast_in_dim3A_3328 = vector.shape_cast %reduce_min3A_3327 : vector<256xf32> to vector<1x256xf32>
    %eq3A_3329 = vector.broadcast %broadcast_in_dim3A_3328 : vector<1x256xf32> to vector<160x256xf32>
    %eq3A_3330 = arith.cmpf oeq, %select_n3A_3304, %eq3A_3329 : vector<160x256xf32>
    %jit3A_3331 = arith.constant 1073741824 : i32
    %broadcast_in_dim3A_3332 = vector.broadcast %jit3A_3331 : i32 to vector<160x256xi32>
    %select_n3A_3333 = arith.select %eq3A_3330, %transpose3A_2788, %broadcast_in_dim3A_3332 : vector<160x256xi1>, vector<160x256xi32>
    %slice3A_3334 = vector.extract_strided_slice %select_n3A_3333 {offsets = [0, 0], sizes = [80, 256], strides = [1, 1]} : vector<160x256xi32> to vector<80x256xi32>
    %slice3A_3335 = vector.extract_strided_slice %select_n3A_3333 {offsets = [80, 0], sizes = [80, 256], strides = [1, 1]} : vector<160x256xi32> to vector<80x256xi32>
    %min3A_3336 = arith.minsi %slice3A_3334, %slice3A_3335 : vector<80x256xi32>
    %slice3A_3337 = vector.extract_strided_slice %min3A_3336 {offsets = [0, 0], sizes = [40, 256], strides = [1, 1]} : vector<80x256xi32> to vector<40x256xi32>
    %slice3A_3338 = vector.extract_strided_slice %min3A_3336 {offsets = [40, 0], sizes = [40, 256], strides = [1, 1]} : vector<80x256xi32> to vector<40x256xi32>
    %min3A_3339 = arith.minsi %slice3A_3337, %slice3A_3338 : vector<40x256xi32>
    %slice3A_3340 = vector.extract_strided_slice %min3A_3339 {offsets = [0, 0], sizes = [20, 256], strides = [1, 1]} : vector<40x256xi32> to vector<20x256xi32>
    %slice3A_3341 = vector.extract_strided_slice %min3A_3339 {offsets = [20, 0], sizes = [20, 256], strides = [1, 1]} : vector<40x256xi32> to vector<20x256xi32>
    %min3A_3342 = arith.minsi %slice3A_3340, %slice3A_3341 : vector<20x256xi32>
    %slice3A_3343 = vector.extract_strided_slice %min3A_3342 {offsets = [0, 0], sizes = [10, 256], strides = [1, 1]} : vector<20x256xi32> to vector<10x256xi32>
    %slice3A_3344 = vector.extract_strided_slice %min3A_3342 {offsets = [10, 0], sizes = [10, 256], strides = [1, 1]} : vector<20x256xi32> to vector<10x256xi32>
    %min3A_3345 = arith.minsi %slice3A_3343, %slice3A_3344 : vector<10x256xi32>
    %slice3A_3346 = vector.extract_strided_slice %min3A_3345 {offsets = [0, 0], sizes = [5, 256], strides = [1, 1]} : vector<10x256xi32> to vector<5x256xi32>
    %slice3A_3347 = vector.extract_strided_slice %min3A_3345 {offsets = [5, 0], sizes = [5, 256], strides = [1, 1]} : vector<10x256xi32> to vector<5x256xi32>
    %min3A_3348 = arith.minsi %slice3A_3346, %slice3A_3347 : vector<5x256xi32>
    %reduce_min3A_3349 = arith.constant dense<2147483647> : vector<256xi32>
    %reduce_min3A_3350 = vector.multi_reduction <minsi>, %min3A_3348, %reduce_min3A_3349 [0] : vector<5x256xi32> to vector<256xi32>
    %broadcast_in_dim3A_3351 = vector.shape_cast %reduce_min3A_3350 : vector<256xi32> to vector<1x256xi32>
    %eq3A_3352 = vector.broadcast %broadcast_in_dim3A_3351 : vector<1x256xi32> to vector<160x256xi32>
    %eq3A_3353 = arith.cmpi eq, %transpose3A_2788, %eq3A_3352 : vector<160x256xi32>
    %jit3A_3354 = arith.constant 0x7F800000 : f32
    %broadcast_in_dim3A_3355 = vector.broadcast %jit3A_3354 : f32 to vector<160x256xf32>
    %select_n3A_3356 = arith.select %eq3A_3353, %broadcast_in_dim3A_3355, %select_n3A_3304 : vector<160x256xi1>, vector<160x256xf32>
    %eq3A_3357 = arith.constant 10 : i32
    %eq3A_3358 = vector.broadcast %eq3A_3357 : i32 to vector<16x256xi32>
    %eq3A_3359 = arith.cmpi eq, %iota3A_186, %eq3A_3358 : vector<16x256xi32>
    %broadcast_in_dim3A_3360 = vector.shape_cast %broadcast_in_dim3A_3351 : vector<1x256xi32> to vector<1x256xi32>
    %broadcast_in_dim3A_3361 = vector.broadcast %broadcast_in_dim3A_3360 : vector<1x256xi32> to vector<16x256xi32>
    %select_n3A_3362 = arith.select %eq3A_3359, %broadcast_in_dim3A_3361, %select_n3A_3310 : vector<16x256xi1>, vector<16x256xi32>
    %slice3A_3363 = vector.extract_strided_slice %select_n3A_3356 {offsets = [0, 0], sizes = [80, 256], strides = [1, 1]} : vector<160x256xf32> to vector<80x256xf32>
    %slice3A_3364 = vector.extract_strided_slice %select_n3A_3356 {offsets = [80, 0], sizes = [80, 256], strides = [1, 1]} : vector<160x256xf32> to vector<80x256xf32>
    %min3A_3365 = arith.minimumf %slice3A_3363, %slice3A_3364 : vector<80x256xf32>
    %slice3A_3366 = vector.extract_strided_slice %min3A_3365 {offsets = [0, 0], sizes = [40, 256], strides = [1, 1]} : vector<80x256xf32> to vector<40x256xf32>
    %slice3A_3367 = vector.extract_strided_slice %min3A_3365 {offsets = [40, 0], sizes = [40, 256], strides = [1, 1]} : vector<80x256xf32> to vector<40x256xf32>
    %min3A_3368 = arith.minimumf %slice3A_3366, %slice3A_3367 : vector<40x256xf32>
    %slice3A_3369 = vector.extract_strided_slice %min3A_3368 {offsets = [0, 0], sizes = [20, 256], strides = [1, 1]} : vector<40x256xf32> to vector<20x256xf32>
    %slice3A_3370 = vector.extract_strided_slice %min3A_3368 {offsets = [20, 0], sizes = [20, 256], strides = [1, 1]} : vector<40x256xf32> to vector<20x256xf32>
    %min3A_3371 = arith.minimumf %slice3A_3369, %slice3A_3370 : vector<20x256xf32>
    %slice3A_3372 = vector.extract_strided_slice %min3A_3371 {offsets = [0, 0], sizes = [10, 256], strides = [1, 1]} : vector<20x256xf32> to vector<10x256xf32>
    %slice3A_3373 = vector.extract_strided_slice %min3A_3371 {offsets = [10, 0], sizes = [10, 256], strides = [1, 1]} : vector<20x256xf32> to vector<10x256xf32>
    %min3A_3374 = arith.minimumf %slice3A_3372, %slice3A_3373 : vector<10x256xf32>
    %slice3A_3375 = vector.extract_strided_slice %min3A_3374 {offsets = [0, 0], sizes = [5, 256], strides = [1, 1]} : vector<10x256xf32> to vector<5x256xf32>
    %slice3A_3376 = vector.extract_strided_slice %min3A_3374 {offsets = [5, 0], sizes = [5, 256], strides = [1, 1]} : vector<10x256xf32> to vector<5x256xf32>
    %min3A_3377 = arith.minimumf %slice3A_3375, %slice3A_3376 : vector<5x256xf32>
    %reduce_min3A_3378 = arith.constant dense<0x7F800000> : vector<256xf32>
    %reduce_min3A_3379 = vector.multi_reduction <minimumf>, %min3A_3377, %reduce_min3A_3378 [0] : vector<5x256xf32> to vector<256xf32>
    %broadcast_in_dim3A_3380 = vector.shape_cast %reduce_min3A_3379 : vector<256xf32> to vector<1x256xf32>
    %eq3A_3381 = vector.broadcast %broadcast_in_dim3A_3380 : vector<1x256xf32> to vector<160x256xf32>
    %eq3A_3382 = arith.cmpf oeq, %select_n3A_3356, %eq3A_3381 : vector<160x256xf32>
    %jit3A_3383 = arith.constant 1073741824 : i32
    %broadcast_in_dim3A_3384 = vector.broadcast %jit3A_3383 : i32 to vector<160x256xi32>
    %select_n3A_3385 = arith.select %eq3A_3382, %transpose3A_2788, %broadcast_in_dim3A_3384 : vector<160x256xi1>, vector<160x256xi32>
    %slice3A_3386 = vector.extract_strided_slice %select_n3A_3385 {offsets = [0, 0], sizes = [80, 256], strides = [1, 1]} : vector<160x256xi32> to vector<80x256xi32>
    %slice3A_3387 = vector.extract_strided_slice %select_n3A_3385 {offsets = [80, 0], sizes = [80, 256], strides = [1, 1]} : vector<160x256xi32> to vector<80x256xi32>
    %min3A_3388 = arith.minsi %slice3A_3386, %slice3A_3387 : vector<80x256xi32>
    %slice3A_3389 = vector.extract_strided_slice %min3A_3388 {offsets = [0, 0], sizes = [40, 256], strides = [1, 1]} : vector<80x256xi32> to vector<40x256xi32>
    %slice3A_3390 = vector.extract_strided_slice %min3A_3388 {offsets = [40, 0], sizes = [40, 256], strides = [1, 1]} : vector<80x256xi32> to vector<40x256xi32>
    %min3A_3391 = arith.minsi %slice3A_3389, %slice3A_3390 : vector<40x256xi32>
    %slice3A_3392 = vector.extract_strided_slice %min3A_3391 {offsets = [0, 0], sizes = [20, 256], strides = [1, 1]} : vector<40x256xi32> to vector<20x256xi32>
    %slice3A_3393 = vector.extract_strided_slice %min3A_3391 {offsets = [20, 0], sizes = [20, 256], strides = [1, 1]} : vector<40x256xi32> to vector<20x256xi32>
    %min3A_3394 = arith.minsi %slice3A_3392, %slice3A_3393 : vector<20x256xi32>
    %slice3A_3395 = vector.extract_strided_slice %min3A_3394 {offsets = [0, 0], sizes = [10, 256], strides = [1, 1]} : vector<20x256xi32> to vector<10x256xi32>
    %slice3A_3396 = vector.extract_strided_slice %min3A_3394 {offsets = [10, 0], sizes = [10, 256], strides = [1, 1]} : vector<20x256xi32> to vector<10x256xi32>
    %min3A_3397 = arith.minsi %slice3A_3395, %slice3A_3396 : vector<10x256xi32>
    %slice3A_3398 = vector.extract_strided_slice %min3A_3397 {offsets = [0, 0], sizes = [5, 256], strides = [1, 1]} : vector<10x256xi32> to vector<5x256xi32>
    %slice3A_3399 = vector.extract_strided_slice %min3A_3397 {offsets = [5, 0], sizes = [5, 256], strides = [1, 1]} : vector<10x256xi32> to vector<5x256xi32>
    %min3A_3400 = arith.minsi %slice3A_3398, %slice3A_3399 : vector<5x256xi32>
    %reduce_min3A_3401 = arith.constant dense<2147483647> : vector<256xi32>
    %reduce_min3A_3402 = vector.multi_reduction <minsi>, %min3A_3400, %reduce_min3A_3401 [0] : vector<5x256xi32> to vector<256xi32>
    %broadcast_in_dim3A_3403 = vector.shape_cast %reduce_min3A_3402 : vector<256xi32> to vector<1x256xi32>
    %eq3A_3404 = vector.broadcast %broadcast_in_dim3A_3403 : vector<1x256xi32> to vector<160x256xi32>
    %eq3A_3405 = arith.cmpi eq, %transpose3A_2788, %eq3A_3404 : vector<160x256xi32>
    %jit3A_3406 = arith.constant 0x7F800000 : f32
    %broadcast_in_dim3A_3407 = vector.broadcast %jit3A_3406 : f32 to vector<160x256xf32>
    %select_n3A_3408 = arith.select %eq3A_3405, %broadcast_in_dim3A_3407, %select_n3A_3356 : vector<160x256xi1>, vector<160x256xf32>
    %eq3A_3409 = arith.constant 11 : i32
    %eq3A_3410 = vector.broadcast %eq3A_3409 : i32 to vector<16x256xi32>
    %eq3A_3411 = arith.cmpi eq, %iota3A_186, %eq3A_3410 : vector<16x256xi32>
    %broadcast_in_dim3A_3412 = vector.shape_cast %broadcast_in_dim3A_3403 : vector<1x256xi32> to vector<1x256xi32>
    %broadcast_in_dim3A_3413 = vector.broadcast %broadcast_in_dim3A_3412 : vector<1x256xi32> to vector<16x256xi32>
    %select_n3A_3414 = arith.select %eq3A_3411, %broadcast_in_dim3A_3413, %select_n3A_3362 : vector<16x256xi1>, vector<16x256xi32>
    %slice3A_3415 = vector.extract_strided_slice %select_n3A_3408 {offsets = [0, 0], sizes = [80, 256], strides = [1, 1]} : vector<160x256xf32> to vector<80x256xf32>
    %slice3A_3416 = vector.extract_strided_slice %select_n3A_3408 {offsets = [80, 0], sizes = [80, 256], strides = [1, 1]} : vector<160x256xf32> to vector<80x256xf32>
    %min3A_3417 = arith.minimumf %slice3A_3415, %slice3A_3416 : vector<80x256xf32>
    %slice3A_3418 = vector.extract_strided_slice %min3A_3417 {offsets = [0, 0], sizes = [40, 256], strides = [1, 1]} : vector<80x256xf32> to vector<40x256xf32>
    %slice3A_3419 = vector.extract_strided_slice %min3A_3417 {offsets = [40, 0], sizes = [40, 256], strides = [1, 1]} : vector<80x256xf32> to vector<40x256xf32>
    %min3A_3420 = arith.minimumf %slice3A_3418, %slice3A_3419 : vector<40x256xf32>
    %slice3A_3421 = vector.extract_strided_slice %min3A_3420 {offsets = [0, 0], sizes = [20, 256], strides = [1, 1]} : vector<40x256xf32> to vector<20x256xf32>
    %slice3A_3422 = vector.extract_strided_slice %min3A_3420 {offsets = [20, 0], sizes = [20, 256], strides = [1, 1]} : vector<40x256xf32> to vector<20x256xf32>
    %min3A_3423 = arith.minimumf %slice3A_3421, %slice3A_3422 : vector<20x256xf32>
    %slice3A_3424 = vector.extract_strided_slice %min3A_3423 {offsets = [0, 0], sizes = [10, 256], strides = [1, 1]} : vector<20x256xf32> to vector<10x256xf32>
    %slice3A_3425 = vector.extract_strided_slice %min3A_3423 {offsets = [10, 0], sizes = [10, 256], strides = [1, 1]} : vector<20x256xf32> to vector<10x256xf32>
    %min3A_3426 = arith.minimumf %slice3A_3424, %slice3A_3425 : vector<10x256xf32>
    %slice3A_3427 = vector.extract_strided_slice %min3A_3426 {offsets = [0, 0], sizes = [5, 256], strides = [1, 1]} : vector<10x256xf32> to vector<5x256xf32>
    %slice3A_3428 = vector.extract_strided_slice %min3A_3426 {offsets = [5, 0], sizes = [5, 256], strides = [1, 1]} : vector<10x256xf32> to vector<5x256xf32>
    %min3A_3429 = arith.minimumf %slice3A_3427, %slice3A_3428 : vector<5x256xf32>
    %reduce_min3A_3430 = arith.constant dense<0x7F800000> : vector<256xf32>
    %reduce_min3A_3431 = vector.multi_reduction <minimumf>, %min3A_3429, %reduce_min3A_3430 [0] : vector<5x256xf32> to vector<256xf32>
    %broadcast_in_dim3A_3432 = vector.shape_cast %reduce_min3A_3431 : vector<256xf32> to vector<1x256xf32>
    %eq3A_3433 = vector.broadcast %broadcast_in_dim3A_3432 : vector<1x256xf32> to vector<160x256xf32>
    %eq3A_3434 = arith.cmpf oeq, %select_n3A_3408, %eq3A_3433 : vector<160x256xf32>
    %jit3A_3435 = arith.constant 1073741824 : i32
    %broadcast_in_dim3A_3436 = vector.broadcast %jit3A_3435 : i32 to vector<160x256xi32>
    %select_n3A_3437 = arith.select %eq3A_3434, %transpose3A_2788, %broadcast_in_dim3A_3436 : vector<160x256xi1>, vector<160x256xi32>
    %slice3A_3438 = vector.extract_strided_slice %select_n3A_3437 {offsets = [0, 0], sizes = [80, 256], strides = [1, 1]} : vector<160x256xi32> to vector<80x256xi32>
    %slice3A_3439 = vector.extract_strided_slice %select_n3A_3437 {offsets = [80, 0], sizes = [80, 256], strides = [1, 1]} : vector<160x256xi32> to vector<80x256xi32>
    %min3A_3440 = arith.minsi %slice3A_3438, %slice3A_3439 : vector<80x256xi32>
    %slice3A_3441 = vector.extract_strided_slice %min3A_3440 {offsets = [0, 0], sizes = [40, 256], strides = [1, 1]} : vector<80x256xi32> to vector<40x256xi32>
    %slice3A_3442 = vector.extract_strided_slice %min3A_3440 {offsets = [40, 0], sizes = [40, 256], strides = [1, 1]} : vector<80x256xi32> to vector<40x256xi32>
    %min3A_3443 = arith.minsi %slice3A_3441, %slice3A_3442 : vector<40x256xi32>
    %slice3A_3444 = vector.extract_strided_slice %min3A_3443 {offsets = [0, 0], sizes = [20, 256], strides = [1, 1]} : vector<40x256xi32> to vector<20x256xi32>
    %slice3A_3445 = vector.extract_strided_slice %min3A_3443 {offsets = [20, 0], sizes = [20, 256], strides = [1, 1]} : vector<40x256xi32> to vector<20x256xi32>
    %min3A_3446 = arith.minsi %slice3A_3444, %slice3A_3445 : vector<20x256xi32>
    %slice3A_3447 = vector.extract_strided_slice %min3A_3446 {offsets = [0, 0], sizes = [10, 256], strides = [1, 1]} : vector<20x256xi32> to vector<10x256xi32>
    %slice3A_3448 = vector.extract_strided_slice %min3A_3446 {offsets = [10, 0], sizes = [10, 256], strides = [1, 1]} : vector<20x256xi32> to vector<10x256xi32>
    %min3A_3449 = arith.minsi %slice3A_3447, %slice3A_3448 : vector<10x256xi32>
    %slice3A_3450 = vector.extract_strided_slice %min3A_3449 {offsets = [0, 0], sizes = [5, 256], strides = [1, 1]} : vector<10x256xi32> to vector<5x256xi32>
    %slice3A_3451 = vector.extract_strided_slice %min3A_3449 {offsets = [5, 0], sizes = [5, 256], strides = [1, 1]} : vector<10x256xi32> to vector<5x256xi32>
    %min3A_3452 = arith.minsi %slice3A_3450, %slice3A_3451 : vector<5x256xi32>
    %reduce_min3A_3453 = arith.constant dense<2147483647> : vector<256xi32>
    %reduce_min3A_3454 = vector.multi_reduction <minsi>, %min3A_3452, %reduce_min3A_3453 [0] : vector<5x256xi32> to vector<256xi32>
    %broadcast_in_dim3A_3455 = vector.shape_cast %reduce_min3A_3454 : vector<256xi32> to vector<1x256xi32>
    %eq3A_3456 = vector.broadcast %broadcast_in_dim3A_3455 : vector<1x256xi32> to vector<160x256xi32>
    %eq3A_3457 = arith.cmpi eq, %transpose3A_2788, %eq3A_3456 : vector<160x256xi32>
    %jit3A_3458 = arith.constant 0x7F800000 : f32
    %broadcast_in_dim3A_3459 = vector.broadcast %jit3A_3458 : f32 to vector<160x256xf32>
    %select_n3A_3460 = arith.select %eq3A_3457, %broadcast_in_dim3A_3459, %select_n3A_3408 : vector<160x256xi1>, vector<160x256xf32>
    %eq3A_3461 = arith.constant 12 : i32
    %eq3A_3462 = vector.broadcast %eq3A_3461 : i32 to vector<16x256xi32>
    %eq3A_3463 = arith.cmpi eq, %iota3A_186, %eq3A_3462 : vector<16x256xi32>
    %broadcast_in_dim3A_3464 = vector.shape_cast %broadcast_in_dim3A_3455 : vector<1x256xi32> to vector<1x256xi32>
    %broadcast_in_dim3A_3465 = vector.broadcast %broadcast_in_dim3A_3464 : vector<1x256xi32> to vector<16x256xi32>
    %select_n3A_3466 = arith.select %eq3A_3463, %broadcast_in_dim3A_3465, %select_n3A_3414 : vector<16x256xi1>, vector<16x256xi32>
    %slice3A_3467 = vector.extract_strided_slice %select_n3A_3460 {offsets = [0, 0], sizes = [80, 256], strides = [1, 1]} : vector<160x256xf32> to vector<80x256xf32>
    %slice3A_3468 = vector.extract_strided_slice %select_n3A_3460 {offsets = [80, 0], sizes = [80, 256], strides = [1, 1]} : vector<160x256xf32> to vector<80x256xf32>
    %min3A_3469 = arith.minimumf %slice3A_3467, %slice3A_3468 : vector<80x256xf32>
    %slice3A_3470 = vector.extract_strided_slice %min3A_3469 {offsets = [0, 0], sizes = [40, 256], strides = [1, 1]} : vector<80x256xf32> to vector<40x256xf32>
    %slice3A_3471 = vector.extract_strided_slice %min3A_3469 {offsets = [40, 0], sizes = [40, 256], strides = [1, 1]} : vector<80x256xf32> to vector<40x256xf32>
    %min3A_3472 = arith.minimumf %slice3A_3470, %slice3A_3471 : vector<40x256xf32>
    %slice3A_3473 = vector.extract_strided_slice %min3A_3472 {offsets = [0, 0], sizes = [20, 256], strides = [1, 1]} : vector<40x256xf32> to vector<20x256xf32>
    %slice3A_3474 = vector.extract_strided_slice %min3A_3472 {offsets = [20, 0], sizes = [20, 256], strides = [1, 1]} : vector<40x256xf32> to vector<20x256xf32>
    %min3A_3475 = arith.minimumf %slice3A_3473, %slice3A_3474 : vector<20x256xf32>
    %slice3A_3476 = vector.extract_strided_slice %min3A_3475 {offsets = [0, 0], sizes = [10, 256], strides = [1, 1]} : vector<20x256xf32> to vector<10x256xf32>
    %slice3A_3477 = vector.extract_strided_slice %min3A_3475 {offsets = [10, 0], sizes = [10, 256], strides = [1, 1]} : vector<20x256xf32> to vector<10x256xf32>
    %min3A_3478 = arith.minimumf %slice3A_3476, %slice3A_3477 : vector<10x256xf32>
    %slice3A_3479 = vector.extract_strided_slice %min3A_3478 {offsets = [0, 0], sizes = [5, 256], strides = [1, 1]} : vector<10x256xf32> to vector<5x256xf32>
    %slice3A_3480 = vector.extract_strided_slice %min3A_3478 {offsets = [5, 0], sizes = [5, 256], strides = [1, 1]} : vector<10x256xf32> to vector<5x256xf32>
    %min3A_3481 = arith.minimumf %slice3A_3479, %slice3A_3480 : vector<5x256xf32>
    %reduce_min3A_3482 = arith.constant dense<0x7F800000> : vector<256xf32>
    %reduce_min3A_3483 = vector.multi_reduction <minimumf>, %min3A_3481, %reduce_min3A_3482 [0] : vector<5x256xf32> to vector<256xf32>
    %broadcast_in_dim3A_3484 = vector.shape_cast %reduce_min3A_3483 : vector<256xf32> to vector<1x256xf32>
    %eq3A_3485 = vector.broadcast %broadcast_in_dim3A_3484 : vector<1x256xf32> to vector<160x256xf32>
    %eq3A_3486 = arith.cmpf oeq, %select_n3A_3460, %eq3A_3485 : vector<160x256xf32>
    %jit3A_3487 = arith.constant 1073741824 : i32
    %broadcast_in_dim3A_3488 = vector.broadcast %jit3A_3487 : i32 to vector<160x256xi32>
    %select_n3A_3489 = arith.select %eq3A_3486, %transpose3A_2788, %broadcast_in_dim3A_3488 : vector<160x256xi1>, vector<160x256xi32>
    %slice3A_3490 = vector.extract_strided_slice %select_n3A_3489 {offsets = [0, 0], sizes = [80, 256], strides = [1, 1]} : vector<160x256xi32> to vector<80x256xi32>
    %slice3A_3491 = vector.extract_strided_slice %select_n3A_3489 {offsets = [80, 0], sizes = [80, 256], strides = [1, 1]} : vector<160x256xi32> to vector<80x256xi32>
    %min3A_3492 = arith.minsi %slice3A_3490, %slice3A_3491 : vector<80x256xi32>
    %slice3A_3493 = vector.extract_strided_slice %min3A_3492 {offsets = [0, 0], sizes = [40, 256], strides = [1, 1]} : vector<80x256xi32> to vector<40x256xi32>
    %slice3A_3494 = vector.extract_strided_slice %min3A_3492 {offsets = [40, 0], sizes = [40, 256], strides = [1, 1]} : vector<80x256xi32> to vector<40x256xi32>
    %min3A_3495 = arith.minsi %slice3A_3493, %slice3A_3494 : vector<40x256xi32>
    %slice3A_3496 = vector.extract_strided_slice %min3A_3495 {offsets = [0, 0], sizes = [20, 256], strides = [1, 1]} : vector<40x256xi32> to vector<20x256xi32>
    %slice3A_3497 = vector.extract_strided_slice %min3A_3495 {offsets = [20, 0], sizes = [20, 256], strides = [1, 1]} : vector<40x256xi32> to vector<20x256xi32>
    %min3A_3498 = arith.minsi %slice3A_3496, %slice3A_3497 : vector<20x256xi32>
    %slice3A_3499 = vector.extract_strided_slice %min3A_3498 {offsets = [0, 0], sizes = [10, 256], strides = [1, 1]} : vector<20x256xi32> to vector<10x256xi32>
    %slice3A_3500 = vector.extract_strided_slice %min3A_3498 {offsets = [10, 0], sizes = [10, 256], strides = [1, 1]} : vector<20x256xi32> to vector<10x256xi32>
    %min3A_3501 = arith.minsi %slice3A_3499, %slice3A_3500 : vector<10x256xi32>
    %slice3A_3502 = vector.extract_strided_slice %min3A_3501 {offsets = [0, 0], sizes = [5, 256], strides = [1, 1]} : vector<10x256xi32> to vector<5x256xi32>
    %slice3A_3503 = vector.extract_strided_slice %min3A_3501 {offsets = [5, 0], sizes = [5, 256], strides = [1, 1]} : vector<10x256xi32> to vector<5x256xi32>
    %min3A_3504 = arith.minsi %slice3A_3502, %slice3A_3503 : vector<5x256xi32>
    %reduce_min3A_3505 = arith.constant dense<2147483647> : vector<256xi32>
    %reduce_min3A_3506 = vector.multi_reduction <minsi>, %min3A_3504, %reduce_min3A_3505 [0] : vector<5x256xi32> to vector<256xi32>
    %broadcast_in_dim3A_3507 = vector.shape_cast %reduce_min3A_3506 : vector<256xi32> to vector<1x256xi32>
    %eq3A_3508 = vector.broadcast %broadcast_in_dim3A_3507 : vector<1x256xi32> to vector<160x256xi32>
    %eq3A_3509 = arith.cmpi eq, %transpose3A_2788, %eq3A_3508 : vector<160x256xi32>
    %jit3A_3510 = arith.constant 0x7F800000 : f32
    %broadcast_in_dim3A_3511 = vector.broadcast %jit3A_3510 : f32 to vector<160x256xf32>
    %select_n3A_3512 = arith.select %eq3A_3509, %broadcast_in_dim3A_3511, %select_n3A_3460 : vector<160x256xi1>, vector<160x256xf32>
    %eq3A_3513 = arith.constant 13 : i32
    %eq3A_3514 = vector.broadcast %eq3A_3513 : i32 to vector<16x256xi32>
    %eq3A_3515 = arith.cmpi eq, %iota3A_186, %eq3A_3514 : vector<16x256xi32>
    %broadcast_in_dim3A_3516 = vector.shape_cast %broadcast_in_dim3A_3507 : vector<1x256xi32> to vector<1x256xi32>
    %broadcast_in_dim3A_3517 = vector.broadcast %broadcast_in_dim3A_3516 : vector<1x256xi32> to vector<16x256xi32>
    %select_n3A_3518 = arith.select %eq3A_3515, %broadcast_in_dim3A_3517, %select_n3A_3466 : vector<16x256xi1>, vector<16x256xi32>
    %slice3A_3519 = vector.extract_strided_slice %select_n3A_3512 {offsets = [0, 0], sizes = [80, 256], strides = [1, 1]} : vector<160x256xf32> to vector<80x256xf32>
    %slice3A_3520 = vector.extract_strided_slice %select_n3A_3512 {offsets = [80, 0], sizes = [80, 256], strides = [1, 1]} : vector<160x256xf32> to vector<80x256xf32>
    %min3A_3521 = arith.minimumf %slice3A_3519, %slice3A_3520 : vector<80x256xf32>
    %slice3A_3522 = vector.extract_strided_slice %min3A_3521 {offsets = [0, 0], sizes = [40, 256], strides = [1, 1]} : vector<80x256xf32> to vector<40x256xf32>
    %slice3A_3523 = vector.extract_strided_slice %min3A_3521 {offsets = [40, 0], sizes = [40, 256], strides = [1, 1]} : vector<80x256xf32> to vector<40x256xf32>
    %min3A_3524 = arith.minimumf %slice3A_3522, %slice3A_3523 : vector<40x256xf32>
    %slice3A_3525 = vector.extract_strided_slice %min3A_3524 {offsets = [0, 0], sizes = [20, 256], strides = [1, 1]} : vector<40x256xf32> to vector<20x256xf32>
    %slice3A_3526 = vector.extract_strided_slice %min3A_3524 {offsets = [20, 0], sizes = [20, 256], strides = [1, 1]} : vector<40x256xf32> to vector<20x256xf32>
    %min3A_3527 = arith.minimumf %slice3A_3525, %slice3A_3526 : vector<20x256xf32>
    %slice3A_3528 = vector.extract_strided_slice %min3A_3527 {offsets = [0, 0], sizes = [10, 256], strides = [1, 1]} : vector<20x256xf32> to vector<10x256xf32>
    %slice3A_3529 = vector.extract_strided_slice %min3A_3527 {offsets = [10, 0], sizes = [10, 256], strides = [1, 1]} : vector<20x256xf32> to vector<10x256xf32>
    %min3A_3530 = arith.minimumf %slice3A_3528, %slice3A_3529 : vector<10x256xf32>
    %slice3A_3531 = vector.extract_strided_slice %min3A_3530 {offsets = [0, 0], sizes = [5, 256], strides = [1, 1]} : vector<10x256xf32> to vector<5x256xf32>
    %slice3A_3532 = vector.extract_strided_slice %min3A_3530 {offsets = [5, 0], sizes = [5, 256], strides = [1, 1]} : vector<10x256xf32> to vector<5x256xf32>
    %min3A_3533 = arith.minimumf %slice3A_3531, %slice3A_3532 : vector<5x256xf32>
    %reduce_min3A_3534 = arith.constant dense<0x7F800000> : vector<256xf32>
    %reduce_min3A_3535 = vector.multi_reduction <minimumf>, %min3A_3533, %reduce_min3A_3534 [0] : vector<5x256xf32> to vector<256xf32>
    %broadcast_in_dim3A_3536 = vector.shape_cast %reduce_min3A_3535 : vector<256xf32> to vector<1x256xf32>
    %eq3A_3537 = vector.broadcast %broadcast_in_dim3A_3536 : vector<1x256xf32> to vector<160x256xf32>
    %eq3A_3538 = arith.cmpf oeq, %select_n3A_3512, %eq3A_3537 : vector<160x256xf32>
    %jit3A_3539 = arith.constant 1073741824 : i32
    %broadcast_in_dim3A_3540 = vector.broadcast %jit3A_3539 : i32 to vector<160x256xi32>
    %select_n3A_3541 = arith.select %eq3A_3538, %transpose3A_2788, %broadcast_in_dim3A_3540 : vector<160x256xi1>, vector<160x256xi32>
    %slice3A_3542 = vector.extract_strided_slice %select_n3A_3541 {offsets = [0, 0], sizes = [80, 256], strides = [1, 1]} : vector<160x256xi32> to vector<80x256xi32>
    %slice3A_3543 = vector.extract_strided_slice %select_n3A_3541 {offsets = [80, 0], sizes = [80, 256], strides = [1, 1]} : vector<160x256xi32> to vector<80x256xi32>
    %min3A_3544 = arith.minsi %slice3A_3542, %slice3A_3543 : vector<80x256xi32>
    %slice3A_3545 = vector.extract_strided_slice %min3A_3544 {offsets = [0, 0], sizes = [40, 256], strides = [1, 1]} : vector<80x256xi32> to vector<40x256xi32>
    %slice3A_3546 = vector.extract_strided_slice %min3A_3544 {offsets = [40, 0], sizes = [40, 256], strides = [1, 1]} : vector<80x256xi32> to vector<40x256xi32>
    %min3A_3547 = arith.minsi %slice3A_3545, %slice3A_3546 : vector<40x256xi32>
    %slice3A_3548 = vector.extract_strided_slice %min3A_3547 {offsets = [0, 0], sizes = [20, 256], strides = [1, 1]} : vector<40x256xi32> to vector<20x256xi32>
    %slice3A_3549 = vector.extract_strided_slice %min3A_3547 {offsets = [20, 0], sizes = [20, 256], strides = [1, 1]} : vector<40x256xi32> to vector<20x256xi32>
    %min3A_3550 = arith.minsi %slice3A_3548, %slice3A_3549 : vector<20x256xi32>
    %slice3A_3551 = vector.extract_strided_slice %min3A_3550 {offsets = [0, 0], sizes = [10, 256], strides = [1, 1]} : vector<20x256xi32> to vector<10x256xi32>
    %slice3A_3552 = vector.extract_strided_slice %min3A_3550 {offsets = [10, 0], sizes = [10, 256], strides = [1, 1]} : vector<20x256xi32> to vector<10x256xi32>
    %min3A_3553 = arith.minsi %slice3A_3551, %slice3A_3552 : vector<10x256xi32>
    %slice3A_3554 = vector.extract_strided_slice %min3A_3553 {offsets = [0, 0], sizes = [5, 256], strides = [1, 1]} : vector<10x256xi32> to vector<5x256xi32>
    %slice3A_3555 = vector.extract_strided_slice %min3A_3553 {offsets = [5, 0], sizes = [5, 256], strides = [1, 1]} : vector<10x256xi32> to vector<5x256xi32>
    %min3A_3556 = arith.minsi %slice3A_3554, %slice3A_3555 : vector<5x256xi32>
    %reduce_min3A_3557 = arith.constant dense<2147483647> : vector<256xi32>
    %reduce_min3A_3558 = vector.multi_reduction <minsi>, %min3A_3556, %reduce_min3A_3557 [0] : vector<5x256xi32> to vector<256xi32>
    %broadcast_in_dim3A_3559 = vector.shape_cast %reduce_min3A_3558 : vector<256xi32> to vector<1x256xi32>
    %eq3A_3560 = vector.broadcast %broadcast_in_dim3A_3559 : vector<1x256xi32> to vector<160x256xi32>
    %eq3A_3561 = arith.cmpi eq, %transpose3A_2788, %eq3A_3560 : vector<160x256xi32>
    %jit3A_3562 = arith.constant 0x7F800000 : f32
    %broadcast_in_dim3A_3563 = vector.broadcast %jit3A_3562 : f32 to vector<160x256xf32>
    %select_n3A_3564 = arith.select %eq3A_3561, %broadcast_in_dim3A_3563, %select_n3A_3512 : vector<160x256xi1>, vector<160x256xf32>
    %eq3A_3565 = arith.constant 14 : i32
    %eq3A_3566 = vector.broadcast %eq3A_3565 : i32 to vector<16x256xi32>
    %eq3A_3567 = arith.cmpi eq, %iota3A_186, %eq3A_3566 : vector<16x256xi32>
    %broadcast_in_dim3A_3568 = vector.shape_cast %broadcast_in_dim3A_3559 : vector<1x256xi32> to vector<1x256xi32>
    %broadcast_in_dim3A_3569 = vector.broadcast %broadcast_in_dim3A_3568 : vector<1x256xi32> to vector<16x256xi32>
    %select_n3A_3570 = arith.select %eq3A_3567, %broadcast_in_dim3A_3569, %select_n3A_3518 : vector<16x256xi1>, vector<16x256xi32>
    %slice3A_3571 = vector.extract_strided_slice %select_n3A_3564 {offsets = [0, 0], sizes = [80, 256], strides = [1, 1]} : vector<160x256xf32> to vector<80x256xf32>
    %slice3A_3572 = vector.extract_strided_slice %select_n3A_3564 {offsets = [80, 0], sizes = [80, 256], strides = [1, 1]} : vector<160x256xf32> to vector<80x256xf32>
    %min3A_3573 = arith.minimumf %slice3A_3571, %slice3A_3572 : vector<80x256xf32>
    %slice3A_3574 = vector.extract_strided_slice %min3A_3573 {offsets = [0, 0], sizes = [40, 256], strides = [1, 1]} : vector<80x256xf32> to vector<40x256xf32>
    %slice3A_3575 = vector.extract_strided_slice %min3A_3573 {offsets = [40, 0], sizes = [40, 256], strides = [1, 1]} : vector<80x256xf32> to vector<40x256xf32>
    %min3A_3576 = arith.minimumf %slice3A_3574, %slice3A_3575 : vector<40x256xf32>
    %slice3A_3577 = vector.extract_strided_slice %min3A_3576 {offsets = [0, 0], sizes = [20, 256], strides = [1, 1]} : vector<40x256xf32> to vector<20x256xf32>
    %slice3A_3578 = vector.extract_strided_slice %min3A_3576 {offsets = [20, 0], sizes = [20, 256], strides = [1, 1]} : vector<40x256xf32> to vector<20x256xf32>
    %min3A_3579 = arith.minimumf %slice3A_3577, %slice3A_3578 : vector<20x256xf32>
    %slice3A_3580 = vector.extract_strided_slice %min3A_3579 {offsets = [0, 0], sizes = [10, 256], strides = [1, 1]} : vector<20x256xf32> to vector<10x256xf32>
    %slice3A_3581 = vector.extract_strided_slice %min3A_3579 {offsets = [10, 0], sizes = [10, 256], strides = [1, 1]} : vector<20x256xf32> to vector<10x256xf32>
    %min3A_3582 = arith.minimumf %slice3A_3580, %slice3A_3581 : vector<10x256xf32>
    %slice3A_3583 = vector.extract_strided_slice %min3A_3582 {offsets = [0, 0], sizes = [5, 256], strides = [1, 1]} : vector<10x256xf32> to vector<5x256xf32>
    %slice3A_3584 = vector.extract_strided_slice %min3A_3582 {offsets = [5, 0], sizes = [5, 256], strides = [1, 1]} : vector<10x256xf32> to vector<5x256xf32>
    %min3A_3585 = arith.minimumf %slice3A_3583, %slice3A_3584 : vector<5x256xf32>
    %reduce_min3A_3586 = arith.constant dense<0x7F800000> : vector<256xf32>
    %reduce_min3A_3587 = vector.multi_reduction <minimumf>, %min3A_3585, %reduce_min3A_3586 [0] : vector<5x256xf32> to vector<256xf32>
    %broadcast_in_dim3A_3588 = vector.shape_cast %reduce_min3A_3587 : vector<256xf32> to vector<1x256xf32>
    %eq3A_3589 = vector.broadcast %broadcast_in_dim3A_3588 : vector<1x256xf32> to vector<160x256xf32>
    %eq3A_3590 = arith.cmpf oeq, %select_n3A_3564, %eq3A_3589 : vector<160x256xf32>
    %jit3A_3591 = arith.constant 1073741824 : i32
    %broadcast_in_dim3A_3592 = vector.broadcast %jit3A_3591 : i32 to vector<160x256xi32>
    %select_n3A_3593 = arith.select %eq3A_3590, %transpose3A_2788, %broadcast_in_dim3A_3592 : vector<160x256xi1>, vector<160x256xi32>
    %slice3A_3594 = vector.extract_strided_slice %select_n3A_3593 {offsets = [0, 0], sizes = [80, 256], strides = [1, 1]} : vector<160x256xi32> to vector<80x256xi32>
    %slice3A_3595 = vector.extract_strided_slice %select_n3A_3593 {offsets = [80, 0], sizes = [80, 256], strides = [1, 1]} : vector<160x256xi32> to vector<80x256xi32>
    %min3A_3596 = arith.minsi %slice3A_3594, %slice3A_3595 : vector<80x256xi32>
    %slice3A_3597 = vector.extract_strided_slice %min3A_3596 {offsets = [0, 0], sizes = [40, 256], strides = [1, 1]} : vector<80x256xi32> to vector<40x256xi32>
    %slice3A_3598 = vector.extract_strided_slice %min3A_3596 {offsets = [40, 0], sizes = [40, 256], strides = [1, 1]} : vector<80x256xi32> to vector<40x256xi32>
    %min3A_3599 = arith.minsi %slice3A_3597, %slice3A_3598 : vector<40x256xi32>
    %slice3A_3600 = vector.extract_strided_slice %min3A_3599 {offsets = [0, 0], sizes = [20, 256], strides = [1, 1]} : vector<40x256xi32> to vector<20x256xi32>
    %slice3A_3601 = vector.extract_strided_slice %min3A_3599 {offsets = [20, 0], sizes = [20, 256], strides = [1, 1]} : vector<40x256xi32> to vector<20x256xi32>
    %min3A_3602 = arith.minsi %slice3A_3600, %slice3A_3601 : vector<20x256xi32>
    %slice3A_3603 = vector.extract_strided_slice %min3A_3602 {offsets = [0, 0], sizes = [10, 256], strides = [1, 1]} : vector<20x256xi32> to vector<10x256xi32>
    %slice3A_3604 = vector.extract_strided_slice %min3A_3602 {offsets = [10, 0], sizes = [10, 256], strides = [1, 1]} : vector<20x256xi32> to vector<10x256xi32>
    %min3A_3605 = arith.minsi %slice3A_3603, %slice3A_3604 : vector<10x256xi32>
    %slice3A_3606 = vector.extract_strided_slice %min3A_3605 {offsets = [0, 0], sizes = [5, 256], strides = [1, 1]} : vector<10x256xi32> to vector<5x256xi32>
    %slice3A_3607 = vector.extract_strided_slice %min3A_3605 {offsets = [5, 0], sizes = [5, 256], strides = [1, 1]} : vector<10x256xi32> to vector<5x256xi32>
    %min3A_3608 = arith.minsi %slice3A_3606, %slice3A_3607 : vector<5x256xi32>
    %reduce_min3A_3609 = arith.constant dense<2147483647> : vector<256xi32>
    %reduce_min3A_3610 = vector.multi_reduction <minsi>, %min3A_3608, %reduce_min3A_3609 [0] : vector<5x256xi32> to vector<256xi32>
    %broadcast_in_dim3A_3611 = vector.shape_cast %reduce_min3A_3610 : vector<256xi32> to vector<1x256xi32>
    %eq3A_3612 = arith.constant 15 : i32
    %eq3A_3613 = vector.broadcast %eq3A_3612 : i32 to vector<16x256xi32>
    %eq3A_3614 = arith.cmpi eq, %iota3A_186, %eq3A_3613 : vector<16x256xi32>
    %broadcast_in_dim3A_3615 = vector.shape_cast %broadcast_in_dim3A_3611 : vector<1x256xi32> to vector<1x256xi32>
    %broadcast_in_dim3A_3616 = vector.broadcast %broadcast_in_dim3A_3615 : vector<1x256xi32> to vector<16x256xi32>
    %select_n3A_3617 = arith.select %eq3A_3614, %broadcast_in_dim3A_3616, %select_n3A_3570 : vector<16x256xi1>, vector<16x256xi32>
    %transpose3A_3618 = tpu.transpose %select_n3A_3617, [1, 0] : vector<16x256xi32> -> vector<256x16xi32>
    %swap3A = arith.constant 0 : index
    %swap3A_3619 = arith.constant 0 : index
    %swap3A_3620 = vector.load %arg3[%swap3A, %swap3A_3619] : memref<256x16xi32, #tpu.memory_space<vmem>>, vector<256x16xi32>
    tpu.vector_store %arg3[%swap3A, %swap3A_3619], %transpose3A_3618 {strides = array<i32>} : memref<256x16xi32, #tpu.memory_space<vmem>>, vector<256x16xi32>,
    return
  }
  func.func @transform_0(%arg0: i32) -> (i32, i32) {
    %c0_i32 = arith.constant 0 : i32
    %c0_i32_0 = arith.constant 0 : i32
    return %arg0, %c0_i32 : i32, i32
  }
  func.func @transform_1(%arg0: i32) -> (i32, i32) {
    %c0_i32 = arith.constant 0 : i32
    %c0_i32_0 = arith.constant 0 : i32
    %c0_i32_1 = arith.constant 0 : i32
    return %c0_i32, %c0_i32_0 : i32, i32
  }
  func.func @transform_2(%arg0: i32) -> (i32, i32) {
    %c0_i32 = arith.constant 0 : i32
    %c0_i32_0 = arith.constant 0 : i32
    return %arg0, %c0_i32 : i32, i32
  }
}

module attributes {stable_mosaic.version = 14 : i64} {
  func.func @_t_step(%arg0: i32, %arg1: memref<256x3xf32, #tpu.memory_space<vmem>>, %arg2: memref<256x128xf32, #tpu.memory_space<vmem>>, %arg3: memref<3x128xf32, #tpu.memory_space<vmem>>, %arg4: memref<128x128xf32, #tpu.memory_space<vmem>>, %arg5: memref<256x128xf32, #tpu.memory_space<vmem>>) attributes {dimension_semantics = [#tpu.dimension_semantics<arbitrary>], iteration_bounds = array<i64: 40>, scalar_prefetch = 0 : i64, scratch_operands = 0 : i64, tpu.core_type = #tpu.core_type<tc>, window_params = [{transform_indices = @transform_0, window_bounds = array<i64: 256, 3>}, {transform_indices = @transform_1, window_bounds = array<i64: 256, 128>}, {pipeline_mode = #tpu.pipeline_mode<synchronous>, transform_indices = @transform_2, window_bounds = array<i64: 3, 128>}, {pipeline_mode = #tpu.pipeline_mode<synchronous>, transform_indices = @transform_3, window_bounds = array<i64: 128, 128>}, {transform_indices = @transform_4, window_bounds = array<i64: 256, 128>}]} {
    %get3A = arith.constant 0 : index
    %get3A_0 = arith.constant 0 : index
    %get3A_1 = vector.load %arg1[%get3A, %get3A_0] : memref<256x3xf32, #tpu.memory_space<vmem>>, vector<256x3xf32>
    %get3A_2 = arith.constant 0 : index
    %get3A_3 = arith.constant 0 : index
    %get3A_4 = vector.load %arg3[%get3A_2, %get3A_3] : memref<3x128xf32, #tpu.memory_space<vmem>>, vector<3x128xf32>
    %slice3A = vector.extract_strided_slice %get3A_1 {offsets = [0, 0], sizes = [256, 1], strides = [1, 1]} : vector<256x3xf32> to vector<256x1xf32>
    %slice3A_5 = vector.extract_strided_slice %get3A_4 {offsets = [0, 0], sizes = [1, 128], strides = [1, 1]} : vector<3x128xf32> to vector<1x128xf32>
    %mul3A = vector.broadcast %slice3A : vector<256x1xf32> to vector<256x128xf32>
    %mul3A_6 = vector.broadcast %slice3A_5 : vector<1x128xf32> to vector<256x128xf32>
    %mul3A_7 = arith.mulf %mul3A, %mul3A_6 : vector<256x128xf32>
    %slice3A_8 = vector.extract_strided_slice %get3A_1 {offsets = [0, 1], sizes = [256, 1], strides = [1, 1]} : vector<256x3xf32> to vector<256x1xf32>
    %slice3A_9 = vector.extract_strided_slice %get3A_4 {offsets = [1, 0], sizes = [1, 128], strides = [1, 1]} : vector<3x128xf32> to vector<1x128xf32>
    %mul3A_10 = vector.broadcast %slice3A_8 : vector<256x1xf32> to vector<256x128xf32>
    %mul3A_11 = vector.broadcast %slice3A_9 : vector<1x128xf32> to vector<256x128xf32>
    %mul3A_12 = arith.mulf %mul3A_10, %mul3A_11 : vector<256x128xf32>
    %add3A = arith.addf %mul3A_7, %mul3A_12 : vector<256x128xf32>
    %slice3A_13 = vector.extract_strided_slice %get3A_1 {offsets = [0, 2], sizes = [256, 1], strides = [1, 1]} : vector<256x3xf32> to vector<256x1xf32>
    %slice3A_14 = vector.extract_strided_slice %get3A_4 {offsets = [2, 0], sizes = [1, 128], strides = [1, 1]} : vector<3x128xf32> to vector<1x128xf32>
    %mul3A_15 = vector.broadcast %slice3A_13 : vector<256x1xf32> to vector<256x128xf32>
    %mul3A_16 = vector.broadcast %slice3A_14 : vector<1x128xf32> to vector<256x128xf32>
    %mul3A_17 = arith.mulf %mul3A_15, %mul3A_16 : vector<256x128xf32>
    %add3A_18 = arith.addf %add3A, %mul3A_17 : vector<256x128xf32>
    %get3A_19 = arith.constant 0 : index
    %get3A_20 = arith.constant 0 : index
    %get3A_21 = vector.load %arg2[%get3A_19, %get3A_20] : memref<256x128xf32, #tpu.memory_space<vmem>>, vector<256x128xf32>
    %get3A_22 = arith.constant 0 : index
    %get3A_23 = arith.constant 0 : index
    %get3A_24 = vector.load %arg4[%get3A_22, %get3A_23] : memref<128x128xf32, #tpu.memory_space<vmem>>, vector<128x128xf32>
    %dot_general3A = arith.constant dense<0.000000e+00> : vector<256x128xf32>
    %dot_general3A_25 = tpu.matmul %get3A_21, %get3A_24, %dot_general3A {dimension_numbers = #tpu.dot_dimension_numbers<[1], [0], [0], [1], [0, 0, 1, 1], [], []>, transpose_lhs_hint = false} : vector<256x128xf32>, vector<128x128xf32>, vector<256x128xf32> -> vector<256x128xf32>
    %add3A_26 = arith.addf %add3A_18, %dot_general3A_25 : vector<256x128xf32>
    %swap3A = arith.constant 0 : index
    %swap3A_27 = arith.constant 0 : index
    %swap3A_28 = vector.load %arg5[%swap3A, %swap3A_27] : memref<256x128xf32, #tpu.memory_space<vmem>>, vector<256x128xf32>
    tpu.vector_store %arg5[%swap3A, %swap3A_27], %add3A_26 {strides = array<i32>} : memref<256x128xf32, #tpu.memory_space<vmem>>, vector<256x128xf32>,
    return
  }
  func.func @transform_0(%arg0: i32) -> (i32, i32) {
    %c0_i32 = arith.constant 0 : i32
    %c0_i32_0 = arith.constant 0 : i32
    return %arg0, %c0_i32 : i32, i32
  }
  func.func @transform_1(%arg0: i32) -> (i32, i32) {
    %c0_i32 = arith.constant 0 : i32
    %c0_i32_0 = arith.constant 0 : i32
    return %arg0, %c0_i32 : i32, i32
  }
  func.func @transform_2(%arg0: i32) -> (i32, i32) {
    %c0_i32 = arith.constant 0 : i32
    %c0_i32_0 = arith.constant 0 : i32
    %c0_i32_1 = arith.constant 0 : i32
    return %c0_i32, %c0_i32_0 : i32, i32
  }
  func.func @transform_3(%arg0: i32) -> (i32, i32) {
    %c0_i32 = arith.constant 0 : i32
    %c0_i32_0 = arith.constant 0 : i32
    %c0_i32_1 = arith.constant 0 : i32
    return %c0_i32, %c0_i32_0 : i32, i32
  }
  func.func @transform_4(%arg0: i32) -> (i32, i32) {
    %c0_i32 = arith.constant 0 : i32
    %c0_i32_0 = arith.constant 0 : i32
    return %arg0, %c0_i32 : i32, i32
  }
}

module attributes {stable_mosaic.version = 14 : i64} {
  func.func @_mlp_step(%arg0: i32, %arg1: memref<4096x128xf32, #tpu.memory_space<vmem>>, %arg2: memref<256x3xf32, #tpu.memory_space<vmem>>, %arg3: memref<256x128xf32, #tpu.memory_space<vmem>>, %arg4: memref<3x128xf32, #tpu.memory_space<vmem>>, %arg5: memref<1x128xf32, #tpu.memory_space<vmem>>, %arg6: memref<128x128xf32, #tpu.memory_space<vmem>>, %arg7: memref<1x128xf32, #tpu.memory_space<vmem>>, %arg8: memref<128x128xf32, #tpu.memory_space<vmem>>, %arg9: memref<1x128xf32, #tpu.memory_space<vmem>>, %arg10: memref<256x128xf32, #tpu.memory_space<vmem>>) attributes {dimension_semantics = [#tpu.dimension_semantics<arbitrary>], iteration_bounds = array<i64: 20>, scalar_prefetch = 0 : i64, scratch_operands = 0 : i64, tpu.core_type = #tpu.core_type<tc>, window_params = [{transform_indices = @transform_0, window_bounds = array<i64: 4096, 128>}, {transform_indices = @transform_1, window_bounds = array<i64: 256, 3>}, {transform_indices = @transform_2, window_bounds = array<i64: 256, 128>}, {pipeline_mode = #tpu.pipeline_mode<synchronous>, transform_indices = @transform_3, window_bounds = array<i64: 3, 128>}, {pipeline_mode = #tpu.pipeline_mode<synchronous>, transform_indices = @transform_4, window_bounds = array<i64: 1, 128>}, {pipeline_mode = #tpu.pipeline_mode<synchronous>, transform_indices = @transform_5, window_bounds = array<i64: 128, 128>}, {pipeline_mode = #tpu.pipeline_mode<synchronous>, transform_indices = @transform_6, window_bounds = array<i64: 1, 128>}, {pipeline_mode = #tpu.pipeline_mode<synchronous>, transform_indices = @transform_7, window_bounds = array<i64: 128, 128>}, {pipeline_mode = #tpu.pipeline_mode<synchronous>, transform_indices = @transform_8, window_bounds = array<i64: 1, 128>}, {transform_indices = @transform_9, window_bounds = array<i64: 256, 128>}]} {
    %get3A = arith.constant 0 : index
    %get3A_0 = arith.constant 0 : index
    %get3A_1 = vector.load %arg2[%get3A, %get3A_0] : memref<256x3xf32, #tpu.memory_space<vmem>>, vector<256x3xf32>
    %get3A_2 = arith.constant 0 : index
    %get3A_3 = arith.constant 0 : index
    %get3A_4 = vector.load %arg4[%get3A_2, %get3A_3] : memref<3x128xf32, #tpu.memory_space<vmem>>, vector<3x128xf32>
    %slice3A = vector.extract_strided_slice %get3A_1 {offsets = [0, 0], sizes = [256, 1], strides = [1, 1]} : vector<256x3xf32> to vector<256x1xf32>
    %slice3A_5 = vector.extract_strided_slice %get3A_4 {offsets = [0, 0], sizes = [1, 128], strides = [1, 1]} : vector<3x128xf32> to vector<1x128xf32>
    %mul3A = vector.broadcast %slice3A : vector<256x1xf32> to vector<256x128xf32>
    %mul3A_6 = vector.broadcast %slice3A_5 : vector<1x128xf32> to vector<256x128xf32>
    %mul3A_7 = arith.mulf %mul3A, %mul3A_6 : vector<256x128xf32>
    %slice3A_8 = vector.extract_strided_slice %get3A_1 {offsets = [0, 1], sizes = [256, 1], strides = [1, 1]} : vector<256x3xf32> to vector<256x1xf32>
    %slice3A_9 = vector.extract_strided_slice %get3A_4 {offsets = [1, 0], sizes = [1, 128], strides = [1, 1]} : vector<3x128xf32> to vector<1x128xf32>
    %mul3A_10 = vector.broadcast %slice3A_8 : vector<256x1xf32> to vector<256x128xf32>
    %mul3A_11 = vector.broadcast %slice3A_9 : vector<1x128xf32> to vector<256x128xf32>
    %mul3A_12 = arith.mulf %mul3A_10, %mul3A_11 : vector<256x128xf32>
    %add3A = arith.addf %mul3A_7, %mul3A_12 : vector<256x128xf32>
    %slice3A_13 = vector.extract_strided_slice %get3A_1 {offsets = [0, 2], sizes = [256, 1], strides = [1, 1]} : vector<256x3xf32> to vector<256x1xf32>
    %slice3A_14 = vector.extract_strided_slice %get3A_4 {offsets = [2, 0], sizes = [1, 128], strides = [1, 1]} : vector<3x128xf32> to vector<1x128xf32>
    %mul3A_15 = vector.broadcast %slice3A_13 : vector<256x1xf32> to vector<256x128xf32>
    %mul3A_16 = vector.broadcast %slice3A_14 : vector<1x128xf32> to vector<256x128xf32>
    %mul3A_17 = arith.mulf %mul3A_15, %mul3A_16 : vector<256x128xf32>
    %add3A_18 = arith.addf %add3A, %mul3A_17 : vector<256x128xf32>
    %get3A_19 = arith.constant 0 : index
    %get3A_20 = arith.constant 0 : index
    %get3A_21 = vector.load %arg1[%get3A_19, %get3A_20] : memref<4096x128xf32, #tpu.memory_space<vmem>>, vector<4096x128xf32>
    %reshape3A = vector.shape_cast %get3A_21 : vector<4096x128xf32> to vector<256x16x128xf32>
    %broadcast_in_dim3A = vector.shape_cast %add3A_18 : vector<256x128xf32> to vector<256x1x128xf32>
    %sub3A = vector.broadcast %broadcast_in_dim3A : vector<256x1x128xf32> to vector<256x16x128xf32>
    %sub3A_22 = arith.subf %reshape3A, %sub3A : vector<256x16x128xf32>
    %get3A_23 = arith.constant 0 : index
    %get3A_24 = arith.constant 0 : index
    %get3A_25 = vector.load %arg5[%get3A_23, %get3A_24] : memref<1x128xf32, #tpu.memory_space<vmem>>, vector<1x128xf32>
    %broadcast_in_dim3A_26 = vector.shape_cast %get3A_25 : vector<1x128xf32> to vector<1x1x128xf32>
    %add3A_27 = vector.broadcast %broadcast_in_dim3A_26 : vector<1x1x128xf32> to vector<256x16x128xf32>
    %add3A_28 = arith.addf %sub3A_22, %add3A_27 : vector<256x16x128xf32>
    %mul3A_29 = arith.constant 5.000000e-01 : f32
    %mul3A_30 = vector.broadcast %mul3A_29 : f32 to vector<256x16x128xf32>
    %mul3A_31 = arith.mulf %mul3A_30, %add3A_28 : vector<256x16x128xf32>
    %mul3A_32 = arith.constant 0.707106769 : f32
    %mul3A_33 = vector.broadcast %mul3A_32 : f32 to vector<256x16x128xf32>
    %mul3A_34 = arith.mulf %add3A_28, %mul3A_33 : vector<256x16x128xf32>
    %erf3A = math.erf %mul3A_34 : vector<256x16x128xf32>
    %add3A_35 = arith.constant 1.000000e+00 : f32
    %add3A_36 = vector.broadcast %add3A_35 : f32 to vector<256x16x128xf32>
    %add3A_37 = arith.addf %add3A_36, %erf3A : vector<256x16x128xf32>
    %mul3A_38 = arith.mulf %mul3A_31, %add3A_37 : vector<256x16x128xf32>
    %reduce_sum3A = arith.constant dense<0.000000e+00> : vector<256x128xf32>
    %reduce_sum3A_39 = vector.multi_reduction <add>, %mul3A_38, %reduce_sum3A [1] : vector<256x16x128xf32> to vector<256x128xf32>
    %mul3A_40 = arith.constant 6.250000e-02 : f32
    %mul3A_41 = vector.broadcast %mul3A_40 : f32 to vector<256x128xf32>
    %mul3A_42 = arith.mulf %reduce_sum3A_39, %mul3A_41 : vector<256x128xf32>
    %get3A_43 = arith.constant 0 : index
    %get3A_44 = arith.constant 0 : index
    %get3A_45 = vector.load %arg6[%get3A_43, %get3A_44] : memref<128x128xf32, #tpu.memory_space<vmem>>, vector<128x128xf32>
    %dot_general3A = arith.constant dense<0.000000e+00> : vector<256x128xf32>
    %dot_general3A_46 = tpu.matmul %mul3A_42, %get3A_45, %dot_general3A {dimension_numbers = #tpu.dot_dimension_numbers<[1], [0], [0], [1], [0, 0, 1, 1], [], []>, transpose_lhs_hint = false} : vector<256x128xf32>, vector<128x128xf32>, vector<256x128xf32> -> vector<256x128xf32>
    %get3A_47 = arith.constant 0 : index
    %get3A_48 = arith.constant 0 : index
    %get3A_49 = vector.load %arg7[%get3A_47, %get3A_48] : memref<1x128xf32, #tpu.memory_space<vmem>>, vector<1x128xf32>
    %add3A_50 = vector.broadcast %get3A_49 : vector<1x128xf32> to vector<256x128xf32>
    %add3A_51 = arith.addf %dot_general3A_46, %add3A_50 : vector<256x128xf32>
    %get3A_52 = arith.constant 0 : index
    %get3A_53 = arith.constant 0 : index
    %get3A_54 = vector.load %arg3[%get3A_52, %get3A_53] : memref<256x128xf32, #tpu.memory_space<vmem>>, vector<256x128xf32>
    %get3A_55 = arith.constant 0 : index
    %get3A_56 = arith.constant 0 : index
    %get3A_57 = vector.load %arg8[%get3A_55, %get3A_56] : memref<128x128xf32, #tpu.memory_space<vmem>>, vector<128x128xf32>
    %dot_general3A_58 = arith.constant dense<0.000000e+00> : vector<256x128xf32>
    %dot_general3A_59 = tpu.matmul %get3A_54, %get3A_57, %dot_general3A_58 {dimension_numbers = #tpu.dot_dimension_numbers<[1], [0], [0], [1], [0, 0, 1, 1], [], []>, transpose_lhs_hint = false} : vector<256x128xf32>, vector<128x128xf32>, vector<256x128xf32> -> vector<256x128xf32>
    %add3A_60 = arith.addf %add3A_51, %dot_general3A_59 : vector<256x128xf32>
    %get3A_61 = arith.constant 0 : index
    %get3A_62 = arith.constant 0 : index
    %get3A_63 = vector.load %arg9[%get3A_61, %get3A_62] : memref<1x128xf32, #tpu.memory_space<vmem>>, vector<1x128xf32>
    %add3A_64 = vector.broadcast %get3A_63 : vector<1x128xf32> to vector<256x128xf32>
    %add3A_65 = arith.addf %add3A_60, %add3A_64 : vector<256x128xf32>
    %swap3A = arith.constant 0 : index
    %swap3A_66 = arith.constant 0 : index
    %swap3A_67 = vector.load %arg10[%swap3A, %swap3A_66] : memref<256x128xf32, #tpu.memory_space<vmem>>, vector<256x128xf32>
    tpu.vector_store %arg10[%swap3A, %swap3A_66], %add3A_65 {strides = array<i32>} : memref<256x128xf32, #tpu.memory_space<vmem>>, vector<256x128xf32>,
    return
  }
  func.func @transform_0(%arg0: i32) -> (i32, i32) {
    %c0_i32 = arith.constant 0 : i32
    %c0_i32_0 = arith.constant 0 : i32
    return %arg0, %c0_i32 : i32, i32
  }
  func.func @transform_1(%arg0: i32) -> (i32, i32) {
    %c0_i32 = arith.constant 0 : i32
    %c0_i32_0 = arith.constant 0 : i32
    return %arg0, %c0_i32 : i32, i32
  }
  func.func @transform_2(%arg0: i32) -> (i32, i32) {
    %c0_i32 = arith.constant 0 : i32
    %c0_i32_0 = arith.constant 0 : i32
    return %arg0, %c0_i32 : i32, i32
  }
  func.func @transform_3(%arg0: i32) -> (i32, i32) {
    %c0_i32 = arith.constant 0 : i32
    %c0_i32_0 = arith.constant 0 : i32
    %c0_i32_1 = arith.constant 0 : i32
    return %c0_i32, %c0_i32_0 : i32, i32
  }
  func.func @transform_4(%arg0: i32) -> (i32, i32) {
    %c0_i32 = arith.constant 0 : i32
    %c0_i32_0 = arith.constant 0 : i32
    %c0_i32_1 = arith.constant 0 : i32
    return %c0_i32, %c0_i32_0 : i32, i32
  }
  func.func @transform_5(%arg0: i32) -> (i32, i32) {
    %c0_i32 = arith.constant 0 : i32
    %c0_i32_0 = arith.constant 0 : i32
    %c0_i32_1 = arith.constant 0 : i32
    return %c0_i32, %c0_i32_0 : i32, i32
  }
  func.func @transform_6(%arg0: i32) -> (i32, i32) {
    %c0_i32 = arith.constant 0 : i32
    %c0_i32_0 = arith.constant 0 : i32
    %c0_i32_1 = arith.constant 0 : i32
    return %c0_i32, %c0_i32_0 : i32, i32
  }
  func.func @transform_7(%arg0: i32) -> (i32, i32) {
    %c0_i32 = arith.constant 0 : i32
    %c0_i32_0 = arith.constant 0 : i32
    %c0_i32_1 = arith.constant 0 : i32
    return %c0_i32, %c0_i32_0 : i32, i32
  }
  func.func @transform_8(%arg0: i32) -> (i32, i32) {
    %c0_i32 = arith.constant 0 : i32
    %c0_i32_0 = arith.constant 0 : i32
    %c0_i32_1 = arith.constant 0 : i32
    return %c0_i32, %c0_i32_0 : i32, i32
  }
  func.func @transform_9(%arg0: i32) -> (i32, i32) {
    %c0_i32 = arith.constant 0 : i32
    %c0_i32_0 = arith.constant 0 : i32
    return %arg0, %c0_i32 : i32, i32
  }
}

</mosaic_0001>

<sc_bundles>
// kernel: kernel.12.cloned.1.call-start
scs
__scs_entry_jumppad:
0x0: {  	(pc) =	sbr.rel $0x88, $3  }
0x1: {  	(tag) =	ssettag $0x0;
	lr =	simm.s32 $0x1  }
0x2: {  	[smem:$0x3F99] =	sst lr;
	_ =	strace $0xD0000000  }
0x3: {  	_ = 	snop  }
0x4: {  	_ = 	snop  }
0x5: {  	_ = 	snop  }
0x6: {  	_ = 	snop  }
0x7: {  	_ = 	snop  }
__scs_overlays_trampoline_lowered:
0x8: {  	[smem:$0x3FA8] =	sst s0  }
0x9: {  	[smem:$0x3FA9] =	sst s1  }
0xa: {  	[smem:$0x3FAA] =	sst s2  }
0xb: {  	[smem:$0x3FAB] =	sst s3  }
0xc: {  	[smem:$0x3FAC] =	sst s4  }
0xd: {  	[smem:$0x3FAD] =	sst s5  }
0xe: {  	[smem:$0x3FAE] =	sst s6  }
0xf: {  	[smem:$0x3FAF] =	sst s7  }
0x10: {  	[smem:$0x3FB0] =	sst s8  }
0x11: {  	[smem:$0x3FB1] =	sst s9;
	s0 =	simm.s32 @!p0 $0x0  }
0x12: {  	s1 =	sld [smem:$0x3F97];
	s0 =	simm.s32 @p0 $0x1  }
0x13: {  	[smem:$0x3FB2] =	sst s0;
	s0 =	simm.s32 @!p1 $0x0  }
0x14: {  	s2 =	sld [smem:$0x3F96];
	s0 =	simm.s32 @p1 $0x1  }
0x15: {  	[smem:$0x3FB3] =	sst s0;
	s0 =	simm.s32 @!p2 $0x0  }
0x16: {  	s3 =	sld [smem:$0x3FDB];
	s0 =	simm.s32 @p2 $0x1  }
0x17: {  	s4 =	simm.s32 $0x1BF5;
	[smem:$0x3FB5] =	sst s0  }
0x18: {  	s0 =	sld [smem:$0x3F98];
	_ =	swait.ge [sflag:s4], $0x0  }
0x19: {  	s7 =	sld [smem:$0x3F99]  }
0x1a: {  	s8 =	sadd.s32 $0xFFFFE003, lr  }
0x1b: {  	s9 =	sadd.s32 $0xFFFFFEF7, lr;
	s5 =	simm.s32 $0xFFFFFFFF;
	p2 =	slt.u32 s8, $0xFFFFF086  }
0x1c: {  	p1 =	slt.u32 s9, $0xF7A;
	s5 =	simm.s32 @!p2 $0x0  }
0x1d: {  	s5 =	simm.s32 @p1 $0x1;
	p0 =	seq.s32 s7, s2  }
0x1e: {  	s7 =	smul.u32 @!p0 $0xF7A, s2;
	p2 =	seq.s32 @!p0 s5, $0x0  }
0x1f: {  	s9 =	smul.u32 $0xF7A, s1;
	s8 =	simm.s32 @!p0 $0x1BF5;
	p2 =	por !p2, p0  }
0x20: {  	[sflag:s8] =	ssyncset.s32 @!p0 $0xFFFFF086;
	s6 =	sadd.s32 @!p0 s3, s7;
	s7 =	simm.s32 @!p0 $0x108  }
0x21: {  	s3 =	sadd.s32 s3, s9;
	s6 =	sadd.s32 @!p0 $0x88, s6;
	s7 =	simm.s32 @p2 $0x1082  }
0x22: {  	[simem:s7], [sflag:s8] =	dma.local @!p0 [hbm:s6], $0xF7A  }
0x23: {  	s9 =	sor.u32 $0xD0000000, s2;
	s6 =	simm.s32 $0x108;
	_ =	swait.ge @!p0 [sflag:s8], $0x0  }
0x24: {  	s3 =	sadd.s32 $0x88, s3;
	s6 =	simm.s32 @!p1 $0x1082;
	[sflag:s4] =	ssyncset.s32 $0xFFFFF086  }
0x25: {  	[simem:s6], [sflag:s4] =	dma.local [hbm:s3], $0xF7A  }
0x26: {  	[smem:$0x3F99] =	sst s1;
	(tag) =	ssettag s2;
	_ =	strace s9  }
0x27: {  	s1 =	sld [smem:$0x3FA9]  }
0x28: {  	s2 =	sld [smem:$0x3FAA]  }
0x29: {  	s4 =	sld [smem:$0x3FAC]  }
0x2a: {  	p0 =	seq.s32 s5, $0x0;
	s5 =	sld [smem:$0x3FAD]  }
0x2b: {  	s6 =	sld [smem:$0x3FAE]  }
0x2c: {  	s7 =	sld [smem:$0x3FAF]  }
0x2d: {  	s3 =	simm.s32 $0x108;
	s8 =	sld [smem:$0x3FB0]  }
0x2e: {  	s3 =	simm.s32 @!p0 $0x1082;
	s9 =	sld [smem:$0x3FB1]  }
0x2f: {  	lr =	sadd.s32 s0, s3;
	s0 =	sld [smem:$0x3FA8]  }
0x30: {  	s3 =	sld [smem:$0x3FAB]  }
0x31: {  	[smem:$0x3FB4] =	sst s10  }
0x32: {  	s10 =	sld [smem:$0x3FB2];
	_ =	sdelay $0x3  }
0x33: {  	p0 =	seq.s32 s10, $0x1;
	s10 =	sld [smem:$0x3FB4];
	_ =	sdelay $0x3  }
0x34: {  	[smem:$0x3FB4] =	sst s10  }
0x35: {  	s10 =	sld [smem:$0x3FB3];
	_ =	sdelay $0x3  }
0x36: {  	p1 =	seq.s32 s10, $0x1;
	s10 =	sld [smem:$0x3FB4];
	_ =	sdelay $0x3  }
0x37: {  	[smem:$0x3FB4] =	sst s10  }
0x38: {  	s10 =	sld [smem:$0x3FB5]  }
0x39: {  	_ = 	snop;
	(pc) =	sbr.ind lr, $3  }
0x3a: {  	_ = 	snop  }
0x3b: {  	_ = 	snop  }
0x3c: {  	p2 =	seq.s32 s10, $0x1;
	s10 =	sld [smem:$0x3FB4]  }
0x3d: {  	_ =	shalt  }
0x3e: {  	_ =	shalt  }
0x3f: {  	_ =	shalt  }
0x40: {  	_ =	shalt  }
0x41: {  	_ =	shalt  }
0x42: {  	_ =	shalt  }
0x43: {  	_ =	shalt  }
0x44: {  	_ =	shalt  }
0x45: {  	_ =	shalt  }
0x46: {  	_ =	shalt  }
0x47: {  	_ =	shalt  }
0x48: {  	_ =	shalt  }
0x49: {  	_ =	shalt  }
0x4a: {  	_ =	shalt  }
0x4b: {  	_ =	shalt  }
0x4c: {  	_ =	shalt  }
0x4d: {  	_ =	shalt  }
0x4e: {  	_ =	shalt  }
0x4f: {  	_ =	shalt  }
0x50: {  	_ =	shalt  }
0x51: {  	_ =	shalt  }
0x52: {  	_ =	shalt  }
0x53: {  	_ =	shalt  }
0x54: {  	_ =	shalt  }
0x55: {  	_ =	shalt  }
0x56: {  	_ =	shalt  }
0x57: {  	_ =	shalt  }
0x58: {  	_ =	shalt  }
0x59: {  	_ =	shalt  }
0x5a: {  	_ =	shalt  }
0x5b: {  	_ =	shalt  }
0x5c: {  	_ =	shalt  }
0x5d: {  	_ =	shalt  }
0x5e: {  	_ =	shalt  }
0x5f: {  	_ =	shalt  }
0x60: {  	_ =	shalt  }
0x61: {  	_ =	shalt  }
0x62: {  	_ =	shalt  }
0x63: {  	_ =	shalt  }
0x64: {  	_ =	shalt  }
0x65: {  	_ =	shalt  }
0x66: {  	_ =	shalt  }
0x67: {  	_ =	shalt  }
0x68: {  	_ =	shalt  }
0x69: {  	_ =	shalt  }
0x6a: {  	_ =	shalt  }
0x6b: {  	_ =	shalt  }
0x6c: {  	_ =	shalt  }
0x6d: {  	_ =	shalt  }
0x6e: {  	_ =	shalt  }
0x6f: {  	_ =	shalt  }
0x70: {  	_ =	shalt  }
0x71: {  	_ =	shalt  }
0x72: {  	_ =	shalt  }
0x73: {  	_ =	shalt  }
0x74: {  	_ =	shalt  }
0x75: {  	_ =	shalt  }
0x76: {  	_ =	shalt  }
0x77: {  	_ =	shalt  }
0x78: {  	_ =	shalt  }
0x79: {  	_ =	shalt  }
0x7a: {  	_ =	shalt  }
0x7b: {  	_ =	shalt  }
0x7c: {  	_ =	shalt  }
0x7d: {  	_ =	shalt  }
0x7e: {  	_ =	shalt  }
0x7f: {  	_ =	shalt  }
0x80: {  	_ =	shalt  }
0x81: {  	_ =	shalt  }
0x82: {  	_ =	shalt  }
0x83: {  	_ =	shalt  }
0x84: {  	_ =	shalt  }
0x85: {  	_ =	shalt  }
0x86: {  	_ =	shalt  }
0x87: {  	_ =	shalt  }
.Lfunc_end0:
.L_simem_size_0:
called_computation.1_lowered:
.L_overlay_start_0:
0x88: {  	s2 =	sld [smem:$0x3FD9]  }
0x89: {  	s3 =	sld [smem:$0x3FFE];
	_ =	sdelay $0x1  }
0x8a: {  	s1 =	srdreg.scid  }
0x8b: {  	s0 =	sand.u32 $0x1, s1  }
0x8c: {  	s17 =	sshll.u32 s0, $0xA;
	s2 =	sadd.s32 s3, s2  }
0x8d: {  	s2 =	sadd.s32 s2, s17  }
0x8e: {  	[smem:$0x3FC0] =	sst s2  }
0x8f: {  	_ = 	snop  }
0x90: {  	s18 =	sld [smem:$0x3FD0];
	(tm) =	ssettm $0x1  }
0x91: {  	s19 =	sld [smem:$0x3FFB];
	_ =	sdelay $0x3  }
0x92: {  	_ =	strace s19  }
0x93: {  	s2 =	sld [smem:$0x3FFC];
	_ =	sdelay $0x3  }
0x94: {  	_ =	strace s2  }
0x95: {  	s2 =	sld [smem:$0x3FFD];
	_ =	sdelay $0x3  }
0x96: {  	_ =	strace s2  }
0x97: {  	_ =	strace $0x8FFFFFFF  }
0x98: {  	s20 =	sld [smem:$0x3FDB];
	_ =	sdelay $0x1  }
0x99: {  	s4 =	simm.s32 $_scs_section_size  }
0x9a: {  	s5 =	simm.s32 $_size__tile_overlayer_lowered;
	s6 =	simm.s32 $_tile_overlayer_lowered  }
0x9b: {  	s7 =	simm.s32 $0x1BFF;
	s21 =	sshll.u32 s6, $0x1;
	s4 =	sadd.s32 s4, s20  }
0x9c: {  	s22 =	simm.s32 $0x0;
	s5 =	sshll.u32 s5, $0x1;
	s6 =	sadd.s32 s21, s4  }
0x9d: {  	[timem:s22], [sflag:s7] =	dma.local [hbm:s6], s5  }
0x9e: {  	_ =	swait.ge [sflag:s7], s5  }
0x9f: {  	s5 =	ssub.s32 $0x0, s5;
	[sflag:s7] =	ssyncset.done $0x0  }
0xa0: {  	[sflag:s7] =	ssyncadd.s32 s5;
	_ =	sdelay $0x1  }
0xa1: {  	s23 =	simm.s32 $0x1B8B  }
0xa2: {  	_ =	swait.ge [sflag:s23], $0x1  }
0xa3: {  	[sflag:s23] =	ssyncset.done $0x0  }
0xa4: {  	[sflag:s23] =	ssyncadd.s32 $0xFFFFFFFF  }
0xa5: {  	s5 =	sld [smem:$0x0]  }
0xa6: {  	s6 =	sand.u32 $0xFFFFFFFE, s1  }
0xa7: {  	p0 =	sne.s32 s1, s6  }
0xa8: {  	s6 =	sshll.u32 @p0 s6, $0xE  }
0xa9: {  	s6 =	sadd.s32 @p0 $0x11B8D, s6;
	s7 =	sshll.u32 @p0 s5, $0x11  }
0xaa: {  	s6 =	sor.u32 @p0 s7, s6  }
0xab: {  	[sflag:s6] =	ssyncadd.remote.s32 @p0 $0x1;
	_ =	sdelay $0x1  }
0xac: {  	s6 =	simm.s32 @p0 $0x1B8D  }
0xad: {  	_ =	swait.eq @p0 [sflag:s6], $0x1  }
0xae: {  	[sflag:s6] =	ssyncadd.s32 @p0 $0xFFFFFFFF  }
0xaf: {  	s7 =	sshll.u32 @!p0 s1, $0xE  }
0xb0: {  	s7 =	sor.u32 @!p0 $0x4000, s7;
	s6 =	simm.s32 @!p0 $0x1B8D  }
0xb1: {  	s5 =	sshll.u32 @!p0 s5, $0x11;
	s7 =	sadd.s32 @!p0 $0x11B8D, s7;
	_ =	swait.eq @!p0 [sflag:s6], $0x1  }
0xb2: {  	s5 =	sor.u32 @!p0 s5, s7;
	[sflag:s6] =	ssyncadd.s32 @!p0 $0xFFFFFFFF  }
0xb3: {  	s25 =	simm.s32 $0x1B8E;
	s24 =	sld [smem:$0x3FFE];
	[sflag:s5] =	ssyncadd.remote.s32 @!p0 $0x1  }
0xb4: {  	s26 =	simm.s32 $execute0_lowered;
	[smem:$0x3FD2] =	sst s25  }
0xb5: {  	s6 =	sshll.u32 s26, $0x1;
	_ =	strace $0x80000049;
	[dreg:$0x1] =	wrdreg $0xFFFFFFFF  }
0xb6: {  	s28 =	simm.s32 $_size_execute0_lowered;
	s4 =	sadd.s32 s4, s6;
	[dreg:$0x0] =	wrdreg $0x0  }
0xb7: {  	s6 =	sshll.u32 s28, $0x1;
	[dreg:$0x2] =	wrdreg s4  }
0xb8: {  	[dreg:$0x3] =	wrdreg s6  }
0xb9: {  	[dreg:$0x4] =	wrdreg $0xC0  }
0xba: {  	_ =	task [dreg:s22], $0x5FFFF  }
0xbb: {  	[dreg:$0x1] =	wrdreg $0xFFFFFFFF  }
0xbc: {  	[dreg:$0x0] =	wrdreg $0x60  }
0xbd: {  	[dreg:$0x2] =	wrdreg s24  }
0xbe: {  	[dreg:$0x3] =	wrdreg s18  }
0xbf: {  	[dreg:$0x4] =	wrdreg $0xA  }
0xc0: {  	_ =	task.clear_ibuf [dreg:s22], $0x5FFFF;
	_ =	strace $0x90000049  }
0xc1: {  	s29 =	simm.s32 $0xA;
	_ =	strace $0x8000004B  }
0xc2: {  	_ =	swait.ge [sflag:s29], $0x1  }
0xc3: {  	[sflag:s29] =	ssyncadd.s32 $0xFFFFFFFF  }
0xc4: {  	_ =	strace $0x9000004B  }
0xc5: {  	_ =	sfence  }
0xc6: {  	s30 =	sld [smem:$0x0];
	_ =	sdelay $0x2  }
0xc7: {  	s31 =	sshll.u32 s1, $0xD;
	s1 =	sshrl.u32 s1, $0x2  }
0xc8: {  	s4 =	sand.u32 $0x4000, s31;
	s1 =	sadd.s32 s1, s30  }
0xc9: {  	s0 =	sor.u32 s4, s0;
	s1 =	sshll.u32 s1, $0x11  }
0xca: {  	s0 =	sor.u32 s1, s0  }
0xcb: {  	s0 =	sadd.s32 $0x8F2B, s0  }
0xcc: {  	[sflag:s0] =	ssyncadd.remote.s32 $0x1  }
0xcd: {  	_ =	sfence.sel $0xFFFF  }
0xce: {  	[dreg:$0x0] =	wrdreg $0xFFFFFFFF;
	(pc) =	sbr.abs _section_cstart, $3  }
0xcf: {  	[dreg:$0x1] =	wrdreg $0xFFFFFFFF  }
0xd0: {  	_ =	task.clear_ibuf [dreg:s22], $0x2FFFF;
	_ =	strace $0x9FFFFFFF  }
0xd1: {  	(tm) =	ssettm $0x7FFFFFFF  }
tec
execute0_lowered:
.L_overlay_start_1:
0x0: {  	(tag) =	ssettag $0x1  }
0x1: {  	s4 =	rddreg [dreg:$0x0]  }
0x2: {  	s10 =	rddreg [dreg:$0x1]  }
0x3: {  	s0 =	rddreg [dreg:$0x2]  }
0x4: {  	s2 =	simm.s32 $0x0;
	s1 =	stileid.u32;
	s3 =	srdreg.scid  }
0x5: {  	s13 =	simm.s32 $0x100;
	s14 =	simm.s32 $0x180;
	s15 =	simm.s32 $0x200  }
0x6: {  	s16 =	simm.s32 $0x280;
	s17 =	simm.s32 $0x4280;
	s18 =	simm.s32 $0x8280  }
0x7: {  	s19 =	simm.s32 $0xC280;
	s20 =	simm.s32 $0x10280;
	s6 =	smul.u32 $0x1400, s1  }
0x8: {  	s21 =	simm.s32 $0x1;
	s5 =	sand.u32 $0x1, s3;
	s9 =	smul.u32 $0x14000, s1  }
0x9: {  	s22 =	simm.s32 $0x0;
	[smem:$0x7FF] =	sst s2;
	s8 =	smul.u32 $0xA00, s5  }
0xa: {  	s3 =	sadd.s32 $0x4C00, s4;
	s7 =	ssub.s32 $0x2, s5;
	s5 =	smul.u32 $0xA000, s5  }
0xb: {  	_ =	strace $0x8000004A;
	s11 =	sshrl.u32 s7, $0x1;
	s26 =	sadd.s32 s9, s4  }
0xc: {  	s7 =	ssub.s32 s7, s11;
	s8 =	sadd.s32 s8, s6;
	s5 =	sadd.s32 s5, s26  }
0xd: {  	s4 =	smax.u32 s7, $0x1;
	s28 =	sadd.s32 $0x200, s8;
	s29 =	sshrl.u32 s8, $0x3  }
0xe: {  	s5 =	sadd.s32 $0x16CC00, s5;
	s30 =	sor.u32 $0x180, s8;
	s31 =	sor.u32 $0x100, s8  }
0xf: {  	s8 =	sor.u32 $0x80, s8;
	s7 =	sshrl.u32 s28, $0x3;
	s6 =	sadd.s32 s29, s10  }
0x10: {  	s9 =	sshrl.u32 s30, $0x3;
	s11 =	sshrl.u32 s31, $0x3;
	s12 =	sshrl.u32 s8, $0x3  }
0x11: {  	s7 =	sadd.s32 s7, s10;
	s8 =	sadd.s32 s9, s10;
	s9 =	sadd.s32 s11, s10  }
0x12: {  	s10 =	sadd.s32 s12, s10;
	s11 =	simm.s32 $0x2;
	s12 =	simm.s32 $0x80  }
.LBB2_1:
0x13: {  	[tilespmem:s2], [sflag:$0x2] =	stream.linear.gather [hbm4b:s6+s2], $0x80, $0x38;
	[tilespmem:$0x14280] =	vst v63  }
0x14: {  	_ =	swait.ge [sflag:s11], $0x80  }
0x15: {  	[sflag:s11] =	ssyncset.done $0x0  }
0x16: {  	[sflag:s11] =	ssyncadd.s32 $0xFFFFFF80  }
0x17: {  	[tilespmem:s12], [sflag:$0x2] =	stream.linear.gather [hbm4b:s10+s2], $0x80, $0x38;
	[tilespmem:$0x14280] =	vst v63  }
0x18: {  	_ =	swait.ge [sflag:s11], $0x80  }
0x19: {  	[sflag:s11] =	ssyncset.done $0x0  }
0x1a: {  	[sflag:s11] =	ssyncadd.s32 $0xFFFFFF80  }
0x1b: {  	[tilespmem:s13], [sflag:$0x2] =	stream.linear.gather [hbm4b:s9+s2], $0x80, $0x38;
	[tilespmem:$0x14280] =	vst v63  }
0x1c: {  	_ =	swait.ge [sflag:s11], $0x80  }
0x1d: {  	[sflag:s11] =	ssyncset.done $0x0  }
0x1e: {  	[sflag:s11] =	ssyncadd.s32 $0xFFFFFF80  }
0x1f: {  	[tilespmem:s14], [sflag:$0x2] =	stream.linear.gather [hbm4b:s8+s2], $0x80, $0x38;
	[tilespmem:$0x14280] =	vst v63  }
0x20: {  	_ =	swait.ge [sflag:s11], $0x80  }
0x21: {  	[sflag:s11] =	ssyncset.done $0x0  }
0x22: {  	[sflag:s11] =	ssyncadd.s32 $0xFFFFFF80  }
0x23: {  	[tilespmem:s15], [sflag:$0x2] =	stream.linear.gather [hbm4b:s7+s2], $0x80, $0x38;
	[tilespmem:$0x14280] =	vst v63  }
0x24: {  	_ =	swait.ge [sflag:s11], $0x80  }
0x25: {  	[sflag:s11] =	ssyncset.done $0x0  }
0x26: {  	[sflag:s11] =	ssyncadd.s32 $0xFFFFFF80  }
0x27: {  	[tilespmem:s16], [sflag:$0x1] =	stream.indirect.gather [hbm4b:s3+s12], $0x80, s2, s12, $0xb8;
	[tilespmem:$0x14280] =	vst v63  }
0x28: {  	_ = 	snop  }
0x29: {  	[tilespmem:s17], [sflag:$0x1] =	stream.indirect.gather [hbm4b:s3+s12], $0x80, s12, s12, $0xb8;
	[tilespmem:$0x14280] =	vst v63  }
0x2a: {  	_ = 	snop  }
0x2b: {  	[tilespmem:s18], [sflag:$0x1] =	stream.indirect.gather [hbm4b:s3+s12], $0x80, s13, s12, $0xb8;
	[tilespmem:$0x14280] =	vst v63  }
0x2c: {  	_ = 	snop  }
0x2d: {  	[tilespmem:s19], [sflag:$0x1] =	stream.indirect.gather [hbm4b:s3+s12], $0x80, s14, s12, $0xb8;
	[tilespmem:$0x14280] =	vst v63  }
0x2e: {  	_ = 	snop  }
0x2f: {  	[tilespmem:s20], [sflag:$0x1] =	stream.indirect.gather [hbm4b:s3+s12], $0x80, s15, s12, $0xb8;
	[tilespmem:$0x14280] =	vst v63  }
0x30: {  	_ =	swait.ge [sflag:s21], $0x4000  }
0x31: {  	[sflag:s21] =	ssyncset.done $0x0  }
0x32: {  	s23 =	sadd.s32 $0x0, s5;
	[sflag:s21] =	ssyncadd.s32 $0xFFFFC000  }
0x33: {  	[hbm4b:s23+s2] =	stream.linear.scatter [tilespmem:s16], [sflag:$0x2], $0x4000, $0x38;
	[tilespmem:$0x14280] =	vst v63  }
0x34: {  	_ =	swait.ge [sflag:s11], $0x4000  }
0x35: {  	[sflag:s11] =	ssyncset.done $0x0  }
0x36: {  	[sflag:s11] =	ssyncadd.s32 $0xFFFFC000  }
0x37: {  	_ =	swait.ge [sflag:s21], $0x4000  }
0x38: {  	[sflag:s21] =	ssyncset.done $0x0  }
0x39: {  	s24 =	sadd.s32 $0x800, s23;
	[sflag:s21] =	ssyncadd.s32 $0xFFFFC000  }
0x3a: {  	[hbm4b:s24+s2] =	stream.linear.scatter [tilespmem:s17], [sflag:$0x2], $0x4000, $0x38;
	[tilespmem:$0x14280] =	vst v63  }
0x3b: {  	_ =	swait.ge [sflag:s11], $0x4000  }
0x3c: {  	[sflag:s11] =	ssyncset.done $0x0  }
0x3d: {  	[sflag:s11] =	ssyncadd.s32 $0xFFFFC000  }
0x3e: {  	_ =	swait.ge [sflag:s21], $0x4000  }
0x3f: {  	[sflag:s21] =	ssyncset.done $0x0  }
0x40: {  	s30 =	sadd.s32 $0x1000, s23;
	[sflag:s21] =	ssyncadd.s32 $0xFFFFC000  }
0x41: {  	[hbm4b:s30+s2] =	stream.linear.scatter [tilespmem:s18], [sflag:$0x2], $0x4000, $0x38;
	[tilespmem:$0x14280] =	vst v63  }
0x42: {  	_ =	swait.ge [sflag:s11], $0x4000  }
0x43: {  	[sflag:s11] =	ssyncset.done $0x0  }
0x44: {  	[sflag:s11] =	ssyncadd.s32 $0xFFFFC000  }
0x45: {  	_ =	swait.ge [sflag:s21], $0x4000  }
0x46: {  	[sflag:s21] =	ssyncset.done $0x0  }
0x47: {  	s31 =	sadd.s32 $0x1800, s23;
	[sflag:s21] =	ssyncadd.s32 $0xFFFFC000  }
0x48: {  	[hbm4b:s31+s2] =	stream.linear.scatter [tilespmem:s19], [sflag:$0x2], $0x4000, $0x38;
	[tilespmem:$0x14280] =	vst v63  }
0x49: {  	_ =	swait.ge [sflag:s11], $0x4000  }
0x4a: {  	[sflag:s11] =	ssyncset.done $0x0  }
0x4b: {  	[sflag:s11] =	ssyncadd.s32 $0xFFFFC000  }
0x4c: {  	_ =	swait.ge [sflag:s21], $0x4000  }
0x4d: {  	s25 =	sadd.s32 $0x50, s8;
	[sflag:s21] =	ssyncset.done $0x0  }
0x4e: {  	s26 =	sadd.s32 $0x50, s9;
	s23 =	sadd.s32 $0x2000, s23;
	[sflag:s21] =	ssyncadd.s32 $0xFFFFC000  }
0x4f: {  	[hbm4b:s23+s2] =	stream.linear.scatter [tilespmem:s20], [sflag:$0x2], $0x4000, $0x38;
	[tilespmem:$0x14280] =	vst v63  }
0x50: {  	s28 =	smov.u32 s6;
	s29 =	smov.u32 s7;
	_ =	swait.ge [sflag:s11], $0x4000  }
0x51: {  	s24 =	sadd.s32 $0x50, s10;
	s23 =	simm.s32 $0x2800;
	[sflag:s11] =	ssyncset.done $0x0  }
.LBB2_2:
0x52: {  	[sflag:s11] =	ssyncadd.s32 $0xFFFFC000  }
0x53: {  	s28 =	sadd.s32 $0x50, s28;
	s29 =	sadd.s32 $0x50, s29;
	s30 =	smov.u32 s23  }
0x54: {  	[tilespmem:s2], [sflag:$0x2] =	stream.linear.gather [hbm4b:s28+s2], $0x80, $0x38;
	[tilespmem:$0x14280] =	vst v63  }
0x55: {  	p0 =	sne.s32 s23, $0x7800;
	s23 =	sadd.s32 $0x2800, s23;
	_ =	swait.ge [sflag:s11], $0x80  }
0x56: {  	[sflag:s11] =	ssyncset.done $0x0  }
0x57: {  	[sflag:s11] =	ssyncadd.s32 $0xFFFFFF80  }
0x58: {  	[tilespmem:s12], [sflag:$0x2] =	stream.linear.gather [hbm4b:s24+s2], $0x80, $0x38;
	[tilespmem:$0x14280] =	vst v63  }
0x59: {  	_ =	swait.ge [sflag:s11], $0x80  }
0x5a: {  	[sflag:s11] =	ssyncset.done $0x0  }
0x5b: {  	[sflag:s11] =	ssyncadd.s32 $0xFFFFFF80  }
0x5c: {  	[tilespmem:s13], [sflag:$0x2] =	stream.linear.gather [hbm4b:s26+s2], $0x80, $0x38;
	[tilespmem:$0x14280] =	vst v63  }
0x5d: {  	_ =	swait.ge [sflag:s11], $0x80  }
0x5e: {  	[sflag:s11] =	ssyncset.done $0x0  }
0x5f: {  	[sflag:s11] =	ssyncadd.s32 $0xFFFFFF80  }
0x60: {  	[tilespmem:s14], [sflag:$0x2] =	stream.linear.gather [hbm4b:s25+s2], $0x80, $0x38;
	[tilespmem:$0x14280] =	vst v63  }
0x61: {  	_ =	swait.ge [sflag:s11], $0x80  }
0x62: {  	[sflag:s11] =	ssyncset.done $0x0  }
0x63: {  	[sflag:s11] =	ssyncadd.s32 $0xFFFFFF80  }
0x64: {  	[tilespmem:s15], [sflag:$0x2] =	stream.linear.gather [hbm4b:s29+s2], $0x80, $0x38;
	[tilespmem:$0x14280] =	vst v63  }
0x65: {  	_ =	swait.ge [sflag:s11], $0x80  }
0x66: {  	[sflag:s11] =	ssyncset.done $0x0  }
0x67: {  	[sflag:s11] =	ssyncadd.s32 $0xFFFFFF80  }
0x68: {  	[tilespmem:s16], [sflag:$0x1] =	stream.indirect.gather [hbm4b:s3+s12], $0x80, s2, s12, $0xb8;
	[tilespmem:$0x14280] =	vst v63  }
0x69: {  	_ = 	snop  }
0x6a: {  	[tilespmem:s17], [sflag:$0x1] =	stream.indirect.gather [hbm4b:s3+s12], $0x80, s12, s12, $0xb8;
	[tilespmem:$0x14280] =	vst v63  }
0x6b: {  	_ = 	snop  }
0x6c: {  	[tilespmem:s18], [sflag:$0x1] =	stream.indirect.gather [hbm4b:s3+s12], $0x80, s13, s12, $0xb8;
	[tilespmem:$0x14280] =	vst v63  }
0x6d: {  	_ = 	snop  }
0x6e: {  	[tilespmem:s19], [sflag:$0x1] =	stream.indirect.gather [hbm4b:s3+s12], $0x80, s14, s12, $0xb8;
	[tilespmem:$0x14280] =	vst v63  }
0x6f: {  	_ = 	snop  }
0x70: {  	[tilespmem:s20], [sflag:$0x1] =	stream.indirect.gather [hbm4b:s3+s12], $0x80, s15, s12, $0xb8;
	[tilespmem:$0x14280] =	vst v63  }
0x71: {  	_ =	swait.ge [sflag:s21], $0x4000  }
0x72: {  	[sflag:s21] =	ssyncset.done $0x0  }
0x73: {  	s30 =	sadd.s32 s30, s5;
	[sflag:s21] =	ssyncadd.s32 $0xFFFFC000  }
0x74: {  	[hbm4b:s30+s2] =	stream.linear.scatter [tilespmem:s16], [sflag:$0x2], $0x4000, $0x38;
	[tilespmem:$0x14280] =	vst v63  }
0x75: {  	_ =	swait.ge [sflag:s11], $0x4000  }
0x76: {  	[sflag:s11] =	ssyncset.done $0x0  }
0x77: {  	[sflag:s11] =	ssyncadd.s32 $0xFFFFC000  }
0x78: {  	_ =	swait.ge [sflag:s21], $0x4000  }
0x79: {  	[sflag:s21] =	ssyncset.done $0x0  }
0x7a: {  	s31 =	sadd.s32 $0x800, s30;
	[sflag:s21] =	ssyncadd.s32 $0xFFFFC000  }
0x7b: {  	[hbm4b:s31+s2] =	stream.linear.scatter [tilespmem:s17], [sflag:$0x2], $0x4000, $0x38;
	[tilespmem:$0x14280] =	vst v63  }
0x7c: {  	_ =	swait.ge [sflag:s11], $0x4000  }
0x7d: {  	[sflag:s11] =	ssyncset.done $0x0  }
0x7e: {  	[sflag:s11] =	ssyncadd.s32 $0xFFFFC000  }
0x7f: {  	_ =	swait.ge [sflag:s21], $0x4000  }
0x80: {  	[sflag:s21] =	ssyncset.done $0x0  }
0x81: {  	s31 =	sadd.s32 $0x1000, s30;
	[sflag:s21] =	ssyncadd.s32 $0xFFFFC000  }
0x82: {  	[hbm4b:s31+s2] =	stream.linear.scatter [tilespmem:s18], [sflag:$0x2], $0x4000, $0x38;
	[tilespmem:$0x14280] =	vst v63  }
0x83: {  	_ =	swait.ge [sflag:s11], $0x4000  }
0x84: {  	[sflag:s11] =	ssyncset.done $0x0  }
0x85: {  	[sflag:s11] =	ssyncadd.s32 $0xFFFFC000  }
0x86: {  	_ =	swait.ge [sflag:s21], $0x4000  }
0x87: {  	[sflag:s21] =	ssyncset.done $0x0  }
0x88: {  	s31 =	sadd.s32 $0x1800, s30;
	[sflag:s21] =	ssyncadd.s32 $0xFFFFC000  }
0x89: {  	[hbm4b:s31+s2] =	stream.linear.scatter [tilespmem:s19], [sflag:$0x2], $0x4000, $0x38;
	[tilespmem:$0x14280] =	vst v63  }
0x8a: {  	_ =	swait.ge [sflag:s11], $0x4000  }
0x8b: {  	[sflag:s11] =	ssyncset.done $0x0  }
0x8c: {  	[sflag:s11] =	ssyncadd.s32 $0xFFFFC000  }
0x8d: {  	_ =	swait.ge [sflag:s21], $0x4000  }
.Ltmp0:
0x8e: {  	[sflag:s21] =	ssyncset.done $0x0;
	(pc) =	sbr.rel @p0 .LBB2_2-.Ltmp0, $4  }
0x8f: {  	s30 =	sadd.s32 $0x2000, s30;
	[sflag:s21] =	ssyncadd.s32 $0xFFFFC000  }
0x90: {  	[hbm4b:s30+s2] =	stream.linear.scatter [tilespmem:s20], [sflag:$0x2], $0x4000, $0x38;
	[tilespmem:$0x14280] =	vst v63  }
0x91: {  	s24 =	sadd.s32 $0x50, s24;
	_ =	swait.ge [sflag:s11], $0x4000  }
0x92: {  	s26 =	sadd.s32 $0x50, s26;
	s25 =	sadd.s32 $0x50, s25;
	[sflag:s11] =	ssyncset.done $0x0  }
0x93: {  	s22 =	sadd.s32 $0x1, s22  }
0x94: {  	p0 =	sne.s32 s22, s4  }
.Ltmp1:
0x95: {  	_ = 	snop;
	(pc) =	sbr.rel @p0 .LBB2_1-.Ltmp1, $2  }
0x96: {  	_ =	sdelay $0x2  }
0x97: {  	[sflag:s11] =	ssyncadd.s32 $0xFFFFC000  }
0x98: {  	_ =	sfence.sel $0x180000  }
0x99: {  	[bflag:$0x0] =	sbarrier.arrive $0xFFFF  }
0x9a: {  	p0 =	sne.s32 s1, $0x0;
	_ =	strace $0x9000004A  }
0x9b: {  	s0 =	sadd.s32 @!p0 $0x100000, s0;
	[bflag:$0x2] =	sbarrier.arrive $0xFFFF  }
0x9c: {  	[sflag:s0] =	ssyncadd.tile.s32 @!p0 $0x1;
	_ =	shalt  }
.Lfunc_end2:
_tile_overlayer_lowered:
.L_overlay_start_2:
0x9d: {  	(tag) =	ssettag $0x2  }
0x9e: {  	s0 =	rddreg [dreg:$0x0];
	s2 =	stileid.u32  }
0x9f: {  	s1 =	rddreg [dreg:$0x1];
	p0 =	sne.s32 s2, $0x0  }
0xa0: {  	s3 =	rddreg [dreg:$0x2];
	[bflag:$0x3] =	sbarrier.arrive $0xFFFF;
	s2 =	simm.s32 @!p0 $0x1C02  }
0xa1: {  	[timem:s3], [sflag:s2] =	dma.local @!p0 [hbm:s0], s1  }
0xa2: {  	s0 =	simm.s32 @!p0 $0x2  }
0xa3: {  	_ =	swait.ge @!p0 [sflag:s0], s1  }
0xa4: {  	s1 =	ssub.s32 @!p0 $0x0, s1;
	[sflag:s0] =	ssyncset.done @!p0 $0x0  }
0xa5: {  	[sflag:s0] =	ssyncadd.s32 @!p0 s1  }
0xa6: {  	[bflag:$0x3] =	sbarrier.arrive $0xFFFF  }
0xa7: {  	_ =	shalt  }

// kernel: kernel.9.cloned.1.call-start
scs
__scs_entry_jumppad:
0x0: {  	(pc) =	sbr.rel $0x88, $3  }
0x1: {  	(tag) =	ssettag $0x0;
	lr =	simm.s32 $0x1  }
0x2: {  	[smem:$0x3F99] =	sst lr;
	_ =	strace $0xD0000000  }
0x3: {  	_ = 	snop  }
0x4: {  	_ = 	snop  }
0x5: {  	_ = 	snop  }
0x6: {  	_ = 	snop  }
0x7: {  	_ = 	snop  }
__scs_overlays_trampoline_lowered:
0x8: {  	[smem:$0x3FA8] =	sst s0  }
0x9: {  	[smem:$0x3FA9] =	sst s1  }
0xa: {  	[smem:$0x3FAA] =	sst s2  }
0xb: {  	[smem:$0x3FAB] =	sst s3  }
0xc: {  	[smem:$0x3FAC] =	sst s4  }
0xd: {  	[smem:$0x3FAD] =	sst s5  }
0xe: {  	[smem:$0x3FAE] =	sst s6  }
0xf: {  	[smem:$0x3FAF] =	sst s7  }
0x10: {  	[smem:$0x3FB0] =	sst s8  }
0x11: {  	[smem:$0x3FB1] =	sst s9;
	s0 =	simm.s32 @!p0 $0x0  }
0x12: {  	s1 =	sld [smem:$0x3F97];
	s0 =	simm.s32 @p0 $0x1  }
0x13: {  	[smem:$0x3FB2] =	sst s0;
	s0 =	simm.s32 @!p1 $0x0  }
0x14: {  	s2 =	sld [smem:$0x3F96];
	s0 =	simm.s32 @p1 $0x1  }
0x15: {  	[smem:$0x3FB3] =	sst s0;
	s0 =	simm.s32 @!p2 $0x0  }
0x16: {  	s3 =	sld [smem:$0x3FDB];
	s0 =	simm.s32 @p2 $0x1  }
0x17: {  	s4 =	simm.s32 $0x1BF5;
	[smem:$0x3FB5] =	sst s0  }
0x18: {  	s0 =	sld [smem:$0x3F98];
	_ =	swait.ge [sflag:s4], $0x0  }
0x19: {  	s7 =	sld [smem:$0x3F99]  }
0x1a: {  	s8 =	sadd.s32 $0xFFFFE003, lr  }
0x1b: {  	s9 =	sadd.s32 $0xFFFFFEF7, lr;
	s5 =	simm.s32 $0xFFFFFFFF;
	p2 =	slt.u32 s8, $0xFFFFF086  }
0x1c: {  	p1 =	slt.u32 s9, $0xF7A;
	s5 =	simm.s32 @!p2 $0x0  }
0x1d: {  	s5 =	simm.s32 @p1 $0x1;
	p0 =	seq.s32 s7, s2  }
0x1e: {  	s7 =	smul.u32 @!p0 $0xF7A, s2;
	p2 =	seq.s32 @!p0 s5, $0x0  }
0x1f: {  	s9 =	smul.u32 $0xF7A, s1;
	s8 =	simm.s32 @!p0 $0x1BF5;
	p2 =	por !p2, p0  }
0x20: {  	[sflag:s8] =	ssyncset.s32 @!p0 $0xFFFFF086;
	s6 =	sadd.s32 @!p0 s3, s7;
	s7 =	simm.s32 @!p0 $0x108  }
0x21: {  	s3 =	sadd.s32 s3, s9;
	s6 =	sadd.s32 @!p0 $0x88, s6;
	s7 =	simm.s32 @p2 $0x1082  }
0x22: {  	[simem:s7], [sflag:s8] =	dma.local @!p0 [hbm:s6], $0xF7A  }
0x23: {  	s9 =	sor.u32 $0xD0000000, s2;
	s6 =	simm.s32 $0x108;
	_ =	swait.ge @!p0 [sflag:s8], $0x0  }
0x24: {  	s3 =	sadd.s32 $0x88, s3;
	s6 =	simm.s32 @!p1 $0x1082;
	[sflag:s4] =	ssyncset.s32 $0xFFFFF086  }
0x25: {  	[simem:s6], [sflag:s4] =	dma.local [hbm:s3], $0xF7A  }
0x26: {  	[smem:$0x3F99] =	sst s1;
	(tag) =	ssettag s2;
	_ =	strace s9  }
0x27: {  	s1 =	sld [smem:$0x3FA9]  }
0x28: {  	s2 =	sld [smem:$0x3FAA]  }
0x29: {  	s4 =	sld [smem:$0x3FAC]  }
0x2a: {  	p0 =	seq.s32 s5, $0x0;
	s5 =	sld [smem:$0x3FAD]  }
0x2b: {  	s6 =	sld [smem:$0x3FAE]  }
0x2c: {  	s7 =	sld [smem:$0x3FAF]  }
0x2d: {  	s3 =	simm.s32 $0x108;
	s8 =	sld [smem:$0x3FB0]  }
0x2e: {  	s3 =	simm.s32 @!p0 $0x1082;
	s9 =	sld [smem:$0x3FB1]  }
0x2f: {  	lr =	sadd.s32 s0, s3;
	s0 =	sld [smem:$0x3FA8]  }
0x30: {  	s3 =	sld [smem:$0x3FAB]  }
0x31: {  	[smem:$0x3FB4] =	sst s10  }
0x32: {  	s10 =	sld [smem:$0x3FB2];
	_ =	sdelay $0x3  }
0x33: {  	p0 =	seq.s32 s10, $0x1;
	s10 =	sld [smem:$0x3FB4];
	_ =	sdelay $0x3  }
0x34: {  	[smem:$0x3FB4] =	sst s10  }
0x35: {  	s10 =	sld [smem:$0x3FB3];
	_ =	sdelay $0x3  }
0x36: {  	p1 =	seq.s32 s10, $0x1;
	s10 =	sld [smem:$0x3FB4];
	_ =	sdelay $0x3  }
0x37: {  	[smem:$0x3FB4] =	sst s10  }
0x38: {  	s10 =	sld [smem:$0x3FB5]  }
0x39: {  	_ = 	snop;
	(pc) =	sbr.ind lr, $3  }
0x3a: {  	_ = 	snop  }
0x3b: {  	_ = 	snop  }
0x3c: {  	p2 =	seq.s32 s10, $0x1;
	s10 =	sld [smem:$0x3FB4]  }
0x3d: {  	_ =	shalt  }
0x3e: {  	_ =	shalt  }
0x3f: {  	_ =	shalt  }
0x40: {  	_ =	shalt  }
0x41: {  	_ =	shalt  }
0x42: {  	_ =	shalt  }
0x43: {  	_ =	shalt  }
0x44: {  	_ =	shalt  }
0x45: {  	_ =	shalt  }
0x46: {  	_ =	shalt  }
0x47: {  	_ =	shalt  }
0x48: {  	_ =	shalt  }
0x49: {  	_ =	shalt  }
0x4a: {  	_ =	shalt  }
0x4b: {  	_ =	shalt  }
0x4c: {  	_ =	shalt  }
0x4d: {  	_ =	shalt  }
0x4e: {  	_ =	shalt  }
0x4f: {  	_ =	shalt  }
0x50: {  	_ =	shalt  }
0x51: {  	_ =	shalt  }
0x52: {  	_ =	shalt  }
0x53: {  	_ =	shalt  }
0x54: {  	_ =	shalt  }
0x55: {  	_ =	shalt  }
0x56: {  	_ =	shalt  }
0x57: {  	_ =	shalt  }
0x58: {  	_ =	shalt  }
0x59: {  	_ =	shalt  }
0x5a: {  	_ =	shalt  }
0x5b: {  	_ =	shalt  }
0x5c: {  	_ =	shalt  }
0x5d: {  	_ =	shalt  }
0x5e: {  	_ =	shalt  }
0x5f: {  	_ =	shalt  }
0x60: {  	_ =	shalt  }
0x61: {  	_ =	shalt  }
0x62: {  	_ =	shalt  }
0x63: {  	_ =	shalt  }
0x64: {  	_ =	shalt  }
0x65: {  	_ =	shalt  }
0x66: {  	_ =	shalt  }
0x67: {  	_ =	shalt  }
0x68: {  	_ =	shalt  }
0x69: {  	_ =	shalt  }
0x6a: {  	_ =	shalt  }
0x6b: {  	_ =	shalt  }
0x6c: {  	_ =	shalt  }
0x6d: {  	_ =	shalt  }
0x6e: {  	_ =	shalt  }
0x6f: {  	_ =	shalt  }
0x70: {  	_ =	shalt  }
0x71: {  	_ =	shalt  }
0x72: {  	_ =	shalt  }
0x73: {  	_ =	shalt  }
0x74: {  	_ =	shalt  }
0x75: {  	_ =	shalt  }
0x76: {  	_ =	shalt  }
0x77: {  	_ =	shalt  }
0x78: {  	_ =	shalt  }
0x79: {  	_ =	shalt  }
0x7a: {  	_ =	shalt  }
0x7b: {  	_ =	shalt  }
0x7c: {  	_ =	shalt  }
0x7d: {  	_ =	shalt  }
0x7e: {  	_ =	shalt  }
0x7f: {  	_ =	shalt  }
0x80: {  	_ =	shalt  }
0x81: {  	_ =	shalt  }
0x82: {  	_ =	shalt  }
0x83: {  	_ =	shalt  }
0x84: {  	_ =	shalt  }
0x85: {  	_ =	shalt  }
0x86: {  	_ =	shalt  }
0x87: {  	_ =	shalt  }
.Lfunc_end0:
.L_simem_size_0:
called_computation_lowered:
.L_overlay_start_0:
0x88: {  	s2 =	sld [smem:$0x3FD9]  }
0x89: {  	s3 =	sld [smem:$0x3FFE];
	_ =	sdelay $0x1  }
0x8a: {  	s1 =	srdreg.scid  }
0x8b: {  	s0 =	sand.u32 $0x1, s1  }
0x8c: {  	s16 =	sshll.u32 s0, $0xA;
	s2 =	sadd.s32 s3, s2  }
0x8d: {  	s2 =	sadd.s32 s2, s16  }
0x8e: {  	[smem:$0x3FC0] =	sst s2  }
0x8f: {  	_ = 	snop  }
0x90: {  	(tm) =	ssettm $0x1  }
0x91: {  	s17 =	sld [smem:$0x3FFB];
	_ =	sdelay $0x3  }
0x92: {  	_ =	strace s17  }
0x93: {  	s2 =	sld [smem:$0x3FFC];
	_ =	sdelay $0x3  }
0x94: {  	_ =	strace s2  }
0x95: {  	s2 =	sld [smem:$0x3FFD];
	_ =	sdelay $0x3  }
0x96: {  	_ =	strace s2  }
0x97: {  	_ =	strace $0x8FFFFFFF  }
0x98: {  	s18 =	sld [smem:$0x3FDB];
	_ =	sdelay $0x1  }
0x99: {  	s19 =	simm.s32 $_scs_section_size  }
0x9a: {  	s4 =	simm.s32 $_size__tile_overlayer_lowered;
	s5 =	simm.s32 $_tile_overlayer_lowered  }
0x9b: {  	s22 =	simm.s32 $0x1BFF;
	s21 =	sshll.u32 s5, $0x1;
	s2 =	sadd.s32 s19, s18  }
0x9c: {  	s6 =	simm.s32 $0x0;
	s20 =	sshll.u32 s4, $0x1;
	s4 =	sadd.s32 s21, s2  }
0x9d: {  	[timem:s6], [sflag:s22] =	dma.local [hbm:s4], s20  }
0x9e: {  	_ =	swait.ge [sflag:s22], s20  }
0x9f: {  	s3 =	ssub.s32 $0x0, s20;
	[sflag:s22] =	ssyncset.done $0x0  }
0xa0: {  	[sflag:s22] =	ssyncadd.s32 s3;
	_ =	sdelay $0x1  }
0xa1: {  	s23 =	simm.s32 $0x1B8B  }
0xa2: {  	_ =	swait.ge [sflag:s23], $0x1  }
0xa3: {  	[sflag:s23] =	ssyncset.done $0x0  }
0xa4: {  	s25 =	simm.s32 $0x1B8E;
	s24 =	sld [smem:$0x3FFE];
	[sflag:s23] =	ssyncadd.s32 $0xFFFFFFFF  }
0xa5: {  	s26 =	simm.s32 $execute0_lowered;
	[smem:$0x3FD2] =	sst s25  }
0xa6: {  	s4 =	sshll.u32 s26, $0x1;
	_ =	strace $0x80000046;
	[dreg:$0x1] =	wrdreg $0xFFFFFFFF  }
0xa7: {  	s28 =	simm.s32 $_size_execute0_lowered;
	s2 =	sadd.s32 s2, s4;
	[dreg:$0x0] =	wrdreg $0x0  }
0xa8: {  	s4 =	sshll.u32 s28, $0x1;
	[dreg:$0x2] =	wrdreg s2  }
0xa9: {  	[dreg:$0x3] =	wrdreg s4  }
0xaa: {  	[dreg:$0x4] =	wrdreg $0xC0  }
0xab: {  	_ =	task [dreg:s6], $0x5FFFF  }
0xac: {  	[dreg:$0x1] =	wrdreg $0xFFFFFFFF  }
0xad: {  	[dreg:$0x0] =	wrdreg $0x60  }
0xae: {  	[dreg:$0x2] =	wrdreg s24  }
0xaf: {  	[dreg:$0x3] =	wrdreg $0x9  }
0xb0: {  	_ =	task.clear_ibuf [dreg:s6], $0x4FFFF;
	_ =	strace $0x90000046  }
0xb1: {  	s29 =	simm.s32 $0x9;
	_ =	strace $0x80000048  }
0xb2: {  	_ =	swait.ge [sflag:s29], $0x1  }
0xb3: {  	[sflag:s29] =	ssyncadd.s32 $0xFFFFFFFF  }
0xb4: {  	_ =	strace $0x90000048  }
0xb5: {  	_ =	sfence  }
0xb6: {  	s30 =	sld [smem:$0x0];
	_ =	sdelay $0x2  }
0xb7: {  	s31 =	sshll.u32 s1, $0xD;
	s1 =	sshrl.u32 s1, $0x2  }
0xb8: {  	s3 =	sand.u32 $0x4000, s31;
	s1 =	sadd.s32 s1, s30  }
0xb9: {  	s0 =	sor.u32 s3, s0;
	s1 =	sshll.u32 s1, $0x11  }
0xba: {  	s0 =	sor.u32 s1, s0  }
0xbb: {  	s0 =	sadd.s32 $0x8F2B, s0  }
0xbc: {  	[sflag:s0] =	ssyncadd.remote.s32 $0x1  }
0xbd: {  	_ =	sfence.sel $0xFFFF  }
0xbe: {  	[dreg:$0x0] =	wrdreg $0xFFFFFFFF;
	(pc) =	sbr.abs _section_cstart, $3  }
0xbf: {  	[dreg:$0x1] =	wrdreg $0xFFFFFFFF  }
0xc0: {  	_ =	task.clear_ibuf [dreg:s6], $0x2FFFF;
	_ =	strace $0x9FFFFFFF  }
0xc1: {  	(tm) =	ssettm $0x7FFFFFFF  }
tec
execute0_lowered:
.L_overlay_start_1:
0x0: {  	(tag) =	ssettag $0x1  }
0x1: {  	s4 =	rddreg [dreg:$0x0]  }
0x2: {  	s0 =	rddreg [dreg:$0x1];
	s2 =	simm.s32 $0x0  }
0x3: {  	s1 =	stileid.u32;
	s3 =	srdreg.scid;
	s13 =	simm.s32 $0x100  }
0x4: {  	s14 =	simm.s32 $0x180;
	s15 =	simm.s32 $0x200;
	s16 =	simm.s32 $0x280  }
0x5: {  	s17 =	simm.s32 $0x4280;
	s18 =	simm.s32 $0x8280;
	s19 =	simm.s32 $0xC280  }
0x6: {  	s20 =	simm.s32 $0x10280;
	s21 =	simm.s32 $0x1;
	s6 =	smul.u32 $0x1400, s1  }
0x7: {  	s22 =	simm.s32 $0x0;
	s5 =	sand.u32 $0x1, s3;
	s9 =	smul.u32 $0x14000, s1  }
0x8: {  	[smem:$0x7FF] =	sst s2;
	s3 =	sadd.s32 $0x4C00, s4;
	s8 =	smul.u32 $0xA00, s5  }
0x9: {  	s10 =	sadd.s32 $0x2400, s4;
	s7 =	ssub.s32 $0x2, s5;
	s5 =	smul.u32 $0xA000, s5  }
0xa: {  	_ =	strace $0x80000047;
	s11 =	sshrl.u32 s7, $0x1;
	s26 =	sadd.s32 s9, s4  }
0xb: {  	s7 =	ssub.s32 s7, s11;
	s8 =	sadd.s32 s8, s6;
	s5 =	sadd.s32 s5, s26  }
0xc: {  	s4 =	smax.u32 s7, $0x1;
	s28 =	sadd.s32 $0x200, s8;
	s29 =	sshrl.u32 s8, $0x3  }
0xd: {  	s5 =	sadd.s32 $0x2CC00, s5;
	s30 =	sor.u32 $0x180, s8;
	s31 =	sor.u32 $0x100, s8  }
0xe: {  	s8 =	sor.u32 $0x80, s8;
	s7 =	sshrl.u32 s28, $0x3;
	s6 =	sadd.s32 s29, s10  }
0xf: {  	s9 =	sshrl.u32 s30, $0x3;
	s11 =	sshrl.u32 s31, $0x3;
	s12 =	sshrl.u32 s8, $0x3  }
0x10: {  	s7 =	sadd.s32 s7, s10;
	s8 =	sadd.s32 s9, s10;
	s9 =	sadd.s32 s11, s10  }
0x11: {  	s10 =	sadd.s32 s12, s10;
	s11 =	simm.s32 $0x2;
	s12 =	simm.s32 $0x80  }
.LBB2_1:
0x12: {  	[tilespmem:s2], [sflag:$0x2] =	stream.linear.gather [hbm4b:s6+s2], $0x80, $0x38;
	[tilespmem:$0x14280] =	vst v63  }
0x13: {  	_ =	swait.ge [sflag:s11], $0x80  }
0x14: {  	[sflag:s11] =	ssyncset.done $0x0  }
0x15: {  	[sflag:s11] =	ssyncadd.s32 $0xFFFFFF80  }
0x16: {  	[tilespmem:s12], [sflag:$0x2] =	stream.linear.gather [hbm4b:s10+s2], $0x80, $0x38;
	[tilespmem:$0x14280] =	vst v63  }
0x17: {  	_ =	swait.ge [sflag:s11], $0x80  }
0x18: {  	[sflag:s11] =	ssyncset.done $0x0  }
0x19: {  	[sflag:s11] =	ssyncadd.s32 $0xFFFFFF80  }
0x1a: {  	[tilespmem:s13], [sflag:$0x2] =	stream.linear.gather [hbm4b:s9+s2], $0x80, $0x38;
	[tilespmem:$0x14280] =	vst v63  }
0x1b: {  	_ =	swait.ge [sflag:s11], $0x80  }
0x1c: {  	[sflag:s11] =	ssyncset.done $0x0  }
0x1d: {  	[sflag:s11] =	ssyncadd.s32 $0xFFFFFF80  }
0x1e: {  	[tilespmem:s14], [sflag:$0x2] =	stream.linear.gather [hbm4b:s8+s2], $0x80, $0x38;
	[tilespmem:$0x14280] =	vst v63  }
0x1f: {  	_ =	swait.ge [sflag:s11], $0x80  }
0x20: {  	[sflag:s11] =	ssyncset.done $0x0  }
0x21: {  	[sflag:s11] =	ssyncadd.s32 $0xFFFFFF80  }
0x22: {  	[tilespmem:s15], [sflag:$0x2] =	stream.linear.gather [hbm4b:s7+s2], $0x80, $0x38;
	[tilespmem:$0x14280] =	vst v63  }
0x23: {  	_ =	swait.ge [sflag:s11], $0x80  }
0x24: {  	[sflag:s11] =	ssyncset.done $0x0  }
0x25: {  	[sflag:s11] =	ssyncadd.s32 $0xFFFFFF80  }
0x26: {  	[tilespmem:s16], [sflag:$0x1] =	stream.indirect.gather [hbm4b:s3+s12], $0x80, s2, s12, $0xb8;
	[tilespmem:$0x14280] =	vst v63  }
0x27: {  	_ = 	snop  }
0x28: {  	[tilespmem:s17], [sflag:$0x1] =	stream.indirect.gather [hbm4b:s3+s12], $0x80, s12, s12, $0xb8;
	[tilespmem:$0x14280] =	vst v63  }
0x29: {  	_ = 	snop  }
0x2a: {  	[tilespmem:s18], [sflag:$0x1] =	stream.indirect.gather [hbm4b:s3+s12], $0x80, s13, s12, $0xb8;
	[tilespmem:$0x14280] =	vst v63  }
0x2b: {  	_ = 	snop  }
0x2c: {  	[tilespmem:s19], [sflag:$0x1] =	stream.indirect.gather [hbm4b:s3+s12], $0x80, s14, s12, $0xb8;
	[tilespmem:$0x14280] =	vst v63  }
0x2d: {  	_ = 	snop  }
0x2e: {  	[tilespmem:s20], [sflag:$0x1] =	stream.indirect.gather [hbm4b:s3+s12], $0x80, s15, s12, $0xb8;
	[tilespmem:$0x14280] =	vst v63  }
0x2f: {  	_ =	swait.ge [sflag:s21], $0x4000  }
0x30: {  	[sflag:s21] =	ssyncset.done $0x0  }
0x31: {  	s23 =	sadd.s32 $0x0, s5;
	[sflag:s21] =	ssyncadd.s32 $0xFFFFC000  }
0x32: {  	[hbm4b:s23+s2] =	stream.linear.scatter [tilespmem:s16], [sflag:$0x2], $0x4000, $0x38;
	[tilespmem:$0x14280] =	vst v63  }
0x33: {  	_ =	swait.ge [sflag:s11], $0x4000  }
0x34: {  	[sflag:s11] =	ssyncset.done $0x0  }
0x35: {  	[sflag:s11] =	ssyncadd.s32 $0xFFFFC000  }
0x36: {  	_ =	swait.ge [sflag:s21], $0x4000  }
0x37: {  	[sflag:s21] =	ssyncset.done $0x0  }
0x38: {  	s24 =	sadd.s32 $0x800, s23;
	[sflag:s21] =	ssyncadd.s32 $0xFFFFC000  }
0x39: {  	[hbm4b:s24+s2] =	stream.linear.scatter [tilespmem:s17], [sflag:$0x2], $0x4000, $0x38;
	[tilespmem:$0x14280] =	vst v63  }
0x3a: {  	_ =	swait.ge [sflag:s11], $0x4000  }
0x3b: {  	[sflag:s11] =	ssyncset.done $0x0  }
0x3c: {  	[sflag:s11] =	ssyncadd.s32 $0xFFFFC000  }
0x3d: {  	_ =	swait.ge [sflag:s21], $0x4000  }
0x3e: {  	[sflag:s21] =	ssyncset.done $0x0  }
0x3f: {  	s30 =	sadd.s32 $0x1000, s23;
	[sflag:s21] =	ssyncadd.s32 $0xFFFFC000  }
0x40: {  	[hbm4b:s30+s2] =	stream.linear.scatter [tilespmem:s18], [sflag:$0x2], $0x4000, $0x38;
	[tilespmem:$0x14280] =	vst v63  }
0x41: {  	_ =	swait.ge [sflag:s11], $0x4000  }
0x42: {  	[sflag:s11] =	ssyncset.done $0x0  }
0x43: {  	[sflag:s11] =	ssyncadd.s32 $0xFFFFC000  }
0x44: {  	_ =	swait.ge [sflag:s21], $0x4000  }
0x45: {  	[sflag:s21] =	ssyncset.done $0x0  }
0x46: {  	s31 =	sadd.s32 $0x1800, s23;
	[sflag:s21] =	ssyncadd.s32 $0xFFFFC000  }
0x47: {  	[hbm4b:s31+s2] =	stream.linear.scatter [tilespmem:s19], [sflag:$0x2], $0x4000, $0x38;
	[tilespmem:$0x14280] =	vst v63  }
0x48: {  	_ =	swait.ge [sflag:s11], $0x4000  }
0x49: {  	[sflag:s11] =	ssyncset.done $0x0  }
0x4a: {  	[sflag:s11] =	ssyncadd.s32 $0xFFFFC000  }
0x4b: {  	_ =	swait.ge [sflag:s21], $0x4000  }
0x4c: {  	s25 =	sadd.s32 $0x50, s8;
	[sflag:s21] =	ssyncset.done $0x0  }
0x4d: {  	s26 =	sadd.s32 $0x50, s9;
	s23 =	sadd.s32 $0x2000, s23;
	[sflag:s21] =	ssyncadd.s32 $0xFFFFC000  }
0x4e: {  	[hbm4b:s23+s2] =	stream.linear.scatter [tilespmem:s20], [sflag:$0x2], $0x4000, $0x38;
	[tilespmem:$0x14280] =	vst v63  }
0x4f: {  	s28 =	smov.u32 s6;
	s29 =	smov.u32 s7;
	_ =	swait.ge [sflag:s11], $0x4000  }
0x50: {  	s24 =	sadd.s32 $0x50, s10;
	s23 =	simm.s32 $0x2800;
	[sflag:s11] =	ssyncset.done $0x0  }
.LBB2_2:
0x51: {  	[sflag:s11] =	ssyncadd.s32 $0xFFFFC000  }
0x52: {  	s28 =	sadd.s32 $0x50, s28;
	s29 =	sadd.s32 $0x50, s29;
	s30 =	smov.u32 s23  }
0x53: {  	[tilespmem:s2], [sflag:$0x2] =	stream.linear.gather [hbm4b:s28+s2], $0x80, $0x38;
	[tilespmem:$0x14280] =	vst v63  }
0x54: {  	p0 =	sne.s32 s23, $0x7800;
	s23 =	sadd.s32 $0x2800, s23;
	_ =	swait.ge [sflag:s11], $0x80  }
0x55: {  	[sflag:s11] =	ssyncset.done $0x0  }
0x56: {  	[sflag:s11] =	ssyncadd.s32 $0xFFFFFF80  }
0x57: {  	[tilespmem:s12], [sflag:$0x2] =	stream.linear.gather [hbm4b:s24+s2], $0x80, $0x38;
	[tilespmem:$0x14280] =	vst v63  }
0x58: {  	_ =	swait.ge [sflag:s11], $0x80  }
0x59: {  	[sflag:s11] =	ssyncset.done $0x0  }
0x5a: {  	[sflag:s11] =	ssyncadd.s32 $0xFFFFFF80  }
0x5b: {  	[tilespmem:s13], [sflag:$0x2] =	stream.linear.gather [hbm4b:s26+s2], $0x80, $0x38;
	[tilespmem:$0x14280] =	vst v63  }
0x5c: {  	_ =	swait.ge [sflag:s11], $0x80  }
0x5d: {  	[sflag:s11] =	ssyncset.done $0x0  }
0x5e: {  	[sflag:s11] =	ssyncadd.s32 $0xFFFFFF80  }
0x5f: {  	[tilespmem:s14], [sflag:$0x2] =	stream.linear.gather [hbm4b:s25+s2], $0x80, $0x38;
	[tilespmem:$0x14280] =	vst v63  }
0x60: {  	_ =	swait.ge [sflag:s11], $0x80  }
0x61: {  	[sflag:s11] =	ssyncset.done $0x0  }
0x62: {  	[sflag:s11] =	ssyncadd.s32 $0xFFFFFF80  }
0x63: {  	[tilespmem:s15], [sflag:$0x2] =	stream.linear.gather [hbm4b:s29+s2], $0x80, $0x38;
	[tilespmem:$0x14280] =	vst v63  }
0x64: {  	_ =	swait.ge [sflag:s11], $0x80  }
0x65: {  	[sflag:s11] =	ssyncset.done $0x0  }
0x66: {  	[sflag:s11] =	ssyncadd.s32 $0xFFFFFF80  }
0x67: {  	[tilespmem:s16], [sflag:$0x1] =	stream.indirect.gather [hbm4b:s3+s12], $0x80, s2, s12, $0xb8;
	[tilespmem:$0x14280] =	vst v63  }
0x68: {  	_ = 	snop  }
0x69: {  	[tilespmem:s17], [sflag:$0x1] =	stream.indirect.gather [hbm4b:s3+s12], $0x80, s12, s12, $0xb8;
	[tilespmem:$0x14280] =	vst v63  }
0x6a: {  	_ = 	snop  }
0x6b: {  	[tilespmem:s18], [sflag:$0x1] =	stream.indirect.gather [hbm4b:s3+s12], $0x80, s13, s12, $0xb8;
	[tilespmem:$0x14280] =	vst v63  }
0x6c: {  	_ = 	snop  }
0x6d: {  	[tilespmem:s19], [sflag:$0x1] =	stream.indirect.gather [hbm4b:s3+s12], $0x80, s14, s12, $0xb8;
	[tilespmem:$0x14280] =	vst v63  }
0x6e: {  	_ = 	snop  }
0x6f: {  	[tilespmem:s20], [sflag:$0x1] =	stream.indirect.gather [hbm4b:s3+s12], $0x80, s15, s12, $0xb8;
	[tilespmem:$0x14280] =	vst v63  }
0x70: {  	_ =	swait.ge [sflag:s21], $0x4000  }
0x71: {  	[sflag:s21] =	ssyncset.done $0x0  }
0x72: {  	s30 =	sadd.s32 s30, s5;
	[sflag:s21] =	ssyncadd.s32 $0xFFFFC000  }
0x73: {  	[hbm4b:s30+s2] =	stream.linear.scatter [tilespmem:s16], [sflag:$0x2], $0x4000, $0x38;
	[tilespmem:$0x14280] =	vst v63  }
0x74: {  	_ =	swait.ge [sflag:s11], $0x4000  }
0x75: {  	[sflag:s11] =	ssyncset.done $0x0  }
0x76: {  	[sflag:s11] =	ssyncadd.s32 $0xFFFFC000  }
0x77: {  	_ =	swait.ge [sflag:s21], $0x4000  }
0x78: {  	[sflag:s21] =	ssyncset.done $0x0  }
0x79: {  	s31 =	sadd.s32 $0x800, s30;
	[sflag:s21] =	ssyncadd.s32 $0xFFFFC000  }
0x7a: {  	[hbm4b:s31+s2] =	stream.linear.scatter [tilespmem:s17], [sflag:$0x2], $0x4000, $0x38;
	[tilespmem:$0x14280] =	vst v63  }
0x7b: {  	_ =	swait.ge [sflag:s11], $0x4000  }
0x7c: {  	[sflag:s11] =	ssyncset.done $0x0  }
0x7d: {  	[sflag:s11] =	ssyncadd.s32 $0xFFFFC000  }
0x7e: {  	_ =	swait.ge [sflag:s21], $0x4000  }
0x7f: {  	[sflag:s21] =	ssyncset.done $0x0  }
0x80: {  	s31 =	sadd.s32 $0x1000, s30;
	[sflag:s21] =	ssyncadd.s32 $0xFFFFC000  }
0x81: {  	[hbm4b:s31+s2] =	stream.linear.scatter [tilespmem:s18], [sflag:$0x2], $0x4000, $0x38;
	[tilespmem:$0x14280] =	vst v63  }
0x82: {  	_ =	swait.ge [sflag:s11], $0x4000  }
0x83: {  	[sflag:s11] =	ssyncset.done $0x0  }
0x84: {  	[sflag:s11] =	ssyncadd.s32 $0xFFFFC000  }
0x85: {  	_ =	swait.ge [sflag:s21], $0x4000  }
0x86: {  	[sflag:s21] =	ssyncset.done $0x0  }
0x87: {  	s31 =	sadd.s32 $0x1800, s30;
	[sflag:s21] =	ssyncadd.s32 $0xFFFFC000  }
0x88: {  	[hbm4b:s31+s2] =	stream.linear.scatter [tilespmem:s19], [sflag:$0x2], $0x4000, $0x38;
	[tilespmem:$0x14280] =	vst v63  }
0x89: {  	_ =	swait.ge [sflag:s11], $0x4000  }
0x8a: {  	[sflag:s11] =	ssyncset.done $0x0  }
0x8b: {  	[sflag:s11] =	ssyncadd.s32 $0xFFFFC000  }
0x8c: {  	_ =	swait.ge [sflag:s21], $0x4000  }
.Ltmp0:
0x8d: {  	[sflag:s21] =	ssyncset.done $0x0;
	(pc) =	sbr.rel @p0 .LBB2_2-.Ltmp0, $4  }
0x8e: {  	s30 =	sadd.s32 $0x2000, s30;
	[sflag:s21] =	ssyncadd.s32 $0xFFFFC000  }
0x8f: {  	[hbm4b:s30+s2] =	stream.linear.scatter [tilespmem:s20], [sflag:$0x2], $0x4000, $0x38;
	[tilespmem:$0x14280] =	vst v63  }
0x90: {  	s24 =	sadd.s32 $0x50, s24;
	_ =	swait.ge [sflag:s11], $0x4000  }
0x91: {  	s26 =	sadd.s32 $0x50, s26;
	s25 =	sadd.s32 $0x50, s25;
	[sflag:s11] =	ssyncset.done $0x0  }
0x92: {  	s22 =	sadd.s32 $0x1, s22  }
0x93: {  	p0 =	sne.s32 s22, s4  }
.Ltmp1:
0x94: {  	_ = 	snop;
	(pc) =	sbr.rel @p0 .LBB2_1-.Ltmp1, $2  }
0x95: {  	_ =	sdelay $0x2  }
0x96: {  	[sflag:s11] =	ssyncadd.s32 $0xFFFFC000  }
0x97: {  	_ =	sfence.sel $0x180000  }
0x98: {  	[bflag:$0x0] =	sbarrier.arrive $0xFFFF  }
0x99: {  	p0 =	sne.s32 s1, $0x0;
	_ =	strace $0x90000047  }
0x9a: {  	s0 =	sadd.s32 @!p0 $0x100000, s0;
	[bflag:$0x2] =	sbarrier.arrive $0xFFFF  }
0x9b: {  	[sflag:s0] =	ssyncadd.tile.s32 @!p0 $0x1;
	_ =	shalt  }
.Lfunc_end2:
_tile_overlayer_lowered:
.L_overlay_start_2:
0x9c: {  	(tag) =	ssettag $0x2  }
0x9d: {  	s0 =	rddreg [dreg:$0x0];
	s2 =	stileid.u32  }
0x9e: {  	s1 =	rddreg [dreg:$0x1];
	p0 =	sne.s32 s2, $0x0  }
0x9f: {  	s3 =	rddreg [dreg:$0x2];
	[bflag:$0x3] =	sbarrier.arrive $0xFFFF;
	s2 =	simm.s32 @!p0 $0x1C02  }
0xa0: {  	[timem:s3], [sflag:s2] =	dma.local @!p0 [hbm:s0], s1  }
0xa1: {  	s0 =	simm.s32 @!p0 $0x2  }
0xa2: {  	_ =	swait.ge @!p0 [sflag:s0], s1  }
0xa3: {  	s1 =	ssub.s32 @!p0 $0x0, s1;
	[sflag:s0] =	ssyncset.done @!p0 $0x0  }
0xa4: {  	[sflag:s0] =	ssyncadd.s32 @!p0 s1  }
0xa5: {  	[bflag:$0x3] =	sbarrier.arrive $0xFFFF  }
0xa6: {  	_ =	shalt  }

</sc_bundles>
